<compile_context>
chip_gen: v7x
topology: tpu7x:2x2x1
jax: 0.10.2.dev20260603
libtpu: 0.0.44.dev20260713+nightly
codegen_flags: <defaults>
</compile_context>

<pallas_src>
import functools

import jax
import jax.numpy as jnp
from jax import lax
from jax.experimental import pallas as pl
from jax.experimental.pallas import tpu as pltpu
from jax.experimental.pallas import tpu_sc as plsc

_B, _T, _H, _W, _C = 16, 16, 32, 32, 128
_ROW = _W * _C
_NROWS = _B * _T * _H
_NW = 32
_RPW = _NROWS // _NW
_G = 2
_NG = _RPW // _G
_NBUF = 8
_LOOK = 6
_NGB = _NG // _NBUF
_GSZ = _G * _ROW
_LANES = 16
_CCHUNKS = _C // _LANES

assert _LOOK < _NBUF and _NG % _NBUF == 0


def _body(x_hbm, t_hbm, h_hbm, w_hbm, out_hbm, tv, hv, wv, *rest):
    bufs = rest[:_NBUF]
    isems = rest[_NBUF:2 * _NBUF]
    osems = rest[2 * _NBUF:3 * _NBUF]
    cid = lax.axis_index("c")
    sid = lax.axis_index("s")
    wid = sid * 2 + cid
    base = wid * _RPW

    for b in range(_LOOK):
        start = (base + b * _G) * _ROW
        pltpu.async_copy(x_hbm.at[pl.ds(start, _GSZ)], bufs[b], isems[b])

    tsem = osems[0]
    ct = pltpu.async_copy(t_hbm, tv, tsem)
    ch = pltpu.async_copy(h_hbm, hv, tsem)
    cw = pltpu.async_copy(w_hbm, wv, tsem)
    ct.wait()
    ch.wait()
    cw.wait()

    def outer(g0, carry):
        for s in range(_NBUF):
            g = g0 * _NBUF + s
            row0 = base + g * _G
            start = row0 * _ROW
            xb, isem, osem = bufs[s], isems[s], osems[s]

            pltpu.make_async_copy(x_hbm.at[pl.ds(start, _GSZ)], xb, isem).wait()

            threg = []
            for rho in range(_G):
                r = row0 + rho
                th = r % (_T * _H)
                t = th // _H
                h = th % _H
                tb = t * _C
                hb = h * _C
                threg.append([tv[pl.ds(tb + k * _LANES, _LANES)]
                              + hv[pl.ds(hb + k * _LANES, _LANES)]
                              for k in range(_CCHUNKS)])

            def wblk(j, c3):
                jc = j * _C
                for k in range(_CCHUNKS):
                    o = jc + k * _LANES
                    wreg = wv[pl.ds(o, _LANES)]
                    for rho in range(_G):
                        plsc.addupdate(xb.at[pl.ds(rho * _ROW + o, _LANES)],
                                       wreg + threg[rho][k])
                return c3

            lax.fori_loop(0, _W, wblk, 0)

            pltpu.async_copy(xb, out_hbm.at[pl.ds(start, _GSZ)], osem)

            sp = (s + _LOOK) % _NBUF
            gp = g + _LOOK
            if s + _LOOK < _NBUF:
                @pl.when(g0 >= 1)
                def _():
                    dstart = (base + (gp - _NBUF) * _G) * _ROW
                    pltpu.make_async_copy(
                        bufs[sp], out_hbm.at[pl.ds(dstart, _GSZ)],
                        osems[sp]).wait()

                nstart = (base + gp * _G) * _ROW
                pltpu.async_copy(x_hbm.at[pl.ds(nstart, _GSZ)],
                                 bufs[sp], isems[sp])
            else:
                @pl.when(g0 < _NGB - 1)
                def _():
                    dstart = (base + (gp - _NBUF) * _G) * _ROW
                    pltpu.make_async_copy(
                        bufs[sp], out_hbm.at[pl.ds(dstart, _GSZ)],
                        osems[sp]).wait()
                    nstart = (base + gp * _G) * _ROW
                    pltpu.async_copy(x_hbm.at[pl.ds(nstart, _GSZ)],
                                     bufs[sp], isems[sp])
        return carry

    lax.fori_loop(0, _NGB, outer, 0)

    for s in range(_NBUF):
        g = _NG - _NBUF + s
        start = (base + g * _G) * _ROW
        pltpu.make_async_copy(bufs[s], out_hbm.at[pl.ds(start, _GSZ)],
                              osems[s]).wait()


@jax.jit
def _pos_embed_sc(xf, tf, hf, wf):
    mesh = plsc.VectorSubcoreMesh(core_axis_name="c", subcore_axis_name="s")
    f = functools.partial(
        pl.kernel,
        mesh=mesh,
        out_type=jax.ShapeDtypeStruct((_NROWS * _ROW,), jnp.float32),
        scratch_types=(
            [pltpu.VMEM((_T * _C,), jnp.float32),
             pltpu.VMEM((_H * _C,), jnp.float32),
             pltpu.VMEM((_W * _C,), jnp.float32)]
            + [pltpu.VMEM((_GSZ,), jnp.float32) for _ in range(_NBUF)]
            + [pltpu.SemaphoreType.DMA for _ in range(2 * _NBUF)]
        ),
    )(_body)
    return f(xf, tf, hf, wf)


def kernel(x, T_table, H_table, W_table):
    xf = x.reshape(_NROWS * _ROW)
    out = _pos_embed_sc(xf, T_table.reshape(-1), H_table.reshape(-1),
                        W_table.reshape(-1))
    return out.reshape(x.shape)

# --- scband reference (transcript-rebuilt; emitter-appended) ---
"""Pipeline reference for scband-pos-embed-51556787421806 (READ-ONLY COPY).

The authoritative reference and input builder live on the scoring server;
editing this copy changes nothing except your own understanding.
"""

import jax, jax.numpy as jnp
import numpy as np

EMBED_DIM = 128
MAX_T = 16
MAX_H = 32
MAX_W = 32

def setup_inputs(seed: int = 0) -> dict:
    key = jax.random.key(seed)
    k_x, k_t, k_h, k_w = jax.random.split(key, 4)
    x = jax.random.normal(k_x, (16, 16, 32, 32, EMBED_DIM), dtype=jnp.float32)
    # kaiming_normal_ fan_in linear: std = 1/sqrt(fan_in) where fan_in = embed_dim
    std = 1.0 / np.sqrt(EMBED_DIM)
    T_table = jax.random.normal(k_t, (MAX_T, EMBED_DIM), dtype=jnp.float32) * std
    H_table = jax.random.normal(k_h, (MAX_H, EMBED_DIM), dtype=jnp.float32) * std
    W_table = jax.random.normal(k_w, (MAX_W, EMBED_DIM), dtype=jnp.float32) * std
    return {"x": x, "T_table": T_table, "H_table": H_table, "W_table": W_table}

def reference(x, T_table, H_table, W_table):
    B, T, H, W, C = x.shape
    t_idx = jnp.arange(T)
    h_idx = jnp.arange(H)
    w_idx = jnp.arange(W)
    t_emb = jnp.take(T_table, t_idx, axis=0).reshape(T, 1, 1, C)
    h_emb = jnp.take(H_table, h_idx, axis=0).reshape(1, H, 1, C)
    w_emb = jnp.take(W_table, w_idx, axis=0).reshape(1, 1, W, C)
    return x + t_emb + h_emb + w_emb

if __name__ == "__main__":
    import jax
    _d = setup_inputs()
    print(jax.jit(kernel)(*tuple(_d.values())))

</pallas_src>

<mosaic_0001>
#map = affine_map<(d0, d1) -> (0)>
module attributes {stable_mosaic.version = 14 : i64} {
  func.func @_body(%arg0: i32, %arg1: i32, %arg2: memref<33554432xf32, #tpu.memory_space<hbm>>, %arg3: memref<2048xf32, #tpu.memory_space<hbm>>, %arg4: memref<4096xf32, #tpu.memory_space<hbm>>, %arg5: memref<4096xf32, #tpu.memory_space<hbm>>, %arg6: memref<33554432xf32, #tpu.memory_space<hbm>>, %arg7: memref<2048xf32, #tpu.memory_space<vmem>>, %arg8: memref<4096xf32, #tpu.memory_space<vmem>>, %arg9: memref<4096xf32, #tpu.memory_space<vmem>>, %arg10: memref<8192xf32, #tpu.memory_space<vmem>>, %arg11: memref<8192xf32, #tpu.memory_space<vmem>>, %arg12: memref<8192xf32, #tpu.memory_space<vmem>>, %arg13: memref<8192xf32, #tpu.memory_space<vmem>>, %arg14: memref<8192xf32, #tpu.memory_space<vmem>>, %arg15: memref<8192xf32, #tpu.memory_space<vmem>>, %arg16: memref<8192xf32, #tpu.memory_space<vmem>>, %arg17: memref<8192xf32, #tpu.memory_space<vmem>>, %arg18: memref<!tpu.dma_semaphore, #tpu.memory_space<semaphore_mem>>, %arg19: memref<!tpu.dma_semaphore, #tpu.memory_space<semaphore_mem>>, %arg20: memref<!tpu.dma_semaphore, #tpu.memory_space<semaphore_mem>>, %arg21: memref<!tpu.dma_semaphore, #tpu.memory_space<semaphore_mem>>, %arg22: memref<!tpu.dma_semaphore, #tpu.memory_space<semaphore_mem>>, %arg23: memref<!tpu.dma_semaphore, #tpu.memory_space<semaphore_mem>>, %arg24: memref<!tpu.dma_semaphore, #tpu.memory_space<semaphore_mem>>, %arg25: memref<!tpu.dma_semaphore, #tpu.memory_space<semaphore_mem>>, %arg26: memref<!tpu.dma_semaphore, #tpu.memory_space<semaphore_mem>>, %arg27: memref<!tpu.dma_semaphore, #tpu.memory_space<semaphore_mem>>, %arg28: memref<!tpu.dma_semaphore, #tpu.memory_space<semaphore_mem>>, %arg29: memref<!tpu.dma_semaphore, #tpu.memory_space<semaphore_mem>>, %arg30: memref<!tpu.dma_semaphore, #tpu.memory_space<semaphore_mem>>, %arg31: memref<!tpu.dma_semaphore, #tpu.memory_space<semaphore_mem>>, %arg32: memref<!tpu.dma_semaphore, #tpu.memory_space<semaphore_mem>>, %arg33: memref<!tpu.dma_semaphore, #tpu.memory_space<semaphore_mem>>) attributes {dimension_semantics = [#tpu.dimension_semantics<core_parallel>, #tpu.dimension_semantics<subcore_parallel>], iteration_bounds = array<i64: 2, 16>, scalar_prefetch = 0 : i64, scratch_operands = 27 : i64, tpu.core_type = #tpu.core_type<sc_vector_subcore>, window_params = [{transform_indices = #map}, {transform_indices = #map}, {transform_indices = #map}, {transform_indices = #map}, {transform_indices = #map}]} {
    %mul3A = arith.constant 2 : i32
    %mul3A_0 = arith.muli %arg1, %mul3A : i32
    %add3A = arith.addi %mul3A_0, %arg0 : i32
    %mul3A_1 = arith.constant 256 : i32
    %mul3A_2 = arith.muli %add3A, %mul3A_1 : i32
    %add3A_3 = arith.constant 0 : i32
    %add3A_4 = arith.addi %mul3A_2, %add3A_3 : i32
    %mul3A_5 = arith.constant 4096 : i32
    %mul3A_6 = arith.muli %add3A_4, %mul3A_5 : i32
    %dma_start3A = tpu.memref_slice %arg2[%mul3A_6] : memref<33554432xf32, #tpu.memory_space<hbm>> -> memref<8192xf32, #tpu.memory_space<hbm>>
    %dma_start3A_7 = tpu.memref_slice %arg2[%mul3A_6] : memref<33554432xf32, #tpu.memory_space<hbm>> -> memref<8192xf32, #tpu.memory_space<hbm>>
    tpu.enqueue_dma source(%dma_start3A_7 : memref<8192xf32, #tpu.memory_space<hbm>>) target(%arg10 : memref<8192xf32, #tpu.memory_space<vmem>>) target_semaphore(%arg18 : memref<!tpu.dma_semaphore, #tpu.memory_space<semaphore_mem>>)
    %add3A_8 = arith.constant 2 : i32
    %add3A_9 = arith.addi %mul3A_2, %add3A_8 : i32
    %mul3A_10 = arith.constant 4096 : i32
    %mul3A_11 = arith.muli %add3A_9, %mul3A_10 : i32
    %dma_start3A_12 = tpu.memref_slice %arg2[%mul3A_11] : memref<33554432xf32, #tpu.memory_space<hbm>> -> memref<8192xf32, #tpu.memory_space<hbm>>
    %dma_start3A_13 = tpu.memref_slice %arg2[%mul3A_11] : memref<33554432xf32, #tpu.memory_space<hbm>> -> memref<8192xf32, #tpu.memory_space<hbm>>
    tpu.enqueue_dma source(%dma_start3A_13 : memref<8192xf32, #tpu.memory_space<hbm>>) target(%arg11 : memref<8192xf32, #tpu.memory_space<vmem>>) target_semaphore(%arg19 : memref<!tpu.dma_semaphore, #tpu.memory_space<semaphore_mem>>)
    %add3A_14 = arith.constant 4 : i32
    %add3A_15 = arith.addi %mul3A_2, %add3A_14 : i32
    %mul3A_16 = arith.constant 4096 : i32
    %mul3A_17 = arith.muli %add3A_15, %mul3A_16 : i32
    %dma_start3A_18 = tpu.memref_slice %arg2[%mul3A_17] : memref<33554432xf32, #tpu.memory_space<hbm>> -> memref<8192xf32, #tpu.memory_space<hbm>>
    %dma_start3A_19 = tpu.memref_slice %arg2[%mul3A_17] : memref<33554432xf32, #tpu.memory_space<hbm>> -> memref<8192xf32, #tpu.memory_space<hbm>>
    tpu.enqueue_dma source(%dma_start3A_19 : memref<8192xf32, #tpu.memory_space<hbm>>) target(%arg12 : memref<8192xf32, #tpu.memory_space<vmem>>) target_semaphore(%arg20 : memref<!tpu.dma_semaphore, #tpu.memory_space<semaphore_mem>>)
    %add3A_20 = arith.constant 6 : i32
    %add3A_21 = arith.addi %mul3A_2, %add3A_20 : i32
    %mul3A_22 = arith.constant 4096 : i32
    %mul3A_23 = arith.muli %add3A_21, %mul3A_22 : i32
    %dma_start3A_24 = tpu.memref_slice %arg2[%mul3A_23] : memref<33554432xf32, #tpu.memory_space<hbm>> -> memref<8192xf32, #tpu.memory_space<hbm>>
    %dma_start3A_25 = tpu.memref_slice %arg2[%mul3A_23] : memref<33554432xf32, #tpu.memory_space<hbm>> -> memref<8192xf32, #tpu.memory_space<hbm>>
    tpu.enqueue_dma source(%dma_start3A_25 : memref<8192xf32, #tpu.memory_space<hbm>>) target(%arg13 : memref<8192xf32, #tpu.memory_space<vmem>>) target_semaphore(%arg21 : memref<!tpu.dma_semaphore, #tpu.memory_space<semaphore_mem>>)
    %add3A_26 = arith.constant 8 : i32
    %add3A_27 = arith.addi %mul3A_2, %add3A_26 : i32
    %mul3A_28 = arith.constant 4096 : i32
    %mul3A_29 = arith.muli %add3A_27, %mul3A_28 : i32
    %dma_start3A_30 = tpu.memref_slice %arg2[%mul3A_29] : memref<33554432xf32, #tpu.memory_space<hbm>> -> memref<8192xf32, #tpu.memory_space<hbm>>
    %dma_start3A_31 = tpu.memref_slice %arg2[%mul3A_29] : memref<33554432xf32, #tpu.memory_space<hbm>> -> memref<8192xf32, #tpu.memory_space<hbm>>
    tpu.enqueue_dma source(%dma_start3A_31 : memref<8192xf32, #tpu.memory_space<hbm>>) target(%arg14 : memref<8192xf32, #tpu.memory_space<vmem>>) target_semaphore(%arg22 : memref<!tpu.dma_semaphore, #tpu.memory_space<semaphore_mem>>)
    %add3A_32 = arith.constant 10 : i32
    %add3A_33 = arith.addi %mul3A_2, %add3A_32 : i32
    %mul3A_34 = arith.constant 4096 : i32
    %mul3A_35 = arith.muli %add3A_33, %mul3A_34 : i32
    %dma_start3A_36 = tpu.memref_slice %arg2[%mul3A_35] : memref<33554432xf32, #tpu.memory_space<hbm>> -> memref<8192xf32, #tpu.memory_space<hbm>>
    %dma_start3A_37 = tpu.memref_slice %arg2[%mul3A_35] : memref<33554432xf32, #tpu.memory_space<hbm>> -> memref<8192xf32, #tpu.memory_space<hbm>>
    tpu.enqueue_dma source(%dma_start3A_37 : memref<8192xf32, #tpu.memory_space<hbm>>) target(%arg15 : memref<8192xf32, #tpu.memory_space<vmem>>) target_semaphore(%arg23 : memref<!tpu.dma_semaphore, #tpu.memory_space<semaphore_mem>>)
    tpu.enqueue_dma source(%arg3 : memref<2048xf32, #tpu.memory_space<hbm>>) target(%arg7 : memref<2048xf32, #tpu.memory_space<vmem>>) target_semaphore(%arg26 : memref<!tpu.dma_semaphore, #tpu.memory_space<semaphore_mem>>)
    tpu.enqueue_dma source(%arg4 : memref<4096xf32, #tpu.memory_space<hbm>>) target(%arg8 : memref<4096xf32, #tpu.memory_space<vmem>>) target_semaphore(%arg26 : memref<!tpu.dma_semaphore, #tpu.memory_space<semaphore_mem>>)
    tpu.enqueue_dma source(%arg5 : memref<4096xf32, #tpu.memory_space<hbm>>) target(%arg9 : memref<4096xf32, #tpu.memory_space<vmem>>) target_semaphore(%arg26 : memref<!tpu.dma_semaphore, #tpu.memory_space<semaphore_mem>>)
    tpu.wait_dma2 semaphore(%arg26 : memref<!tpu.dma_semaphore, #tpu.memory_space<semaphore_mem>>) src(%arg3 : memref<2048xf32, #tpu.memory_space<hbm>>) dst(%arg7 : memref<2048xf32, #tpu.memory_space<vmem>>)
    tpu.wait_dma2 semaphore(%arg26 : memref<!tpu.dma_semaphore, #tpu.memory_space<semaphore_mem>>) src(%arg4 : memref<4096xf32, #tpu.memory_space<hbm>>) dst(%arg8 : memref<4096xf32, #tpu.memory_space<vmem>>)
    tpu.wait_dma2 semaphore(%arg26 : memref<!tpu.dma_semaphore, #tpu.memory_space<semaphore_mem>>) src(%arg5 : memref<4096xf32, #tpu.memory_space<hbm>>) dst(%arg9 : memref<4096xf32, #tpu.memory_space<vmem>>)
    %scan3A = arith.constant 0 : i32
    %scan3A_38 = arith.constant 0 : i32
    %scan3A_39 = arith.constant 16 : i32
    %scan3A_40 = arith.addi %scan3A_38, %scan3A_39 : i32
    %scan3A_41 = arith.constant 1 : i32
    scf.for %scan3A_90 = %scan3A_38 to %scan3A_40 step %scan3A_41  : i32 {
      %mul3A_91 = arith.constant 8 : i32
      %mul3A_92 = arith.muli %scan3A_90, %mul3A_91 : i32
      %add3A_93 = arith.constant 0 : i32
      %add3A_94 = arith.addi %mul3A_92, %add3A_93 : i32
      %mul3A_95 = arith.constant 2 : i32
      %mul3A_96 = arith.muli %add3A_94, %mul3A_95 : i32
      %add3A_97 = arith.addi %mul3A_2, %mul3A_96 : i32
      %mul3A_98 = arith.constant 4096 : i32
      %mul3A_99 = arith.muli %add3A_97, %mul3A_98 : i32
      %dma_wait3A_100 = tpu.memref_slice %arg2[%mul3A_99] : memref<33554432xf32, #tpu.memory_space<hbm>> -> memref<8192xf32, #tpu.memory_space<hbm>>
      %dma_wait3A_101 = tpu.memref_slice %arg2[%mul3A_99] : memref<33554432xf32, #tpu.memory_space<hbm>> -> memref<8192xf32, #tpu.memory_space<hbm>>
      tpu.wait_dma2 semaphore(%arg18 : memref<!tpu.dma_semaphore, #tpu.memory_space<semaphore_mem>>) src(%dma_wait3A_101 : memref<8192xf32, #tpu.memory_space<hbm>>) dst(%arg10 : memref<8192xf32, #tpu.memory_space<vmem>>)
      %add3A_102 = arith.constant 0 : i32
      %add3A_103 = arith.addi %add3A_97, %add3A_102 : i32
      %jit3A = arith.constant 512 : i32
      %eq3A = arith.constant 0 : i32
      %eq3A_104 = arith.cmpi eq, %jit3A, %eq3A : i32
      %jit3A_105 = arith.constant 1 : i32
      %select_n3A = arith.select %eq3A_104, %jit3A_105, %jit3A : i32
      %rem3A = arith.remsi %add3A_103, %select_n3A : i32
      %ne3A = arith.constant 0 : i32
      %ne3A_106 = arith.cmpi ne, %rem3A, %ne3A : i32
      %lt3A = arith.constant 0 : i32
      %lt3A_107 = arith.cmpi slt, %rem3A, %lt3A : i32
      %lt3A_108 = arith.constant 0 : i32
      %lt3A_109 = arith.cmpi slt, %select_n3A, %lt3A_108 : i32
      %ne3A_110 = arith.xori %lt3A_107, %lt3A_109 : i1
      %and3A = arith.andi %ne3A_110, %ne3A_106 : i1
      %add3A_111 = arith.addi %rem3A, %select_n3A : i32
      %select_n3A_112 = arith.select %and3A, %add3A_111, %rem3A : i32
      %jit3A_113 = arith.constant 32 : i32
      %div3A = arith.divsi %select_n3A_112, %jit3A_113 : i32
      %sign3A = arith.constant 0 : i32
      %sign3A_114 = arith.cmpi sgt, %select_n3A_112, %sign3A : i32
      %sign3A_115 = arith.extui %sign3A_114 : i1 to i32
      %sign3A_116 = arith.constant 0 : i32
      %sign3A_117 = arith.cmpi slt, %select_n3A_112, %sign3A_116 : i32
      %sign3A_118 = arith.extui %sign3A_117 : i1 to i32
      %sign3A_119 = arith.subi %sign3A_115, %sign3A_118 : i32
      %sign3A_120 = arith.constant 0 : i32
      %sign3A_121 = arith.cmpi sgt, %jit3A_113, %sign3A_120 : i32
      %sign3A_122 = arith.extui %sign3A_121 : i1 to i32
      %sign3A_123 = arith.constant 0 : i32
      %sign3A_124 = arith.cmpi slt, %jit3A_113, %sign3A_123 : i32
      %sign3A_125 = arith.extui %sign3A_124 : i1 to i32
      %sign3A_126 = arith.subi %sign3A_122, %sign3A_125 : i32
      %ne3A_127 = arith.cmpi ne, %sign3A_119, %sign3A_126 : i32
      %rem3A_128 = arith.remsi %select_n3A_112, %jit3A_113 : i32
      %ne3A_129 = arith.constant 0 : i32
      %ne3A_130 = arith.cmpi ne, %rem3A_128, %ne3A_129 : i32
      %and3A_131 = arith.andi %ne3A_127, %ne3A_130 : i1
      %sub3A = arith.constant 1 : i32
      %sub3A_132 = arith.subi %div3A, %sub3A : i32
      %select_n3A_133 = arith.select %and3A_131, %sub3A_132, %div3A : i32
      %jit3A_134 = arith.constant 32 : i32
      %eq3A_135 = arith.constant 0 : i32
      %eq3A_136 = arith.cmpi eq, %jit3A_134, %eq3A_135 : i32
      %jit3A_137 = arith.constant 1 : i32
      %select_n3A_138 = arith.select %eq3A_136, %jit3A_137, %jit3A_134 : i32
      %rem3A_139 = arith.remsi %select_n3A_112, %select_n3A_138 : i32
      %ne3A_140 = arith.constant 0 : i32
      %ne3A_141 = arith.cmpi ne, %rem3A_139, %ne3A_140 : i32
      %lt3A_142 = arith.constant 0 : i32
      %lt3A_143 = arith.cmpi slt, %rem3A_139, %lt3A_142 : i32
      %lt3A_144 = arith.constant 0 : i32
      %lt3A_145 = arith.cmpi slt, %select_n3A_138, %lt3A_144 : i32
      %ne3A_146 = arith.xori %lt3A_143, %lt3A_145 : i1
      %and3A_147 = arith.andi %ne3A_146, %ne3A_141 : i1
      %add3A_148 = arith.addi %rem3A_139, %select_n3A_138 : i32
      %select_n3A_149 = arith.select %and3A_147, %add3A_148, %rem3A_139 : i32
      %mul3A_150 = arith.constant 128 : i32
      %mul3A_151 = arith.muli %select_n3A_133, %mul3A_150 : i32
      %mul3A_152 = arith.constant 128 : i32
      %mul3A_153 = arith.muli %select_n3A_149, %mul3A_152 : i32
      %add3A_154 = arith.constant 0 : i32
      %add3A_155 = arith.addi %mul3A_151, %add3A_154 : i32
      %get3A = arith.index_cast %add3A_155 : i32 to index
      %get3A_156 = tpu.vector_load %arg7[%get3A] {strides = array<i32>} : memref<2048xf32, #tpu.memory_space<vmem>>, vector<16xf32>,
      %get3A_157 = vector.shape_cast %get3A_156 : vector<16xf32> to vector<16xf32>
      %add3A_158 = arith.constant 0 : i32
      %add3A_159 = arith.addi %mul3A_153, %add3A_158 : i32
      %get3A_160 = arith.index_cast %add3A_159 : i32 to index
      %get3A_161 = tpu.vector_load %arg8[%get3A_160] {strides = array<i32>} : memref<4096xf32, #tpu.memory_space<vmem>>, vector<16xf32>,
      %get3A_162 = vector.shape_cast %get3A_161 : vector<16xf32> to vector<16xf32>
      %add3A_163 = arith.addf %get3A_157, %get3A_162 : vector<16xf32>
      %add3A_164 = arith.constant 16 : i32
      %add3A_165 = arith.addi %mul3A_151, %add3A_164 : i32
      %get3A_166 = arith.index_cast %add3A_165 : i32 to index
      %get3A_167 = tpu.vector_load %arg7[%get3A_166] {strides = array<i32>} : memref<2048xf32, #tpu.memory_space<vmem>>, vector<16xf32>,
      %get3A_168 = vector.shape_cast %get3A_167 : vector<16xf32> to vector<16xf32>
      %add3A_169 = arith.constant 16 : i32
      %add3A_170 = arith.addi %mul3A_153, %add3A_169 : i32
      %get3A_171 = arith.index_cast %add3A_170 : i32 to index
      %get3A_172 = tpu.vector_load %arg8[%get3A_171] {strides = array<i32>} : memref<4096xf32, #tpu.memory_space<vmem>>, vector<16xf32>,
      %get3A_173 = vector.shape_cast %get3A_172 : vector<16xf32> to vector<16xf32>
      %add3A_174 = arith.addf %get3A_168, %get3A_173 : vector<16xf32>
      %add3A_175 = arith.constant 32 : i32
      %add3A_176 = arith.addi %mul3A_151, %add3A_175 : i32
      %get3A_177 = arith.index_cast %add3A_176 : i32 to index
      %get3A_178 = tpu.vector_load %arg7[%get3A_177] {strides = array<i32>} : memref<2048xf32, #tpu.memory_space<vmem>>, vector<16xf32>,
      %get3A_179 = vector.shape_cast %get3A_178 : vector<16xf32> to vector<16xf32>
      %add3A_180 = arith.constant 32 : i32
      %add3A_181 = arith.addi %mul3A_153, %add3A_180 : i32
      %get3A_182 = arith.index_cast %add3A_181 : i32 to index
      %get3A_183 = tpu.vector_load %arg8[%get3A_182] {strides = array<i32>} : memref<4096xf32, #tpu.memory_space<vmem>>, vector<16xf32>,
      %get3A_184 = vector.shape_cast %get3A_183 : vector<16xf32> to vector<16xf32>
      %add3A_185 = arith.addf %get3A_179, %get3A_184 : vector<16xf32>
      %add3A_186 = arith.constant 48 : i32
      %add3A_187 = arith.addi %mul3A_151, %add3A_186 : i32
      %get3A_188 = arith.index_cast %add3A_187 : i32 to index
      %get3A_189 = tpu.vector_load %arg7[%get3A_188] {strides = array<i32>} : memref<2048xf32, #tpu.memory_space<vmem>>, vector<16xf32>,
      %get3A_190 = vector.shape_cast %get3A_189 : vector<16xf32> to vector<16xf32>
      %add3A_191 = arith.constant 48 : i32
      %add3A_192 = arith.addi %mul3A_153, %add3A_191 : i32
      %get3A_193 = arith.index_cast %add3A_192 : i32 to index
      %get3A_194 = tpu.vector_load %arg8[%get3A_193] {strides = array<i32>} : memref<4096xf32, #tpu.memory_space<vmem>>, vector<16xf32>,
      %get3A_195 = vector.shape_cast %get3A_194 : vector<16xf32> to vector<16xf32>
      %add3A_196 = arith.addf %get3A_190, %get3A_195 : vector<16xf32>
      %add3A_197 = arith.constant 64 : i32
      %add3A_198 = arith.addi %mul3A_151, %add3A_197 : i32
      %get3A_199 = arith.index_cast %add3A_198 : i32 to index
      %get3A_200 = tpu.vector_load %arg7[%get3A_199] {strides = array<i32>} : memref<2048xf32, #tpu.memory_space<vmem>>, vector<16xf32>,
      %get3A_201 = vector.shape_cast %get3A_200 : vector<16xf32> to vector<16xf32>
      %add3A_202 = arith.constant 64 : i32
      %add3A_203 = arith.addi %mul3A_153, %add3A_202 : i32
      %get3A_204 = arith.index_cast %add3A_203 : i32 to index
      %get3A_205 = tpu.vector_load %arg8[%get3A_204] {strides = array<i32>} : memref<4096xf32, #tpu.memory_space<vmem>>, vector<16xf32>,
      %get3A_206 = vector.shape_cast %get3A_205 : vector<16xf32> to vector<16xf32>
      %add3A_207 = arith.addf %get3A_201, %get3A_206 : vector<16xf32>
      %add3A_208 = arith.constant 80 : i32
      %add3A_209 = arith.addi %mul3A_151, %add3A_208 : i32
      %get3A_210 = arith.index_cast %add3A_209 : i32 to index
      %get3A_211 = tpu.vector_load %arg7[%get3A_210] {strides = array<i32>} : memref<2048xf32, #tpu.memory_space<vmem>>, vector<16xf32>,
      %get3A_212 = vector.shape_cast %get3A_211 : vector<16xf32> to vector<16xf32>
      %add3A_213 = arith.constant 80 : i32
      %add3A_214 = arith.addi %mul3A_153, %add3A_213 : i32
      %get3A_215 = arith.index_cast %add3A_214 : i32 to index
      %get3A_216 = tpu.vector_load %arg8[%get3A_215] {strides = array<i32>} : memref<4096xf32, #tpu.memory_space<vmem>>, vector<16xf32>,
      %get3A_217 = vector.shape_cast %get3A_216 : vector<16xf32> to vector<16xf32>
      %add3A_218 = arith.addf %get3A_212, %get3A_217 : vector<16xf32>
      %add3A_219 = arith.constant 96 : i32
      %add3A_220 = arith.addi %mul3A_151, %add3A_219 : i32
      %get3A_221 = arith.index_cast %add3A_220 : i32 to index
      %get3A_222 = tpu.vector_load %arg7[%get3A_221] {strides = array<i32>} : memref<2048xf32, #tpu.memory_space<vmem>>, vector<16xf32>,
      %get3A_223 = vector.shape_cast %get3A_222 : vector<16xf32> to vector<16xf32>
      %add3A_224 = arith.constant 96 : i32
      %add3A_225 = arith.addi %mul3A_153, %add3A_224 : i32
      %get3A_226 = arith.index_cast %add3A_225 : i32 to index
      %get3A_227 = tpu.vector_load %arg8[%get3A_226] {strides = array<i32>} : memref<4096xf32, #tpu.memory_space<vmem>>, vector<16xf32>,
      %get3A_228 = vector.shape_cast %get3A_227 : vector<16xf32> to vector<16xf32>
      %add3A_229 = arith.addf %get3A_223, %get3A_228 : vector<16xf32>
      %add3A_230 = arith.constant 112 : i32
      %add3A_231 = arith.addi %mul3A_151, %add3A_230 : i32
      %get3A_232 = arith.index_cast %add3A_231 : i32 to index
      %get3A_233 = tpu.vector_load %arg7[%get3A_232] {strides = array<i32>} : memref<2048xf32, #tpu.memory_space<vmem>>, vector<16xf32>,
      %get3A_234 = vector.shape_cast %get3A_233 : vector<16xf32> to vector<16xf32>
      %add3A_235 = arith.constant 112 : i32
      %add3A_236 = arith.addi %mul3A_153, %add3A_235 : i32
      %get3A_237 = arith.index_cast %add3A_236 : i32 to index
      %get3A_238 = tpu.vector_load %arg8[%get3A_237] {strides = array<i32>} : memref<4096xf32, #tpu.memory_space<vmem>>, vector<16xf32>,
      %get3A_239 = vector.shape_cast %get3A_238 : vector<16xf32> to vector<16xf32>
      %add3A_240 = arith.addf %get3A_234, %get3A_239 : vector<16xf32>
      %add3A_241 = arith.constant 1 : i32
      %add3A_242 = arith.addi %add3A_97, %add3A_241 : i32
      %jit3A_243 = arith.constant 512 : i32
      %eq3A_244 = arith.constant 0 : i32
      %eq3A_245 = arith.cmpi eq, %jit3A_243, %eq3A_244 : i32
      %jit3A_246 = arith.constant 1 : i32
      %select_n3A_247 = arith.select %eq3A_245, %jit3A_246, %jit3A_243 : i32
      %rem3A_248 = arith.remsi %add3A_242, %select_n3A_247 : i32
      %ne3A_249 = arith.constant 0 : i32
      %ne3A_250 = arith.cmpi ne, %rem3A_248, %ne3A_249 : i32
      %lt3A_251 = arith.constant 0 : i32
      %lt3A_252 = arith.cmpi slt, %rem3A_248, %lt3A_251 : i32
      %lt3A_253 = arith.constant 0 : i32
      %lt3A_254 = arith.cmpi slt, %select_n3A_247, %lt3A_253 : i32
      %ne3A_255 = arith.xori %lt3A_252, %lt3A_254 : i1
      %and3A_256 = arith.andi %ne3A_255, %ne3A_250 : i1
      %add3A_257 = arith.addi %rem3A_248, %select_n3A_247 : i32
      %select_n3A_258 = arith.select %and3A_256, %add3A_257, %rem3A_248 : i32
      %jit3A_259 = arith.constant 32 : i32
      %div3A_260 = arith.divsi %select_n3A_258, %jit3A_259 : i32
      %sign3A_261 = arith.constant 0 : i32
      %sign3A_262 = arith.cmpi sgt, %select_n3A_258, %sign3A_261 : i32
      %sign3A_263 = arith.extui %sign3A_262 : i1 to i32
      %sign3A_264 = arith.constant 0 : i32
      %sign3A_265 = arith.cmpi slt, %select_n3A_258, %sign3A_264 : i32
      %sign3A_266 = arith.extui %sign3A_265 : i1 to i32
      %sign3A_267 = arith.subi %sign3A_263, %sign3A_266 : i32
      %sign3A_268 = arith.constant 0 : i32
      %sign3A_269 = arith.cmpi sgt, %jit3A_259, %sign3A_268 : i32
      %sign3A_270 = arith.extui %sign3A_269 : i1 to i32
      %sign3A_271 = arith.constant 0 : i32
      %sign3A_272 = arith.cmpi slt, %jit3A_259, %sign3A_271 : i32
      %sign3A_273 = arith.extui %sign3A_272 : i1 to i32
      %sign3A_274 = arith.subi %sign3A_270, %sign3A_273 : i32
      %ne3A_275 = arith.cmpi ne, %sign3A_267, %sign3A_274 : i32
      %rem3A_276 = arith.remsi %select_n3A_258, %jit3A_259 : i32
      %ne3A_277 = arith.constant 0 : i32
      %ne3A_278 = arith.cmpi ne, %rem3A_276, %ne3A_277 : i32
      %and3A_279 = arith.andi %ne3A_275, %ne3A_278 : i1
      %sub3A_280 = arith.constant 1 : i32
      %sub3A_281 = arith.subi %div3A_260, %sub3A_280 : i32
      %select_n3A_282 = arith.select %and3A_279, %sub3A_281, %div3A_260 : i32
      %jit3A_283 = arith.constant 32 : i32
      %eq3A_284 = arith.constant 0 : i32
      %eq3A_285 = arith.cmpi eq, %jit3A_283, %eq3A_284 : i32
      %jit3A_286 = arith.constant 1 : i32
      %select_n3A_287 = arith.select %eq3A_285, %jit3A_286, %jit3A_283 : i32
      %rem3A_288 = arith.remsi %select_n3A_258, %select_n3A_287 : i32
      %ne3A_289 = arith.constant 0 : i32
      %ne3A_290 = arith.cmpi ne, %rem3A_288, %ne3A_289 : i32
      %lt3A_291 = arith.constant 0 : i32
      %lt3A_292 = arith.cmpi slt, %rem3A_288, %lt3A_291 : i32
      %lt3A_293 = arith.constant 0 : i32
      %lt3A_294 = arith.cmpi slt, %select_n3A_287, %lt3A_293 : i32
      %ne3A_295 = arith.xori %lt3A_292, %lt3A_294 : i1
      %and3A_296 = arith.andi %ne3A_295, %ne3A_290 : i1
      %add3A_297 = arith.addi %rem3A_288, %select_n3A_287 : i32
      %select_n3A_298 = arith.select %and3A_296, %add3A_297, %rem3A_288 : i32
      %mul3A_299 = arith.constant 128 : i32
      %mul3A_300 = arith.muli %select_n3A_282, %mul3A_299 : i32
      %mul3A_301 = arith.constant 128 : i32
      %mul3A_302 = arith.muli %select_n3A_298, %mul3A_301 : i32
      %add3A_303 = arith.constant 0 : i32
      %add3A_304 = arith.addi %mul3A_300, %add3A_303 : i32
      %get3A_305 = arith.index_cast %add3A_304 : i32 to index
      %get3A_306 = tpu.vector_load %arg7[%get3A_305] {strides = array<i32>} : memref<2048xf32, #tpu.memory_space<vmem>>, vector<16xf32>,
      %get3A_307 = vector.shape_cast %get3A_306 : vector<16xf32> to vector<16xf32>
      %add3A_308 = arith.constant 0 : i32
      %add3A_309 = arith.addi %mul3A_302, %add3A_308 : i32
      %get3A_310 = arith.index_cast %add3A_309 : i32 to index
      %get3A_311 = tpu.vector_load %arg8[%get3A_310] {strides = array<i32>} : memref<4096xf32, #tpu.memory_space<vmem>>, vector<16xf32>,
      %get3A_312 = vector.shape_cast %get3A_311 : vector<16xf32> to vector<16xf32>
      %add3A_313 = arith.addf %get3A_307, %get3A_312 : vector<16xf32>
      %add3A_314 = arith.constant 16 : i32
      %add3A_315 = arith.addi %mul3A_300, %add3A_314 : i32
      %get3A_316 = arith.index_cast %add3A_315 : i32 to index
      %get3A_317 = tpu.vector_load %arg7[%get3A_316] {strides = array<i32>} : memref<2048xf32, #tpu.memory_space<vmem>>, vector<16xf32>,
      %get3A_318 = vector.shape_cast %get3A_317 : vector<16xf32> to vector<16xf32>
      %add3A_319 = arith.constant 16 : i32
      %add3A_320 = arith.addi %mul3A_302, %add3A_319 : i32
      %get3A_321 = arith.index_cast %add3A_320 : i32 to index
      %get3A_322 = tpu.vector_load %arg8[%get3A_321] {strides = array<i32>} : memref<4096xf32, #tpu.memory_space<vmem>>, vector<16xf32>,
      %get3A_323 = vector.shape_cast %get3A_322 : vector<16xf32> to vector<16xf32>
      %add3A_324 = arith.addf %get3A_318, %get3A_323 : vector<16xf32>
      %add3A_325 = arith.constant 32 : i32
      %add3A_326 = arith.addi %mul3A_300, %add3A_325 : i32
      %get3A_327 = arith.index_cast %add3A_326 : i32 to index
      %get3A_328 = tpu.vector_load %arg7[%get3A_327] {strides = array<i32>} : memref<2048xf32, #tpu.memory_space<vmem>>, vector<16xf32>,
      %get3A_329 = vector.shape_cast %get3A_328 : vector<16xf32> to vector<16xf32>
      %add3A_330 = arith.constant 32 : i32
      %add3A_331 = arith.addi %mul3A_302, %add3A_330 : i32
      %get3A_332 = arith.index_cast %add3A_331 : i32 to index
      %get3A_333 = tpu.vector_load %arg8[%get3A_332] {strides = array<i32>} : memref<4096xf32, #tpu.memory_space<vmem>>, vector<16xf32>,
      %get3A_334 = vector.shape_cast %get3A_333 : vector<16xf32> to vector<16xf32>
      %add3A_335 = arith.addf %get3A_329, %get3A_334 : vector<16xf32>
      %add3A_336 = arith.constant 48 : i32
      %add3A_337 = arith.addi %mul3A_300, %add3A_336 : i32
      %get3A_338 = arith.index_cast %add3A_337 : i32 to index
      %get3A_339 = tpu.vector_load %arg7[%get3A_338] {strides = array<i32>} : memref<2048xf32, #tpu.memory_space<vmem>>, vector<16xf32>,
      %get3A_340 = vector.shape_cast %get3A_339 : vector<16xf32> to vector<16xf32>
      %add3A_341 = arith.constant 48 : i32
      %add3A_342 = arith.addi %mul3A_302, %add3A_341 : i32
      %get3A_343 = arith.index_cast %add3A_342 : i32 to index
      %get3A_344 = tpu.vector_load %arg8[%get3A_343] {strides = array<i32>} : memref<4096xf32, #tpu.memory_space<vmem>>, vector<16xf32>,
      %get3A_345 = vector.shape_cast %get3A_344 : vector<16xf32> to vector<16xf32>
      %add3A_346 = arith.addf %get3A_340, %get3A_345 : vector<16xf32>
      %add3A_347 = arith.constant 64 : i32
      %add3A_348 = arith.addi %mul3A_300, %add3A_347 : i32
      %get3A_349 = arith.index_cast %add3A_348 : i32 to index
      %get3A_350 = tpu.vector_load %arg7[%get3A_349] {strides = array<i32>} : memref<2048xf32, #tpu.memory_space<vmem>>, vector<16xf32>,
      %get3A_351 = vector.shape_cast %get3A_350 : vector<16xf32> to vector<16xf32>
      %add3A_352 = arith.constant 64 : i32
      %add3A_353 = arith.addi %mul3A_302, %add3A_352 : i32
      %get3A_354 = arith.index_cast %add3A_353 : i32 to index
      %get3A_355 = tpu.vector_load %arg8[%get3A_354] {strides = array<i32>} : memref<4096xf32, #tpu.memory_space<vmem>>, vector<16xf32>,
      %get3A_356 = vector.shape_cast %get3A_355 : vector<16xf32> to vector<16xf32>
      %add3A_357 = arith.addf %get3A_351, %get3A_356 : vector<16xf32>
      %add3A_358 = arith.constant 80 : i32
      %add3A_359 = arith.addi %mul3A_300, %add3A_358 : i32
      %get3A_360 = arith.index_cast %add3A_359 : i32 to index
      %get3A_361 = tpu.vector_load %arg7[%get3A_360] {strides = array<i32>} : memref<2048xf32, #tpu.memory_space<vmem>>, vector<16xf32>,
      %get3A_362 = vector.shape_cast %get3A_361 : vector<16xf32> to vector<16xf32>
      %add3A_363 = arith.constant 80 : i32
      %add3A_364 = arith.addi %mul3A_302, %add3A_363 : i32
      %get3A_365 = arith.index_cast %add3A_364 : i32 to index
      %get3A_366 = tpu.vector_load %arg8[%get3A_365] {strides = array<i32>} : memref<4096xf32, #tpu.memory_space<vmem>>, vector<16xf32>,
      %get3A_367 = vector.shape_cast %get3A_366 : vector<16xf32> to vector<16xf32>
      %add3A_368 = arith.addf %get3A_362, %get3A_367 : vector<16xf32>
      %add3A_369 = arith.constant 96 : i32
      %add3A_370 = arith.addi %mul3A_300, %add3A_369 : i32
      %get3A_371 = arith.index_cast %add3A_370 : i32 to index
      %get3A_372 = tpu.vector_load %arg7[%get3A_371] {strides = array<i32>} : memref<2048xf32, #tpu.memory_space<vmem>>, vector<16xf32>,
      %get3A_373 = vector.shape_cast %get3A_372 : vector<16xf32> to vector<16xf32>
      %add3A_374 = arith.constant 96 : i32
      %add3A_375 = arith.addi %mul3A_302, %add3A_374 : i32
      %get3A_376 = arith.index_cast %add3A_375 : i32 to index
      %get3A_377 = tpu.vector_load %arg8[%get3A_376] {strides = array<i32>} : memref<4096xf32, #tpu.memory_space<vmem>>, vector<16xf32>,
      %get3A_378 = vector.shape_cast %get3A_377 : vector<16xf32> to vector<16xf32>
      %add3A_379 = arith.addf %get3A_373, %get3A_378 : vector<16xf32>
      %add3A_380 = arith.constant 112 : i32
      %add3A_381 = arith.addi %mul3A_300, %add3A_380 : i32
      %get3A_382 = arith.index_cast %add3A_381 : i32 to index
      %get3A_383 = tpu.vector_load %arg7[%get3A_382] {strides = array<i32>} : memref<2048xf32, #tpu.memory_space<vmem>>, vector<16xf32>,
      %get3A_384 = vector.shape_cast %get3A_383 : vector<16xf32> to vector<16xf32>
      %add3A_385 = arith.constant 112 : i32
      %add3A_386 = arith.addi %mul3A_302, %add3A_385 : i32
      %get3A_387 = arith.index_cast %add3A_386 : i32 to index
      %get3A_388 = tpu.vector_load %arg8[%get3A_387] {strides = array<i32>} : memref<4096xf32, #tpu.memory_space<vmem>>, vector<16xf32>,
      %get3A_389 = vector.shape_cast %get3A_388 : vector<16xf32> to vector<16xf32>
      %add3A_390 = arith.addf %get3A_384, %get3A_389 : vector<16xf32>
      %scan3A_391 = arith.constant 0 : i32
      %scan3A_392 = arith.constant 0 : i32
      %scan3A_393 = arith.constant 32 : i32
      %scan3A_394 = arith.addi %scan3A_392, %scan3A_393 : i32
      %scan3A_395 = arith.constant 1 : i32
      scf.for %scan3A_2699 = %scan3A_392 to %scan3A_394 step %scan3A_395  : i32 {
        %mul3A_2700 = arith.constant 128 : i32
        %mul3A_2701 = arith.muli %scan3A_2699, %mul3A_2700 : i32
        %add3A_2702 = arith.constant 0 : i32
        %add3A_2703 = arith.addi %mul3A_2701, %add3A_2702 : i32
        %get3A_2704 = arith.index_cast %add3A_2703 : i32 to index
        %get3A_2705 = tpu.vector_load %arg9[%get3A_2704] {strides = array<i32>} : memref<4096xf32, #tpu.memory_space<vmem>>, vector<16xf32>,
        %get3A_2706 = vector.shape_cast %get3A_2705 : vector<16xf32> to vector<16xf32>
        %add3A_2707 = arith.constant 0 : i32
        %add3A_2708 = arith.addi %add3A_2707, %add3A_2703 : i32
        %add3A_2709 = arith.addf %get3A_2706, %add3A_163 : vector<16xf32>
        %swap3A = arith.index_cast %add3A_2708 : i32 to index
        %swap3A_2710 = tpu.vector_load %arg10[%swap3A] {strides = array<i32>} : memref<8192xf32, #tpu.memory_space<vmem>>, vector<16xf32>,
        %swap3A_2711 = vector.shape_cast %swap3A_2710 : vector<16xf32> to vector<16xf32>
        %swap3A_2712 = vector.shape_cast %add3A_2709 : vector<16xf32> to vector<16xf32>
        tpu.vector_store %arg10[%swap3A], %swap3A_2712 {add = true, strides = array<i32>} : memref<8192xf32, #tpu.memory_space<vmem>>, vector<16xf32>,
        %add3A_2713 = arith.constant 4096 : i32
        %add3A_2714 = arith.addi %add3A_2713, %add3A_2703 : i32
        %add3A_2715 = arith.addf %get3A_2706, %add3A_313 : vector<16xf32>
        %swap3A_2716 = arith.index_cast %add3A_2714 : i32 to index
        %swap3A_2717 = tpu.vector_load %arg10[%swap3A_2716] {strides = array<i32>} : memref<8192xf32, #tpu.memory_space<vmem>>, vector<16xf32>,
        %swap3A_2718 = vector.shape_cast %swap3A_2717 : vector<16xf32> to vector<16xf32>
        %swap3A_2719 = vector.shape_cast %add3A_2715 : vector<16xf32> to vector<16xf32>
        tpu.vector_store %arg10[%swap3A_2716], %swap3A_2719 {add = true, strides = array<i32>} : memref<8192xf32, #tpu.memory_space<vmem>>, vector<16xf32>,
        %add3A_2720 = arith.constant 16 : i32
        %add3A_2721 = arith.addi %mul3A_2701, %add3A_2720 : i32
        %get3A_2722 = arith.index_cast %add3A_2721 : i32 to index
        %get3A_2723 = tpu.vector_load %arg9[%get3A_2722] {strides = array<i32>} : memref<4096xf32, #tpu.memory_space<vmem>>, vector<16xf32>,
        %get3A_2724 = vector.shape_cast %get3A_2723 : vector<16xf32> to vector<16xf32>
        %add3A_2725 = arith.constant 0 : i32
        %add3A_2726 = arith.addi %add3A_2725, %add3A_2721 : i32
        %add3A_2727 = arith.addf %get3A_2724, %add3A_174 : vector<16xf32>
        %swap3A_2728 = arith.index_cast %add3A_2726 : i32 to index
        %swap3A_2729 = tpu.vector_load %arg10[%swap3A_2728] {strides = array<i32>} : memref<8192xf32, #tpu.memory_space<vmem>>, vector<16xf32>,
        %swap3A_2730 = vector.shape_cast %swap3A_2729 : vector<16xf32> to vector<16xf32>
        %swap3A_2731 = vector.shape_cast %add3A_2727 : vector<16xf32> to vector<16xf32>
        tpu.vector_store %arg10[%swap3A_2728], %swap3A_2731 {add = true, strides = array<i32>} : memref<8192xf32, #tpu.memory_space<vmem>>, vector<16xf32>,
        %add3A_2732 = arith.constant 4096 : i32
        %add3A_2733 = arith.addi %add3A_2732, %add3A_2721 : i32
        %add3A_2734 = arith.addf %get3A_2724, %add3A_324 : vector<16xf32>
        %swap3A_2735 = arith.index_cast %add3A_2733 : i32 to index
        %swap3A_2736 = tpu.vector_load %arg10[%swap3A_2735] {strides = array<i32>} : memref<8192xf32, #tpu.memory_space<vmem>>, vector<16xf32>,
        %swap3A_2737 = vector.shape_cast %swap3A_2736 : vector<16xf32> to vector<16xf32>
        %swap3A_2738 = vector.shape_cast %add3A_2734 : vector<16xf32> to vector<16xf32>
        tpu.vector_store %arg10[%swap3A_2735], %swap3A_2738 {add = true, strides = array<i32>} : memref<8192xf32, #tpu.memory_space<vmem>>, vector<16xf32>,
        %add3A_2739 = arith.constant 32 : i32
        %add3A_2740 = arith.addi %mul3A_2701, %add3A_2739 : i32
        %get3A_2741 = arith.index_cast %add3A_2740 : i32 to index
        %get3A_2742 = tpu.vector_load %arg9[%get3A_2741] {strides = array<i32>} : memref<4096xf32, #tpu.memory_space<vmem>>, vector<16xf32>,
        %get3A_2743 = vector.shape_cast %get3A_2742 : vector<16xf32> to vector<16xf32>
        %add3A_2744 = arith.constant 0 : i32
        %add3A_2745 = arith.addi %add3A_2744, %add3A_2740 : i32
        %add3A_2746 = arith.addf %get3A_2743, %add3A_185 : vector<16xf32>
        %swap3A_2747 = arith.index_cast %add3A_2745 : i32 to index
        %swap3A_2748 = tpu.vector_load %arg10[%swap3A_2747] {strides = array<i32>} : memref<8192xf32, #tpu.memory_space<vmem>>, vector<16xf32>,
        %swap3A_2749 = vector.shape_cast %swap3A_2748 : vector<16xf32> to vector<16xf32>
        %swap3A_2750 = vector.shape_cast %add3A_2746 : vector<16xf32> to vector<16xf32>
        tpu.vector_store %arg10[%swap3A_2747], %swap3A_2750 {add = true, strides = array<i32>} : memref<8192xf32, #tpu.memory_space<vmem>>, vector<16xf32>,
        %add3A_2751 = arith.constant 4096 : i32
        %add3A_2752 = arith.addi %add3A_2751, %add3A_2740 : i32
        %add3A_2753 = arith.addf %get3A_2743, %add3A_335 : vector<16xf32>
        %swap3A_2754 = arith.index_cast %add3A_2752 : i32 to index
        %swap3A_2755 = tpu.vector_load %arg10[%swap3A_2754] {strides = array<i32>} : memref<8192xf32, #tpu.memory_space<vmem>>, vector<16xf32>,
        %swap3A_2756 = vector.shape_cast %swap3A_2755 : vector<16xf32> to vector<16xf32>
        %swap3A_2757 = vector.shape_cast %add3A_2753 : vector<16xf32> to vector<16xf32>
        tpu.vector_store %arg10[%swap3A_2754], %swap3A_2757 {add = true, strides = array<i32>} : memref<8192xf32, #tpu.memory_space<vmem>>, vector<16xf32>,
        %add3A_2758 = arith.constant 48 : i32
        %add3A_2759 = arith.addi %mul3A_2701, %add3A_2758 : i32
        %get3A_2760 = arith.index_cast %add3A_2759 : i32 to index
        %get3A_2761 = tpu.vector_load %arg9[%get3A_2760] {strides = array<i32>} : memref<4096xf32, #tpu.memory_space<vmem>>, vector<16xf32>,
        %get3A_2762 = vector.shape_cast %get3A_2761 : vector<16xf32> to vector<16xf32>
        %add3A_2763 = arith.constant 0 : i32
        %add3A_2764 = arith.addi %add3A_2763, %add3A_2759 : i32
        %add3A_2765 = arith.addf %get3A_2762, %add3A_196 : vector<16xf32>
        %swap3A_2766 = arith.index_cast %add3A_2764 : i32 to index
        %swap3A_2767 = tpu.vector_load %arg10[%swap3A_2766] {strides = array<i32>} : memref<8192xf32, #tpu.memory_space<vmem>>, vector<16xf32>,
        %swap3A_2768 = vector.shape_cast %swap3A_2767 : vector<16xf32> to vector<16xf32>
        %swap3A_2769 = vector.shape_cast %add3A_2765 : vector<16xf32> to vector<16xf32>
        tpu.vector_store %arg10[%swap3A_2766], %swap3A_2769 {add = true, strides = array<i32>} : memref<8192xf32, #tpu.memory_space<vmem>>, vector<16xf32>,
        %add3A_2770 = arith.constant 4096 : i32
        %add3A_2771 = arith.addi %add3A_2770, %add3A_2759 : i32
        %add3A_2772 = arith.addf %get3A_2762, %add3A_346 : vector<16xf32>
        %swap3A_2773 = arith.index_cast %add3A_2771 : i32 to index
        %swap3A_2774 = tpu.vector_load %arg10[%swap3A_2773] {strides = array<i32>} : memref<8192xf32, #tpu.memory_space<vmem>>, vector<16xf32>,
        %swap3A_2775 = vector.shape_cast %swap3A_2774 : vector<16xf32> to vector<16xf32>
        %swap3A_2776 = vector.shape_cast %add3A_2772 : vector<16xf32> to vector<16xf32>
        tpu.vector_store %arg10[%swap3A_2773], %swap3A_2776 {add = true, strides = array<i32>} : memref<8192xf32, #tpu.memory_space<vmem>>, vector<16xf32>,
        %add3A_2777 = arith.constant 64 : i32
        %add3A_2778 = arith.addi %mul3A_2701, %add3A_2777 : i32
        %get3A_2779 = arith.index_cast %add3A_2778 : i32 to index
        %get3A_2780 = tpu.vector_load %arg9[%get3A_2779] {strides = array<i32>} : memref<4096xf32, #tpu.memory_space<vmem>>, vector<16xf32>,
        %get3A_2781 = vector.shape_cast %get3A_2780 : vector<16xf32> to vector<16xf32>
        %add3A_2782 = arith.constant 0 : i32
        %add3A_2783 = arith.addi %add3A_2782, %add3A_2778 : i32
        %add3A_2784 = arith.addf %get3A_2781, %add3A_207 : vector<16xf32>
        %swap3A_2785 = arith.index_cast %add3A_2783 : i32 to index
        %swap3A_2786 = tpu.vector_load %arg10[%swap3A_2785] {strides = array<i32>} : memref<8192xf32, #tpu.memory_space<vmem>>, vector<16xf32>,
        %swap3A_2787 = vector.shape_cast %swap3A_2786 : vector<16xf32> to vector<16xf32>
        %swap3A_2788 = vector.shape_cast %add3A_2784 : vector<16xf32> to vector<16xf32>
        tpu.vector_store %arg10[%swap3A_2785], %swap3A_2788 {add = true, strides = array<i32>} : memref<8192xf32, #tpu.memory_space<vmem>>, vector<16xf32>,
        %add3A_2789 = arith.constant 4096 : i32
        %add3A_2790 = arith.addi %add3A_2789, %add3A_2778 : i32
        %add3A_2791 = arith.addf %get3A_2781, %add3A_357 : vector<16xf32>
        %swap3A_2792 = arith.index_cast %add3A_2790 : i32 to index
        %swap3A_2793 = tpu.vector_load %arg10[%swap3A_2792] {strides = array<i32>} : memref<8192xf32, #tpu.memory_space<vmem>>, vector<16xf32>,
        %swap3A_2794 = vector.shape_cast %swap3A_2793 : vector<16xf32> to vector<16xf32>
        %swap3A_2795 = vector.shape_cast %add3A_2791 : vector<16xf32> to vector<16xf32>
        tpu.vector_store %arg10[%swap3A_2792], %swap3A_2795 {add = true, strides = array<i32>} : memref<8192xf32, #tpu.memory_space<vmem>>, vector<16xf32>,
        %add3A_2796 = arith.constant 80 : i32
        %add3A_2797 = arith.addi %mul3A_2701, %add3A_2796 : i32
        %get3A_2798 = arith.index_cast %add3A_2797 : i32 to index
        %get3A_2799 = tpu.vector_load %arg9[%get3A_2798] {strides = array<i32>} : memref<4096xf32, #tpu.memory_space<vmem>>, vector<16xf32>,
        %get3A_2800 = vector.shape_cast %get3A_2799 : vector<16xf32> to vector<16xf32>
        %add3A_2801 = arith.constant 0 : i32
        %add3A_2802 = arith.addi %add3A_2801, %add3A_2797 : i32
        %add3A_2803 = arith.addf %get3A_2800, %add3A_218 : vector<16xf32>
        %swap3A_2804 = arith.index_cast %add3A_2802 : i32 to index
        %swap3A_2805 = tpu.vector_load %arg10[%swap3A_2804] {strides = array<i32>} : memref<8192xf32, #tpu.memory_space<vmem>>, vector<16xf32>,
        %swap3A_2806 = vector.shape_cast %swap3A_2805 : vector<16xf32> to vector<16xf32>
        %swap3A_2807 = vector.shape_cast %add3A_2803 : vector<16xf32> to vector<16xf32>
        tpu.vector_store %arg10[%swap3A_2804], %swap3A_2807 {add = true, strides = array<i32>} : memref<8192xf32, #tpu.memory_space<vmem>>, vector<16xf32>,
        %add3A_2808 = arith.constant 4096 : i32
        %add3A_2809 = arith.addi %add3A_2808, %add3A_2797 : i32
        %add3A_2810 = arith.addf %get3A_2800, %add3A_368 : vector<16xf32>
        %swap3A_2811 = arith.index_cast %add3A_2809 : i32 to index
        %swap3A_2812 = tpu.vector_load %arg10[%swap3A_2811] {strides = array<i32>} : memref<8192xf32, #tpu.memory_space<vmem>>, vector<16xf32>,
        %swap3A_2813 = vector.shape_cast %swap3A_2812 : vector<16xf32> to vector<16xf32>
        %swap3A_2814 = vector.shape_cast %add3A_2810 : vector<16xf32> to vector<16xf32>
        tpu.vector_store %arg10[%swap3A_2811], %swap3A_2814 {add = true, strides = array<i32>} : memref<8192xf32, #tpu.memory_space<vmem>>, vector<16xf32>,
        %add3A_2815 = arith.constant 96 : i32
        %add3A_2816 = arith.addi %mul3A_2701, %add3A_2815 : i32
        %get3A_2817 = arith.index_cast %add3A_2816 : i32 to index
        %get3A_2818 = tpu.vector_load %arg9[%get3A_2817] {strides = array<i32>} : memref<4096xf32, #tpu.memory_space<vmem>>, vector<16xf32>,
        %get3A_2819 = vector.shape_cast %get3A_2818 : vector<16xf32> to vector<16xf32>
        %add3A_2820 = arith.constant 0 : i32
        %add3A_2821 = arith.addi %add3A_2820, %add3A_2816 : i32
        %add3A_2822 = arith.addf %get3A_2819, %add3A_229 : vector<16xf32>
        %swap3A_2823 = arith.index_cast %add3A_2821 : i32 to index
        %swap3A_2824 = tpu.vector_load %arg10[%swap3A_2823] {strides = array<i32>} : memref<8192xf32, #tpu.memory_space<vmem>>, vector<16xf32>,
        %swap3A_2825 = vector.shape_cast %swap3A_2824 : vector<16xf32> to vector<16xf32>
        %swap3A_2826 = vector.shape_cast %add3A_2822 : vector<16xf32> to vector<16xf32>
        tpu.vector_store %arg10[%swap3A_2823], %swap3A_2826 {add = true, strides = array<i32>} : memref<8192xf32, #tpu.memory_space<vmem>>, vector<16xf32>,
        %add3A_2827 = arith.constant 4096 : i32
        %add3A_2828 = arith.addi %add3A_2827, %add3A_2816 : i32
        %add3A_2829 = arith.addf %get3A_2819, %add3A_379 : vector<16xf32>
        %swap3A_2830 = arith.index_cast %add3A_2828 : i32 to index
        %swap3A_2831 = tpu.vector_load %arg10[%swap3A_2830] {strides = array<i32>} : memref<8192xf32, #tpu.memory_space<vmem>>, vector<16xf32>,
        %swap3A_2832 = vector.shape_cast %swap3A_2831 : vector<16xf32> to vector<16xf32>
        %swap3A_2833 = vector.shape_cast %add3A_2829 : vector<16xf32> to vector<16xf32>
        tpu.vector_store %arg10[%swap3A_2830], %swap3A_2833 {add = true, strides = array<i32>} : memref<8192xf32, #tpu.memory_space<vmem>>, vector<16xf32>,
        %add3A_2834 = arith.constant 112 : i32
        %add3A_2835 = arith.addi %mul3A_2701, %add3A_2834 : i32
        %get3A_2836 = arith.index_cast %add3A_2835 : i32 to index
        %get3A_2837 = tpu.vector_load %arg9[%get3A_2836] {strides = array<i32>} : memref<4096xf32, #tpu.memory_space<vmem>>, vector<16xf32>,
        %get3A_2838 = vector.shape_cast %get3A_2837 : vector<16xf32> to vector<16xf32>
        %add3A_2839 = arith.constant 0 : i32
        %add3A_2840 = arith.addi %add3A_2839, %add3A_2835 : i32
        %add3A_2841 = arith.addf %get3A_2838, %add3A_240 : vector<16xf32>
        %swap3A_2842 = arith.index_cast %add3A_2840 : i32 to index
        %swap3A_2843 = tpu.vector_load %arg10[%swap3A_2842] {strides = array<i32>} : memref<8192xf32, #tpu.memory_space<vmem>>, vector<16xf32>,
        %swap3A_2844 = vector.shape_cast %swap3A_2843 : vector<16xf32> to vector<16xf32>
        %swap3A_2845 = vector.shape_cast %add3A_2841 : vector<16xf32> to vector<16xf32>
        tpu.vector_store %arg10[%swap3A_2842], %swap3A_2845 {add = true, strides = array<i32>} : memref<8192xf32, #tpu.memory_space<vmem>>, vector<16xf32>,
        %add3A_2846 = arith.constant 4096 : i32
        %add3A_2847 = arith.addi %add3A_2846, %add3A_2835 : i32
        %add3A_2848 = arith.addf %get3A_2838, %add3A_390 : vector<16xf32>
        %swap3A_2849 = arith.index_cast %add3A_2847 : i32 to index
        %swap3A_2850 = tpu.vector_load %arg10[%swap3A_2849] {strides = array<i32>} : memref<8192xf32, #tpu.memory_space<vmem>>, vector<16xf32>,
        %swap3A_2851 = vector.shape_cast %swap3A_2850 : vector<16xf32> to vector<16xf32>
        %swap3A_2852 = vector.shape_cast %add3A_2848 : vector<16xf32> to vector<16xf32>
        tpu.vector_store %arg10[%swap3A_2849], %swap3A_2852 {add = true, strides = array<i32>} : memref<8192xf32, #tpu.memory_space<vmem>>, vector<16xf32>,
      }
      %scan3A_396 = arith.constant 32 : i32
      %dma_start3A_397 = tpu.memref_slice %arg6[%mul3A_99] : memref<33554432xf32, #tpu.memory_space<hbm>> -> memref<8192xf32, #tpu.memory_space<hbm>>
      %dma_start3A_398 = tpu.memref_slice %arg6[%mul3A_99] : memref<33554432xf32, #tpu.memory_space<hbm>> -> memref<8192xf32, #tpu.memory_space<hbm>>
      tpu.enqueue_dma source(%arg10 : memref<8192xf32, #tpu.memory_space<vmem>>) target(%dma_start3A_398 : memref<8192xf32, #tpu.memory_space<hbm>>) target_semaphore(%arg26 : memref<!tpu.dma_semaphore, #tpu.memory_space<semaphore_mem>>)
      %add3A_399 = arith.constant 6 : i32
      %add3A_400 = arith.addi %add3A_94, %add3A_399 : i32
      %ge3A = arith.constant 1 : i32
      %ge3A_401 = arith.cmpi sge, %scan3A_90, %ge3A : i32
      %convert_element_type3A = arith.extui %ge3A_401 : i1 to i32
      %cond3A = arith.constant 0 : i32
      %cond3A_402 = arith.cmpi ne, %convert_element_type3A, %cond3A : i32
      scf.if %cond3A_402 {
        %sub3A_2699 = arith.constant 8 : i32
        %sub3A_2700 = arith.subi %add3A_400, %sub3A_2699 : i32
        %mul3A_2701 = arith.constant 2 : i32
        %mul3A_2702 = arith.muli %sub3A_2700, %mul3A_2701 : i32
        %add3A_2703 = arith.addi %mul3A_2, %mul3A_2702 : i32
        %mul3A_2704 = arith.constant 4096 : i32
        %mul3A_2705 = arith.muli %add3A_2703, %mul3A_2704 : i32
        %dma_wait3A_2706 = tpu.memref_slice %arg6[%mul3A_2705] : memref<33554432xf32, #tpu.memory_space<hbm>> -> memref<8192xf32, #tpu.memory_space<hbm>>
        %dma_wait3A_2707 = tpu.memref_slice %arg6[%mul3A_2705] : memref<33554432xf32, #tpu.memory_space<hbm>> -> memref<8192xf32, #tpu.memory_space<hbm>>
        tpu.wait_dma2 semaphore(%arg32 : memref<!tpu.dma_semaphore, #tpu.memory_space<semaphore_mem>>) src(%arg16 : memref<8192xf32, #tpu.memory_space<vmem>>) dst(%dma_wait3A_2707 : memref<8192xf32, #tpu.memory_space<hbm>>)
      } else {
      }
      %mul3A_403 = arith.constant 2 : i32
      %mul3A_404 = arith.muli %add3A_400, %mul3A_403 : i32
      %add3A_405 = arith.addi %mul3A_2, %mul3A_404 : i32
      %mul3A_406 = arith.constant 4096 : i32
      %mul3A_407 = arith.muli %add3A_405, %mul3A_406 : i32
      %dma_start3A_408 = tpu.memref_slice %arg2[%mul3A_407] : memref<33554432xf32, #tpu.memory_space<hbm>> -> memref<8192xf32, #tpu.memory_space<hbm>>
      %dma_start3A_409 = tpu.memref_slice %arg2[%mul3A_407] : memref<33554432xf32, #tpu.memory_space<hbm>> -> memref<8192xf32, #tpu.memory_space<hbm>>
      tpu.enqueue_dma source(%dma_start3A_409 : memref<8192xf32, #tpu.memory_space<hbm>>) target(%arg16 : memref<8192xf32, #tpu.memory_space<vmem>>) target_semaphore(%arg24 : memref<!tpu.dma_semaphore, #tpu.memory_space<semaphore_mem>>)
      %mul3A_410 = arith.constant 8 : i32
      %mul3A_411 = arith.muli %scan3A_90, %mul3A_410 : i32
      %add3A_412 = arith.constant 1 : i32
      %add3A_413 = arith.addi %mul3A_411, %add3A_412 : i32
      %mul3A_414 = arith.constant 2 : i32
      %mul3A_415 = arith.muli %add3A_413, %mul3A_414 : i32
      %add3A_416 = arith.addi %mul3A_2, %mul3A_415 : i32
      %mul3A_417 = arith.constant 4096 : i32
      %mul3A_418 = arith.muli %add3A_416, %mul3A_417 : i32
      %dma_wait3A_419 = tpu.memref_slice %arg2[%mul3A_418] : memref<33554432xf32, #tpu.memory_space<hbm>> -> memref<8192xf32, #tpu.memory_space<hbm>>
      %dma_wait3A_420 = tpu.memref_slice %arg2[%mul3A_418] : memref<33554432xf32, #tpu.memory_space<hbm>> -> memref<8192xf32, #tpu.memory_space<hbm>>
      tpu.wait_dma2 semaphore(%arg19 : memref<!tpu.dma_semaphore, #tpu.memory_space<semaphore_mem>>) src(%dma_wait3A_420 : memref<8192xf32, #tpu.memory_space<hbm>>) dst(%arg11 : memref<8192xf32, #tpu.memory_space<vmem>>)
      %add3A_421 = arith.constant 0 : i32
      %add3A_422 = arith.addi %add3A_416, %add3A_421 : i32
      %jit3A_423 = arith.constant 512 : i32
      %eq3A_424 = arith.constant 0 : i32
      %eq3A_425 = arith.cmpi eq, %jit3A_423, %eq3A_424 : i32
      %jit3A_426 = arith.constant 1 : i32
      %select_n3A_427 = arith.select %eq3A_425, %jit3A_426, %jit3A_423 : i32
      %rem3A_428 = arith.remsi %add3A_422, %select_n3A_427 : i32
      %ne3A_429 = arith.constant 0 : i32
      %ne3A_430 = arith.cmpi ne, %rem3A_428, %ne3A_429 : i32
      %lt3A_431 = arith.constant 0 : i32
      %lt3A_432 = arith.cmpi slt, %rem3A_428, %lt3A_431 : i32
      %lt3A_433 = arith.constant 0 : i32
      %lt3A_434 = arith.cmpi slt, %select_n3A_427, %lt3A_433 : i32
      %ne3A_435 = arith.xori %lt3A_432, %lt3A_434 : i1
      %and3A_436 = arith.andi %ne3A_435, %ne3A_430 : i1
      %add3A_437 = arith.addi %rem3A_428, %select_n3A_427 : i32
      %select_n3A_438 = arith.select %and3A_436, %add3A_437, %rem3A_428 : i32
      %jit3A_439 = arith.constant 32 : i32
      %div3A_440 = arith.divsi %select_n3A_438, %jit3A_439 : i32
      %sign3A_441 = arith.constant 0 : i32
      %sign3A_442 = arith.cmpi sgt, %select_n3A_438, %sign3A_441 : i32
      %sign3A_443 = arith.extui %sign3A_442 : i1 to i32
      %sign3A_444 = arith.constant 0 : i32
      %sign3A_445 = arith.cmpi slt, %select_n3A_438, %sign3A_444 : i32
      %sign3A_446 = arith.extui %sign3A_445 : i1 to i32
      %sign3A_447 = arith.subi %sign3A_443, %sign3A_446 : i32
      %sign3A_448 = arith.constant 0 : i32
      %sign3A_449 = arith.cmpi sgt, %jit3A_439, %sign3A_448 : i32
      %sign3A_450 = arith.extui %sign3A_449 : i1 to i32
      %sign3A_451 = arith.constant 0 : i32
      %sign3A_452 = arith.cmpi slt, %jit3A_439, %sign3A_451 : i32
      %sign3A_453 = arith.extui %sign3A_452 : i1 to i32
      %sign3A_454 = arith.subi %sign3A_450, %sign3A_453 : i32
      %ne3A_455 = arith.cmpi ne, %sign3A_447, %sign3A_454 : i32
      %rem3A_456 = arith.remsi %select_n3A_438, %jit3A_439 : i32
      %ne3A_457 = arith.constant 0 : i32
      %ne3A_458 = arith.cmpi ne, %rem3A_456, %ne3A_457 : i32
      %and3A_459 = arith.andi %ne3A_455, %ne3A_458 : i1
      %sub3A_460 = arith.constant 1 : i32
      %sub3A_461 = arith.subi %div3A_440, %sub3A_460 : i32
      %select_n3A_462 = arith.select %and3A_459, %sub3A_461, %div3A_440 : i32
      %jit3A_463 = arith.constant 32 : i32
      %eq3A_464 = arith.constant 0 : i32
      %eq3A_465 = arith.cmpi eq, %jit3A_463, %eq3A_464 : i32
      %jit3A_466 = arith.constant 1 : i32
      %select_n3A_467 = arith.select %eq3A_465, %jit3A_466, %jit3A_463 : i32
      %rem3A_468 = arith.remsi %select_n3A_438, %select_n3A_467 : i32
      %ne3A_469 = arith.constant 0 : i32
      %ne3A_470 = arith.cmpi ne, %rem3A_468, %ne3A_469 : i32
      %lt3A_471 = arith.constant 0 : i32
      %lt3A_472 = arith.cmpi slt, %rem3A_468, %lt3A_471 : i32
      %lt3A_473 = arith.constant 0 : i32
      %lt3A_474 = arith.cmpi slt, %select_n3A_467, %lt3A_473 : i32
      %ne3A_475 = arith.xori %lt3A_472, %lt3A_474 : i1
      %and3A_476 = arith.andi %ne3A_475, %ne3A_470 : i1
      %add3A_477 = arith.addi %rem3A_468, %select_n3A_467 : i32
      %select_n3A_478 = arith.select %and3A_476, %add3A_477, %rem3A_468 : i32
      %mul3A_479 = arith.constant 128 : i32
      %mul3A_480 = arith.muli %select_n3A_462, %mul3A_479 : i32
      %mul3A_481 = arith.constant 128 : i32
      %mul3A_482 = arith.muli %select_n3A_478, %mul3A_481 : i32
      %add3A_483 = arith.constant 0 : i32
      %add3A_484 = arith.addi %mul3A_480, %add3A_483 : i32
      %get3A_485 = arith.index_cast %add3A_484 : i32 to index
      %get3A_486 = tpu.vector_load %arg7[%get3A_485] {strides = array<i32>} : memref<2048xf32, #tpu.memory_space<vmem>>, vector<16xf32>,
      %get3A_487 = vector.shape_cast %get3A_486 : vector<16xf32> to vector<16xf32>
      %add3A_488 = arith.constant 0 : i32
      %add3A_489 = arith.addi %mul3A_482, %add3A_488 : i32
      %get3A_490 = arith.index_cast %add3A_489 : i32 to index
      %get3A_491 = tpu.vector_load %arg8[%get3A_490] {strides = array<i32>} : memref<4096xf32, #tpu.memory_space<vmem>>, vector<16xf32>,
      %get3A_492 = vector.shape_cast %get3A_491 : vector<16xf32> to vector<16xf32>
      %add3A_493 = arith.addf %get3A_487, %get3A_492 : vector<16xf32>
      %add3A_494 = arith.constant 16 : i32
      %add3A_495 = arith.addi %mul3A_480, %add3A_494 : i32
      %get3A_496 = arith.index_cast %add3A_495 : i32 to index
      %get3A_497 = tpu.vector_load %arg7[%get3A_496] {strides = array<i32>} : memref<2048xf32, #tpu.memory_space<vmem>>, vector<16xf32>,
      %get3A_498 = vector.shape_cast %get3A_497 : vector<16xf32> to vector<16xf32>
      %add3A_499 = arith.constant 16 : i32
      %add3A_500 = arith.addi %mul3A_482, %add3A_499 : i32
      %get3A_501 = arith.index_cast %add3A_500 : i32 to index
      %get3A_502 = tpu.vector_load %arg8[%get3A_501] {strides = array<i32>} : memref<4096xf32, #tpu.memory_space<vmem>>, vector<16xf32>,
      %get3A_503 = vector.shape_cast %get3A_502 : vector<16xf32> to vector<16xf32>
      %add3A_504 = arith.addf %get3A_498, %get3A_503 : vector<16xf32>
      %add3A_505 = arith.constant 32 : i32
      %add3A_506 = arith.addi %mul3A_480, %add3A_505 : i32
      %get3A_507 = arith.index_cast %add3A_506 : i32 to index
      %get3A_508 = tpu.vector_load %arg7[%get3A_507] {strides = array<i32>} : memref<2048xf32, #tpu.memory_space<vmem>>, vector<16xf32>,
      %get3A_509 = vector.shape_cast %get3A_508 : vector<16xf32> to vector<16xf32>
      %add3A_510 = arith.constant 32 : i32
      %add3A_511 = arith.addi %mul3A_482, %add3A_510 : i32
      %get3A_512 = arith.index_cast %add3A_511 : i32 to index
      %get3A_513 = tpu.vector_load %arg8[%get3A_512] {strides = array<i32>} : memref<4096xf32, #tpu.memory_space<vmem>>, vector<16xf32>,
      %get3A_514 = vector.shape_cast %get3A_513 : vector<16xf32> to vector<16xf32>
      %add3A_515 = arith.addf %get3A_509, %get3A_514 : vector<16xf32>
      %add3A_516 = arith.constant 48 : i32
      %add3A_517 = arith.addi %mul3A_480, %add3A_516 : i32
      %get3A_518 = arith.index_cast %add3A_517 : i32 to index
      %get3A_519 = tpu.vector_load %arg7[%get3A_518] {strides = array<i32>} : memref<2048xf32, #tpu.memory_space<vmem>>, vector<16xf32>,
      %get3A_520 = vector.shape_cast %get3A_519 : vector<16xf32> to vector<16xf32>
      %add3A_521 = arith.constant 48 : i32
      %add3A_522 = arith.addi %mul3A_482, %add3A_521 : i32
      %get3A_523 = arith.index_cast %add3A_522 : i32 to index
      %get3A_524 = tpu.vector_load %arg8[%get3A_523] {strides = array<i32>} : memref<4096xf32, #tpu.memory_space<vmem>>, vector<16xf32>,
      %get3A_525 = vector.shape_cast %get3A_524 : vector<16xf32> to vector<16xf32>
      %add3A_526 = arith.addf %get3A_520, %get3A_525 : vector<16xf32>
      %add3A_527 = arith.constant 64 : i32
      %add3A_528 = arith.addi %mul3A_480, %add3A_527 : i32
      %get3A_529 = arith.index_cast %add3A_528 : i32 to index
      %get3A_530 = tpu.vector_load %arg7[%get3A_529] {strides = array<i32>} : memref<2048xf32, #tpu.memory_space<vmem>>, vector<16xf32>,
      %get3A_531 = vector.shape_cast %get3A_530 : vector<16xf32> to vector<16xf32>
      %add3A_532 = arith.constant 64 : i32
      %add3A_533 = arith.addi %mul3A_482, %add3A_532 : i32
      %get3A_534 = arith.index_cast %add3A_533 : i32 to index
      %get3A_535 = tpu.vector_load %arg8[%get3A_534] {strides = array<i32>} : memref<4096xf32, #tpu.memory_space<vmem>>, vector<16xf32>,
      %get3A_536 = vector.shape_cast %get3A_535 : vector<16xf32> to vector<16xf32>
      %add3A_537 = arith.addf %get3A_531, %get3A_536 : vector<16xf32>
      %add3A_538 = arith.constant 80 : i32
      %add3A_539 = arith.addi %mul3A_480, %add3A_538 : i32
      %get3A_540 = arith.index_cast %add3A_539 : i32 to index
      %get3A_541 = tpu.vector_load %arg7[%get3A_540] {strides = array<i32>} : memref<2048xf32, #tpu.memory_space<vmem>>, vector<16xf32>,
      %get3A_542 = vector.shape_cast %get3A_541 : vector<16xf32> to vector<16xf32>
      %add3A_543 = arith.constant 80 : i32
      %add3A_544 = arith.addi %mul3A_482, %add3A_543 : i32
      %get3A_545 = arith.index_cast %add3A_544 : i32 to index
      %get3A_546 = tpu.vector_load %arg8[%get3A_545] {strides = array<i32>} : memref<4096xf32, #tpu.memory_space<vmem>>, vector<16xf32>,
      %get3A_547 = vector.shape_cast %get3A_546 : vector<16xf32> to vector<16xf32>
      %add3A_548 = arith.addf %get3A_542, %get3A_547 : vector<16xf32>
      %add3A_549 = arith.constant 96 : i32
      %add3A_550 = arith.addi %mul3A_480, %add3A_549 : i32
      %get3A_551 = arith.index_cast %add3A_550 : i32 to index
      %get3A_552 = tpu.vector_load %arg7[%get3A_551] {strides = array<i32>} : memref<2048xf32, #tpu.memory_space<vmem>>, vector<16xf32>,
      %get3A_553 = vector.shape_cast %get3A_552 : vector<16xf32> to vector<16xf32>
      %add3A_554 = arith.constant 96 : i32
      %add3A_555 = arith.addi %mul3A_482, %add3A_554 : i32
      %get3A_556 = arith.index_cast %add3A_555 : i32 to index
      %get3A_557 = tpu.vector_load %arg8[%get3A_556] {strides = array<i32>} : memref<4096xf32, #tpu.memory_space<vmem>>, vector<16xf32>,
      %get3A_558 = vector.shape_cast %get3A_557 : vector<16xf32> to vector<16xf32>
      %add3A_559 = arith.addf %get3A_553, %get3A_558 : vector<16xf32>
      %add3A_560 = arith.constant 112 : i32
      %add3A_561 = arith.addi %mul3A_480, %add3A_560 : i32
      %get3A_562 = arith.index_cast %add3A_561 : i32 to index
      %get3A_563 = tpu.vector_load %arg7[%get3A_562] {strides = array<i32>} : memref<2048xf32, #tpu.memory_space<vmem>>, vector<16xf32>,
      %get3A_564 = vector.shape_cast %get3A_563 : vector<16xf32> to vector<16xf32>
      %add3A_565 = arith.constant 112 : i32
      %add3A_566 = arith.addi %mul3A_482, %add3A_565 : i32
      %get3A_567 = arith.index_cast %add3A_566 : i32 to index
      %get3A_568 = tpu.vector_load %arg8[%get3A_567] {strides = array<i32>} : memref<4096xf32, #tpu.memory_space<vmem>>, vector<16xf32>,
      %get3A_569 = vector.shape_cast %get3A_568 : vector<16xf32> to vector<16xf32>
      %add3A_570 = arith.addf %get3A_564, %get3A_569 : vector<16xf32>
      %add3A_571 = arith.constant 1 : i32
      %add3A_572 = arith.addi %add3A_416, %add3A_571 : i32
      %jit3A_573 = arith.constant 512 : i32
      %eq3A_574 = arith.constant 0 : i32
      %eq3A_575 = arith.cmpi eq, %jit3A_573, %eq3A_574 : i32
      %jit3A_576 = arith.constant 1 : i32
      %select_n3A_577 = arith.select %eq3A_575, %jit3A_576, %jit3A_573 : i32
      %rem3A_578 = arith.remsi %add3A_572, %select_n3A_577 : i32
      %ne3A_579 = arith.constant 0 : i32
      %ne3A_580 = arith.cmpi ne, %rem3A_578, %ne3A_579 : i32
      %lt3A_581 = arith.constant 0 : i32
      %lt3A_582 = arith.cmpi slt, %rem3A_578, %lt3A_581 : i32
      %lt3A_583 = arith.constant 0 : i32
      %lt3A_584 = arith.cmpi slt, %select_n3A_577, %lt3A_583 : i32
      %ne3A_585 = arith.xori %lt3A_582, %lt3A_584 : i1
      %and3A_586 = arith.andi %ne3A_585, %ne3A_580 : i1
      %add3A_587 = arith.addi %rem3A_578, %select_n3A_577 : i32
      %select_n3A_588 = arith.select %and3A_586, %add3A_587, %rem3A_578 : i32
      %jit3A_589 = arith.constant 32 : i32
      %div3A_590 = arith.divsi %select_n3A_588, %jit3A_589 : i32
      %sign3A_591 = arith.constant 0 : i32
      %sign3A_592 = arith.cmpi sgt, %select_n3A_588, %sign3A_591 : i32
      %sign3A_593 = arith.extui %sign3A_592 : i1 to i32
      %sign3A_594 = arith.constant 0 : i32
      %sign3A_595 = arith.cmpi slt, %select_n3A_588, %sign3A_594 : i32
      %sign3A_596 = arith.extui %sign3A_595 : i1 to i32
      %sign3A_597 = arith.subi %sign3A_593, %sign3A_596 : i32
      %sign3A_598 = arith.constant 0 : i32
      %sign3A_599 = arith.cmpi sgt, %jit3A_589, %sign3A_598 : i32
      %sign3A_600 = arith.extui %sign3A_599 : i1 to i32
      %sign3A_601 = arith.constant 0 : i32
      %sign3A_602 = arith.cmpi slt, %jit3A_589, %sign3A_601 : i32
      %sign3A_603 = arith.extui %sign3A_602 : i1 to i32
      %sign3A_604 = arith.subi %sign3A_600, %sign3A_603 : i32
      %ne3A_605 = arith.cmpi ne, %sign3A_597, %sign3A_604 : i32
      %rem3A_606 = arith.remsi %select_n3A_588, %jit3A_589 : i32
      %ne3A_607 = arith.constant 0 : i32
      %ne3A_608 = arith.cmpi ne, %rem3A_606, %ne3A_607 : i32
      %and3A_609 = arith.andi %ne3A_605, %ne3A_608 : i1
      %sub3A_610 = arith.constant 1 : i32
      %sub3A_611 = arith.subi %div3A_590, %sub3A_610 : i32
      %select_n3A_612 = arith.select %and3A_609, %sub3A_611, %div3A_590 : i32
      %jit3A_613 = arith.constant 32 : i32
      %eq3A_614 = arith.constant 0 : i32
      %eq3A_615 = arith.cmpi eq, %jit3A_613, %eq3A_614 : i32
      %jit3A_616 = arith.constant 1 : i32
      %select_n3A_617 = arith.select %eq3A_615, %jit3A_616, %jit3A_613 : i32
      %rem3A_618 = arith.remsi %select_n3A_588, %select_n3A_617 : i32
      %ne3A_619 = arith.constant 0 : i32
      %ne3A_620 = arith.cmpi ne, %rem3A_618, %ne3A_619 : i32
      %lt3A_621 = arith.constant 0 : i32
      %lt3A_622 = arith.cmpi slt, %rem3A_618, %lt3A_621 : i32
      %lt3A_623 = arith.constant 0 : i32
      %lt3A_624 = arith.cmpi slt, %select_n3A_617, %lt3A_623 : i32
      %ne3A_625 = arith.xori %lt3A_622, %lt3A_624 : i1
      %and3A_626 = arith.andi %ne3A_625, %ne3A_620 : i1
      %add3A_627 = arith.addi %rem3A_618, %select_n3A_617 : i32
      %select_n3A_628 = arith.select %and3A_626, %add3A_627, %rem3A_618 : i32
      %mul3A_629 = arith.constant 128 : i32
      %mul3A_630 = arith.muli %select_n3A_612, %mul3A_629 : i32
      %mul3A_631 = arith.constant 128 : i32
      %mul3A_632 = arith.muli %select_n3A_628, %mul3A_631 : i32
      %add3A_633 = arith.constant 0 : i32
      %add3A_634 = arith.addi %mul3A_630, %add3A_633 : i32
      %get3A_635 = arith.index_cast %add3A_634 : i32 to index
      %get3A_636 = tpu.vector_load %arg7[%get3A_635] {strides = array<i32>} : memref<2048xf32, #tpu.memory_space<vmem>>, vector<16xf32>,
      %get3A_637 = vector.shape_cast %get3A_636 : vector<16xf32> to vector<16xf32>
      %add3A_638 = arith.constant 0 : i32
      %add3A_639 = arith.addi %mul3A_632, %add3A_638 : i32
      %get3A_640 = arith.index_cast %add3A_639 : i32 to index
      %get3A_641 = tpu.vector_load %arg8[%get3A_640] {strides = array<i32>} : memref<4096xf32, #tpu.memory_space<vmem>>, vector<16xf32>,
      %get3A_642 = vector.shape_cast %get3A_641 : vector<16xf32> to vector<16xf32>
      %add3A_643 = arith.addf %get3A_637, %get3A_642 : vector<16xf32>
      %add3A_644 = arith.constant 16 : i32
      %add3A_645 = arith.addi %mul3A_630, %add3A_644 : i32
      %get3A_646 = arith.index_cast %add3A_645 : i32 to index
      %get3A_647 = tpu.vector_load %arg7[%get3A_646] {strides = array<i32>} : memref<2048xf32, #tpu.memory_space<vmem>>, vector<16xf32>,
      %get3A_648 = vector.shape_cast %get3A_647 : vector<16xf32> to vector<16xf32>
      %add3A_649 = arith.constant 16 : i32
      %add3A_650 = arith.addi %mul3A_632, %add3A_649 : i32
      %get3A_651 = arith.index_cast %add3A_650 : i32 to index
      %get3A_652 = tpu.vector_load %arg8[%get3A_651] {strides = array<i32>} : memref<4096xf32, #tpu.memory_space<vmem>>, vector<16xf32>,
      %get3A_653 = vector.shape_cast %get3A_652 : vector<16xf32> to vector<16xf32>
      %add3A_654 = arith.addf %get3A_648, %get3A_653 : vector<16xf32>
      %add3A_655 = arith.constant 32 : i32
      %add3A_656 = arith.addi %mul3A_630, %add3A_655 : i32
      %get3A_657 = arith.index_cast %add3A_656 : i32 to index
      %get3A_658 = tpu.vector_load %arg7[%get3A_657] {strides = array<i32>} : memref<2048xf32, #tpu.memory_space<vmem>>, vector<16xf32>,
      %get3A_659 = vector.shape_cast %get3A_658 : vector<16xf32> to vector<16xf32>
      %add3A_660 = arith.constant 32 : i32
      %add3A_661 = arith.addi %mul3A_632, %add3A_660 : i32
      %get3A_662 = arith.index_cast %add3A_661 : i32 to index
      %get3A_663 = tpu.vector_load %arg8[%get3A_662] {strides = array<i32>} : memref<4096xf32, #tpu.memory_space<vmem>>, vector<16xf32>,
      %get3A_664 = vector.shape_cast %get3A_663 : vector<16xf32> to vector<16xf32>
      %add3A_665 = arith.addf %get3A_659, %get3A_664 : vector<16xf32>
      %add3A_666 = arith.constant 48 : i32
      %add3A_667 = arith.addi %mul3A_630, %add3A_666 : i32
      %get3A_668 = arith.index_cast %add3A_667 : i32 to index
      %get3A_669 = tpu.vector_load %arg7[%get3A_668] {strides = array<i32>} : memref<2048xf32, #tpu.memory_space<vmem>>, vector<16xf32>,
      %get3A_670 = vector.shape_cast %get3A_669 : vector<16xf32> to vector<16xf32>
      %add3A_671 = arith.constant 48 : i32
      %add3A_672 = arith.addi %mul3A_632, %add3A_671 : i32
      %get3A_673 = arith.index_cast %add3A_672 : i32 to index
      %get3A_674 = tpu.vector_load %arg8[%get3A_673] {strides = array<i32>} : memref<4096xf32, #tpu.memory_space<vmem>>, vector<16xf32>,
      %get3A_675 = vector.shape_cast %get3A_674 : vector<16xf32> to vector<16xf32>
      %add3A_676 = arith.addf %get3A_670, %get3A_675 : vector<16xf32>
      %add3A_677 = arith.constant 64 : i32
      %add3A_678 = arith.addi %mul3A_630, %add3A_677 : i32
      %get3A_679 = arith.index_cast %add3A_678 : i32 to index
      %get3A_680 = tpu.vector_load %arg7[%get3A_679] {strides = array<i32>} : memref<2048xf32, #tpu.memory_space<vmem>>, vector<16xf32>,
      %get3A_681 = vector.shape_cast %get3A_680 : vector<16xf32> to vector<16xf32>
      %add3A_682 = arith.constant 64 : i32
      %add3A_683 = arith.addi %mul3A_632, %add3A_682 : i32
      %get3A_684 = arith.index_cast %add3A_683 : i32 to index
      %get3A_685 = tpu.vector_load %arg8[%get3A_684] {strides = array<i32>} : memref<4096xf32, #tpu.memory_space<vmem>>, vector<16xf32>,
      %get3A_686 = vector.shape_cast %get3A_685 : vector<16xf32> to vector<16xf32>
      %add3A_687 = arith.addf %get3A_681, %get3A_686 : vector<16xf32>
      %add3A_688 = arith.constant 80 : i32
      %add3A_689 = arith.addi %mul3A_630, %add3A_688 : i32
      %get3A_690 = arith.index_cast %add3A_689 : i32 to index
      %get3A_691 = tpu.vector_load %arg7[%get3A_690] {strides = array<i32>} : memref<2048xf32, #tpu.memory_space<vmem>>, vector<16xf32>,
      %get3A_692 = vector.shape_cast %get3A_691 : vector<16xf32> to vector<16xf32>
      %add3A_693 = arith.constant 80 : i32
      %add3A_694 = arith.addi %mul3A_632, %add3A_693 : i32
      %get3A_695 = arith.index_cast %add3A_694 : i32 to index
      %get3A_696 = tpu.vector_load %arg8[%get3A_695] {strides = array<i32>} : memref<4096xf32, #tpu.memory_space<vmem>>, vector<16xf32>,
      %get3A_697 = vector.shape_cast %get3A_696 : vector<16xf32> to vector<16xf32>
      %add3A_698 = arith.addf %get3A_692, %get3A_697 : vector<16xf32>
      %add3A_699 = arith.constant 96 : i32
      %add3A_700 = arith.addi %mul3A_630, %add3A_699 : i32
      %get3A_701 = arith.index_cast %add3A_700 : i32 to index
      %get3A_702 = tpu.vector_load %arg7[%get3A_701] {strides = array<i32>} : memref<2048xf32, #tpu.memory_space<vmem>>, vector<16xf32>,
      %get3A_703 = vector.shape_cast %get3A_702 : vector<16xf32> to vector<16xf32>
      %add3A_704 = arith.constant 96 : i32
      %add3A_705 = arith.addi %mul3A_632, %add3A_704 : i32
      %get3A_706 = arith.index_cast %add3A_705 : i32 to index
      %get3A_707 = tpu.vector_load %arg8[%get3A_706] {strides = array<i32>} : memref<4096xf32, #tpu.memory_space<vmem>>, vector<16xf32>,
      %get3A_708 = vector.shape_cast %get3A_707 : vector<16xf32> to vector<16xf32>
      %add3A_709 = arith.addf %get3A_703, %get3A_708 : vector<16xf32>
      %add3A_710 = arith.constant 112 : i32
      %add3A_711 = arith.addi %mul3A_630, %add3A_710 : i32
      %get3A_712 = arith.index_cast %add3A_711 : i32 to index
      %get3A_713 = tpu.vector_load %arg7[%get3A_712] {strides = array<i32>} : memref<2048xf32, #tpu.memory_space<vmem>>, vector<16xf32>,
      %get3A_714 = vector.shape_cast %get3A_713 : vector<16xf32> to vector<16xf32>
      %add3A_715 = arith.constant 112 : i32
      %add3A_716 = arith.addi %mul3A_632, %add3A_715 : i32
      %get3A_717 = arith.index_cast %add3A_716 : i32 to index
      %get3A_718 = tpu.vector_load %arg8[%get3A_717] {strides = array<i32>} : memref<4096xf32, #tpu.memory_space<vmem>>, vector<16xf32>,
      %get3A_719 = vector.shape_cast %get3A_718 : vector<16xf32> to vector<16xf32>
      %add3A_720 = arith.addf %get3A_714, %get3A_719 : vector<16xf32>
      %scan3A_721 = arith.constant 0 : i32
      %scan3A_722 = arith.constant 0 : i32
      %scan3A_723 = arith.constant 32 : i32
      %scan3A_724 = arith.addi %scan3A_722, %scan3A_723 : i32
      %scan3A_725 = arith.constant 1 : i32
      scf.for %scan3A_2699 = %scan3A_722 to %scan3A_724 step %scan3A_725  : i32 {
        %mul3A_2700 = arith.constant 128 : i32
        %mul3A_2701 = arith.muli %scan3A_2699, %mul3A_2700 : i32
        %add3A_2702 = arith.constant 0 : i32
        %add3A_2703 = arith.addi %mul3A_2701, %add3A_2702 : i32
        %get3A_2704 = arith.index_cast %add3A_2703 : i32 to index
        %get3A_2705 = tpu.vector_load %arg9[%get3A_2704] {strides = array<i32>} : memref<4096xf32, #tpu.memory_space<vmem>>, vector<16xf32>,
        %get3A_2706 = vector.shape_cast %get3A_2705 : vector<16xf32> to vector<16xf32>
        %add3A_2707 = arith.constant 0 : i32
        %add3A_2708 = arith.addi %add3A_2707, %add3A_2703 : i32
        %add3A_2709 = arith.addf %get3A_2706, %add3A_493 : vector<16xf32>
        %swap3A = arith.index_cast %add3A_2708 : i32 to index
        %swap3A_2710 = tpu.vector_load %arg11[%swap3A] {strides = array<i32>} : memref<8192xf32, #tpu.memory_space<vmem>>, vector<16xf32>,
        %swap3A_2711 = vector.shape_cast %swap3A_2710 : vector<16xf32> to vector<16xf32>
        %swap3A_2712 = vector.shape_cast %add3A_2709 : vector<16xf32> to vector<16xf32>
        tpu.vector_store %arg11[%swap3A], %swap3A_2712 {add = true, strides = array<i32>} : memref<8192xf32, #tpu.memory_space<vmem>>, vector<16xf32>,
        %add3A_2713 = arith.constant 4096 : i32
        %add3A_2714 = arith.addi %add3A_2713, %add3A_2703 : i32
        %add3A_2715 = arith.addf %get3A_2706, %add3A_643 : vector<16xf32>
        %swap3A_2716 = arith.index_cast %add3A_2714 : i32 to index
        %swap3A_2717 = tpu.vector_load %arg11[%swap3A_2716] {strides = array<i32>} : memref<8192xf32, #tpu.memory_space<vmem>>, vector<16xf32>,
        %swap3A_2718 = vector.shape_cast %swap3A_2717 : vector<16xf32> to vector<16xf32>
        %swap3A_2719 = vector.shape_cast %add3A_2715 : vector<16xf32> to vector<16xf32>
        tpu.vector_store %arg11[%swap3A_2716], %swap3A_2719 {add = true, strides = array<i32>} : memref<8192xf32, #tpu.memory_space<vmem>>, vector<16xf32>,
        %add3A_2720 = arith.constant 16 : i32
        %add3A_2721 = arith.addi %mul3A_2701, %add3A_2720 : i32
        %get3A_2722 = arith.index_cast %add3A_2721 : i32 to index
        %get3A_2723 = tpu.vector_load %arg9[%get3A_2722] {strides = array<i32>} : memref<4096xf32, #tpu.memory_space<vmem>>, vector<16xf32>,
        %get3A_2724 = vector.shape_cast %get3A_2723 : vector<16xf32> to vector<16xf32>
        %add3A_2725 = arith.constant 0 : i32
        %add3A_2726 = arith.addi %add3A_2725, %add3A_2721 : i32
        %add3A_2727 = arith.addf %get3A_2724, %add3A_504 : vector<16xf32>
        %swap3A_2728 = arith.index_cast %add3A_2726 : i32 to index
        %swap3A_2729 = tpu.vector_load %arg11[%swap3A_2728] {strides = array<i32>} : memref<8192xf32, #tpu.memory_space<vmem>>, vector<16xf32>,
        %swap3A_2730 = vector.shape_cast %swap3A_2729 : vector<16xf32> to vector<16xf32>
        %swap3A_2731 = vector.shape_cast %add3A_2727 : vector<16xf32> to vector<16xf32>
        tpu.vector_store %arg11[%swap3A_2728], %swap3A_2731 {add = true, strides = array<i32>} : memref<8192xf32, #tpu.memory_space<vmem>>, vector<16xf32>,
        %add3A_2732 = arith.constant 4096 : i32
        %add3A_2733 = arith.addi %add3A_2732, %add3A_2721 : i32
        %add3A_2734 = arith.addf %get3A_2724, %add3A_654 : vector<16xf32>
        %swap3A_2735 = arith.index_cast %add3A_2733 : i32 to index
        %swap3A_2736 = tpu.vector_load %arg11[%swap3A_2735] {strides = array<i32>} : memref<8192xf32, #tpu.memory_space<vmem>>, vector<16xf32>,
        %swap3A_2737 = vector.shape_cast %swap3A_2736 : vector<16xf32> to vector<16xf32>
        %swap3A_2738 = vector.shape_cast %add3A_2734 : vector<16xf32> to vector<16xf32>
        tpu.vector_store %arg11[%swap3A_2735], %swap3A_2738 {add = true, strides = array<i32>} : memref<8192xf32, #tpu.memory_space<vmem>>, vector<16xf32>,
        %add3A_2739 = arith.constant 32 : i32
        %add3A_2740 = arith.addi %mul3A_2701, %add3A_2739 : i32
        %get3A_2741 = arith.index_cast %add3A_2740 : i32 to index
        %get3A_2742 = tpu.vector_load %arg9[%get3A_2741] {strides = array<i32>} : memref<4096xf32, #tpu.memory_space<vmem>>, vector<16xf32>,
        %get3A_2743 = vector.shape_cast %get3A_2742 : vector<16xf32> to vector<16xf32>
        %add3A_2744 = arith.constant 0 : i32
        %add3A_2745 = arith.addi %add3A_2744, %add3A_2740 : i32
        %add3A_2746 = arith.addf %get3A_2743, %add3A_515 : vector<16xf32>
        %swap3A_2747 = arith.index_cast %add3A_2745 : i32 to index
        %swap3A_2748 = tpu.vector_load %arg11[%swap3A_2747] {strides = array<i32>} : memref<8192xf32, #tpu.memory_space<vmem>>, vector<16xf32>,
        %swap3A_2749 = vector.shape_cast %swap3A_2748 : vector<16xf32> to vector<16xf32>
        %swap3A_2750 = vector.shape_cast %add3A_2746 : vector<16xf32> to vector<16xf32>
        tpu.vector_store %arg11[%swap3A_2747], %swap3A_2750 {add = true, strides = array<i32>} : memref<8192xf32, #tpu.memory_space<vmem>>, vector<16xf32>,
        %add3A_2751 = arith.constant 4096 : i32
        %add3A_2752 = arith.addi %add3A_2751, %add3A_2740 : i32
        %add3A_2753 = arith.addf %get3A_2743, %add3A_665 : vector<16xf32>
        %swap3A_2754 = arith.index_cast %add3A_2752 : i32 to index
        %swap3A_2755 = tpu.vector_load %arg11[%swap3A_2754] {strides = array<i32>} : memref<8192xf32, #tpu.memory_space<vmem>>, vector<16xf32>,
        %swap3A_2756 = vector.shape_cast %swap3A_2755 : vector<16xf32> to vector<16xf32>
        %swap3A_2757 = vector.shape_cast %add3A_2753 : vector<16xf32> to vector<16xf32>
        tpu.vector_store %arg11[%swap3A_2754], %swap3A_2757 {add = true, strides = array<i32>} : memref<8192xf32, #tpu.memory_space<vmem>>, vector<16xf32>,
        %add3A_2758 = arith.constant 48 : i32
        %add3A_2759 = arith.addi %mul3A_2701, %add3A_2758 : i32
        %get3A_2760 = arith.index_cast %add3A_2759 : i32 to index
        %get3A_2761 = tpu.vector_load %arg9[%get3A_2760] {strides = array<i32>} : memref<4096xf32, #tpu.memory_space<vmem>>, vector<16xf32>,
        %get3A_2762 = vector.shape_cast %get3A_2761 : vector<16xf32> to vector<16xf32>
        %add3A_2763 = arith.constant 0 : i32
        %add3A_2764 = arith.addi %add3A_2763, %add3A_2759 : i32
        %add3A_2765 = arith.addf %get3A_2762, %add3A_526 : vector<16xf32>
        %swap3A_2766 = arith.index_cast %add3A_2764 : i32 to index
        %swap3A_2767 = tpu.vector_load %arg11[%swap3A_2766] {strides = array<i32>} : memref<8192xf32, #tpu.memory_space<vmem>>, vector<16xf32>,
        %swap3A_2768 = vector.shape_cast %swap3A_2767 : vector<16xf32> to vector<16xf32>
        %swap3A_2769 = vector.shape_cast %add3A_2765 : vector<16xf32> to vector<16xf32>
        tpu.vector_store %arg11[%swap3A_2766], %swap3A_2769 {add = true, strides = array<i32>} : memref<8192xf32, #tpu.memory_space<vmem>>, vector<16xf32>,
        %add3A_2770 = arith.constant 4096 : i32
        %add3A_2771 = arith.addi %add3A_2770, %add3A_2759 : i32
        %add3A_2772 = arith.addf %get3A_2762, %add3A_676 : vector<16xf32>
        %swap3A_2773 = arith.index_cast %add3A_2771 : i32 to index
        %swap3A_2774 = tpu.vector_load %arg11[%swap3A_2773] {strides = array<i32>} : memref<8192xf32, #tpu.memory_space<vmem>>, vector<16xf32>,
        %swap3A_2775 = vector.shape_cast %swap3A_2774 : vector<16xf32> to vector<16xf32>
        %swap3A_2776 = vector.shape_cast %add3A_2772 : vector<16xf32> to vector<16xf32>
        tpu.vector_store %arg11[%swap3A_2773], %swap3A_2776 {add = true, strides = array<i32>} : memref<8192xf32, #tpu.memory_space<vmem>>, vector<16xf32>,
        %add3A_2777 = arith.constant 64 : i32
        %add3A_2778 = arith.addi %mul3A_2701, %add3A_2777 : i32
        %get3A_2779 = arith.index_cast %add3A_2778 : i32 to index
        %get3A_2780 = tpu.vector_load %arg9[%get3A_2779] {strides = array<i32>} : memref<4096xf32, #tpu.memory_space<vmem>>, vector<16xf32>,
        %get3A_2781 = vector.shape_cast %get3A_2780 : vector<16xf32> to vector<16xf32>
        %add3A_2782 = arith.constant 0 : i32
        %add3A_2783 = arith.addi %add3A_2782, %add3A_2778 : i32
        %add3A_2784 = arith.addf %get3A_2781, %add3A_537 : vector<16xf32>
        %swap3A_2785 = arith.index_cast %add3A_2783 : i32 to index
        %swap3A_2786 = tpu.vector_load %arg11[%swap3A_2785] {strides = array<i32>} : memref<8192xf32, #tpu.memory_space<vmem>>, vector<16xf32>,
        %swap3A_2787 = vector.shape_cast %swap3A_2786 : vector<16xf32> to vector<16xf32>
        %swap3A_2788 = vector.shape_cast %add3A_2784 : vector<16xf32> to vector<16xf32>
        tpu.vector_store %arg11[%swap3A_2785], %swap3A_2788 {add = true, strides = array<i32>} : memref<8192xf32, #tpu.memory_space<vmem>>, vector<16xf32>,
        %add3A_2789 = arith.constant 4096 : i32
        %add3A_2790 = arith.addi %add3A_2789, %add3A_2778 : i32
        %add3A_2791 = arith.addf %get3A_2781, %add3A_687 : vector<16xf32>
        %swap3A_2792 = arith.index_cast %add3A_2790 : i32 to index
        %swap3A_2793 = tpu.vector_load %arg11[%swap3A_2792] {strides = array<i32>} : memref<8192xf32, #tpu.memory_space<vmem>>, vector<16xf32>,
        %swap3A_2794 = vector.shape_cast %swap3A_2793 : vector<16xf32> to vector<16xf32>
        %swap3A_2795 = vector.shape_cast %add3A_2791 : vector<16xf32> to vector<16xf32>
        tpu.vector_store %arg11[%swap3A_2792], %swap3A_2795 {add = true, strides = array<i32>} : memref<8192xf32, #tpu.memory_space<vmem>>, vector<16xf32>,
        %add3A_2796 = arith.constant 80 : i32
        %add3A_2797 = arith.addi %mul3A_2701, %add3A_2796 : i32
        %get3A_2798 = arith.index_cast %add3A_2797 : i32 to index
        %get3A_2799 = tpu.vector_load %arg9[%get3A_2798] {strides = array<i32>} : memref<4096xf32, #tpu.memory_space<vmem>>, vector<16xf32>,
        %get3A_2800 = vector.shape_cast %get3A_2799 : vector<16xf32> to vector<16xf32>
        %add3A_2801 = arith.constant 0 : i32
        %add3A_2802 = arith.addi %add3A_2801, %add3A_2797 : i32
        %add3A_2803 = arith.addf %get3A_2800, %add3A_548 : vector<16xf32>
        %swap3A_2804 = arith.index_cast %add3A_2802 : i32 to index
        %swap3A_2805 = tpu.vector_load %arg11[%swap3A_2804] {strides = array<i32>} : memref<8192xf32, #tpu.memory_space<vmem>>, vector<16xf32>,
        %swap3A_2806 = vector.shape_cast %swap3A_2805 : vector<16xf32> to vector<16xf32>
        %swap3A_2807 = vector.shape_cast %add3A_2803 : vector<16xf32> to vector<16xf32>
        tpu.vector_store %arg11[%swap3A_2804], %swap3A_2807 {add = true, strides = array<i32>} : memref<8192xf32, #tpu.memory_space<vmem>>, vector<16xf32>,
        %add3A_2808 = arith.constant 4096 : i32
        %add3A_2809 = arith.addi %add3A_2808, %add3A_2797 : i32
        %add3A_2810 = arith.addf %get3A_2800, %add3A_698 : vector<16xf32>
        %swap3A_2811 = arith.index_cast %add3A_2809 : i32 to index
        %swap3A_2812 = tpu.vector_load %arg11[%swap3A_2811] {strides = array<i32>} : memref<8192xf32, #tpu.memory_space<vmem>>, vector<16xf32>,
        %swap3A_2813 = vector.shape_cast %swap3A_2812 : vector<16xf32> to vector<16xf32>
        %swap3A_2814 = vector.shape_cast %add3A_2810 : vector<16xf32> to vector<16xf32>
        tpu.vector_store %arg11[%swap3A_2811], %swap3A_2814 {add = true, strides = array<i32>} : memref<8192xf32, #tpu.memory_space<vmem>>, vector<16xf32>,
        %add3A_2815 = arith.constant 96 : i32
        %add3A_2816 = arith.addi %mul3A_2701, %add3A_2815 : i32
        %get3A_2817 = arith.index_cast %add3A_2816 : i32 to index
        %get3A_2818 = tpu.vector_load %arg9[%get3A_2817] {strides = array<i32>} : memref<4096xf32, #tpu.memory_space<vmem>>, vector<16xf32>,
        %get3A_2819 = vector.shape_cast %get3A_2818 : vector<16xf32> to vector<16xf32>
        %add3A_2820 = arith.constant 0 : i32
        %add3A_2821 = arith.addi %add3A_2820, %add3A_2816 : i32
        %add3A_2822 = arith.addf %get3A_2819, %add3A_559 : vector<16xf32>
        %swap3A_2823 = arith.index_cast %add3A_2821 : i32 to index
        %swap3A_2824 = tpu.vector_load %arg11[%swap3A_2823] {strides = array<i32>} : memref<8192xf32, #tpu.memory_space<vmem>>, vector<16xf32>,
        %swap3A_2825 = vector.shape_cast %swap3A_2824 : vector<16xf32> to vector<16xf32>
        %swap3A_2826 = vector.shape_cast %add3A_2822 : vector<16xf32> to vector<16xf32>
        tpu.vector_store %arg11[%swap3A_2823], %swap3A_2826 {add = true, strides = array<i32>} : memref<8192xf32, #tpu.memory_space<vmem>>, vector<16xf32>,
        %add3A_2827 = arith.constant 4096 : i32
        %add3A_2828 = arith.addi %add3A_2827, %add3A_2816 : i32
        %add3A_2829 = arith.addf %get3A_2819, %add3A_709 : vector<16xf32>
        %swap3A_2830 = arith.index_cast %add3A_2828 : i32 to index
        %swap3A_2831 = tpu.vector_load %arg11[%swap3A_2830] {strides = array<i32>} : memref<8192xf32, #tpu.memory_space<vmem>>, vector<16xf32>,
        %swap3A_2832 = vector.shape_cast %swap3A_2831 : vector<16xf32> to vector<16xf32>
        %swap3A_2833 = vector.shape_cast %add3A_2829 : vector<16xf32> to vector<16xf32>
        tpu.vector_store %arg11[%swap3A_2830], %swap3A_2833 {add = true, strides = array<i32>} : memref<8192xf32, #tpu.memory_space<vmem>>, vector<16xf32>,
        %add3A_2834 = arith.constant 112 : i32
        %add3A_2835 = arith.addi %mul3A_2701, %add3A_2834 : i32
        %get3A_2836 = arith.index_cast %add3A_2835 : i32 to index
        %get3A_2837 = tpu.vector_load %arg9[%get3A_2836] {strides = array<i32>} : memref<4096xf32, #tpu.memory_space<vmem>>, vector<16xf32>,
        %get3A_2838 = vector.shape_cast %get3A_2837 : vector<16xf32> to vector<16xf32>
        %add3A_2839 = arith.constant 0 : i32
        %add3A_2840 = arith.addi %add3A_2839, %add3A_2835 : i32
        %add3A_2841 = arith.addf %get3A_2838, %add3A_570 : vector<16xf32>
        %swap3A_2842 = arith.index_cast %add3A_2840 : i32 to index
        %swap3A_2843 = tpu.vector_load %arg11[%swap3A_2842] {strides = array<i32>} : memref<8192xf32, #tpu.memory_space<vmem>>, vector<16xf32>,
        %swap3A_2844 = vector.shape_cast %swap3A_2843 : vector<16xf32> to vector<16xf32>
        %swap3A_2845 = vector.shape_cast %add3A_2841 : vector<16xf32> to vector<16xf32>
        tpu.vector_store %arg11[%swap3A_2842], %swap3A_2845 {add = true, strides = array<i32>} : memref<8192xf32, #tpu.memory_space<vmem>>, vector<16xf32>,
        %add3A_2846 = arith.constant 4096 : i32
        %add3A_2847 = arith.addi %add3A_2846, %add3A_2835 : i32
        %add3A_2848 = arith.addf %get3A_2838, %add3A_720 : vector<16xf32>
        %swap3A_2849 = arith.index_cast %add3A_2847 : i32 to index
        %swap3A_2850 = tpu.vector_load %arg11[%swap3A_2849] {strides = array<i32>} : memref<8192xf32, #tpu.memory_space<vmem>>, vector<16xf32>,
        %swap3A_2851 = vector.shape_cast %swap3A_2850 : vector<16xf32> to vector<16xf32>
        %swap3A_2852 = vector.shape_cast %add3A_2848 : vector<16xf32> to vector<16xf32>
        tpu.vector_store %arg11[%swap3A_2849], %swap3A_2852 {add = true, strides = array<i32>} : memref<8192xf32, #tpu.memory_space<vmem>>, vector<16xf32>,
      }
      %scan3A_726 = arith.constant 32 : i32
      %dma_start3A_727 = tpu.memref_slice %arg6[%mul3A_418] : memref<33554432xf32, #tpu.memory_space<hbm>> -> memref<8192xf32, #tpu.memory_space<hbm>>
      %dma_start3A_728 = tpu.memref_slice %arg6[%mul3A_418] : memref<33554432xf32, #tpu.memory_space<hbm>> -> memref<8192xf32, #tpu.memory_space<hbm>>
      tpu.enqueue_dma source(%arg11 : memref<8192xf32, #tpu.memory_space<vmem>>) target(%dma_start3A_728 : memref<8192xf32, #tpu.memory_space<hbm>>) target_semaphore(%arg27 : memref<!tpu.dma_semaphore, #tpu.memory_space<semaphore_mem>>)
      %add3A_729 = arith.constant 6 : i32
      %add3A_730 = arith.addi %add3A_413, %add3A_729 : i32
      %ge3A_731 = arith.constant 1 : i32
      %ge3A_732 = arith.cmpi sge, %scan3A_90, %ge3A_731 : i32
      %convert_element_type3A_733 = arith.extui %ge3A_732 : i1 to i32
      %cond3A_734 = arith.constant 0 : i32
      %cond3A_735 = arith.cmpi ne, %convert_element_type3A_733, %cond3A_734 : i32
      scf.if %cond3A_735 {
        %sub3A_2699 = arith.constant 8 : i32
        %sub3A_2700 = arith.subi %add3A_730, %sub3A_2699 : i32
        %mul3A_2701 = arith.constant 2 : i32
        %mul3A_2702 = arith.muli %sub3A_2700, %mul3A_2701 : i32
        %add3A_2703 = arith.addi %mul3A_2, %mul3A_2702 : i32
        %mul3A_2704 = arith.constant 4096 : i32
        %mul3A_2705 = arith.muli %add3A_2703, %mul3A_2704 : i32
        %dma_wait3A_2706 = tpu.memref_slice %arg6[%mul3A_2705] : memref<33554432xf32, #tpu.memory_space<hbm>> -> memref<8192xf32, #tpu.memory_space<hbm>>
        %dma_wait3A_2707 = tpu.memref_slice %arg6[%mul3A_2705] : memref<33554432xf32, #tpu.memory_space<hbm>> -> memref<8192xf32, #tpu.memory_space<hbm>>
        tpu.wait_dma2 semaphore(%arg33 : memref<!tpu.dma_semaphore, #tpu.memory_space<semaphore_mem>>) src(%arg17 : memref<8192xf32, #tpu.memory_space<vmem>>) dst(%dma_wait3A_2707 : memref<8192xf32, #tpu.memory_space<hbm>>)
      } else {
      }
      %mul3A_736 = arith.constant 2 : i32
      %mul3A_737 = arith.muli %add3A_730, %mul3A_736 : i32
      %add3A_738 = arith.addi %mul3A_2, %mul3A_737 : i32
      %mul3A_739 = arith.constant 4096 : i32
      %mul3A_740 = arith.muli %add3A_738, %mul3A_739 : i32
      %dma_start3A_741 = tpu.memref_slice %arg2[%mul3A_740] : memref<33554432xf32, #tpu.memory_space<hbm>> -> memref<8192xf32, #tpu.memory_space<hbm>>
      %dma_start3A_742 = tpu.memref_slice %arg2[%mul3A_740] : memref<33554432xf32, #tpu.memory_space<hbm>> -> memref<8192xf32, #tpu.memory_space<hbm>>
      tpu.enqueue_dma source(%dma_start3A_742 : memref<8192xf32, #tpu.memory_space<hbm>>) target(%arg17 : memref<8192xf32, #tpu.memory_space<vmem>>) target_semaphore(%arg25 : memref<!tpu.dma_semaphore, #tpu.memory_space<semaphore_mem>>)
      %mul3A_743 = arith.constant 8 : i32
      %mul3A_744 = arith.muli %scan3A_90, %mul3A_743 : i32
      %add3A_745 = arith.constant 2 : i32
      %add3A_746 = arith.addi %mul3A_744, %add3A_745 : i32
      %mul3A_747 = arith.constant 2 : i32
      %mul3A_748 = arith.muli %add3A_746, %mul3A_747 : i32
      %add3A_749 = arith.addi %mul3A_2, %mul3A_748 : i32
      %mul3A_750 = arith.constant 4096 : i32
      %mul3A_751 = arith.muli %add3A_749, %mul3A_750 : i32
      %dma_wait3A_752 = tpu.memref_slice %arg2[%mul3A_751] : memref<33554432xf32, #tpu.memory_space<hbm>> -> memref<8192xf32, #tpu.memory_space<hbm>>
      %dma_wait3A_753 = tpu.memref_slice %arg2[%mul3A_751] : memref<33554432xf32, #tpu.memory_space<hbm>> -> memref<8192xf32, #tpu.memory_space<hbm>>
      tpu.wait_dma2 semaphore(%arg20 : memref<!tpu.dma_semaphore, #tpu.memory_space<semaphore_mem>>) src(%dma_wait3A_753 : memref<8192xf32, #tpu.memory_space<hbm>>) dst(%arg12 : memref<8192xf32, #tpu.memory_space<vmem>>)
      %add3A_754 = arith.constant 0 : i32
      %add3A_755 = arith.addi %add3A_749, %add3A_754 : i32
      %jit3A_756 = arith.constant 512 : i32
      %eq3A_757 = arith.constant 0 : i32
      %eq3A_758 = arith.cmpi eq, %jit3A_756, %eq3A_757 : i32
      %jit3A_759 = arith.constant 1 : i32
      %select_n3A_760 = arith.select %eq3A_758, %jit3A_759, %jit3A_756 : i32
      %rem3A_761 = arith.remsi %add3A_755, %select_n3A_760 : i32
      %ne3A_762 = arith.constant 0 : i32
      %ne3A_763 = arith.cmpi ne, %rem3A_761, %ne3A_762 : i32
      %lt3A_764 = arith.constant 0 : i32
      %lt3A_765 = arith.cmpi slt, %rem3A_761, %lt3A_764 : i32
      %lt3A_766 = arith.constant 0 : i32
      %lt3A_767 = arith.cmpi slt, %select_n3A_760, %lt3A_766 : i32
      %ne3A_768 = arith.xori %lt3A_765, %lt3A_767 : i1
      %and3A_769 = arith.andi %ne3A_768, %ne3A_763 : i1
      %add3A_770 = arith.addi %rem3A_761, %select_n3A_760 : i32
      %select_n3A_771 = arith.select %and3A_769, %add3A_770, %rem3A_761 : i32
      %jit3A_772 = arith.constant 32 : i32
      %div3A_773 = arith.divsi %select_n3A_771, %jit3A_772 : i32
      %sign3A_774 = arith.constant 0 : i32
      %sign3A_775 = arith.cmpi sgt, %select_n3A_771, %sign3A_774 : i32
      %sign3A_776 = arith.extui %sign3A_775 : i1 to i32
      %sign3A_777 = arith.constant 0 : i32
      %sign3A_778 = arith.cmpi slt, %select_n3A_771, %sign3A_777 : i32
      %sign3A_779 = arith.extui %sign3A_778 : i1 to i32
      %sign3A_780 = arith.subi %sign3A_776, %sign3A_779 : i32
      %sign3A_781 = arith.constant 0 : i32
      %sign3A_782 = arith.cmpi sgt, %jit3A_772, %sign3A_781 : i32
      %sign3A_783 = arith.extui %sign3A_782 : i1 to i32
      %sign3A_784 = arith.constant 0 : i32
      %sign3A_785 = arith.cmpi slt, %jit3A_772, %sign3A_784 : i32
      %sign3A_786 = arith.extui %sign3A_785 : i1 to i32
      %sign3A_787 = arith.subi %sign3A_783, %sign3A_786 : i32
      %ne3A_788 = arith.cmpi ne, %sign3A_780, %sign3A_787 : i32
      %rem3A_789 = arith.remsi %select_n3A_771, %jit3A_772 : i32
      %ne3A_790 = arith.constant 0 : i32
      %ne3A_791 = arith.cmpi ne, %rem3A_789, %ne3A_790 : i32
      %and3A_792 = arith.andi %ne3A_788, %ne3A_791 : i1
      %sub3A_793 = arith.constant 1 : i32
      %sub3A_794 = arith.subi %div3A_773, %sub3A_793 : i32
      %select_n3A_795 = arith.select %and3A_792, %sub3A_794, %div3A_773 : i32
      %jit3A_796 = arith.constant 32 : i32
      %eq3A_797 = arith.constant 0 : i32
      %eq3A_798 = arith.cmpi eq, %jit3A_796, %eq3A_797 : i32
      %jit3A_799 = arith.constant 1 : i32
      %select_n3A_800 = arith.select %eq3A_798, %jit3A_799, %jit3A_796 : i32
      %rem3A_801 = arith.remsi %select_n3A_771, %select_n3A_800 : i32
      %ne3A_802 = arith.constant 0 : i32
      %ne3A_803 = arith.cmpi ne, %rem3A_801, %ne3A_802 : i32
      %lt3A_804 = arith.constant 0 : i32
      %lt3A_805 = arith.cmpi slt, %rem3A_801, %lt3A_804 : i32
      %lt3A_806 = arith.constant 0 : i32
      %lt3A_807 = arith.cmpi slt, %select_n3A_800, %lt3A_806 : i32
      %ne3A_808 = arith.xori %lt3A_805, %lt3A_807 : i1
      %and3A_809 = arith.andi %ne3A_808, %ne3A_803 : i1
      %add3A_810 = arith.addi %rem3A_801, %select_n3A_800 : i32
      %select_n3A_811 = arith.select %and3A_809, %add3A_810, %rem3A_801 : i32
      %mul3A_812 = arith.constant 128 : i32
      %mul3A_813 = arith.muli %select_n3A_795, %mul3A_812 : i32
      %mul3A_814 = arith.constant 128 : i32
      %mul3A_815 = arith.muli %select_n3A_811, %mul3A_814 : i32
      %add3A_816 = arith.constant 0 : i32
      %add3A_817 = arith.addi %mul3A_813, %add3A_816 : i32
      %get3A_818 = arith.index_cast %add3A_817 : i32 to index
      %get3A_819 = tpu.vector_load %arg7[%get3A_818] {strides = array<i32>} : memref<2048xf32, #tpu.memory_space<vmem>>, vector<16xf32>,
      %get3A_820 = vector.shape_cast %get3A_819 : vector<16xf32> to vector<16xf32>
      %add3A_821 = arith.constant 0 : i32
      %add3A_822 = arith.addi %mul3A_815, %add3A_821 : i32
      %get3A_823 = arith.index_cast %add3A_822 : i32 to index
      %get3A_824 = tpu.vector_load %arg8[%get3A_823] {strides = array<i32>} : memref<4096xf32, #tpu.memory_space<vmem>>, vector<16xf32>,
      %get3A_825 = vector.shape_cast %get3A_824 : vector<16xf32> to vector<16xf32>
      %add3A_826 = arith.addf %get3A_820, %get3A_825 : vector<16xf32>
      %add3A_827 = arith.constant 16 : i32
      %add3A_828 = arith.addi %mul3A_813, %add3A_827 : i32
      %get3A_829 = arith.index_cast %add3A_828 : i32 to index
      %get3A_830 = tpu.vector_load %arg7[%get3A_829] {strides = array<i32>} : memref<2048xf32, #tpu.memory_space<vmem>>, vector<16xf32>,
      %get3A_831 = vector.shape_cast %get3A_830 : vector<16xf32> to vector<16xf32>
      %add3A_832 = arith.constant 16 : i32
      %add3A_833 = arith.addi %mul3A_815, %add3A_832 : i32
      %get3A_834 = arith.index_cast %add3A_833 : i32 to index
      %get3A_835 = tpu.vector_load %arg8[%get3A_834] {strides = array<i32>} : memref<4096xf32, #tpu.memory_space<vmem>>, vector<16xf32>,
      %get3A_836 = vector.shape_cast %get3A_835 : vector<16xf32> to vector<16xf32>
      %add3A_837 = arith.addf %get3A_831, %get3A_836 : vector<16xf32>
      %add3A_838 = arith.constant 32 : i32
      %add3A_839 = arith.addi %mul3A_813, %add3A_838 : i32
      %get3A_840 = arith.index_cast %add3A_839 : i32 to index
      %get3A_841 = tpu.vector_load %arg7[%get3A_840] {strides = array<i32>} : memref<2048xf32, #tpu.memory_space<vmem>>, vector<16xf32>,
      %get3A_842 = vector.shape_cast %get3A_841 : vector<16xf32> to vector<16xf32>
      %add3A_843 = arith.constant 32 : i32
      %add3A_844 = arith.addi %mul3A_815, %add3A_843 : i32
      %get3A_845 = arith.index_cast %add3A_844 : i32 to index
      %get3A_846 = tpu.vector_load %arg8[%get3A_845] {strides = array<i32>} : memref<4096xf32, #tpu.memory_space<vmem>>, vector<16xf32>,
      %get3A_847 = vector.shape_cast %get3A_846 : vector<16xf32> to vector<16xf32>
      %add3A_848 = arith.addf %get3A_842, %get3A_847 : vector<16xf32>
      %add3A_849 = arith.constant 48 : i32
      %add3A_850 = arith.addi %mul3A_813, %add3A_849 : i32
      %get3A_851 = arith.index_cast %add3A_850 : i32 to index
      %get3A_852 = tpu.vector_load %arg7[%get3A_851] {strides = array<i32>} : memref<2048xf32, #tpu.memory_space<vmem>>, vector<16xf32>,
      %get3A_853 = vector.shape_cast %get3A_852 : vector<16xf32> to vector<16xf32>
      %add3A_854 = arith.constant 48 : i32
      %add3A_855 = arith.addi %mul3A_815, %add3A_854 : i32
      %get3A_856 = arith.index_cast %add3A_855 : i32 to index
      %get3A_857 = tpu.vector_load %arg8[%get3A_856] {strides = array<i32>} : memref<4096xf32, #tpu.memory_space<vmem>>, vector<16xf32>,
      %get3A_858 = vector.shape_cast %get3A_857 : vector<16xf32> to vector<16xf32>
      %add3A_859 = arith.addf %get3A_853, %get3A_858 : vector<16xf32>
      %add3A_860 = arith.constant 64 : i32
      %add3A_861 = arith.addi %mul3A_813, %add3A_860 : i32
      %get3A_862 = arith.index_cast %add3A_861 : i32 to index
      %get3A_863 = tpu.vector_load %arg7[%get3A_862] {strides = array<i32>} : memref<2048xf32, #tpu.memory_space<vmem>>, vector<16xf32>,
      %get3A_864 = vector.shape_cast %get3A_863 : vector<16xf32> to vector<16xf32>
      %add3A_865 = arith.constant 64 : i32
      %add3A_866 = arith.addi %mul3A_815, %add3A_865 : i32
      %get3A_867 = arith.index_cast %add3A_866 : i32 to index
      %get3A_868 = tpu.vector_load %arg8[%get3A_867] {strides = array<i32>} : memref<4096xf32, #tpu.memory_space<vmem>>, vector<16xf32>,
      %get3A_869 = vector.shape_cast %get3A_868 : vector<16xf32> to vector<16xf32>
      %add3A_870 = arith.addf %get3A_864, %get3A_869 : vector<16xf32>
      %add3A_871 = arith.constant 80 : i32
      %add3A_872 = arith.addi %mul3A_813, %add3A_871 : i32
      %get3A_873 = arith.index_cast %add3A_872 : i32 to index
      %get3A_874 = tpu.vector_load %arg7[%get3A_873] {strides = array<i32>} : memref<2048xf32, #tpu.memory_space<vmem>>, vector<16xf32>,
      %get3A_875 = vector.shape_cast %get3A_874 : vector<16xf32> to vector<16xf32>
      %add3A_876 = arith.constant 80 : i32
      %add3A_877 = arith.addi %mul3A_815, %add3A_876 : i32
      %get3A_878 = arith.index_cast %add3A_877 : i32 to index
      %get3A_879 = tpu.vector_load %arg8[%get3A_878] {strides = array<i32>} : memref<4096xf32, #tpu.memory_space<vmem>>, vector<16xf32>,
      %get3A_880 = vector.shape_cast %get3A_879 : vector<16xf32> to vector<16xf32>
      %add3A_881 = arith.addf %get3A_875, %get3A_880 : vector<16xf32>
      %add3A_882 = arith.constant 96 : i32
      %add3A_883 = arith.addi %mul3A_813, %add3A_882 : i32
      %get3A_884 = arith.index_cast %add3A_883 : i32 to index
      %get3A_885 = tpu.vector_load %arg7[%get3A_884] {strides = array<i32>} : memref<2048xf32, #tpu.memory_space<vmem>>, vector<16xf32>,
      %get3A_886 = vector.shape_cast %get3A_885 : vector<16xf32> to vector<16xf32>
      %add3A_887 = arith.constant 96 : i32
      %add3A_888 = arith.addi %mul3A_815, %add3A_887 : i32
      %get3A_889 = arith.index_cast %add3A_888 : i32 to index
      %get3A_890 = tpu.vector_load %arg8[%get3A_889] {strides = array<i32>} : memref<4096xf32, #tpu.memory_space<vmem>>, vector<16xf32>,
      %get3A_891 = vector.shape_cast %get3A_890 : vector<16xf32> to vector<16xf32>
      %add3A_892 = arith.addf %get3A_886, %get3A_891 : vector<16xf32>
      %add3A_893 = arith.constant 112 : i32
      %add3A_894 = arith.addi %mul3A_813, %add3A_893 : i32
      %get3A_895 = arith.index_cast %add3A_894 : i32 to index
      %get3A_896 = tpu.vector_load %arg7[%get3A_895] {strides = array<i32>} : memref<2048xf32, #tpu.memory_space<vmem>>, vector<16xf32>,
      %get3A_897 = vector.shape_cast %get3A_896 : vector<16xf32> to vector<16xf32>
      %add3A_898 = arith.constant 112 : i32
      %add3A_899 = arith.addi %mul3A_815, %add3A_898 : i32
      %get3A_900 = arith.index_cast %add3A_899 : i32 to index
      %get3A_901 = tpu.vector_load %arg8[%get3A_900] {strides = array<i32>} : memref<4096xf32, #tpu.memory_space<vmem>>, vector<16xf32>,
      %get3A_902 = vector.shape_cast %get3A_901 : vector<16xf32> to vector<16xf32>
      %add3A_903 = arith.addf %get3A_897, %get3A_902 : vector<16xf32>
      %add3A_904 = arith.constant 1 : i32
      %add3A_905 = arith.addi %add3A_749, %add3A_904 : i32
      %jit3A_906 = arith.constant 512 : i32
      %eq3A_907 = arith.constant 0 : i32
      %eq3A_908 = arith.cmpi eq, %jit3A_906, %eq3A_907 : i32
      %jit3A_909 = arith.constant 1 : i32
      %select_n3A_910 = arith.select %eq3A_908, %jit3A_909, %jit3A_906 : i32
      %rem3A_911 = arith.remsi %add3A_905, %select_n3A_910 : i32
      %ne3A_912 = arith.constant 0 : i32
      %ne3A_913 = arith.cmpi ne, %rem3A_911, %ne3A_912 : i32
      %lt3A_914 = arith.constant 0 : i32
      %lt3A_915 = arith.cmpi slt, %rem3A_911, %lt3A_914 : i32
      %lt3A_916 = arith.constant 0 : i32
      %lt3A_917 = arith.cmpi slt, %select_n3A_910, %lt3A_916 : i32
      %ne3A_918 = arith.xori %lt3A_915, %lt3A_917 : i1
      %and3A_919 = arith.andi %ne3A_918, %ne3A_913 : i1
      %add3A_920 = arith.addi %rem3A_911, %select_n3A_910 : i32
      %select_n3A_921 = arith.select %and3A_919, %add3A_920, %rem3A_911 : i32
      %jit3A_922 = arith.constant 32 : i32
      %div3A_923 = arith.divsi %select_n3A_921, %jit3A_922 : i32
      %sign3A_924 = arith.constant 0 : i32
      %sign3A_925 = arith.cmpi sgt, %select_n3A_921, %sign3A_924 : i32
      %sign3A_926 = arith.extui %sign3A_925 : i1 to i32
      %sign3A_927 = arith.constant 0 : i32
      %sign3A_928 = arith.cmpi slt, %select_n3A_921, %sign3A_927 : i32
      %sign3A_929 = arith.extui %sign3A_928 : i1 to i32
      %sign3A_930 = arith.subi %sign3A_926, %sign3A_929 : i32
      %sign3A_931 = arith.constant 0 : i32
      %sign3A_932 = arith.cmpi sgt, %jit3A_922, %sign3A_931 : i32
      %sign3A_933 = arith.extui %sign3A_932 : i1 to i32
      %sign3A_934 = arith.constant 0 : i32
      %sign3A_935 = arith.cmpi slt, %jit3A_922, %sign3A_934 : i32
      %sign3A_936 = arith.extui %sign3A_935 : i1 to i32
      %sign3A_937 = arith.subi %sign3A_933, %sign3A_936 : i32
      %ne3A_938 = arith.cmpi ne, %sign3A_930, %sign3A_937 : i32
      %rem3A_939 = arith.remsi %select_n3A_921, %jit3A_922 : i32
      %ne3A_940 = arith.constant 0 : i32
      %ne3A_941 = arith.cmpi ne, %rem3A_939, %ne3A_940 : i32
      %and3A_942 = arith.andi %ne3A_938, %ne3A_941 : i1
      %sub3A_943 = arith.constant 1 : i32
      %sub3A_944 = arith.subi %div3A_923, %sub3A_943 : i32
      %select_n3A_945 = arith.select %and3A_942, %sub3A_944, %div3A_923 : i32
      %jit3A_946 = arith.constant 32 : i32
      %eq3A_947 = arith.constant 0 : i32
      %eq3A_948 = arith.cmpi eq, %jit3A_946, %eq3A_947 : i32
      %jit3A_949 = arith.constant 1 : i32
      %select_n3A_950 = arith.select %eq3A_948, %jit3A_949, %jit3A_946 : i32
      %rem3A_951 = arith.remsi %select_n3A_921, %select_n3A_950 : i32
      %ne3A_952 = arith.constant 0 : i32
      %ne3A_953 = arith.cmpi ne, %rem3A_951, %ne3A_952 : i32
      %lt3A_954 = arith.constant 0 : i32
      %lt3A_955 = arith.cmpi slt, %rem3A_951, %lt3A_954 : i32
      %lt3A_956 = arith.constant 0 : i32
      %lt3A_957 = arith.cmpi slt, %select_n3A_950, %lt3A_956 : i32
      %ne3A_958 = arith.xori %lt3A_955, %lt3A_957 : i1
      %and3A_959 = arith.andi %ne3A_958, %ne3A_953 : i1
      %add3A_960 = arith.addi %rem3A_951, %select_n3A_950 : i32
      %select_n3A_961 = arith.select %and3A_959, %add3A_960, %rem3A_951 : i32
      %mul3A_962 = arith.constant 128 : i32
      %mul3A_963 = arith.muli %select_n3A_945, %mul3A_962 : i32
      %mul3A_964 = arith.constant 128 : i32
      %mul3A_965 = arith.muli %select_n3A_961, %mul3A_964 : i32
      %add3A_966 = arith.constant 0 : i32
      %add3A_967 = arith.addi %mul3A_963, %add3A_966 : i32
      %get3A_968 = arith.index_cast %add3A_967 : i32 to index
      %get3A_969 = tpu.vector_load %arg7[%get3A_968] {strides = array<i32>} : memref<2048xf32, #tpu.memory_space<vmem>>, vector<16xf32>,
      %get3A_970 = vector.shape_cast %get3A_969 : vector<16xf32> to vector<16xf32>
      %add3A_971 = arith.constant 0 : i32
      %add3A_972 = arith.addi %mul3A_965, %add3A_971 : i32
      %get3A_973 = arith.index_cast %add3A_972 : i32 to index
      %get3A_974 = tpu.vector_load %arg8[%get3A_973] {strides = array<i32>} : memref<4096xf32, #tpu.memory_space<vmem>>, vector<16xf32>,
      %get3A_975 = vector.shape_cast %get3A_974 : vector<16xf32> to vector<16xf32>
      %add3A_976 = arith.addf %get3A_970, %get3A_975 : vector<16xf32>
      %add3A_977 = arith.constant 16 : i32
      %add3A_978 = arith.addi %mul3A_963, %add3A_977 : i32
      %get3A_979 = arith.index_cast %add3A_978 : i32 to index
      %get3A_980 = tpu.vector_load %arg7[%get3A_979] {strides = array<i32>} : memref<2048xf32, #tpu.memory_space<vmem>>, vector<16xf32>,
      %get3A_981 = vector.shape_cast %get3A_980 : vector<16xf32> to vector<16xf32>
      %add3A_982 = arith.constant 16 : i32
      %add3A_983 = arith.addi %mul3A_965, %add3A_982 : i32
      %get3A_984 = arith.index_cast %add3A_983 : i32 to index
      %get3A_985 = tpu.vector_load %arg8[%get3A_984] {strides = array<i32>} : memref<4096xf32, #tpu.memory_space<vmem>>, vector<16xf32>,
      %get3A_986 = vector.shape_cast %get3A_985 : vector<16xf32> to vector<16xf32>
      %add3A_987 = arith.addf %get3A_981, %get3A_986 : vector<16xf32>
      %add3A_988 = arith.constant 32 : i32
      %add3A_989 = arith.addi %mul3A_963, %add3A_988 : i32
      %get3A_990 = arith.index_cast %add3A_989 : i32 to index
      %get3A_991 = tpu.vector_load %arg7[%get3A_990] {strides = array<i32>} : memref<2048xf32, #tpu.memory_space<vmem>>, vector<16xf32>,
      %get3A_992 = vector.shape_cast %get3A_991 : vector<16xf32> to vector<16xf32>
      %add3A_993 = arith.constant 32 : i32
      %add3A_994 = arith.addi %mul3A_965, %add3A_993 : i32
      %get3A_995 = arith.index_cast %add3A_994 : i32 to index
      %get3A_996 = tpu.vector_load %arg8[%get3A_995] {strides = array<i32>} : memref<4096xf32, #tpu.memory_space<vmem>>, vector<16xf32>,
      %get3A_997 = vector.shape_cast %get3A_996 : vector<16xf32> to vector<16xf32>
      %add3A_998 = arith.addf %get3A_992, %get3A_997 : vector<16xf32>
      %add3A_999 = arith.constant 48 : i32
      %add3A_1000 = arith.addi %mul3A_963, %add3A_999 : i32
      %get3A_1001 = arith.index_cast %add3A_1000 : i32 to index
      %get3A_1002 = tpu.vector_load %arg7[%get3A_1001] {strides = array<i32>} : memref<2048xf32, #tpu.memory_space<vmem>>, vector<16xf32>,
      %get3A_1003 = vector.shape_cast %get3A_1002 : vector<16xf32> to vector<16xf32>
      %add3A_1004 = arith.constant 48 : i32
      %add3A_1005 = arith.addi %mul3A_965, %add3A_1004 : i32
      %get3A_1006 = arith.index_cast %add3A_1005 : i32 to index
      %get3A_1007 = tpu.vector_load %arg8[%get3A_1006] {strides = array<i32>} : memref<4096xf32, #tpu.memory_space<vmem>>, vector<16xf32>,
      %get3A_1008 = vector.shape_cast %get3A_1007 : vector<16xf32> to vector<16xf32>
      %add3A_1009 = arith.addf %get3A_1003, %get3A_1008 : vector<16xf32>
      %add3A_1010 = arith.constant 64 : i32
      %add3A_1011 = arith.addi %mul3A_963, %add3A_1010 : i32
      %get3A_1012 = arith.index_cast %add3A_1011 : i32 to index
      %get3A_1013 = tpu.vector_load %arg7[%get3A_1012] {strides = array<i32>} : memref<2048xf32, #tpu.memory_space<vmem>>, vector<16xf32>,
      %get3A_1014 = vector.shape_cast %get3A_1013 : vector<16xf32> to vector<16xf32>
      %add3A_1015 = arith.constant 64 : i32
      %add3A_1016 = arith.addi %mul3A_965, %add3A_1015 : i32
      %get3A_1017 = arith.index_cast %add3A_1016 : i32 to index
      %get3A_1018 = tpu.vector_load %arg8[%get3A_1017] {strides = array<i32>} : memref<4096xf32, #tpu.memory_space<vmem>>, vector<16xf32>,
      %get3A_1019 = vector.shape_cast %get3A_1018 : vector<16xf32> to vector<16xf32>
      %add3A_1020 = arith.addf %get3A_1014, %get3A_1019 : vector<16xf32>
      %add3A_1021 = arith.constant 80 : i32
      %add3A_1022 = arith.addi %mul3A_963, %add3A_1021 : i32
      %get3A_1023 = arith.index_cast %add3A_1022 : i32 to index
      %get3A_1024 = tpu.vector_load %arg7[%get3A_1023] {strides = array<i32>} : memref<2048xf32, #tpu.memory_space<vmem>>, vector<16xf32>,
      %get3A_1025 = vector.shape_cast %get3A_1024 : vector<16xf32> to vector<16xf32>
      %add3A_1026 = arith.constant 80 : i32
      %add3A_1027 = arith.addi %mul3A_965, %add3A_1026 : i32
      %get3A_1028 = arith.index_cast %add3A_1027 : i32 to index
      %get3A_1029 = tpu.vector_load %arg8[%get3A_1028] {strides = array<i32>} : memref<4096xf32, #tpu.memory_space<vmem>>, vector<16xf32>,
      %get3A_1030 = vector.shape_cast %get3A_1029 : vector<16xf32> to vector<16xf32>
      %add3A_1031 = arith.addf %get3A_1025, %get3A_1030 : vector<16xf32>
      %add3A_1032 = arith.constant 96 : i32
      %add3A_1033 = arith.addi %mul3A_963, %add3A_1032 : i32
      %get3A_1034 = arith.index_cast %add3A_1033 : i32 to index
      %get3A_1035 = tpu.vector_load %arg7[%get3A_1034] {strides = array<i32>} : memref<2048xf32, #tpu.memory_space<vmem>>, vector<16xf32>,
      %get3A_1036 = vector.shape_cast %get3A_1035 : vector<16xf32> to vector<16xf32>
      %add3A_1037 = arith.constant 96 : i32
      %add3A_1038 = arith.addi %mul3A_965, %add3A_1037 : i32
      %get3A_1039 = arith.index_cast %add3A_1038 : i32 to index
      %get3A_1040 = tpu.vector_load %arg8[%get3A_1039] {strides = array<i32>} : memref<4096xf32, #tpu.memory_space<vmem>>, vector<16xf32>,
      %get3A_1041 = vector.shape_cast %get3A_1040 : vector<16xf32> to vector<16xf32>
      %add3A_1042 = arith.addf %get3A_1036, %get3A_1041 : vector<16xf32>
      %add3A_1043 = arith.constant 112 : i32
      %add3A_1044 = arith.addi %mul3A_963, %add3A_1043 : i32
      %get3A_1045 = arith.index_cast %add3A_1044 : i32 to index
      %get3A_1046 = tpu.vector_load %arg7[%get3A_1045] {strides = array<i32>} : memref<2048xf32, #tpu.memory_space<vmem>>, vector<16xf32>,
      %get3A_1047 = vector.shape_cast %get3A_1046 : vector<16xf32> to vector<16xf32>
      %add3A_1048 = arith.constant 112 : i32
      %add3A_1049 = arith.addi %mul3A_965, %add3A_1048 : i32
      %get3A_1050 = arith.index_cast %add3A_1049 : i32 to index
      %get3A_1051 = tpu.vector_load %arg8[%get3A_1050] {strides = array<i32>} : memref<4096xf32, #tpu.memory_space<vmem>>, vector<16xf32>,
      %get3A_1052 = vector.shape_cast %get3A_1051 : vector<16xf32> to vector<16xf32>
      %add3A_1053 = arith.addf %get3A_1047, %get3A_1052 : vector<16xf32>
      %scan3A_1054 = arith.constant 0 : i32
      %scan3A_1055 = arith.constant 0 : i32
      %scan3A_1056 = arith.constant 32 : i32
      %scan3A_1057 = arith.addi %scan3A_1055, %scan3A_1056 : i32
      %scan3A_1058 = arith.constant 1 : i32
      scf.for %scan3A_2699 = %scan3A_1055 to %scan3A_1057 step %scan3A_1058  : i32 {
        %mul3A_2700 = arith.constant 128 : i32
        %mul3A_2701 = arith.muli %scan3A_2699, %mul3A_2700 : i32
        %add3A_2702 = arith.constant 0 : i32
        %add3A_2703 = arith.addi %mul3A_2701, %add3A_2702 : i32
        %get3A_2704 = arith.index_cast %add3A_2703 : i32 to index
        %get3A_2705 = tpu.vector_load %arg9[%get3A_2704] {strides = array<i32>} : memref<4096xf32, #tpu.memory_space<vmem>>, vector<16xf32>,
        %get3A_2706 = vector.shape_cast %get3A_2705 : vector<16xf32> to vector<16xf32>
        %add3A_2707 = arith.constant 0 : i32
        %add3A_2708 = arith.addi %add3A_2707, %add3A_2703 : i32
        %add3A_2709 = arith.addf %get3A_2706, %add3A_826 : vector<16xf32>
        %swap3A = arith.index_cast %add3A_2708 : i32 to index
        %swap3A_2710 = tpu.vector_load %arg12[%swap3A] {strides = array<i32>} : memref<8192xf32, #tpu.memory_space<vmem>>, vector<16xf32>,
        %swap3A_2711 = vector.shape_cast %swap3A_2710 : vector<16xf32> to vector<16xf32>
        %swap3A_2712 = vector.shape_cast %add3A_2709 : vector<16xf32> to vector<16xf32>
        tpu.vector_store %arg12[%swap3A], %swap3A_2712 {add = true, strides = array<i32>} : memref<8192xf32, #tpu.memory_space<vmem>>, vector<16xf32>,
        %add3A_2713 = arith.constant 4096 : i32
        %add3A_2714 = arith.addi %add3A_2713, %add3A_2703 : i32
        %add3A_2715 = arith.addf %get3A_2706, %add3A_976 : vector<16xf32>
        %swap3A_2716 = arith.index_cast %add3A_2714 : i32 to index
        %swap3A_2717 = tpu.vector_load %arg12[%swap3A_2716] {strides = array<i32>} : memref<8192xf32, #tpu.memory_space<vmem>>, vector<16xf32>,
        %swap3A_2718 = vector.shape_cast %swap3A_2717 : vector<16xf32> to vector<16xf32>
        %swap3A_2719 = vector.shape_cast %add3A_2715 : vector<16xf32> to vector<16xf32>
        tpu.vector_store %arg12[%swap3A_2716], %swap3A_2719 {add = true, strides = array<i32>} : memref<8192xf32, #tpu.memory_space<vmem>>, vector<16xf32>,
        %add3A_2720 = arith.constant 16 : i32
        %add3A_2721 = arith.addi %mul3A_2701, %add3A_2720 : i32
        %get3A_2722 = arith.index_cast %add3A_2721 : i32 to index
        %get3A_2723 = tpu.vector_load %arg9[%get3A_2722] {strides = array<i32>} : memref<4096xf32, #tpu.memory_space<vmem>>, vector<16xf32>,
        %get3A_2724 = vector.shape_cast %get3A_2723 : vector<16xf32> to vector<16xf32>
        %add3A_2725 = arith.constant 0 : i32
        %add3A_2726 = arith.addi %add3A_2725, %add3A_2721 : i32
        %add3A_2727 = arith.addf %get3A_2724, %add3A_837 : vector<16xf32>
        %swap3A_2728 = arith.index_cast %add3A_2726 : i32 to index
        %swap3A_2729 = tpu.vector_load %arg12[%swap3A_2728] {strides = array<i32>} : memref<8192xf32, #tpu.memory_space<vmem>>, vector<16xf32>,
        %swap3A_2730 = vector.shape_cast %swap3A_2729 : vector<16xf32> to vector<16xf32>
        %swap3A_2731 = vector.shape_cast %add3A_2727 : vector<16xf32> to vector<16xf32>
        tpu.vector_store %arg12[%swap3A_2728], %swap3A_2731 {add = true, strides = array<i32>} : memref<8192xf32, #tpu.memory_space<vmem>>, vector<16xf32>,
        %add3A_2732 = arith.constant 4096 : i32
        %add3A_2733 = arith.addi %add3A_2732, %add3A_2721 : i32
        %add3A_2734 = arith.addf %get3A_2724, %add3A_987 : vector<16xf32>
        %swap3A_2735 = arith.index_cast %add3A_2733 : i32 to index
        %swap3A_2736 = tpu.vector_load %arg12[%swap3A_2735] {strides = array<i32>} : memref<8192xf32, #tpu.memory_space<vmem>>, vector<16xf32>,
        %swap3A_2737 = vector.shape_cast %swap3A_2736 : vector<16xf32> to vector<16xf32>
        %swap3A_2738 = vector.shape_cast %add3A_2734 : vector<16xf32> to vector<16xf32>
        tpu.vector_store %arg12[%swap3A_2735], %swap3A_2738 {add = true, strides = array<i32>} : memref<8192xf32, #tpu.memory_space<vmem>>, vector<16xf32>,
        %add3A_2739 = arith.constant 32 : i32
        %add3A_2740 = arith.addi %mul3A_2701, %add3A_2739 : i32
        %get3A_2741 = arith.index_cast %add3A_2740 : i32 to index
        %get3A_2742 = tpu.vector_load %arg9[%get3A_2741] {strides = array<i32>} : memref<4096xf32, #tpu.memory_space<vmem>>, vector<16xf32>,
        %get3A_2743 = vector.shape_cast %get3A_2742 : vector<16xf32> to vector<16xf32>
        %add3A_2744 = arith.constant 0 : i32
        %add3A_2745 = arith.addi %add3A_2744, %add3A_2740 : i32
        %add3A_2746 = arith.addf %get3A_2743, %add3A_848 : vector<16xf32>
        %swap3A_2747 = arith.index_cast %add3A_2745 : i32 to index
        %swap3A_2748 = tpu.vector_load %arg12[%swap3A_2747] {strides = array<i32>} : memref<8192xf32, #tpu.memory_space<vmem>>, vector<16xf32>,
        %swap3A_2749 = vector.shape_cast %swap3A_2748 : vector<16xf32> to vector<16xf32>
        %swap3A_2750 = vector.shape_cast %add3A_2746 : vector<16xf32> to vector<16xf32>
        tpu.vector_store %arg12[%swap3A_2747], %swap3A_2750 {add = true, strides = array<i32>} : memref<8192xf32, #tpu.memory_space<vmem>>, vector<16xf32>,
        %add3A_2751 = arith.constant 4096 : i32
        %add3A_2752 = arith.addi %add3A_2751, %add3A_2740 : i32
        %add3A_2753 = arith.addf %get3A_2743, %add3A_998 : vector<16xf32>
        %swap3A_2754 = arith.index_cast %add3A_2752 : i32 to index
        %swap3A_2755 = tpu.vector_load %arg12[%swap3A_2754] {strides = array<i32>} : memref<8192xf32, #tpu.memory_space<vmem>>, vector<16xf32>,
        %swap3A_2756 = vector.shape_cast %swap3A_2755 : vector<16xf32> to vector<16xf32>
        %swap3A_2757 = vector.shape_cast %add3A_2753 : vector<16xf32> to vector<16xf32>
        tpu.vector_store %arg12[%swap3A_2754], %swap3A_2757 {add = true, strides = array<i32>} : memref<8192xf32, #tpu.memory_space<vmem>>, vector<16xf32>,
        %add3A_2758 = arith.constant 48 : i32
        %add3A_2759 = arith.addi %mul3A_2701, %add3A_2758 : i32
        %get3A_2760 = arith.index_cast %add3A_2759 : i32 to index
        %get3A_2761 = tpu.vector_load %arg9[%get3A_2760] {strides = array<i32>} : memref<4096xf32, #tpu.memory_space<vmem>>, vector<16xf32>,
        %get3A_2762 = vector.shape_cast %get3A_2761 : vector<16xf32> to vector<16xf32>
        %add3A_2763 = arith.constant 0 : i32
        %add3A_2764 = arith.addi %add3A_2763, %add3A_2759 : i32
        %add3A_2765 = arith.addf %get3A_2762, %add3A_859 : vector<16xf32>
        %swap3A_2766 = arith.index_cast %add3A_2764 : i32 to index
        %swap3A_2767 = tpu.vector_load %arg12[%swap3A_2766] {strides = array<i32>} : memref<8192xf32, #tpu.memory_space<vmem>>, vector<16xf32>,
        %swap3A_2768 = vector.shape_cast %swap3A_2767 : vector<16xf32> to vector<16xf32>
        %swap3A_2769 = vector.shape_cast %add3A_2765 : vector<16xf32> to vector<16xf32>
        tpu.vector_store %arg12[%swap3A_2766], %swap3A_2769 {add = true, strides = array<i32>} : memref<8192xf32, #tpu.memory_space<vmem>>, vector<16xf32>,
        %add3A_2770 = arith.constant 4096 : i32
        %add3A_2771 = arith.addi %add3A_2770, %add3A_2759 : i32
        %add3A_2772 = arith.addf %get3A_2762, %add3A_1009 : vector<16xf32>
        %swap3A_2773 = arith.index_cast %add3A_2771 : i32 to index
        %swap3A_2774 = tpu.vector_load %arg12[%swap3A_2773] {strides = array<i32>} : memref<8192xf32, #tpu.memory_space<vmem>>, vector<16xf32>,
        %swap3A_2775 = vector.shape_cast %swap3A_2774 : vector<16xf32> to vector<16xf32>
        %swap3A_2776 = vector.shape_cast %add3A_2772 : vector<16xf32> to vector<16xf32>
        tpu.vector_store %arg12[%swap3A_2773], %swap3A_2776 {add = true, strides = array<i32>} : memref<8192xf32, #tpu.memory_space<vmem>>, vector<16xf32>,
        %add3A_2777 = arith.constant 64 : i32
        %add3A_2778 = arith.addi %mul3A_2701, %add3A_2777 : i32
        %get3A_2779 = arith.index_cast %add3A_2778 : i32 to index
        %get3A_2780 = tpu.vector_load %arg9[%get3A_2779] {strides = array<i32>} : memref<4096xf32, #tpu.memory_space<vmem>>, vector<16xf32>,
        %get3A_2781 = vector.shape_cast %get3A_2780 : vector<16xf32> to vector<16xf32>
        %add3A_2782 = arith.constant 0 : i32
        %add3A_2783 = arith.addi %add3A_2782, %add3A_2778 : i32
        %add3A_2784 = arith.addf %get3A_2781, %add3A_870 : vector<16xf32>
        %swap3A_2785 = arith.index_cast %add3A_2783 : i32 to index
        %swap3A_2786 = tpu.vector_load %arg12[%swap3A_2785] {strides = array<i32>} : memref<8192xf32, #tpu.memory_space<vmem>>, vector<16xf32>,
        %swap3A_2787 = vector.shape_cast %swap3A_2786 : vector<16xf32> to vector<16xf32>
        %swap3A_2788 = vector.shape_cast %add3A_2784 : vector<16xf32> to vector<16xf32>
        tpu.vector_store %arg12[%swap3A_2785], %swap3A_2788 {add = true, strides = array<i32>} : memref<8192xf32, #tpu.memory_space<vmem>>, vector<16xf32>,
        %add3A_2789 = arith.constant 4096 : i32
        %add3A_2790 = arith.addi %add3A_2789, %add3A_2778 : i32
        %add3A_2791 = arith.addf %get3A_2781, %add3A_1020 : vector<16xf32>
        %swap3A_2792 = arith.index_cast %add3A_2790 : i32 to index
        %swap3A_2793 = tpu.vector_load %arg12[%swap3A_2792] {strides = array<i32>} : memref<8192xf32, #tpu.memory_space<vmem>>, vector<16xf32>,
        %swap3A_2794 = vector.shape_cast %swap3A_2793 : vector<16xf32> to vector<16xf32>
        %swap3A_2795 = vector.shape_cast %add3A_2791 : vector<16xf32> to vector<16xf32>
        tpu.vector_store %arg12[%swap3A_2792], %swap3A_2795 {add = true, strides = array<i32>} : memref<8192xf32, #tpu.memory_space<vmem>>, vector<16xf32>,
        %add3A_2796 = arith.constant 80 : i32
        %add3A_2797 = arith.addi %mul3A_2701, %add3A_2796 : i32
        %get3A_2798 = arith.index_cast %add3A_2797 : i32 to index
        %get3A_2799 = tpu.vector_load %arg9[%get3A_2798] {strides = array<i32>} : memref<4096xf32, #tpu.memory_space<vmem>>, vector<16xf32>,
        %get3A_2800 = vector.shape_cast %get3A_2799 : vector<16xf32> to vector<16xf32>
        %add3A_2801 = arith.constant 0 : i32
        %add3A_2802 = arith.addi %add3A_2801, %add3A_2797 : i32
        %add3A_2803 = arith.addf %get3A_2800, %add3A_881 : vector<16xf32>
        %swap3A_2804 = arith.index_cast %add3A_2802 : i32 to index
        %swap3A_2805 = tpu.vector_load %arg12[%swap3A_2804] {strides = array<i32>} : memref<8192xf32, #tpu.memory_space<vmem>>, vector<16xf32>,
        %swap3A_2806 = vector.shape_cast %swap3A_2805 : vector<16xf32> to vector<16xf32>
        %swap3A_2807 = vector.shape_cast %add3A_2803 : vector<16xf32> to vector<16xf32>
        tpu.vector_store %arg12[%swap3A_2804], %swap3A_2807 {add = true, strides = array<i32>} : memref<8192xf32, #tpu.memory_space<vmem>>, vector<16xf32>,
        %add3A_2808 = arith.constant 4096 : i32
        %add3A_2809 = arith.addi %add3A_2808, %add3A_2797 : i32
        %add3A_2810 = arith.addf %get3A_2800, %add3A_1031 : vector<16xf32>
        %swap3A_2811 = arith.index_cast %add3A_2809 : i32 to index
        %swap3A_2812 = tpu.vector_load %arg12[%swap3A_2811] {strides = array<i32>} : memref<8192xf32, #tpu.memory_space<vmem>>, vector<16xf32>,
        %swap3A_2813 = vector.shape_cast %swap3A_2812 : vector<16xf32> to vector<16xf32>
        %swap3A_2814 = vector.shape_cast %add3A_2810 : vector<16xf32> to vector<16xf32>
        tpu.vector_store %arg12[%swap3A_2811], %swap3A_2814 {add = true, strides = array<i32>} : memref<8192xf32, #tpu.memory_space<vmem>>, vector<16xf32>,
        %add3A_2815 = arith.constant 96 : i32
        %add3A_2816 = arith.addi %mul3A_2701, %add3A_2815 : i32
        %get3A_2817 = arith.index_cast %add3A_2816 : i32 to index
        %get3A_2818 = tpu.vector_load %arg9[%get3A_2817] {strides = array<i32>} : memref<4096xf32, #tpu.memory_space<vmem>>, vector<16xf32>,
        %get3A_2819 = vector.shape_cast %get3A_2818 : vector<16xf32> to vector<16xf32>
        %add3A_2820 = arith.constant 0 : i32
        %add3A_2821 = arith.addi %add3A_2820, %add3A_2816 : i32
        %add3A_2822 = arith.addf %get3A_2819, %add3A_892 : vector<16xf32>
        %swap3A_2823 = arith.index_cast %add3A_2821 : i32 to index
        %swap3A_2824 = tpu.vector_load %arg12[%swap3A_2823] {strides = array<i32>} : memref<8192xf32, #tpu.memory_space<vmem>>, vector<16xf32>,
        %swap3A_2825 = vector.shape_cast %swap3A_2824 : vector<16xf32> to vector<16xf32>
        %swap3A_2826 = vector.shape_cast %add3A_2822 : vector<16xf32> to vector<16xf32>
        tpu.vector_store %arg12[%swap3A_2823], %swap3A_2826 {add = true, strides = array<i32>} : memref<8192xf32, #tpu.memory_space<vmem>>, vector<16xf32>,
        %add3A_2827 = arith.constant 4096 : i32
        %add3A_2828 = arith.addi %add3A_2827, %add3A_2816 : i32
        %add3A_2829 = arith.addf %get3A_2819, %add3A_1042 : vector<16xf32>
        %swap3A_2830 = arith.index_cast %add3A_2828 : i32 to index
        %swap3A_2831 = tpu.vector_load %arg12[%swap3A_2830] {strides = array<i32>} : memref<8192xf32, #tpu.memory_space<vmem>>, vector<16xf32>,
        %swap3A_2832 = vector.shape_cast %swap3A_2831 : vector<16xf32> to vector<16xf32>
        %swap3A_2833 = vector.shape_cast %add3A_2829 : vector<16xf32> to vector<16xf32>
        tpu.vector_store %arg12[%swap3A_2830], %swap3A_2833 {add = true, strides = array<i32>} : memref<8192xf32, #tpu.memory_space<vmem>>, vector<16xf32>,
        %add3A_2834 = arith.constant 112 : i32
        %add3A_2835 = arith.addi %mul3A_2701, %add3A_2834 : i32
        %get3A_2836 = arith.index_cast %add3A_2835 : i32 to index
        %get3A_2837 = tpu.vector_load %arg9[%get3A_2836] {strides = array<i32>} : memref<4096xf32, #tpu.memory_space<vmem>>, vector<16xf32>,
        %get3A_2838 = vector.shape_cast %get3A_2837 : vector<16xf32> to vector<16xf32>
        %add3A_2839 = arith.constant 0 : i32
        %add3A_2840 = arith.addi %add3A_2839, %add3A_2835 : i32
        %add3A_2841 = arith.addf %get3A_2838, %add3A_903 : vector<16xf32>
        %swap3A_2842 = arith.index_cast %add3A_2840 : i32 to index
        %swap3A_2843 = tpu.vector_load %arg12[%swap3A_2842] {strides = array<i32>} : memref<8192xf32, #tpu.memory_space<vmem>>, vector<16xf32>,
        %swap3A_2844 = vector.shape_cast %swap3A_2843 : vector<16xf32> to vector<16xf32>
        %swap3A_2845 = vector.shape_cast %add3A_2841 : vector<16xf32> to vector<16xf32>
        tpu.vector_store %arg12[%swap3A_2842], %swap3A_2845 {add = true, strides = array<i32>} : memref<8192xf32, #tpu.memory_space<vmem>>, vector<16xf32>,
        %add3A_2846 = arith.constant 4096 : i32
        %add3A_2847 = arith.addi %add3A_2846, %add3A_2835 : i32
        %add3A_2848 = arith.addf %get3A_2838, %add3A_1053 : vector<16xf32>
        %swap3A_2849 = arith.index_cast %add3A_2847 : i32 to index
        %swap3A_2850 = tpu.vector_load %arg12[%swap3A_2849] {strides = array<i32>} : memref<8192xf32, #tpu.memory_space<vmem>>, vector<16xf32>,
        %swap3A_2851 = vector.shape_cast %swap3A_2850 : vector<16xf32> to vector<16xf32>
        %swap3A_2852 = vector.shape_cast %add3A_2848 : vector<16xf32> to vector<16xf32>
        tpu.vector_store %arg12[%swap3A_2849], %swap3A_2852 {add = true, strides = array<i32>} : memref<8192xf32, #tpu.memory_space<vmem>>, vector<16xf32>,
      }
      %scan3A_1059 = arith.constant 32 : i32
      %dma_start3A_1060 = tpu.memref_slice %arg6[%mul3A_751] : memref<33554432xf32, #tpu.memory_space<hbm>> -> memref<8192xf32, #tpu.memory_space<hbm>>
      %dma_start3A_1061 = tpu.memref_slice %arg6[%mul3A_751] : memref<33554432xf32, #tpu.memory_space<hbm>> -> memref<8192xf32, #tpu.memory_space<hbm>>
      tpu.enqueue_dma source(%arg12 : memref<8192xf32, #tpu.memory_space<vmem>>) target(%dma_start3A_1061 : memref<8192xf32, #tpu.memory_space<hbm>>) target_semaphore(%arg28 : memref<!tpu.dma_semaphore, #tpu.memory_space<semaphore_mem>>)
      %add3A_1062 = arith.constant 6 : i32
      %add3A_1063 = arith.addi %add3A_746, %add3A_1062 : i32
      %lt3A_1064 = arith.constant 15 : i32
      %lt3A_1065 = arith.cmpi slt, %scan3A_90, %lt3A_1064 : i32
      %convert_element_type3A_1066 = arith.extui %lt3A_1065 : i1 to i32
      %cond3A_1067 = arith.constant 0 : i32
      %cond3A_1068 = arith.cmpi ne, %convert_element_type3A_1066, %cond3A_1067 : i32
      scf.if %cond3A_1068 {
        %sub3A_2699 = arith.constant 8 : i32
        %sub3A_2700 = arith.subi %add3A_1063, %sub3A_2699 : i32
        %mul3A_2701 = arith.constant 2 : i32
        %mul3A_2702 = arith.muli %sub3A_2700, %mul3A_2701 : i32
        %add3A_2703 = arith.addi %mul3A_2, %mul3A_2702 : i32
        %mul3A_2704 = arith.constant 4096 : i32
        %mul3A_2705 = arith.muli %add3A_2703, %mul3A_2704 : i32
        %dma_wait3A_2706 = tpu.memref_slice %arg6[%mul3A_2705] : memref<33554432xf32, #tpu.memory_space<hbm>> -> memref<8192xf32, #tpu.memory_space<hbm>>
        %dma_wait3A_2707 = tpu.memref_slice %arg6[%mul3A_2705] : memref<33554432xf32, #tpu.memory_space<hbm>> -> memref<8192xf32, #tpu.memory_space<hbm>>
        tpu.wait_dma2 semaphore(%arg26 : memref<!tpu.dma_semaphore, #tpu.memory_space<semaphore_mem>>) src(%arg10 : memref<8192xf32, #tpu.memory_space<vmem>>) dst(%dma_wait3A_2707 : memref<8192xf32, #tpu.memory_space<hbm>>)
        %mul3A_2708 = arith.constant 2 : i32
        %mul3A_2709 = arith.muli %add3A_1063, %mul3A_2708 : i32
        %add3A_2710 = arith.addi %mul3A_2, %mul3A_2709 : i32
        %mul3A_2711 = arith.constant 4096 : i32
        %mul3A_2712 = arith.muli %add3A_2710, %mul3A_2711 : i32
        %dma_start3A_2713 = tpu.memref_slice %arg2[%mul3A_2712] : memref<33554432xf32, #tpu.memory_space<hbm>> -> memref<8192xf32, #tpu.memory_space<hbm>>
        %dma_start3A_2714 = tpu.memref_slice %arg2[%mul3A_2712] : memref<33554432xf32, #tpu.memory_space<hbm>> -> memref<8192xf32, #tpu.memory_space<hbm>>
        tpu.enqueue_dma source(%dma_start3A_2714 : memref<8192xf32, #tpu.memory_space<hbm>>) target(%arg10 : memref<8192xf32, #tpu.memory_space<vmem>>) target_semaphore(%arg18 : memref<!tpu.dma_semaphore, #tpu.memory_space<semaphore_mem>>)
      } else {
      }
      %mul3A_1069 = arith.constant 8 : i32
      %mul3A_1070 = arith.muli %scan3A_90, %mul3A_1069 : i32
      %add3A_1071 = arith.constant 3 : i32
      %add3A_1072 = arith.addi %mul3A_1070, %add3A_1071 : i32
      %mul3A_1073 = arith.constant 2 : i32
      %mul3A_1074 = arith.muli %add3A_1072, %mul3A_1073 : i32
      %add3A_1075 = arith.addi %mul3A_2, %mul3A_1074 : i32
      %mul3A_1076 = arith.constant 4096 : i32
      %mul3A_1077 = arith.muli %add3A_1075, %mul3A_1076 : i32
      %dma_wait3A_1078 = tpu.memref_slice %arg2[%mul3A_1077] : memref<33554432xf32, #tpu.memory_space<hbm>> -> memref<8192xf32, #tpu.memory_space<hbm>>
      %dma_wait3A_1079 = tpu.memref_slice %arg2[%mul3A_1077] : memref<33554432xf32, #tpu.memory_space<hbm>> -> memref<8192xf32, #tpu.memory_space<hbm>>
      tpu.wait_dma2 semaphore(%arg21 : memref<!tpu.dma_semaphore, #tpu.memory_space<semaphore_mem>>) src(%dma_wait3A_1079 : memref<8192xf32, #tpu.memory_space<hbm>>) dst(%arg13 : memref<8192xf32, #tpu.memory_space<vmem>>)
      %add3A_1080 = arith.constant 0 : i32
      %add3A_1081 = arith.addi %add3A_1075, %add3A_1080 : i32
      %jit3A_1082 = arith.constant 512 : i32
      %eq3A_1083 = arith.constant 0 : i32
      %eq3A_1084 = arith.cmpi eq, %jit3A_1082, %eq3A_1083 : i32
      %jit3A_1085 = arith.constant 1 : i32
      %select_n3A_1086 = arith.select %eq3A_1084, %jit3A_1085, %jit3A_1082 : i32
      %rem3A_1087 = arith.remsi %add3A_1081, %select_n3A_1086 : i32
      %ne3A_1088 = arith.constant 0 : i32
      %ne3A_1089 = arith.cmpi ne, %rem3A_1087, %ne3A_1088 : i32
      %lt3A_1090 = arith.constant 0 : i32
      %lt3A_1091 = arith.cmpi slt, %rem3A_1087, %lt3A_1090 : i32
      %lt3A_1092 = arith.constant 0 : i32
      %lt3A_1093 = arith.cmpi slt, %select_n3A_1086, %lt3A_1092 : i32
      %ne3A_1094 = arith.xori %lt3A_1091, %lt3A_1093 : i1
      %and3A_1095 = arith.andi %ne3A_1094, %ne3A_1089 : i1
      %add3A_1096 = arith.addi %rem3A_1087, %select_n3A_1086 : i32
      %select_n3A_1097 = arith.select %and3A_1095, %add3A_1096, %rem3A_1087 : i32
      %jit3A_1098 = arith.constant 32 : i32
      %div3A_1099 = arith.divsi %select_n3A_1097, %jit3A_1098 : i32
      %sign3A_1100 = arith.constant 0 : i32
      %sign3A_1101 = arith.cmpi sgt, %select_n3A_1097, %sign3A_1100 : i32
      %sign3A_1102 = arith.extui %sign3A_1101 : i1 to i32
      %sign3A_1103 = arith.constant 0 : i32
      %sign3A_1104 = arith.cmpi slt, %select_n3A_1097, %sign3A_1103 : i32
      %sign3A_1105 = arith.extui %sign3A_1104 : i1 to i32
      %sign3A_1106 = arith.subi %sign3A_1102, %sign3A_1105 : i32
      %sign3A_1107 = arith.constant 0 : i32
      %sign3A_1108 = arith.cmpi sgt, %jit3A_1098, %sign3A_1107 : i32
      %sign3A_1109 = arith.extui %sign3A_1108 : i1 to i32
      %sign3A_1110 = arith.constant 0 : i32
      %sign3A_1111 = arith.cmpi slt, %jit3A_1098, %sign3A_1110 : i32
      %sign3A_1112 = arith.extui %sign3A_1111 : i1 to i32
      %sign3A_1113 = arith.subi %sign3A_1109, %sign3A_1112 : i32
      %ne3A_1114 = arith.cmpi ne, %sign3A_1106, %sign3A_1113 : i32
      %rem3A_1115 = arith.remsi %select_n3A_1097, %jit3A_1098 : i32
      %ne3A_1116 = arith.constant 0 : i32
      %ne3A_1117 = arith.cmpi ne, %rem3A_1115, %ne3A_1116 : i32
      %and3A_1118 = arith.andi %ne3A_1114, %ne3A_1117 : i1
      %sub3A_1119 = arith.constant 1 : i32
      %sub3A_1120 = arith.subi %div3A_1099, %sub3A_1119 : i32
      %select_n3A_1121 = arith.select %and3A_1118, %sub3A_1120, %div3A_1099 : i32
      %jit3A_1122 = arith.constant 32 : i32
      %eq3A_1123 = arith.constant 0 : i32
      %eq3A_1124 = arith.cmpi eq, %jit3A_1122, %eq3A_1123 : i32
      %jit3A_1125 = arith.constant 1 : i32
      %select_n3A_1126 = arith.select %eq3A_1124, %jit3A_1125, %jit3A_1122 : i32
      %rem3A_1127 = arith.remsi %select_n3A_1097, %select_n3A_1126 : i32
      %ne3A_1128 = arith.constant 0 : i32
      %ne3A_1129 = arith.cmpi ne, %rem3A_1127, %ne3A_1128 : i32
      %lt3A_1130 = arith.constant 0 : i32
      %lt3A_1131 = arith.cmpi slt, %rem3A_1127, %lt3A_1130 : i32
      %lt3A_1132 = arith.constant 0 : i32
      %lt3A_1133 = arith.cmpi slt, %select_n3A_1126, %lt3A_1132 : i32
      %ne3A_1134 = arith.xori %lt3A_1131, %lt3A_1133 : i1
      %and3A_1135 = arith.andi %ne3A_1134, %ne3A_1129 : i1
      %add3A_1136 = arith.addi %rem3A_1127, %select_n3A_1126 : i32
      %select_n3A_1137 = arith.select %and3A_1135, %add3A_1136, %rem3A_1127 : i32
      %mul3A_1138 = arith.constant 128 : i32
      %mul3A_1139 = arith.muli %select_n3A_1121, %mul3A_1138 : i32
      %mul3A_1140 = arith.constant 128 : i32
      %mul3A_1141 = arith.muli %select_n3A_1137, %mul3A_1140 : i32
      %add3A_1142 = arith.constant 0 : i32
      %add3A_1143 = arith.addi %mul3A_1139, %add3A_1142 : i32
      %get3A_1144 = arith.index_cast %add3A_1143 : i32 to index
      %get3A_1145 = tpu.vector_load %arg7[%get3A_1144] {strides = array<i32>} : memref<2048xf32, #tpu.memory_space<vmem>>, vector<16xf32>,
      %get3A_1146 = vector.shape_cast %get3A_1145 : vector<16xf32> to vector<16xf32>
      %add3A_1147 = arith.constant 0 : i32
      %add3A_1148 = arith.addi %mul3A_1141, %add3A_1147 : i32
      %get3A_1149 = arith.index_cast %add3A_1148 : i32 to index
      %get3A_1150 = tpu.vector_load %arg8[%get3A_1149] {strides = array<i32>} : memref<4096xf32, #tpu.memory_space<vmem>>, vector<16xf32>,
      %get3A_1151 = vector.shape_cast %get3A_1150 : vector<16xf32> to vector<16xf32>
      %add3A_1152 = arith.addf %get3A_1146, %get3A_1151 : vector<16xf32>
      %add3A_1153 = arith.constant 16 : i32
      %add3A_1154 = arith.addi %mul3A_1139, %add3A_1153 : i32
      %get3A_1155 = arith.index_cast %add3A_1154 : i32 to index
      %get3A_1156 = tpu.vector_load %arg7[%get3A_1155] {strides = array<i32>} : memref<2048xf32, #tpu.memory_space<vmem>>, vector<16xf32>,
      %get3A_1157 = vector.shape_cast %get3A_1156 : vector<16xf32> to vector<16xf32>
      %add3A_1158 = arith.constant 16 : i32
      %add3A_1159 = arith.addi %mul3A_1141, %add3A_1158 : i32
      %get3A_1160 = arith.index_cast %add3A_1159 : i32 to index
      %get3A_1161 = tpu.vector_load %arg8[%get3A_1160] {strides = array<i32>} : memref<4096xf32, #tpu.memory_space<vmem>>, vector<16xf32>,
      %get3A_1162 = vector.shape_cast %get3A_1161 : vector<16xf32> to vector<16xf32>
      %add3A_1163 = arith.addf %get3A_1157, %get3A_1162 : vector<16xf32>
      %add3A_1164 = arith.constant 32 : i32
      %add3A_1165 = arith.addi %mul3A_1139, %add3A_1164 : i32
      %get3A_1166 = arith.index_cast %add3A_1165 : i32 to index
      %get3A_1167 = tpu.vector_load %arg7[%get3A_1166] {strides = array<i32>} : memref<2048xf32, #tpu.memory_space<vmem>>, vector<16xf32>,
      %get3A_1168 = vector.shape_cast %get3A_1167 : vector<16xf32> to vector<16xf32>
      %add3A_1169 = arith.constant 32 : i32
      %add3A_1170 = arith.addi %mul3A_1141, %add3A_1169 : i32
      %get3A_1171 = arith.index_cast %add3A_1170 : i32 to index
      %get3A_1172 = tpu.vector_load %arg8[%get3A_1171] {strides = array<i32>} : memref<4096xf32, #tpu.memory_space<vmem>>, vector<16xf32>,
      %get3A_1173 = vector.shape_cast %get3A_1172 : vector<16xf32> to vector<16xf32>
      %add3A_1174 = arith.addf %get3A_1168, %get3A_1173 : vector<16xf32>
      %add3A_1175 = arith.constant 48 : i32
      %add3A_1176 = arith.addi %mul3A_1139, %add3A_1175 : i32
      %get3A_1177 = arith.index_cast %add3A_1176 : i32 to index
      %get3A_1178 = tpu.vector_load %arg7[%get3A_1177] {strides = array<i32>} : memref<2048xf32, #tpu.memory_space<vmem>>, vector<16xf32>,
      %get3A_1179 = vector.shape_cast %get3A_1178 : vector<16xf32> to vector<16xf32>
      %add3A_1180 = arith.constant 48 : i32
      %add3A_1181 = arith.addi %mul3A_1141, %add3A_1180 : i32
      %get3A_1182 = arith.index_cast %add3A_1181 : i32 to index
      %get3A_1183 = tpu.vector_load %arg8[%get3A_1182] {strides = array<i32>} : memref<4096xf32, #tpu.memory_space<vmem>>, vector<16xf32>,
      %get3A_1184 = vector.shape_cast %get3A_1183 : vector<16xf32> to vector<16xf32>
      %add3A_1185 = arith.addf %get3A_1179, %get3A_1184 : vector<16xf32>
      %add3A_1186 = arith.constant 64 : i32
      %add3A_1187 = arith.addi %mul3A_1139, %add3A_1186 : i32
      %get3A_1188 = arith.index_cast %add3A_1187 : i32 to index
      %get3A_1189 = tpu.vector_load %arg7[%get3A_1188] {strides = array<i32>} : memref<2048xf32, #tpu.memory_space<vmem>>, vector<16xf32>,
      %get3A_1190 = vector.shape_cast %get3A_1189 : vector<16xf32> to vector<16xf32>
      %add3A_1191 = arith.constant 64 : i32
      %add3A_1192 = arith.addi %mul3A_1141, %add3A_1191 : i32
      %get3A_1193 = arith.index_cast %add3A_1192 : i32 to index
      %get3A_1194 = tpu.vector_load %arg8[%get3A_1193] {strides = array<i32>} : memref<4096xf32, #tpu.memory_space<vmem>>, vector<16xf32>,
      %get3A_1195 = vector.shape_cast %get3A_1194 : vector<16xf32> to vector<16xf32>
      %add3A_1196 = arith.addf %get3A_1190, %get3A_1195 : vector<16xf32>
      %add3A_1197 = arith.constant 80 : i32
      %add3A_1198 = arith.addi %mul3A_1139, %add3A_1197 : i32
      %get3A_1199 = arith.index_cast %add3A_1198 : i32 to index
      %get3A_1200 = tpu.vector_load %arg7[%get3A_1199] {strides = array<i32>} : memref<2048xf32, #tpu.memory_space<vmem>>, vector<16xf32>,
      %get3A_1201 = vector.shape_cast %get3A_1200 : vector<16xf32> to vector<16xf32>
      %add3A_1202 = arith.constant 80 : i32
      %add3A_1203 = arith.addi %mul3A_1141, %add3A_1202 : i32
      %get3A_1204 = arith.index_cast %add3A_1203 : i32 to index
      %get3A_1205 = tpu.vector_load %arg8[%get3A_1204] {strides = array<i32>} : memref<4096xf32, #tpu.memory_space<vmem>>, vector<16xf32>,
      %get3A_1206 = vector.shape_cast %get3A_1205 : vector<16xf32> to vector<16xf32>
      %add3A_1207 = arith.addf %get3A_1201, %get3A_1206 : vector<16xf32>
      %add3A_1208 = arith.constant 96 : i32
      %add3A_1209 = arith.addi %mul3A_1139, %add3A_1208 : i32
      %get3A_1210 = arith.index_cast %add3A_1209 : i32 to index
      %get3A_1211 = tpu.vector_load %arg7[%get3A_1210] {strides = array<i32>} : memref<2048xf32, #tpu.memory_space<vmem>>, vector<16xf32>,
      %get3A_1212 = vector.shape_cast %get3A_1211 : vector<16xf32> to vector<16xf32>
      %add3A_1213 = arith.constant 96 : i32
      %add3A_1214 = arith.addi %mul3A_1141, %add3A_1213 : i32
      %get3A_1215 = arith.index_cast %add3A_1214 : i32 to index
      %get3A_1216 = tpu.vector_load %arg8[%get3A_1215] {strides = array<i32>} : memref<4096xf32, #tpu.memory_space<vmem>>, vector<16xf32>,
      %get3A_1217 = vector.shape_cast %get3A_1216 : vector<16xf32> to vector<16xf32>
      %add3A_1218 = arith.addf %get3A_1212, %get3A_1217 : vector<16xf32>
      %add3A_1219 = arith.constant 112 : i32
      %add3A_1220 = arith.addi %mul3A_1139, %add3A_1219 : i32
      %get3A_1221 = arith.index_cast %add3A_1220 : i32 to index
      %get3A_1222 = tpu.vector_load %arg7[%get3A_1221] {strides = array<i32>} : memref<2048xf32, #tpu.memory_space<vmem>>, vector<16xf32>,
      %get3A_1223 = vector.shape_cast %get3A_1222 : vector<16xf32> to vector<16xf32>
      %add3A_1224 = arith.constant 112 : i32
      %add3A_1225 = arith.addi %mul3A_1141, %add3A_1224 : i32
      %get3A_1226 = arith.index_cast %add3A_1225 : i32 to index
      %get3A_1227 = tpu.vector_load %arg8[%get3A_1226] {strides = array<i32>} : memref<4096xf32, #tpu.memory_space<vmem>>, vector<16xf32>,
      %get3A_1228 = vector.shape_cast %get3A_1227 : vector<16xf32> to vector<16xf32>
      %add3A_1229 = arith.addf %get3A_1223, %get3A_1228 : vector<16xf32>
      %add3A_1230 = arith.constant 1 : i32
      %add3A_1231 = arith.addi %add3A_1075, %add3A_1230 : i32
      %jit3A_1232 = arith.constant 512 : i32
      %eq3A_1233 = arith.constant 0 : i32
      %eq3A_1234 = arith.cmpi eq, %jit3A_1232, %eq3A_1233 : i32
      %jit3A_1235 = arith.constant 1 : i32
      %select_n3A_1236 = arith.select %eq3A_1234, %jit3A_1235, %jit3A_1232 : i32
      %rem3A_1237 = arith.remsi %add3A_1231, %select_n3A_1236 : i32
      %ne3A_1238 = arith.constant 0 : i32
      %ne3A_1239 = arith.cmpi ne, %rem3A_1237, %ne3A_1238 : i32
      %lt3A_1240 = arith.constant 0 : i32
      %lt3A_1241 = arith.cmpi slt, %rem3A_1237, %lt3A_1240 : i32
      %lt3A_1242 = arith.constant 0 : i32
      %lt3A_1243 = arith.cmpi slt, %select_n3A_1236, %lt3A_1242 : i32
      %ne3A_1244 = arith.xori %lt3A_1241, %lt3A_1243 : i1
      %and3A_1245 = arith.andi %ne3A_1244, %ne3A_1239 : i1
      %add3A_1246 = arith.addi %rem3A_1237, %select_n3A_1236 : i32
      %select_n3A_1247 = arith.select %and3A_1245, %add3A_1246, %rem3A_1237 : i32
      %jit3A_1248 = arith.constant 32 : i32
      %div3A_1249 = arith.divsi %select_n3A_1247, %jit3A_1248 : i32
      %sign3A_1250 = arith.constant 0 : i32
      %sign3A_1251 = arith.cmpi sgt, %select_n3A_1247, %sign3A_1250 : i32
      %sign3A_1252 = arith.extui %sign3A_1251 : i1 to i32
      %sign3A_1253 = arith.constant 0 : i32
      %sign3A_1254 = arith.cmpi slt, %select_n3A_1247, %sign3A_1253 : i32
      %sign3A_1255 = arith.extui %sign3A_1254 : i1 to i32
      %sign3A_1256 = arith.subi %sign3A_1252, %sign3A_1255 : i32
      %sign3A_1257 = arith.constant 0 : i32
      %sign3A_1258 = arith.cmpi sgt, %jit3A_1248, %sign3A_1257 : i32
      %sign3A_1259 = arith.extui %sign3A_1258 : i1 to i32
      %sign3A_1260 = arith.constant 0 : i32
      %sign3A_1261 = arith.cmpi slt, %jit3A_1248, %sign3A_1260 : i32
      %sign3A_1262 = arith.extui %sign3A_1261 : i1 to i32
      %sign3A_1263 = arith.subi %sign3A_1259, %sign3A_1262 : i32
      %ne3A_1264 = arith.cmpi ne, %sign3A_1256, %sign3A_1263 : i32
      %rem3A_1265 = arith.remsi %select_n3A_1247, %jit3A_1248 : i32
      %ne3A_1266 = arith.constant 0 : i32
      %ne3A_1267 = arith.cmpi ne, %rem3A_1265, %ne3A_1266 : i32
      %and3A_1268 = arith.andi %ne3A_1264, %ne3A_1267 : i1
      %sub3A_1269 = arith.constant 1 : i32
      %sub3A_1270 = arith.subi %div3A_1249, %sub3A_1269 : i32
      %select_n3A_1271 = arith.select %and3A_1268, %sub3A_1270, %div3A_1249 : i32
      %jit3A_1272 = arith.constant 32 : i32
      %eq3A_1273 = arith.constant 0 : i32
      %eq3A_1274 = arith.cmpi eq, %jit3A_1272, %eq3A_1273 : i32
      %jit3A_1275 = arith.constant 1 : i32
      %select_n3A_1276 = arith.select %eq3A_1274, %jit3A_1275, %jit3A_1272 : i32
      %rem3A_1277 = arith.remsi %select_n3A_1247, %select_n3A_1276 : i32
      %ne3A_1278 = arith.constant 0 : i32
      %ne3A_1279 = arith.cmpi ne, %rem3A_1277, %ne3A_1278 : i32
      %lt3A_1280 = arith.constant 0 : i32
      %lt3A_1281 = arith.cmpi slt, %rem3A_1277, %lt3A_1280 : i32
      %lt3A_1282 = arith.constant 0 : i32
      %lt3A_1283 = arith.cmpi slt, %select_n3A_1276, %lt3A_1282 : i32
      %ne3A_1284 = arith.xori %lt3A_1281, %lt3A_1283 : i1
      %and3A_1285 = arith.andi %ne3A_1284, %ne3A_1279 : i1
      %add3A_1286 = arith.addi %rem3A_1277, %select_n3A_1276 : i32
      %select_n3A_1287 = arith.select %and3A_1285, %add3A_1286, %rem3A_1277 : i32
      %mul3A_1288 = arith.constant 128 : i32
      %mul3A_1289 = arith.muli %select_n3A_1271, %mul3A_1288 : i32
      %mul3A_1290 = arith.constant 128 : i32
      %mul3A_1291 = arith.muli %select_n3A_1287, %mul3A_1290 : i32
      %add3A_1292 = arith.constant 0 : i32
      %add3A_1293 = arith.addi %mul3A_1289, %add3A_1292 : i32
      %get3A_1294 = arith.index_cast %add3A_1293 : i32 to index
      %get3A_1295 = tpu.vector_load %arg7[%get3A_1294] {strides = array<i32>} : memref<2048xf32, #tpu.memory_space<vmem>>, vector<16xf32>,
      %get3A_1296 = vector.shape_cast %get3A_1295 : vector<16xf32> to vector<16xf32>
      %add3A_1297 = arith.constant 0 : i32
      %add3A_1298 = arith.addi %mul3A_1291, %add3A_1297 : i32
      %get3A_1299 = arith.index_cast %add3A_1298 : i32 to index
      %get3A_1300 = tpu.vector_load %arg8[%get3A_1299] {strides = array<i32>} : memref<4096xf32, #tpu.memory_space<vmem>>, vector<16xf32>,
      %get3A_1301 = vector.shape_cast %get3A_1300 : vector<16xf32> to vector<16xf32>
      %add3A_1302 = arith.addf %get3A_1296, %get3A_1301 : vector<16xf32>
      %add3A_1303 = arith.constant 16 : i32
      %add3A_1304 = arith.addi %mul3A_1289, %add3A_1303 : i32
      %get3A_1305 = arith.index_cast %add3A_1304 : i32 to index
      %get3A_1306 = tpu.vector_load %arg7[%get3A_1305] {strides = array<i32>} : memref<2048xf32, #tpu.memory_space<vmem>>, vector<16xf32>,
      %get3A_1307 = vector.shape_cast %get3A_1306 : vector<16xf32> to vector<16xf32>
      %add3A_1308 = arith.constant 16 : i32
      %add3A_1309 = arith.addi %mul3A_1291, %add3A_1308 : i32
      %get3A_1310 = arith.index_cast %add3A_1309 : i32 to index
      %get3A_1311 = tpu.vector_load %arg8[%get3A_1310] {strides = array<i32>} : memref<4096xf32, #tpu.memory_space<vmem>>, vector<16xf32>,
      %get3A_1312 = vector.shape_cast %get3A_1311 : vector<16xf32> to vector<16xf32>
      %add3A_1313 = arith.addf %get3A_1307, %get3A_1312 : vector<16xf32>
      %add3A_1314 = arith.constant 32 : i32
      %add3A_1315 = arith.addi %mul3A_1289, %add3A_1314 : i32
      %get3A_1316 = arith.index_cast %add3A_1315 : i32 to index
      %get3A_1317 = tpu.vector_load %arg7[%get3A_1316] {strides = array<i32>} : memref<2048xf32, #tpu.memory_space<vmem>>, vector<16xf32>,
      %get3A_1318 = vector.shape_cast %get3A_1317 : vector<16xf32> to vector<16xf32>
      %add3A_1319 = arith.constant 32 : i32
      %add3A_1320 = arith.addi %mul3A_1291, %add3A_1319 : i32
      %get3A_1321 = arith.index_cast %add3A_1320 : i32 to index
      %get3A_1322 = tpu.vector_load %arg8[%get3A_1321] {strides = array<i32>} : memref<4096xf32, #tpu.memory_space<vmem>>, vector<16xf32>,
      %get3A_1323 = vector.shape_cast %get3A_1322 : vector<16xf32> to vector<16xf32>
      %add3A_1324 = arith.addf %get3A_1318, %get3A_1323 : vector<16xf32>
      %add3A_1325 = arith.constant 48 : i32
      %add3A_1326 = arith.addi %mul3A_1289, %add3A_1325 : i32
      %get3A_1327 = arith.index_cast %add3A_1326 : i32 to index
      %get3A_1328 = tpu.vector_load %arg7[%get3A_1327] {strides = array<i32>} : memref<2048xf32, #tpu.memory_space<vmem>>, vector<16xf32>,
      %get3A_1329 = vector.shape_cast %get3A_1328 : vector<16xf32> to vector<16xf32>
      %add3A_1330 = arith.constant 48 : i32
      %add3A_1331 = arith.addi %mul3A_1291, %add3A_1330 : i32
      %get3A_1332 = arith.index_cast %add3A_1331 : i32 to index
      %get3A_1333 = tpu.vector_load %arg8[%get3A_1332] {strides = array<i32>} : memref<4096xf32, #tpu.memory_space<vmem>>, vector<16xf32>,
      %get3A_1334 = vector.shape_cast %get3A_1333 : vector<16xf32> to vector<16xf32>
      %add3A_1335 = arith.addf %get3A_1329, %get3A_1334 : vector<16xf32>
      %add3A_1336 = arith.constant 64 : i32
      %add3A_1337 = arith.addi %mul3A_1289, %add3A_1336 : i32
      %get3A_1338 = arith.index_cast %add3A_1337 : i32 to index
      %get3A_1339 = tpu.vector_load %arg7[%get3A_1338] {strides = array<i32>} : memref<2048xf32, #tpu.memory_space<vmem>>, vector<16xf32>,
      %get3A_1340 = vector.shape_cast %get3A_1339 : vector<16xf32> to vector<16xf32>
      %add3A_1341 = arith.constant 64 : i32
      %add3A_1342 = arith.addi %mul3A_1291, %add3A_1341 : i32
      %get3A_1343 = arith.index_cast %add3A_1342 : i32 to index
      %get3A_1344 = tpu.vector_load %arg8[%get3A_1343] {strides = array<i32>} : memref<4096xf32, #tpu.memory_space<vmem>>, vector<16xf32>,
      %get3A_1345 = vector.shape_cast %get3A_1344 : vector<16xf32> to vector<16xf32>
      %add3A_1346 = arith.addf %get3A_1340, %get3A_1345 : vector<16xf32>
      %add3A_1347 = arith.constant 80 : i32
      %add3A_1348 = arith.addi %mul3A_1289, %add3A_1347 : i32
      %get3A_1349 = arith.index_cast %add3A_1348 : i32 to index
      %get3A_1350 = tpu.vector_load %arg7[%get3A_1349] {strides = array<i32>} : memref<2048xf32, #tpu.memory_space<vmem>>, vector<16xf32>,
      %get3A_1351 = vector.shape_cast %get3A_1350 : vector<16xf32> to vector<16xf32>
      %add3A_1352 = arith.constant 80 : i32
      %add3A_1353 = arith.addi %mul3A_1291, %add3A_1352 : i32
      %get3A_1354 = arith.index_cast %add3A_1353 : i32 to index
      %get3A_1355 = tpu.vector_load %arg8[%get3A_1354] {strides = array<i32>} : memref<4096xf32, #tpu.memory_space<vmem>>, vector<16xf32>,
      %get3A_1356 = vector.shape_cast %get3A_1355 : vector<16xf32> to vector<16xf32>
      %add3A_1357 = arith.addf %get3A_1351, %get3A_1356 : vector<16xf32>
      %add3A_1358 = arith.constant 96 : i32
      %add3A_1359 = arith.addi %mul3A_1289, %add3A_1358 : i32
      %get3A_1360 = arith.index_cast %add3A_1359 : i32 to index
      %get3A_1361 = tpu.vector_load %arg7[%get3A_1360] {strides = array<i32>} : memref<2048xf32, #tpu.memory_space<vmem>>, vector<16xf32>,
      %get3A_1362 = vector.shape_cast %get3A_1361 : vector<16xf32> to vector<16xf32>
      %add3A_1363 = arith.constant 96 : i32
      %add3A_1364 = arith.addi %mul3A_1291, %add3A_1363 : i32
      %get3A_1365 = arith.index_cast %add3A_1364 : i32 to index
      %get3A_1366 = tpu.vector_load %arg8[%get3A_1365] {strides = array<i32>} : memref<4096xf32, #tpu.memory_space<vmem>>, vector<16xf32>,
      %get3A_1367 = vector.shape_cast %get3A_1366 : vector<16xf32> to vector<16xf32>
      %add3A_1368 = arith.addf %get3A_1362, %get3A_1367 : vector<16xf32>
      %add3A_1369 = arith.constant 112 : i32
      %add3A_1370 = arith.addi %mul3A_1289, %add3A_1369 : i32
      %get3A_1371 = arith.index_cast %add3A_1370 : i32 to index
      %get3A_1372 = tpu.vector_load %arg7[%get3A_1371] {strides = array<i32>} : memref<2048xf32, #tpu.memory_space<vmem>>, vector<16xf32>,
      %get3A_1373 = vector.shape_cast %get3A_1372 : vector<16xf32> to vector<16xf32>
      %add3A_1374 = arith.constant 112 : i32
      %add3A_1375 = arith.addi %mul3A_1291, %add3A_1374 : i32
      %get3A_1376 = arith.index_cast %add3A_1375 : i32 to index
      %get3A_1377 = tpu.vector_load %arg8[%get3A_1376] {strides = array<i32>} : memref<4096xf32, #tpu.memory_space<vmem>>, vector<16xf32>,
      %get3A_1378 = vector.shape_cast %get3A_1377 : vector<16xf32> to vector<16xf32>
      %add3A_1379 = arith.addf %get3A_1373, %get3A_1378 : vector<16xf32>
      %scan3A_1380 = arith.constant 0 : i32
      %scan3A_1381 = arith.constant 0 : i32
      %scan3A_1382 = arith.constant 32 : i32
      %scan3A_1383 = arith.addi %scan3A_1381, %scan3A_1382 : i32
      %scan3A_1384 = arith.constant 1 : i32
      scf.for %scan3A_2699 = %scan3A_1381 to %scan3A_1383 step %scan3A_1384  : i32 {
        %mul3A_2700 = arith.constant 128 : i32
        %mul3A_2701 = arith.muli %scan3A_2699, %mul3A_2700 : i32
        %add3A_2702 = arith.constant 0 : i32
        %add3A_2703 = arith.addi %mul3A_2701, %add3A_2702 : i32
        %get3A_2704 = arith.index_cast %add3A_2703 : i32 to index
        %get3A_2705 = tpu.vector_load %arg9[%get3A_2704] {strides = array<i32>} : memref<4096xf32, #tpu.memory_space<vmem>>, vector<16xf32>,
        %get3A_2706 = vector.shape_cast %get3A_2705 : vector<16xf32> to vector<16xf32>
        %add3A_2707 = arith.constant 0 : i32
        %add3A_2708 = arith.addi %add3A_2707, %add3A_2703 : i32
        %add3A_2709 = arith.addf %get3A_2706, %add3A_1152 : vector<16xf32>
        %swap3A = arith.index_cast %add3A_2708 : i32 to index
        %swap3A_2710 = tpu.vector_load %arg13[%swap3A] {strides = array<i32>} : memref<8192xf32, #tpu.memory_space<vmem>>, vector<16xf32>,
        %swap3A_2711 = vector.shape_cast %swap3A_2710 : vector<16xf32> to vector<16xf32>
        %swap3A_2712 = vector.shape_cast %add3A_2709 : vector<16xf32> to vector<16xf32>
        tpu.vector_store %arg13[%swap3A], %swap3A_2712 {add = true, strides = array<i32>} : memref<8192xf32, #tpu.memory_space<vmem>>, vector<16xf32>,
        %add3A_2713 = arith.constant 4096 : i32
        %add3A_2714 = arith.addi %add3A_2713, %add3A_2703 : i32
        %add3A_2715 = arith.addf %get3A_2706, %add3A_1302 : vector<16xf32>
        %swap3A_2716 = arith.index_cast %add3A_2714 : i32 to index
        %swap3A_2717 = tpu.vector_load %arg13[%swap3A_2716] {strides = array<i32>} : memref<8192xf32, #tpu.memory_space<vmem>>, vector<16xf32>,
        %swap3A_2718 = vector.shape_cast %swap3A_2717 : vector<16xf32> to vector<16xf32>
        %swap3A_2719 = vector.shape_cast %add3A_2715 : vector<16xf32> to vector<16xf32>
        tpu.vector_store %arg13[%swap3A_2716], %swap3A_2719 {add = true, strides = array<i32>} : memref<8192xf32, #tpu.memory_space<vmem>>, vector<16xf32>,
        %add3A_2720 = arith.constant 16 : i32
        %add3A_2721 = arith.addi %mul3A_2701, %add3A_2720 : i32
        %get3A_2722 = arith.index_cast %add3A_2721 : i32 to index
        %get3A_2723 = tpu.vector_load %arg9[%get3A_2722] {strides = array<i32>} : memref<4096xf32, #tpu.memory_space<vmem>>, vector<16xf32>,
        %get3A_2724 = vector.shape_cast %get3A_2723 : vector<16xf32> to vector<16xf32>
        %add3A_2725 = arith.constant 0 : i32
        %add3A_2726 = arith.addi %add3A_2725, %add3A_2721 : i32
        %add3A_2727 = arith.addf %get3A_2724, %add3A_1163 : vector<16xf32>
        %swap3A_2728 = arith.index_cast %add3A_2726 : i32 to index
        %swap3A_2729 = tpu.vector_load %arg13[%swap3A_2728] {strides = array<i32>} : memref<8192xf32, #tpu.memory_space<vmem>>, vector<16xf32>,
        %swap3A_2730 = vector.shape_cast %swap3A_2729 : vector<16xf32> to vector<16xf32>
        %swap3A_2731 = vector.shape_cast %add3A_2727 : vector<16xf32> to vector<16xf32>
        tpu.vector_store %arg13[%swap3A_2728], %swap3A_2731 {add = true, strides = array<i32>} : memref<8192xf32, #tpu.memory_space<vmem>>, vector<16xf32>,
        %add3A_2732 = arith.constant 4096 : i32
        %add3A_2733 = arith.addi %add3A_2732, %add3A_2721 : i32
        %add3A_2734 = arith.addf %get3A_2724, %add3A_1313 : vector<16xf32>
        %swap3A_2735 = arith.index_cast %add3A_2733 : i32 to index
        %swap3A_2736 = tpu.vector_load %arg13[%swap3A_2735] {strides = array<i32>} : memref<8192xf32, #tpu.memory_space<vmem>>, vector<16xf32>,
        %swap3A_2737 = vector.shape_cast %swap3A_2736 : vector<16xf32> to vector<16xf32>
        %swap3A_2738 = vector.shape_cast %add3A_2734 : vector<16xf32> to vector<16xf32>
        tpu.vector_store %arg13[%swap3A_2735], %swap3A_2738 {add = true, strides = array<i32>} : memref<8192xf32, #tpu.memory_space<vmem>>, vector<16xf32>,
        %add3A_2739 = arith.constant 32 : i32
        %add3A_2740 = arith.addi %mul3A_2701, %add3A_2739 : i32
        %get3A_2741 = arith.index_cast %add3A_2740 : i32 to index
        %get3A_2742 = tpu.vector_load %arg9[%get3A_2741] {strides = array<i32>} : memref<4096xf32, #tpu.memory_space<vmem>>, vector<16xf32>,
        %get3A_2743 = vector.shape_cast %get3A_2742 : vector<16xf32> to vector<16xf32>
        %add3A_2744 = arith.constant 0 : i32
        %add3A_2745 = arith.addi %add3A_2744, %add3A_2740 : i32
        %add3A_2746 = arith.addf %get3A_2743, %add3A_1174 : vector<16xf32>
        %swap3A_2747 = arith.index_cast %add3A_2745 : i32 to index
        %swap3A_2748 = tpu.vector_load %arg13[%swap3A_2747] {strides = array<i32>} : memref<8192xf32, #tpu.memory_space<vmem>>, vector<16xf32>,
        %swap3A_2749 = vector.shape_cast %swap3A_2748 : vector<16xf32> to vector<16xf32>
        %swap3A_2750 = vector.shape_cast %add3A_2746 : vector<16xf32> to vector<16xf32>
        tpu.vector_store %arg13[%swap3A_2747], %swap3A_2750 {add = true, strides = array<i32>} : memref<8192xf32, #tpu.memory_space<vmem>>, vector<16xf32>,
        %add3A_2751 = arith.constant 4096 : i32
        %add3A_2752 = arith.addi %add3A_2751, %add3A_2740 : i32
        %add3A_2753 = arith.addf %get3A_2743, %add3A_1324 : vector<16xf32>
        %swap3A_2754 = arith.index_cast %add3A_2752 : i32 to index
        %swap3A_2755 = tpu.vector_load %arg13[%swap3A_2754] {strides = array<i32>} : memref<8192xf32, #tpu.memory_space<vmem>>, vector<16xf32>,
        %swap3A_2756 = vector.shape_cast %swap3A_2755 : vector<16xf32> to vector<16xf32>
        %swap3A_2757 = vector.shape_cast %add3A_2753 : vector<16xf32> to vector<16xf32>
        tpu.vector_store %arg13[%swap3A_2754], %swap3A_2757 {add = true, strides = array<i32>} : memref<8192xf32, #tpu.memory_space<vmem>>, vector<16xf32>,
        %add3A_2758 = arith.constant 48 : i32
        %add3A_2759 = arith.addi %mul3A_2701, %add3A_2758 : i32
        %get3A_2760 = arith.index_cast %add3A_2759 : i32 to index
        %get3A_2761 = tpu.vector_load %arg9[%get3A_2760] {strides = array<i32>} : memref<4096xf32, #tpu.memory_space<vmem>>, vector<16xf32>,
        %get3A_2762 = vector.shape_cast %get3A_2761 : vector<16xf32> to vector<16xf32>
        %add3A_2763 = arith.constant 0 : i32
        %add3A_2764 = arith.addi %add3A_2763, %add3A_2759 : i32
        %add3A_2765 = arith.addf %get3A_2762, %add3A_1185 : vector<16xf32>
        %swap3A_2766 = arith.index_cast %add3A_2764 : i32 to index
        %swap3A_2767 = tpu.vector_load %arg13[%swap3A_2766] {strides = array<i32>} : memref<8192xf32, #tpu.memory_space<vmem>>, vector<16xf32>,
        %swap3A_2768 = vector.shape_cast %swap3A_2767 : vector<16xf32> to vector<16xf32>
        %swap3A_2769 = vector.shape_cast %add3A_2765 : vector<16xf32> to vector<16xf32>
        tpu.vector_store %arg13[%swap3A_2766], %swap3A_2769 {add = true, strides = array<i32>} : memref<8192xf32, #tpu.memory_space<vmem>>, vector<16xf32>,
        %add3A_2770 = arith.constant 4096 : i32
        %add3A_2771 = arith.addi %add3A_2770, %add3A_2759 : i32
        %add3A_2772 = arith.addf %get3A_2762, %add3A_1335 : vector<16xf32>
        %swap3A_2773 = arith.index_cast %add3A_2771 : i32 to index
        %swap3A_2774 = tpu.vector_load %arg13[%swap3A_2773] {strides = array<i32>} : memref<8192xf32, #tpu.memory_space<vmem>>, vector<16xf32>,
        %swap3A_2775 = vector.shape_cast %swap3A_2774 : vector<16xf32> to vector<16xf32>
        %swap3A_2776 = vector.shape_cast %add3A_2772 : vector<16xf32> to vector<16xf32>
        tpu.vector_store %arg13[%swap3A_2773], %swap3A_2776 {add = true, strides = array<i32>} : memref<8192xf32, #tpu.memory_space<vmem>>, vector<16xf32>,
        %add3A_2777 = arith.constant 64 : i32
        %add3A_2778 = arith.addi %mul3A_2701, %add3A_2777 : i32
        %get3A_2779 = arith.index_cast %add3A_2778 : i32 to index
        %get3A_2780 = tpu.vector_load %arg9[%get3A_2779] {strides = array<i32>} : memref<4096xf32, #tpu.memory_space<vmem>>, vector<16xf32>,
        %get3A_2781 = vector.shape_cast %get3A_2780 : vector<16xf32> to vector<16xf32>
        %add3A_2782 = arith.constant 0 : i32
        %add3A_2783 = arith.addi %add3A_2782, %add3A_2778 : i32
        %add3A_2784 = arith.addf %get3A_2781, %add3A_1196 : vector<16xf32>
        %swap3A_2785 = arith.index_cast %add3A_2783 : i32 to index
        %swap3A_2786 = tpu.vector_load %arg13[%swap3A_2785] {strides = array<i32>} : memref<8192xf32, #tpu.memory_space<vmem>>, vector<16xf32>,
        %swap3A_2787 = vector.shape_cast %swap3A_2786 : vector<16xf32> to vector<16xf32>
        %swap3A_2788 = vector.shape_cast %add3A_2784 : vector<16xf32> to vector<16xf32>
        tpu.vector_store %arg13[%swap3A_2785], %swap3A_2788 {add = true, strides = array<i32>} : memref<8192xf32, #tpu.memory_space<vmem>>, vector<16xf32>,
        %add3A_2789 = arith.constant 4096 : i32
        %add3A_2790 = arith.addi %add3A_2789, %add3A_2778 : i32
        %add3A_2791 = arith.addf %get3A_2781, %add3A_1346 : vector<16xf32>
        %swap3A_2792 = arith.index_cast %add3A_2790 : i32 to index
        %swap3A_2793 = tpu.vector_load %arg13[%swap3A_2792] {strides = array<i32>} : memref<8192xf32, #tpu.memory_space<vmem>>, vector<16xf32>,
        %swap3A_2794 = vector.shape_cast %swap3A_2793 : vector<16xf32> to vector<16xf32>
        %swap3A_2795 = vector.shape_cast %add3A_2791 : vector<16xf32> to vector<16xf32>
        tpu.vector_store %arg13[%swap3A_2792], %swap3A_2795 {add = true, strides = array<i32>} : memref<8192xf32, #tpu.memory_space<vmem>>, vector<16xf32>,
        %add3A_2796 = arith.constant 80 : i32
        %add3A_2797 = arith.addi %mul3A_2701, %add3A_2796 : i32
        %get3A_2798 = arith.index_cast %add3A_2797 : i32 to index
        %get3A_2799 = tpu.vector_load %arg9[%get3A_2798] {strides = array<i32>} : memref<4096xf32, #tpu.memory_space<vmem>>, vector<16xf32>,
        %get3A_2800 = vector.shape_cast %get3A_2799 : vector<16xf32> to vector<16xf32>
        %add3A_2801 = arith.constant 0 : i32
        %add3A_2802 = arith.addi %add3A_2801, %add3A_2797 : i32
        %add3A_2803 = arith.addf %get3A_2800, %add3A_1207 : vector<16xf32>
        %swap3A_2804 = arith.index_cast %add3A_2802 : i32 to index
        %swap3A_2805 = tpu.vector_load %arg13[%swap3A_2804] {strides = array<i32>} : memref<8192xf32, #tpu.memory_space<vmem>>, vector<16xf32>,
        %swap3A_2806 = vector.shape_cast %swap3A_2805 : vector<16xf32> to vector<16xf32>
        %swap3A_2807 = vector.shape_cast %add3A_2803 : vector<16xf32> to vector<16xf32>
        tpu.vector_store %arg13[%swap3A_2804], %swap3A_2807 {add = true, strides = array<i32>} : memref<8192xf32, #tpu.memory_space<vmem>>, vector<16xf32>,
        %add3A_2808 = arith.constant 4096 : i32
        %add3A_2809 = arith.addi %add3A_2808, %add3A_2797 : i32
        %add3A_2810 = arith.addf %get3A_2800, %add3A_1357 : vector<16xf32>
        %swap3A_2811 = arith.index_cast %add3A_2809 : i32 to index
        %swap3A_2812 = tpu.vector_load %arg13[%swap3A_2811] {strides = array<i32>} : memref<8192xf32, #tpu.memory_space<vmem>>, vector<16xf32>,
        %swap3A_2813 = vector.shape_cast %swap3A_2812 : vector<16xf32> to vector<16xf32>
        %swap3A_2814 = vector.shape_cast %add3A_2810 : vector<16xf32> to vector<16xf32>
        tpu.vector_store %arg13[%swap3A_2811], %swap3A_2814 {add = true, strides = array<i32>} : memref<8192xf32, #tpu.memory_space<vmem>>, vector<16xf32>,
        %add3A_2815 = arith.constant 96 : i32
        %add3A_2816 = arith.addi %mul3A_2701, %add3A_2815 : i32
        %get3A_2817 = arith.index_cast %add3A_2816 : i32 to index
        %get3A_2818 = tpu.vector_load %arg9[%get3A_2817] {strides = array<i32>} : memref<4096xf32, #tpu.memory_space<vmem>>, vector<16xf32>,
        %get3A_2819 = vector.shape_cast %get3A_2818 : vector<16xf32> to vector<16xf32>
        %add3A_2820 = arith.constant 0 : i32
        %add3A_2821 = arith.addi %add3A_2820, %add3A_2816 : i32
        %add3A_2822 = arith.addf %get3A_2819, %add3A_1218 : vector<16xf32>
        %swap3A_2823 = arith.index_cast %add3A_2821 : i32 to index
        %swap3A_2824 = tpu.vector_load %arg13[%swap3A_2823] {strides = array<i32>} : memref<8192xf32, #tpu.memory_space<vmem>>, vector<16xf32>,
        %swap3A_2825 = vector.shape_cast %swap3A_2824 : vector<16xf32> to vector<16xf32>
        %swap3A_2826 = vector.shape_cast %add3A_2822 : vector<16xf32> to vector<16xf32>
        tpu.vector_store %arg13[%swap3A_2823], %swap3A_2826 {add = true, strides = array<i32>} : memref<8192xf32, #tpu.memory_space<vmem>>, vector<16xf32>,
        %add3A_2827 = arith.constant 4096 : i32
        %add3A_2828 = arith.addi %add3A_2827, %add3A_2816 : i32
        %add3A_2829 = arith.addf %get3A_2819, %add3A_1368 : vector<16xf32>
        %swap3A_2830 = arith.index_cast %add3A_2828 : i32 to index
        %swap3A_2831 = tpu.vector_load %arg13[%swap3A_2830] {strides = array<i32>} : memref<8192xf32, #tpu.memory_space<vmem>>, vector<16xf32>,
        %swap3A_2832 = vector.shape_cast %swap3A_2831 : vector<16xf32> to vector<16xf32>
        %swap3A_2833 = vector.shape_cast %add3A_2829 : vector<16xf32> to vector<16xf32>
        tpu.vector_store %arg13[%swap3A_2830], %swap3A_2833 {add = true, strides = array<i32>} : memref<8192xf32, #tpu.memory_space<vmem>>, vector<16xf32>,
        %add3A_2834 = arith.constant 112 : i32
        %add3A_2835 = arith.addi %mul3A_2701, %add3A_2834 : i32
        %get3A_2836 = arith.index_cast %add3A_2835 : i32 to index
        %get3A_2837 = tpu.vector_load %arg9[%get3A_2836] {strides = array<i32>} : memref<4096xf32, #tpu.memory_space<vmem>>, vector<16xf32>,
        %get3A_2838 = vector.shape_cast %get3A_2837 : vector<16xf32> to vector<16xf32>
        %add3A_2839 = arith.constant 0 : i32
        %add3A_2840 = arith.addi %add3A_2839, %add3A_2835 : i32
        %add3A_2841 = arith.addf %get3A_2838, %add3A_1229 : vector<16xf32>
        %swap3A_2842 = arith.index_cast %add3A_2840 : i32 to index
        %swap3A_2843 = tpu.vector_load %arg13[%swap3A_2842] {strides = array<i32>} : memref<8192xf32, #tpu.memory_space<vmem>>, vector<16xf32>,
        %swap3A_2844 = vector.shape_cast %swap3A_2843 : vector<16xf32> to vector<16xf32>
        %swap3A_2845 = vector.shape_cast %add3A_2841 : vector<16xf32> to vector<16xf32>
        tpu.vector_store %arg13[%swap3A_2842], %swap3A_2845 {add = true, strides = array<i32>} : memref<8192xf32, #tpu.memory_space<vmem>>, vector<16xf32>,
        %add3A_2846 = arith.constant 4096 : i32
        %add3A_2847 = arith.addi %add3A_2846, %add3A_2835 : i32
        %add3A_2848 = arith.addf %get3A_2838, %add3A_1379 : vector<16xf32>
        %swap3A_2849 = arith.index_cast %add3A_2847 : i32 to index
        %swap3A_2850 = tpu.vector_load %arg13[%swap3A_2849] {strides = array<i32>} : memref<8192xf32, #tpu.memory_space<vmem>>, vector<16xf32>,
        %swap3A_2851 = vector.shape_cast %swap3A_2850 : vector<16xf32> to vector<16xf32>
        %swap3A_2852 = vector.shape_cast %add3A_2848 : vector<16xf32> to vector<16xf32>
        tpu.vector_store %arg13[%swap3A_2849], %swap3A_2852 {add = true, strides = array<i32>} : memref<8192xf32, #tpu.memory_space<vmem>>, vector<16xf32>,
      }
      %scan3A_1385 = arith.constant 32 : i32
      %dma_start3A_1386 = tpu.memref_slice %arg6[%mul3A_1077] : memref<33554432xf32, #tpu.memory_space<hbm>> -> memref<8192xf32, #tpu.memory_space<hbm>>
      %dma_start3A_1387 = tpu.memref_slice %arg6[%mul3A_1077] : memref<33554432xf32, #tpu.memory_space<hbm>> -> memref<8192xf32, #tpu.memory_space<hbm>>
      tpu.enqueue_dma source(%arg13 : memref<8192xf32, #tpu.memory_space<vmem>>) target(%dma_start3A_1387 : memref<8192xf32, #tpu.memory_space<hbm>>) target_semaphore(%arg29 : memref<!tpu.dma_semaphore, #tpu.memory_space<semaphore_mem>>)
      %add3A_1388 = arith.constant 6 : i32
      %add3A_1389 = arith.addi %add3A_1072, %add3A_1388 : i32
      %lt3A_1390 = arith.constant 15 : i32
      %lt3A_1391 = arith.cmpi slt, %scan3A_90, %lt3A_1390 : i32
      %convert_element_type3A_1392 = arith.extui %lt3A_1391 : i1 to i32
      %cond3A_1393 = arith.constant 0 : i32
      %cond3A_1394 = arith.cmpi ne, %convert_element_type3A_1392, %cond3A_1393 : i32
      scf.if %cond3A_1394 {
        %sub3A_2699 = arith.constant 8 : i32
        %sub3A_2700 = arith.subi %add3A_1389, %sub3A_2699 : i32
        %mul3A_2701 = arith.constant 2 : i32
        %mul3A_2702 = arith.muli %sub3A_2700, %mul3A_2701 : i32
        %add3A_2703 = arith.addi %mul3A_2, %mul3A_2702 : i32
        %mul3A_2704 = arith.constant 4096 : i32
        %mul3A_2705 = arith.muli %add3A_2703, %mul3A_2704 : i32
        %dma_wait3A_2706 = tpu.memref_slice %arg6[%mul3A_2705] : memref<33554432xf32, #tpu.memory_space<hbm>> -> memref<8192xf32, #tpu.memory_space<hbm>>
        %dma_wait3A_2707 = tpu.memref_slice %arg6[%mul3A_2705] : memref<33554432xf32, #tpu.memory_space<hbm>> -> memref<8192xf32, #tpu.memory_space<hbm>>
        tpu.wait_dma2 semaphore(%arg27 : memref<!tpu.dma_semaphore, #tpu.memory_space<semaphore_mem>>) src(%arg11 : memref<8192xf32, #tpu.memory_space<vmem>>) dst(%dma_wait3A_2707 : memref<8192xf32, #tpu.memory_space<hbm>>)
        %mul3A_2708 = arith.constant 2 : i32
        %mul3A_2709 = arith.muli %add3A_1389, %mul3A_2708 : i32
        %add3A_2710 = arith.addi %mul3A_2, %mul3A_2709 : i32
        %mul3A_2711 = arith.constant 4096 : i32
        %mul3A_2712 = arith.muli %add3A_2710, %mul3A_2711 : i32
        %dma_start3A_2713 = tpu.memref_slice %arg2[%mul3A_2712] : memref<33554432xf32, #tpu.memory_space<hbm>> -> memref<8192xf32, #tpu.memory_space<hbm>>
        %dma_start3A_2714 = tpu.memref_slice %arg2[%mul3A_2712] : memref<33554432xf32, #tpu.memory_space<hbm>> -> memref<8192xf32, #tpu.memory_space<hbm>>
        tpu.enqueue_dma source(%dma_start3A_2714 : memref<8192xf32, #tpu.memory_space<hbm>>) target(%arg11 : memref<8192xf32, #tpu.memory_space<vmem>>) target_semaphore(%arg19 : memref<!tpu.dma_semaphore, #tpu.memory_space<semaphore_mem>>)
      } else {
      }
      %mul3A_1395 = arith.constant 8 : i32
      %mul3A_1396 = arith.muli %scan3A_90, %mul3A_1395 : i32
      %add3A_1397 = arith.constant 4 : i32
      %add3A_1398 = arith.addi %mul3A_1396, %add3A_1397 : i32
      %mul3A_1399 = arith.constant 2 : i32
      %mul3A_1400 = arith.muli %add3A_1398, %mul3A_1399 : i32
      %add3A_1401 = arith.addi %mul3A_2, %mul3A_1400 : i32
      %mul3A_1402 = arith.constant 4096 : i32
      %mul3A_1403 = arith.muli %add3A_1401, %mul3A_1402 : i32
      %dma_wait3A_1404 = tpu.memref_slice %arg2[%mul3A_1403] : memref<33554432xf32, #tpu.memory_space<hbm>> -> memref<8192xf32, #tpu.memory_space<hbm>>
      %dma_wait3A_1405 = tpu.memref_slice %arg2[%mul3A_1403] : memref<33554432xf32, #tpu.memory_space<hbm>> -> memref<8192xf32, #tpu.memory_space<hbm>>
      tpu.wait_dma2 semaphore(%arg22 : memref<!tpu.dma_semaphore, #tpu.memory_space<semaphore_mem>>) src(%dma_wait3A_1405 : memref<8192xf32, #tpu.memory_space<hbm>>) dst(%arg14 : memref<8192xf32, #tpu.memory_space<vmem>>)
      %add3A_1406 = arith.constant 0 : i32
      %add3A_1407 = arith.addi %add3A_1401, %add3A_1406 : i32
      %jit3A_1408 = arith.constant 512 : i32
      %eq3A_1409 = arith.constant 0 : i32
      %eq3A_1410 = arith.cmpi eq, %jit3A_1408, %eq3A_1409 : i32
      %jit3A_1411 = arith.constant 1 : i32
      %select_n3A_1412 = arith.select %eq3A_1410, %jit3A_1411, %jit3A_1408 : i32
      %rem3A_1413 = arith.remsi %add3A_1407, %select_n3A_1412 : i32
      %ne3A_1414 = arith.constant 0 : i32
      %ne3A_1415 = arith.cmpi ne, %rem3A_1413, %ne3A_1414 : i32
      %lt3A_1416 = arith.constant 0 : i32
      %lt3A_1417 = arith.cmpi slt, %rem3A_1413, %lt3A_1416 : i32
      %lt3A_1418 = arith.constant 0 : i32
      %lt3A_1419 = arith.cmpi slt, %select_n3A_1412, %lt3A_1418 : i32
      %ne3A_1420 = arith.xori %lt3A_1417, %lt3A_1419 : i1
      %and3A_1421 = arith.andi %ne3A_1420, %ne3A_1415 : i1
      %add3A_1422 = arith.addi %rem3A_1413, %select_n3A_1412 : i32
      %select_n3A_1423 = arith.select %and3A_1421, %add3A_1422, %rem3A_1413 : i32
      %jit3A_1424 = arith.constant 32 : i32
      %div3A_1425 = arith.divsi %select_n3A_1423, %jit3A_1424 : i32
      %sign3A_1426 = arith.constant 0 : i32
      %sign3A_1427 = arith.cmpi sgt, %select_n3A_1423, %sign3A_1426 : i32
      %sign3A_1428 = arith.extui %sign3A_1427 : i1 to i32
      %sign3A_1429 = arith.constant 0 : i32
      %sign3A_1430 = arith.cmpi slt, %select_n3A_1423, %sign3A_1429 : i32
      %sign3A_1431 = arith.extui %sign3A_1430 : i1 to i32
      %sign3A_1432 = arith.subi %sign3A_1428, %sign3A_1431 : i32
      %sign3A_1433 = arith.constant 0 : i32
      %sign3A_1434 = arith.cmpi sgt, %jit3A_1424, %sign3A_1433 : i32
      %sign3A_1435 = arith.extui %sign3A_1434 : i1 to i32
      %sign3A_1436 = arith.constant 0 : i32
      %sign3A_1437 = arith.cmpi slt, %jit3A_1424, %sign3A_1436 : i32
      %sign3A_1438 = arith.extui %sign3A_1437 : i1 to i32
      %sign3A_1439 = arith.subi %sign3A_1435, %sign3A_1438 : i32
      %ne3A_1440 = arith.cmpi ne, %sign3A_1432, %sign3A_1439 : i32
      %rem3A_1441 = arith.remsi %select_n3A_1423, %jit3A_1424 : i32
      %ne3A_1442 = arith.constant 0 : i32
      %ne3A_1443 = arith.cmpi ne, %rem3A_1441, %ne3A_1442 : i32
      %and3A_1444 = arith.andi %ne3A_1440, %ne3A_1443 : i1
      %sub3A_1445 = arith.constant 1 : i32
      %sub3A_1446 = arith.subi %div3A_1425, %sub3A_1445 : i32
      %select_n3A_1447 = arith.select %and3A_1444, %sub3A_1446, %div3A_1425 : i32
      %jit3A_1448 = arith.constant 32 : i32
      %eq3A_1449 = arith.constant 0 : i32
      %eq3A_1450 = arith.cmpi eq, %jit3A_1448, %eq3A_1449 : i32
      %jit3A_1451 = arith.constant 1 : i32
      %select_n3A_1452 = arith.select %eq3A_1450, %jit3A_1451, %jit3A_1448 : i32
      %rem3A_1453 = arith.remsi %select_n3A_1423, %select_n3A_1452 : i32
      %ne3A_1454 = arith.constant 0 : i32
      %ne3A_1455 = arith.cmpi ne, %rem3A_1453, %ne3A_1454 : i32
      %lt3A_1456 = arith.constant 0 : i32
      %lt3A_1457 = arith.cmpi slt, %rem3A_1453, %lt3A_1456 : i32
      %lt3A_1458 = arith.constant 0 : i32
      %lt3A_1459 = arith.cmpi slt, %select_n3A_1452, %lt3A_1458 : i32
      %ne3A_1460 = arith.xori %lt3A_1457, %lt3A_1459 : i1
      %and3A_1461 = arith.andi %ne3A_1460, %ne3A_1455 : i1
      %add3A_1462 = arith.addi %rem3A_1453, %select_n3A_1452 : i32
      %select_n3A_1463 = arith.select %and3A_1461, %add3A_1462, %rem3A_1453 : i32
      %mul3A_1464 = arith.constant 128 : i32
      %mul3A_1465 = arith.muli %select_n3A_1447, %mul3A_1464 : i32
      %mul3A_1466 = arith.constant 128 : i32
      %mul3A_1467 = arith.muli %select_n3A_1463, %mul3A_1466 : i32
      %add3A_1468 = arith.constant 0 : i32
      %add3A_1469 = arith.addi %mul3A_1465, %add3A_1468 : i32
      %get3A_1470 = arith.index_cast %add3A_1469 : i32 to index
      %get3A_1471 = tpu.vector_load %arg7[%get3A_1470] {strides = array<i32>} : memref<2048xf32, #tpu.memory_space<vmem>>, vector<16xf32>,
      %get3A_1472 = vector.shape_cast %get3A_1471 : vector<16xf32> to vector<16xf32>
      %add3A_1473 = arith.constant 0 : i32
      %add3A_1474 = arith.addi %mul3A_1467, %add3A_1473 : i32
      %get3A_1475 = arith.index_cast %add3A_1474 : i32 to index
      %get3A_1476 = tpu.vector_load %arg8[%get3A_1475] {strides = array<i32>} : memref<4096xf32, #tpu.memory_space<vmem>>, vector<16xf32>,
      %get3A_1477 = vector.shape_cast %get3A_1476 : vector<16xf32> to vector<16xf32>
      %add3A_1478 = arith.addf %get3A_1472, %get3A_1477 : vector<16xf32>
      %add3A_1479 = arith.constant 16 : i32
      %add3A_1480 = arith.addi %mul3A_1465, %add3A_1479 : i32
      %get3A_1481 = arith.index_cast %add3A_1480 : i32 to index
      %get3A_1482 = tpu.vector_load %arg7[%get3A_1481] {strides = array<i32>} : memref<2048xf32, #tpu.memory_space<vmem>>, vector<16xf32>,
      %get3A_1483 = vector.shape_cast %get3A_1482 : vector<16xf32> to vector<16xf32>
      %add3A_1484 = arith.constant 16 : i32
      %add3A_1485 = arith.addi %mul3A_1467, %add3A_1484 : i32
      %get3A_1486 = arith.index_cast %add3A_1485 : i32 to index
      %get3A_1487 = tpu.vector_load %arg8[%get3A_1486] {strides = array<i32>} : memref<4096xf32, #tpu.memory_space<vmem>>, vector<16xf32>,
      %get3A_1488 = vector.shape_cast %get3A_1487 : vector<16xf32> to vector<16xf32>
      %add3A_1489 = arith.addf %get3A_1483, %get3A_1488 : vector<16xf32>
      %add3A_1490 = arith.constant 32 : i32
      %add3A_1491 = arith.addi %mul3A_1465, %add3A_1490 : i32
      %get3A_1492 = arith.index_cast %add3A_1491 : i32 to index
      %get3A_1493 = tpu.vector_load %arg7[%get3A_1492] {strides = array<i32>} : memref<2048xf32, #tpu.memory_space<vmem>>, vector<16xf32>,
      %get3A_1494 = vector.shape_cast %get3A_1493 : vector<16xf32> to vector<16xf32>
      %add3A_1495 = arith.constant 32 : i32
      %add3A_1496 = arith.addi %mul3A_1467, %add3A_1495 : i32
      %get3A_1497 = arith.index_cast %add3A_1496 : i32 to index
      %get3A_1498 = tpu.vector_load %arg8[%get3A_1497] {strides = array<i32>} : memref<4096xf32, #tpu.memory_space<vmem>>, vector<16xf32>,
      %get3A_1499 = vector.shape_cast %get3A_1498 : vector<16xf32> to vector<16xf32>
      %add3A_1500 = arith.addf %get3A_1494, %get3A_1499 : vector<16xf32>
      %add3A_1501 = arith.constant 48 : i32
      %add3A_1502 = arith.addi %mul3A_1465, %add3A_1501 : i32
      %get3A_1503 = arith.index_cast %add3A_1502 : i32 to index
      %get3A_1504 = tpu.vector_load %arg7[%get3A_1503] {strides = array<i32>} : memref<2048xf32, #tpu.memory_space<vmem>>, vector<16xf32>,
      %get3A_1505 = vector.shape_cast %get3A_1504 : vector<16xf32> to vector<16xf32>
      %add3A_1506 = arith.constant 48 : i32
      %add3A_1507 = arith.addi %mul3A_1467, %add3A_1506 : i32
      %get3A_1508 = arith.index_cast %add3A_1507 : i32 to index
      %get3A_1509 = tpu.vector_load %arg8[%get3A_1508] {strides = array<i32>} : memref<4096xf32, #tpu.memory_space<vmem>>, vector<16xf32>,
      %get3A_1510 = vector.shape_cast %get3A_1509 : vector<16xf32> to vector<16xf32>
      %add3A_1511 = arith.addf %get3A_1505, %get3A_1510 : vector<16xf32>
      %add3A_1512 = arith.constant 64 : i32
      %add3A_1513 = arith.addi %mul3A_1465, %add3A_1512 : i32
      %get3A_1514 = arith.index_cast %add3A_1513 : i32 to index
      %get3A_1515 = tpu.vector_load %arg7[%get3A_1514] {strides = array<i32>} : memref<2048xf32, #tpu.memory_space<vmem>>, vector<16xf32>,
      %get3A_1516 = vector.shape_cast %get3A_1515 : vector<16xf32> to vector<16xf32>
      %add3A_1517 = arith.constant 64 : i32
      %add3A_1518 = arith.addi %mul3A_1467, %add3A_1517 : i32
      %get3A_1519 = arith.index_cast %add3A_1518 : i32 to index
      %get3A_1520 = tpu.vector_load %arg8[%get3A_1519] {strides = array<i32>} : memref<4096xf32, #tpu.memory_space<vmem>>, vector<16xf32>,
      %get3A_1521 = vector.shape_cast %get3A_1520 : vector<16xf32> to vector<16xf32>
      %add3A_1522 = arith.addf %get3A_1516, %get3A_1521 : vector<16xf32>
      %add3A_1523 = arith.constant 80 : i32
      %add3A_1524 = arith.addi %mul3A_1465, %add3A_1523 : i32
      %get3A_1525 = arith.index_cast %add3A_1524 : i32 to index
      %get3A_1526 = tpu.vector_load %arg7[%get3A_1525] {strides = array<i32>} : memref<2048xf32, #tpu.memory_space<vmem>>, vector<16xf32>,
      %get3A_1527 = vector.shape_cast %get3A_1526 : vector<16xf32> to vector<16xf32>
      %add3A_1528 = arith.constant 80 : i32
      %add3A_1529 = arith.addi %mul3A_1467, %add3A_1528 : i32
      %get3A_1530 = arith.index_cast %add3A_1529 : i32 to index
      %get3A_1531 = tpu.vector_load %arg8[%get3A_1530] {strides = array<i32>} : memref<4096xf32, #tpu.memory_space<vmem>>, vector<16xf32>,
      %get3A_1532 = vector.shape_cast %get3A_1531 : vector<16xf32> to vector<16xf32>
      %add3A_1533 = arith.addf %get3A_1527, %get3A_1532 : vector<16xf32>
      %add3A_1534 = arith.constant 96 : i32
      %add3A_1535 = arith.addi %mul3A_1465, %add3A_1534 : i32
      %get3A_1536 = arith.index_cast %add3A_1535 : i32 to index
      %get3A_1537 = tpu.vector_load %arg7[%get3A_1536] {strides = array<i32>} : memref<2048xf32, #tpu.memory_space<vmem>>, vector<16xf32>,
      %get3A_1538 = vector.shape_cast %get3A_1537 : vector<16xf32> to vector<16xf32>
      %add3A_1539 = arith.constant 96 : i32
      %add3A_1540 = arith.addi %mul3A_1467, %add3A_1539 : i32
      %get3A_1541 = arith.index_cast %add3A_1540 : i32 to index
      %get3A_1542 = tpu.vector_load %arg8[%get3A_1541] {strides = array<i32>} : memref<4096xf32, #tpu.memory_space<vmem>>, vector<16xf32>,
      %get3A_1543 = vector.shape_cast %get3A_1542 : vector<16xf32> to vector<16xf32>
      %add3A_1544 = arith.addf %get3A_1538, %get3A_1543 : vector<16xf32>
      %add3A_1545 = arith.constant 112 : i32
      %add3A_1546 = arith.addi %mul3A_1465, %add3A_1545 : i32
      %get3A_1547 = arith.index_cast %add3A_1546 : i32 to index
      %get3A_1548 = tpu.vector_load %arg7[%get3A_1547] {strides = array<i32>} : memref<2048xf32, #tpu.memory_space<vmem>>, vector<16xf32>,
      %get3A_1549 = vector.shape_cast %get3A_1548 : vector<16xf32> to vector<16xf32>
      %add3A_1550 = arith.constant 112 : i32
      %add3A_1551 = arith.addi %mul3A_1467, %add3A_1550 : i32
      %get3A_1552 = arith.index_cast %add3A_1551 : i32 to index
      %get3A_1553 = tpu.vector_load %arg8[%get3A_1552] {strides = array<i32>} : memref<4096xf32, #tpu.memory_space<vmem>>, vector<16xf32>,
      %get3A_1554 = vector.shape_cast %get3A_1553 : vector<16xf32> to vector<16xf32>
      %add3A_1555 = arith.addf %get3A_1549, %get3A_1554 : vector<16xf32>
      %add3A_1556 = arith.constant 1 : i32
      %add3A_1557 = arith.addi %add3A_1401, %add3A_1556 : i32
      %jit3A_1558 = arith.constant 512 : i32
      %eq3A_1559 = arith.constant 0 : i32
      %eq3A_1560 = arith.cmpi eq, %jit3A_1558, %eq3A_1559 : i32
      %jit3A_1561 = arith.constant 1 : i32
      %select_n3A_1562 = arith.select %eq3A_1560, %jit3A_1561, %jit3A_1558 : i32
      %rem3A_1563 = arith.remsi %add3A_1557, %select_n3A_1562 : i32
      %ne3A_1564 = arith.constant 0 : i32
      %ne3A_1565 = arith.cmpi ne, %rem3A_1563, %ne3A_1564 : i32
      %lt3A_1566 = arith.constant 0 : i32
      %lt3A_1567 = arith.cmpi slt, %rem3A_1563, %lt3A_1566 : i32
      %lt3A_1568 = arith.constant 0 : i32
      %lt3A_1569 = arith.cmpi slt, %select_n3A_1562, %lt3A_1568 : i32
      %ne3A_1570 = arith.xori %lt3A_1567, %lt3A_1569 : i1
      %and3A_1571 = arith.andi %ne3A_1570, %ne3A_1565 : i1
      %add3A_1572 = arith.addi %rem3A_1563, %select_n3A_1562 : i32
      %select_n3A_1573 = arith.select %and3A_1571, %add3A_1572, %rem3A_1563 : i32
      %jit3A_1574 = arith.constant 32 : i32
      %div3A_1575 = arith.divsi %select_n3A_1573, %jit3A_1574 : i32
      %sign3A_1576 = arith.constant 0 : i32
      %sign3A_1577 = arith.cmpi sgt, %select_n3A_1573, %sign3A_1576 : i32
      %sign3A_1578 = arith.extui %sign3A_1577 : i1 to i32
      %sign3A_1579 = arith.constant 0 : i32
      %sign3A_1580 = arith.cmpi slt, %select_n3A_1573, %sign3A_1579 : i32
      %sign3A_1581 = arith.extui %sign3A_1580 : i1 to i32
      %sign3A_1582 = arith.subi %sign3A_1578, %sign3A_1581 : i32
      %sign3A_1583 = arith.constant 0 : i32
      %sign3A_1584 = arith.cmpi sgt, %jit3A_1574, %sign3A_1583 : i32
      %sign3A_1585 = arith.extui %sign3A_1584 : i1 to i32
      %sign3A_1586 = arith.constant 0 : i32
      %sign3A_1587 = arith.cmpi slt, %jit3A_1574, %sign3A_1586 : i32
      %sign3A_1588 = arith.extui %sign3A_1587 : i1 to i32
      %sign3A_1589 = arith.subi %sign3A_1585, %sign3A_1588 : i32
      %ne3A_1590 = arith.cmpi ne, %sign3A_1582, %sign3A_1589 : i32
      %rem3A_1591 = arith.remsi %select_n3A_1573, %jit3A_1574 : i32
      %ne3A_1592 = arith.constant 0 : i32
      %ne3A_1593 = arith.cmpi ne, %rem3A_1591, %ne3A_1592 : i32
      %and3A_1594 = arith.andi %ne3A_1590, %ne3A_1593 : i1
      %sub3A_1595 = arith.constant 1 : i32
      %sub3A_1596 = arith.subi %div3A_1575, %sub3A_1595 : i32
      %select_n3A_1597 = arith.select %and3A_1594, %sub3A_1596, %div3A_1575 : i32
      %jit3A_1598 = arith.constant 32 : i32
      %eq3A_1599 = arith.constant 0 : i32
      %eq3A_1600 = arith.cmpi eq, %jit3A_1598, %eq3A_1599 : i32
      %jit3A_1601 = arith.constant 1 : i32
      %select_n3A_1602 = arith.select %eq3A_1600, %jit3A_1601, %jit3A_1598 : i32
      %rem3A_1603 = arith.remsi %select_n3A_1573, %select_n3A_1602 : i32
      %ne3A_1604 = arith.constant 0 : i32
      %ne3A_1605 = arith.cmpi ne, %rem3A_1603, %ne3A_1604 : i32
      %lt3A_1606 = arith.constant 0 : i32
      %lt3A_1607 = arith.cmpi slt, %rem3A_1603, %lt3A_1606 : i32
      %lt3A_1608 = arith.constant 0 : i32
      %lt3A_1609 = arith.cmpi slt, %select_n3A_1602, %lt3A_1608 : i32
      %ne3A_1610 = arith.xori %lt3A_1607, %lt3A_1609 : i1
      %and3A_1611 = arith.andi %ne3A_1610, %ne3A_1605 : i1
      %add3A_1612 = arith.addi %rem3A_1603, %select_n3A_1602 : i32
      %select_n3A_1613 = arith.select %and3A_1611, %add3A_1612, %rem3A_1603 : i32
      %mul3A_1614 = arith.constant 128 : i32
      %mul3A_1615 = arith.muli %select_n3A_1597, %mul3A_1614 : i32
      %mul3A_1616 = arith.constant 128 : i32
      %mul3A_1617 = arith.muli %select_n3A_1613, %mul3A_1616 : i32
      %add3A_1618 = arith.constant 0 : i32
      %add3A_1619 = arith.addi %mul3A_1615, %add3A_1618 : i32
      %get3A_1620 = arith.index_cast %add3A_1619 : i32 to index
      %get3A_1621 = tpu.vector_load %arg7[%get3A_1620] {strides = array<i32>} : memref<2048xf32, #tpu.memory_space<vmem>>, vector<16xf32>,
      %get3A_1622 = vector.shape_cast %get3A_1621 : vector<16xf32> to vector<16xf32>
      %add3A_1623 = arith.constant 0 : i32
      %add3A_1624 = arith.addi %mul3A_1617, %add3A_1623 : i32
      %get3A_1625 = arith.index_cast %add3A_1624 : i32 to index
      %get3A_1626 = tpu.vector_load %arg8[%get3A_1625] {strides = array<i32>} : memref<4096xf32, #tpu.memory_space<vmem>>, vector<16xf32>,
      %get3A_1627 = vector.shape_cast %get3A_1626 : vector<16xf32> to vector<16xf32>
      %add3A_1628 = arith.addf %get3A_1622, %get3A_1627 : vector<16xf32>
      %add3A_1629 = arith.constant 16 : i32
      %add3A_1630 = arith.addi %mul3A_1615, %add3A_1629 : i32
      %get3A_1631 = arith.index_cast %add3A_1630 : i32 to index
      %get3A_1632 = tpu.vector_load %arg7[%get3A_1631] {strides = array<i32>} : memref<2048xf32, #tpu.memory_space<vmem>>, vector<16xf32>,
      %get3A_1633 = vector.shape_cast %get3A_1632 : vector<16xf32> to vector<16xf32>
      %add3A_1634 = arith.constant 16 : i32
      %add3A_1635 = arith.addi %mul3A_1617, %add3A_1634 : i32
      %get3A_1636 = arith.index_cast %add3A_1635 : i32 to index
      %get3A_1637 = tpu.vector_load %arg8[%get3A_1636] {strides = array<i32>} : memref<4096xf32, #tpu.memory_space<vmem>>, vector<16xf32>,
      %get3A_1638 = vector.shape_cast %get3A_1637 : vector<16xf32> to vector<16xf32>
      %add3A_1639 = arith.addf %get3A_1633, %get3A_1638 : vector<16xf32>
      %add3A_1640 = arith.constant 32 : i32
      %add3A_1641 = arith.addi %mul3A_1615, %add3A_1640 : i32
      %get3A_1642 = arith.index_cast %add3A_1641 : i32 to index
      %get3A_1643 = tpu.vector_load %arg7[%get3A_1642] {strides = array<i32>} : memref<2048xf32, #tpu.memory_space<vmem>>, vector<16xf32>,
      %get3A_1644 = vector.shape_cast %get3A_1643 : vector<16xf32> to vector<16xf32>
      %add3A_1645 = arith.constant 32 : i32
      %add3A_1646 = arith.addi %mul3A_1617, %add3A_1645 : i32
      %get3A_1647 = arith.index_cast %add3A_1646 : i32 to index
      %get3A_1648 = tpu.vector_load %arg8[%get3A_1647] {strides = array<i32>} : memref<4096xf32, #tpu.memory_space<vmem>>, vector<16xf32>,
      %get3A_1649 = vector.shape_cast %get3A_1648 : vector<16xf32> to vector<16xf32>
      %add3A_1650 = arith.addf %get3A_1644, %get3A_1649 : vector<16xf32>
      %add3A_1651 = arith.constant 48 : i32
      %add3A_1652 = arith.addi %mul3A_1615, %add3A_1651 : i32
      %get3A_1653 = arith.index_cast %add3A_1652 : i32 to index
      %get3A_1654 = tpu.vector_load %arg7[%get3A_1653] {strides = array<i32>} : memref<2048xf32, #tpu.memory_space<vmem>>, vector<16xf32>,
      %get3A_1655 = vector.shape_cast %get3A_1654 : vector<16xf32> to vector<16xf32>
      %add3A_1656 = arith.constant 48 : i32
      %add3A_1657 = arith.addi %mul3A_1617, %add3A_1656 : i32
      %get3A_1658 = arith.index_cast %add3A_1657 : i32 to index
      %get3A_1659 = tpu.vector_load %arg8[%get3A_1658] {strides = array<i32>} : memref<4096xf32, #tpu.memory_space<vmem>>, vector<16xf32>,
      %get3A_1660 = vector.shape_cast %get3A_1659 : vector<16xf32> to vector<16xf32>
      %add3A_1661 = arith.addf %get3A_1655, %get3A_1660 : vector<16xf32>
      %add3A_1662 = arith.constant 64 : i32
      %add3A_1663 = arith.addi %mul3A_1615, %add3A_1662 : i32
      %get3A_1664 = arith.index_cast %add3A_1663 : i32 to index
      %get3A_1665 = tpu.vector_load %arg7[%get3A_1664] {strides = array<i32>} : memref<2048xf32, #tpu.memory_space<vmem>>, vector<16xf32>,
      %get3A_1666 = vector.shape_cast %get3A_1665 : vector<16xf32> to vector<16xf32>
      %add3A_1667 = arith.constant 64 : i32
      %add3A_1668 = arith.addi %mul3A_1617, %add3A_1667 : i32
      %get3A_1669 = arith.index_cast %add3A_1668 : i32 to index
      %get3A_1670 = tpu.vector_load %arg8[%get3A_1669] {strides = array<i32>} : memref<4096xf32, #tpu.memory_space<vmem>>, vector<16xf32>,
      %get3A_1671 = vector.shape_cast %get3A_1670 : vector<16xf32> to vector<16xf32>
      %add3A_1672 = arith.addf %get3A_1666, %get3A_1671 : vector<16xf32>
      %add3A_1673 = arith.constant 80 : i32
      %add3A_1674 = arith.addi %mul3A_1615, %add3A_1673 : i32
      %get3A_1675 = arith.index_cast %add3A_1674 : i32 to index
      %get3A_1676 = tpu.vector_load %arg7[%get3A_1675] {strides = array<i32>} : memref<2048xf32, #tpu.memory_space<vmem>>, vector<16xf32>,
      %get3A_1677 = vector.shape_cast %get3A_1676 : vector<16xf32> to vector<16xf32>
      %add3A_1678 = arith.constant 80 : i32
      %add3A_1679 = arith.addi %mul3A_1617, %add3A_1678 : i32
      %get3A_1680 = arith.index_cast %add3A_1679 : i32 to index
      %get3A_1681 = tpu.vector_load %arg8[%get3A_1680] {strides = array<i32>} : memref<4096xf32, #tpu.memory_space<vmem>>, vector<16xf32>,
      %get3A_1682 = vector.shape_cast %get3A_1681 : vector<16xf32> to vector<16xf32>
      %add3A_1683 = arith.addf %get3A_1677, %get3A_1682 : vector<16xf32>
      %add3A_1684 = arith.constant 96 : i32
      %add3A_1685 = arith.addi %mul3A_1615, %add3A_1684 : i32
      %get3A_1686 = arith.index_cast %add3A_1685 : i32 to index
      %get3A_1687 = tpu.vector_load %arg7[%get3A_1686] {strides = array<i32>} : memref<2048xf32, #tpu.memory_space<vmem>>, vector<16xf32>,
      %get3A_1688 = vector.shape_cast %get3A_1687 : vector<16xf32> to vector<16xf32>
      %add3A_1689 = arith.constant 96 : i32
      %add3A_1690 = arith.addi %mul3A_1617, %add3A_1689 : i32
      %get3A_1691 = arith.index_cast %add3A_1690 : i32 to index
      %get3A_1692 = tpu.vector_load %arg8[%get3A_1691] {strides = array<i32>} : memref<4096xf32, #tpu.memory_space<vmem>>, vector<16xf32>,
      %get3A_1693 = vector.shape_cast %get3A_1692 : vector<16xf32> to vector<16xf32>
      %add3A_1694 = arith.addf %get3A_1688, %get3A_1693 : vector<16xf32>
      %add3A_1695 = arith.constant 112 : i32
      %add3A_1696 = arith.addi %mul3A_1615, %add3A_1695 : i32
      %get3A_1697 = arith.index_cast %add3A_1696 : i32 to index
      %get3A_1698 = tpu.vector_load %arg7[%get3A_1697] {strides = array<i32>} : memref<2048xf32, #tpu.memory_space<vmem>>, vector<16xf32>,
      %get3A_1699 = vector.shape_cast %get3A_1698 : vector<16xf32> to vector<16xf32>
      %add3A_1700 = arith.constant 112 : i32
      %add3A_1701 = arith.addi %mul3A_1617, %add3A_1700 : i32
      %get3A_1702 = arith.index_cast %add3A_1701 : i32 to index
      %get3A_1703 = tpu.vector_load %arg8[%get3A_1702] {strides = array<i32>} : memref<4096xf32, #tpu.memory_space<vmem>>, vector<16xf32>,
      %get3A_1704 = vector.shape_cast %get3A_1703 : vector<16xf32> to vector<16xf32>
      %add3A_1705 = arith.addf %get3A_1699, %get3A_1704 : vector<16xf32>
      %scan3A_1706 = arith.constant 0 : i32
      %scan3A_1707 = arith.constant 0 : i32
      %scan3A_1708 = arith.constant 32 : i32
      %scan3A_1709 = arith.addi %scan3A_1707, %scan3A_1708 : i32
      %scan3A_1710 = arith.constant 1 : i32
      scf.for %scan3A_2699 = %scan3A_1707 to %scan3A_1709 step %scan3A_1710  : i32 {
        %mul3A_2700 = arith.constant 128 : i32
        %mul3A_2701 = arith.muli %scan3A_2699, %mul3A_2700 : i32
        %add3A_2702 = arith.constant 0 : i32
        %add3A_2703 = arith.addi %mul3A_2701, %add3A_2702 : i32
        %get3A_2704 = arith.index_cast %add3A_2703 : i32 to index
        %get3A_2705 = tpu.vector_load %arg9[%get3A_2704] {strides = array<i32>} : memref<4096xf32, #tpu.memory_space<vmem>>, vector<16xf32>,
        %get3A_2706 = vector.shape_cast %get3A_2705 : vector<16xf32> to vector<16xf32>
        %add3A_2707 = arith.constant 0 : i32
        %add3A_2708 = arith.addi %add3A_2707, %add3A_2703 : i32
        %add3A_2709 = arith.addf %get3A_2706, %add3A_1478 : vector<16xf32>
        %swap3A = arith.index_cast %add3A_2708 : i32 to index
        %swap3A_2710 = tpu.vector_load %arg14[%swap3A] {strides = array<i32>} : memref<8192xf32, #tpu.memory_space<vmem>>, vector<16xf32>,
        %swap3A_2711 = vector.shape_cast %swap3A_2710 : vector<16xf32> to vector<16xf32>
        %swap3A_2712 = vector.shape_cast %add3A_2709 : vector<16xf32> to vector<16xf32>
        tpu.vector_store %arg14[%swap3A], %swap3A_2712 {add = true, strides = array<i32>} : memref<8192xf32, #tpu.memory_space<vmem>>, vector<16xf32>,
        %add3A_2713 = arith.constant 4096 : i32
        %add3A_2714 = arith.addi %add3A_2713, %add3A_2703 : i32
        %add3A_2715 = arith.addf %get3A_2706, %add3A_1628 : vector<16xf32>
        %swap3A_2716 = arith.index_cast %add3A_2714 : i32 to index
        %swap3A_2717 = tpu.vector_load %arg14[%swap3A_2716] {strides = array<i32>} : memref<8192xf32, #tpu.memory_space<vmem>>, vector<16xf32>,
        %swap3A_2718 = vector.shape_cast %swap3A_2717 : vector<16xf32> to vector<16xf32>
        %swap3A_2719 = vector.shape_cast %add3A_2715 : vector<16xf32> to vector<16xf32>
        tpu.vector_store %arg14[%swap3A_2716], %swap3A_2719 {add = true, strides = array<i32>} : memref<8192xf32, #tpu.memory_space<vmem>>, vector<16xf32>,
        %add3A_2720 = arith.constant 16 : i32
        %add3A_2721 = arith.addi %mul3A_2701, %add3A_2720 : i32
        %get3A_2722 = arith.index_cast %add3A_2721 : i32 to index
        %get3A_2723 = tpu.vector_load %arg9[%get3A_2722] {strides = array<i32>} : memref<4096xf32, #tpu.memory_space<vmem>>, vector<16xf32>,
        %get3A_2724 = vector.shape_cast %get3A_2723 : vector<16xf32> to vector<16xf32>
        %add3A_2725 = arith.constant 0 : i32
        %add3A_2726 = arith.addi %add3A_2725, %add3A_2721 : i32
        %add3A_2727 = arith.addf %get3A_2724, %add3A_1489 : vector<16xf32>
        %swap3A_2728 = arith.index_cast %add3A_2726 : i32 to index
        %swap3A_2729 = tpu.vector_load %arg14[%swap3A_2728] {strides = array<i32>} : memref<8192xf32, #tpu.memory_space<vmem>>, vector<16xf32>,
        %swap3A_2730 = vector.shape_cast %swap3A_2729 : vector<16xf32> to vector<16xf32>
        %swap3A_2731 = vector.shape_cast %add3A_2727 : vector<16xf32> to vector<16xf32>
        tpu.vector_store %arg14[%swap3A_2728], %swap3A_2731 {add = true, strides = array<i32>} : memref<8192xf32, #tpu.memory_space<vmem>>, vector<16xf32>,
        %add3A_2732 = arith.constant 4096 : i32
        %add3A_2733 = arith.addi %add3A_2732, %add3A_2721 : i32
        %add3A_2734 = arith.addf %get3A_2724, %add3A_1639 : vector<16xf32>
        %swap3A_2735 = arith.index_cast %add3A_2733 : i32 to index
        %swap3A_2736 = tpu.vector_load %arg14[%swap3A_2735] {strides = array<i32>} : memref<8192xf32, #tpu.memory_space<vmem>>, vector<16xf32>,
        %swap3A_2737 = vector.shape_cast %swap3A_2736 : vector<16xf32> to vector<16xf32>
        %swap3A_2738 = vector.shape_cast %add3A_2734 : vector<16xf32> to vector<16xf32>
        tpu.vector_store %arg14[%swap3A_2735], %swap3A_2738 {add = true, strides = array<i32>} : memref<8192xf32, #tpu.memory_space<vmem>>, vector<16xf32>,
        %add3A_2739 = arith.constant 32 : i32
        %add3A_2740 = arith.addi %mul3A_2701, %add3A_2739 : i32
        %get3A_2741 = arith.index_cast %add3A_2740 : i32 to index
        %get3A_2742 = tpu.vector_load %arg9[%get3A_2741] {strides = array<i32>} : memref<4096xf32, #tpu.memory_space<vmem>>, vector<16xf32>,
        %get3A_2743 = vector.shape_cast %get3A_2742 : vector<16xf32> to vector<16xf32>
        %add3A_2744 = arith.constant 0 : i32
        %add3A_2745 = arith.addi %add3A_2744, %add3A_2740 : i32
        %add3A_2746 = arith.addf %get3A_2743, %add3A_1500 : vector<16xf32>
        %swap3A_2747 = arith.index_cast %add3A_2745 : i32 to index
        %swap3A_2748 = tpu.vector_load %arg14[%swap3A_2747] {strides = array<i32>} : memref<8192xf32, #tpu.memory_space<vmem>>, vector<16xf32>,
        %swap3A_2749 = vector.shape_cast %swap3A_2748 : vector<16xf32> to vector<16xf32>
        %swap3A_2750 = vector.shape_cast %add3A_2746 : vector<16xf32> to vector<16xf32>
        tpu.vector_store %arg14[%swap3A_2747], %swap3A_2750 {add = true, strides = array<i32>} : memref<8192xf32, #tpu.memory_space<vmem>>, vector<16xf32>,
        %add3A_2751 = arith.constant 4096 : i32
        %add3A_2752 = arith.addi %add3A_2751, %add3A_2740 : i32
        %add3A_2753 = arith.addf %get3A_2743, %add3A_1650 : vector<16xf32>
        %swap3A_2754 = arith.index_cast %add3A_2752 : i32 to index
        %swap3A_2755 = tpu.vector_load %arg14[%swap3A_2754] {strides = array<i32>} : memref<8192xf32, #tpu.memory_space<vmem>>, vector<16xf32>,
        %swap3A_2756 = vector.shape_cast %swap3A_2755 : vector<16xf32> to vector<16xf32>
        %swap3A_2757 = vector.shape_cast %add3A_2753 : vector<16xf32> to vector<16xf32>
        tpu.vector_store %arg14[%swap3A_2754], %swap3A_2757 {add = true, strides = array<i32>} : memref<8192xf32, #tpu.memory_space<vmem>>, vector<16xf32>,
        %add3A_2758 = arith.constant 48 : i32
        %add3A_2759 = arith.addi %mul3A_2701, %add3A_2758 : i32
        %get3A_2760 = arith.index_cast %add3A_2759 : i32 to index
        %get3A_2761 = tpu.vector_load %arg9[%get3A_2760] {strides = array<i32>} : memref<4096xf32, #tpu.memory_space<vmem>>, vector<16xf32>,
        %get3A_2762 = vector.shape_cast %get3A_2761 : vector<16xf32> to vector<16xf32>
        %add3A_2763 = arith.constant 0 : i32
        %add3A_2764 = arith.addi %add3A_2763, %add3A_2759 : i32
        %add3A_2765 = arith.addf %get3A_2762, %add3A_1511 : vector<16xf32>
        %swap3A_2766 = arith.index_cast %add3A_2764 : i32 to index
        %swap3A_2767 = tpu.vector_load %arg14[%swap3A_2766] {strides = array<i32>} : memref<8192xf32, #tpu.memory_space<vmem>>, vector<16xf32>,
        %swap3A_2768 = vector.shape_cast %swap3A_2767 : vector<16xf32> to vector<16xf32>
        %swap3A_2769 = vector.shape_cast %add3A_2765 : vector<16xf32> to vector<16xf32>
        tpu.vector_store %arg14[%swap3A_2766], %swap3A_2769 {add = true, strides = array<i32>} : memref<8192xf32, #tpu.memory_space<vmem>>, vector<16xf32>,
        %add3A_2770 = arith.constant 4096 : i32
        %add3A_2771 = arith.addi %add3A_2770, %add3A_2759 : i32
        %add3A_2772 = arith.addf %get3A_2762, %add3A_1661 : vector<16xf32>
        %swap3A_2773 = arith.index_cast %add3A_2771 : i32 to index
        %swap3A_2774 = tpu.vector_load %arg14[%swap3A_2773] {strides = array<i32>} : memref<8192xf32, #tpu.memory_space<vmem>>, vector<16xf32>,
        %swap3A_2775 = vector.shape_cast %swap3A_2774 : vector<16xf32> to vector<16xf32>
        %swap3A_2776 = vector.shape_cast %add3A_2772 : vector<16xf32> to vector<16xf32>
        tpu.vector_store %arg14[%swap3A_2773], %swap3A_2776 {add = true, strides = array<i32>} : memref<8192xf32, #tpu.memory_space<vmem>>, vector<16xf32>,
        %add3A_2777 = arith.constant 64 : i32
        %add3A_2778 = arith.addi %mul3A_2701, %add3A_2777 : i32
        %get3A_2779 = arith.index_cast %add3A_2778 : i32 to index
        %get3A_2780 = tpu.vector_load %arg9[%get3A_2779] {strides = array<i32>} : memref<4096xf32, #tpu.memory_space<vmem>>, vector<16xf32>,
        %get3A_2781 = vector.shape_cast %get3A_2780 : vector<16xf32> to vector<16xf32>
        %add3A_2782 = arith.constant 0 : i32
        %add3A_2783 = arith.addi %add3A_2782, %add3A_2778 : i32
        %add3A_2784 = arith.addf %get3A_2781, %add3A_1522 : vector<16xf32>
        %swap3A_2785 = arith.index_cast %add3A_2783 : i32 to index
        %swap3A_2786 = tpu.vector_load %arg14[%swap3A_2785] {strides = array<i32>} : memref<8192xf32, #tpu.memory_space<vmem>>, vector<16xf32>,
        %swap3A_2787 = vector.shape_cast %swap3A_2786 : vector<16xf32> to vector<16xf32>
        %swap3A_2788 = vector.shape_cast %add3A_2784 : vector<16xf32> to vector<16xf32>
        tpu.vector_store %arg14[%swap3A_2785], %swap3A_2788 {add = true, strides = array<i32>} : memref<8192xf32, #tpu.memory_space<vmem>>, vector<16xf32>,
        %add3A_2789 = arith.constant 4096 : i32
        %add3A_2790 = arith.addi %add3A_2789, %add3A_2778 : i32
        %add3A_2791 = arith.addf %get3A_2781, %add3A_1672 : vector<16xf32>
        %swap3A_2792 = arith.index_cast %add3A_2790 : i32 to index
        %swap3A_2793 = tpu.vector_load %arg14[%swap3A_2792] {strides = array<i32>} : memref<8192xf32, #tpu.memory_space<vmem>>, vector<16xf32>,
        %swap3A_2794 = vector.shape_cast %swap3A_2793 : vector<16xf32> to vector<16xf32>
        %swap3A_2795 = vector.shape_cast %add3A_2791 : vector<16xf32> to vector<16xf32>
        tpu.vector_store %arg14[%swap3A_2792], %swap3A_2795 {add = true, strides = array<i32>} : memref<8192xf32, #tpu.memory_space<vmem>>, vector<16xf32>,
        %add3A_2796 = arith.constant 80 : i32
        %add3A_2797 = arith.addi %mul3A_2701, %add3A_2796 : i32
        %get3A_2798 = arith.index_cast %add3A_2797 : i32 to index
        %get3A_2799 = tpu.vector_load %arg9[%get3A_2798] {strides = array<i32>} : memref<4096xf32, #tpu.memory_space<vmem>>, vector<16xf32>,
        %get3A_2800 = vector.shape_cast %get3A_2799 : vector<16xf32> to vector<16xf32>
        %add3A_2801 = arith.constant 0 : i32
        %add3A_2802 = arith.addi %add3A_2801, %add3A_2797 : i32
        %add3A_2803 = arith.addf %get3A_2800, %add3A_1533 : vector<16xf32>
        %swap3A_2804 = arith.index_cast %add3A_2802 : i32 to index
        %swap3A_2805 = tpu.vector_load %arg14[%swap3A_2804] {strides = array<i32>} : memref<8192xf32, #tpu.memory_space<vmem>>, vector<16xf32>,
        %swap3A_2806 = vector.shape_cast %swap3A_2805 : vector<16xf32> to vector<16xf32>
        %swap3A_2807 = vector.shape_cast %add3A_2803 : vector<16xf32> to vector<16xf32>
        tpu.vector_store %arg14[%swap3A_2804], %swap3A_2807 {add = true, strides = array<i32>} : memref<8192xf32, #tpu.memory_space<vmem>>, vector<16xf32>,
        %add3A_2808 = arith.constant 4096 : i32
        %add3A_2809 = arith.addi %add3A_2808, %add3A_2797 : i32
        %add3A_2810 = arith.addf %get3A_2800, %add3A_1683 : vector<16xf32>
        %swap3A_2811 = arith.index_cast %add3A_2809 : i32 to index
        %swap3A_2812 = tpu.vector_load %arg14[%swap3A_2811] {strides = array<i32>} : memref<8192xf32, #tpu.memory_space<vmem>>, vector<16xf32>,
        %swap3A_2813 = vector.shape_cast %swap3A_2812 : vector<16xf32> to vector<16xf32>
        %swap3A_2814 = vector.shape_cast %add3A_2810 : vector<16xf32> to vector<16xf32>
        tpu.vector_store %arg14[%swap3A_2811], %swap3A_2814 {add = true, strides = array<i32>} : memref<8192xf32, #tpu.memory_space<vmem>>, vector<16xf32>,
        %add3A_2815 = arith.constant 96 : i32
        %add3A_2816 = arith.addi %mul3A_2701, %add3A_2815 : i32
        %get3A_2817 = arith.index_cast %add3A_2816 : i32 to index
        %get3A_2818 = tpu.vector_load %arg9[%get3A_2817] {strides = array<i32>} : memref<4096xf32, #tpu.memory_space<vmem>>, vector<16xf32>,
        %get3A_2819 = vector.shape_cast %get3A_2818 : vector<16xf32> to vector<16xf32>
        %add3A_2820 = arith.constant 0 : i32
        %add3A_2821 = arith.addi %add3A_2820, %add3A_2816 : i32
        %add3A_2822 = arith.addf %get3A_2819, %add3A_1544 : vector<16xf32>
        %swap3A_2823 = arith.index_cast %add3A_2821 : i32 to index
        %swap3A_2824 = tpu.vector_load %arg14[%swap3A_2823] {strides = array<i32>} : memref<8192xf32, #tpu.memory_space<vmem>>, vector<16xf32>,
        %swap3A_2825 = vector.shape_cast %swap3A_2824 : vector<16xf32> to vector<16xf32>
        %swap3A_2826 = vector.shape_cast %add3A_2822 : vector<16xf32> to vector<16xf32>
        tpu.vector_store %arg14[%swap3A_2823], %swap3A_2826 {add = true, strides = array<i32>} : memref<8192xf32, #tpu.memory_space<vmem>>, vector<16xf32>,
        %add3A_2827 = arith.constant 4096 : i32
        %add3A_2828 = arith.addi %add3A_2827, %add3A_2816 : i32
        %add3A_2829 = arith.addf %get3A_2819, %add3A_1694 : vector<16xf32>
        %swap3A_2830 = arith.index_cast %add3A_2828 : i32 to index
        %swap3A_2831 = tpu.vector_load %arg14[%swap3A_2830] {strides = array<i32>} : memref<8192xf32, #tpu.memory_space<vmem>>, vector<16xf32>,
        %swap3A_2832 = vector.shape_cast %swap3A_2831 : vector<16xf32> to vector<16xf32>
        %swap3A_2833 = vector.shape_cast %add3A_2829 : vector<16xf32> to vector<16xf32>
        tpu.vector_store %arg14[%swap3A_2830], %swap3A_2833 {add = true, strides = array<i32>} : memref<8192xf32, #tpu.memory_space<vmem>>, vector<16xf32>,
        %add3A_2834 = arith.constant 112 : i32
        %add3A_2835 = arith.addi %mul3A_2701, %add3A_2834 : i32
        %get3A_2836 = arith.index_cast %add3A_2835 : i32 to index
        %get3A_2837 = tpu.vector_load %arg9[%get3A_2836] {strides = array<i32>} : memref<4096xf32, #tpu.memory_space<vmem>>, vector<16xf32>,
        %get3A_2838 = vector.shape_cast %get3A_2837 : vector<16xf32> to vector<16xf32>
        %add3A_2839 = arith.constant 0 : i32
        %add3A_2840 = arith.addi %add3A_2839, %add3A_2835 : i32
        %add3A_2841 = arith.addf %get3A_2838, %add3A_1555 : vector<16xf32>
        %swap3A_2842 = arith.index_cast %add3A_2840 : i32 to index
        %swap3A_2843 = tpu.vector_load %arg14[%swap3A_2842] {strides = array<i32>} : memref<8192xf32, #tpu.memory_space<vmem>>, vector<16xf32>,
        %swap3A_2844 = vector.shape_cast %swap3A_2843 : vector<16xf32> to vector<16xf32>
        %swap3A_2845 = vector.shape_cast %add3A_2841 : vector<16xf32> to vector<16xf32>
        tpu.vector_store %arg14[%swap3A_2842], %swap3A_2845 {add = true, strides = array<i32>} : memref<8192xf32, #tpu.memory_space<vmem>>, vector<16xf32>,
        %add3A_2846 = arith.constant 4096 : i32
        %add3A_2847 = arith.addi %add3A_2846, %add3A_2835 : i32
        %add3A_2848 = arith.addf %get3A_2838, %add3A_1705 : vector<16xf32>
        %swap3A_2849 = arith.index_cast %add3A_2847 : i32 to index
        %swap3A_2850 = tpu.vector_load %arg14[%swap3A_2849] {strides = array<i32>} : memref<8192xf32, #tpu.memory_space<vmem>>, vector<16xf32>,
        %swap3A_2851 = vector.shape_cast %swap3A_2850 : vector<16xf32> to vector<16xf32>
        %swap3A_2852 = vector.shape_cast %add3A_2848 : vector<16xf32> to vector<16xf32>
        tpu.vector_store %arg14[%swap3A_2849], %swap3A_2852 {add = true, strides = array<i32>} : memref<8192xf32, #tpu.memory_space<vmem>>, vector<16xf32>,
      }
      %scan3A_1711 = arith.constant 32 : i32
      %dma_start3A_1712 = tpu.memref_slice %arg6[%mul3A_1403] : memref<33554432xf32, #tpu.memory_space<hbm>> -> memref<8192xf32, #tpu.memory_space<hbm>>
      %dma_start3A_1713 = tpu.memref_slice %arg6[%mul3A_1403] : memref<33554432xf32, #tpu.memory_space<hbm>> -> memref<8192xf32, #tpu.memory_space<hbm>>
      tpu.enqueue_dma source(%arg14 : memref<8192xf32, #tpu.memory_space<vmem>>) target(%dma_start3A_1713 : memref<8192xf32, #tpu.memory_space<hbm>>) target_semaphore(%arg30 : memref<!tpu.dma_semaphore, #tpu.memory_space<semaphore_mem>>)
      %add3A_1714 = arith.constant 6 : i32
      %add3A_1715 = arith.addi %add3A_1398, %add3A_1714 : i32
      %lt3A_1716 = arith.constant 15 : i32
      %lt3A_1717 = arith.cmpi slt, %scan3A_90, %lt3A_1716 : i32
      %convert_element_type3A_1718 = arith.extui %lt3A_1717 : i1 to i32
      %cond3A_1719 = arith.constant 0 : i32
      %cond3A_1720 = arith.cmpi ne, %convert_element_type3A_1718, %cond3A_1719 : i32
      scf.if %cond3A_1720 {
        %sub3A_2699 = arith.constant 8 : i32
        %sub3A_2700 = arith.subi %add3A_1715, %sub3A_2699 : i32
        %mul3A_2701 = arith.constant 2 : i32
        %mul3A_2702 = arith.muli %sub3A_2700, %mul3A_2701 : i32
        %add3A_2703 = arith.addi %mul3A_2, %mul3A_2702 : i32
        %mul3A_2704 = arith.constant 4096 : i32
        %mul3A_2705 = arith.muli %add3A_2703, %mul3A_2704 : i32
        %dma_wait3A_2706 = tpu.memref_slice %arg6[%mul3A_2705] : memref<33554432xf32, #tpu.memory_space<hbm>> -> memref<8192xf32, #tpu.memory_space<hbm>>
        %dma_wait3A_2707 = tpu.memref_slice %arg6[%mul3A_2705] : memref<33554432xf32, #tpu.memory_space<hbm>> -> memref<8192xf32, #tpu.memory_space<hbm>>
        tpu.wait_dma2 semaphore(%arg28 : memref<!tpu.dma_semaphore, #tpu.memory_space<semaphore_mem>>) src(%arg12 : memref<8192xf32, #tpu.memory_space<vmem>>) dst(%dma_wait3A_2707 : memref<8192xf32, #tpu.memory_space<hbm>>)
        %mul3A_2708 = arith.constant 2 : i32
        %mul3A_2709 = arith.muli %add3A_1715, %mul3A_2708 : i32
        %add3A_2710 = arith.addi %mul3A_2, %mul3A_2709 : i32
        %mul3A_2711 = arith.constant 4096 : i32
        %mul3A_2712 = arith.muli %add3A_2710, %mul3A_2711 : i32
        %dma_start3A_2713 = tpu.memref_slice %arg2[%mul3A_2712] : memref<33554432xf32, #tpu.memory_space<hbm>> -> memref<8192xf32, #tpu.memory_space<hbm>>
        %dma_start3A_2714 = tpu.memref_slice %arg2[%mul3A_2712] : memref<33554432xf32, #tpu.memory_space<hbm>> -> memref<8192xf32, #tpu.memory_space<hbm>>
        tpu.enqueue_dma source(%dma_start3A_2714 : memref<8192xf32, #tpu.memory_space<hbm>>) target(%arg12 : memref<8192xf32, #tpu.memory_space<vmem>>) target_semaphore(%arg20 : memref<!tpu.dma_semaphore, #tpu.memory_space<semaphore_mem>>)
      } else {
      }
      %mul3A_1721 = arith.constant 8 : i32
      %mul3A_1722 = arith.muli %scan3A_90, %mul3A_1721 : i32
      %add3A_1723 = arith.constant 5 : i32
      %add3A_1724 = arith.addi %mul3A_1722, %add3A_1723 : i32
      %mul3A_1725 = arith.constant 2 : i32
      %mul3A_1726 = arith.muli %add3A_1724, %mul3A_1725 : i32
      %add3A_1727 = arith.addi %mul3A_2, %mul3A_1726 : i32
      %mul3A_1728 = arith.constant 4096 : i32
      %mul3A_1729 = arith.muli %add3A_1727, %mul3A_1728 : i32
      %dma_wait3A_1730 = tpu.memref_slice %arg2[%mul3A_1729] : memref<33554432xf32, #tpu.memory_space<hbm>> -> memref<8192xf32, #tpu.memory_space<hbm>>
      %dma_wait3A_1731 = tpu.memref_slice %arg2[%mul3A_1729] : memref<33554432xf32, #tpu.memory_space<hbm>> -> memref<8192xf32, #tpu.memory_space<hbm>>
      tpu.wait_dma2 semaphore(%arg23 : memref<!tpu.dma_semaphore, #tpu.memory_space<semaphore_mem>>) src(%dma_wait3A_1731 : memref<8192xf32, #tpu.memory_space<hbm>>) dst(%arg15 : memref<8192xf32, #tpu.memory_space<vmem>>)
      %add3A_1732 = arith.constant 0 : i32
      %add3A_1733 = arith.addi %add3A_1727, %add3A_1732 : i32
      %jit3A_1734 = arith.constant 512 : i32
      %eq3A_1735 = arith.constant 0 : i32
      %eq3A_1736 = arith.cmpi eq, %jit3A_1734, %eq3A_1735 : i32
      %jit3A_1737 = arith.constant 1 : i32
      %select_n3A_1738 = arith.select %eq3A_1736, %jit3A_1737, %jit3A_1734 : i32
      %rem3A_1739 = arith.remsi %add3A_1733, %select_n3A_1738 : i32
      %ne3A_1740 = arith.constant 0 : i32
      %ne3A_1741 = arith.cmpi ne, %rem3A_1739, %ne3A_1740 : i32
      %lt3A_1742 = arith.constant 0 : i32
      %lt3A_1743 = arith.cmpi slt, %rem3A_1739, %lt3A_1742 : i32
      %lt3A_1744 = arith.constant 0 : i32
      %lt3A_1745 = arith.cmpi slt, %select_n3A_1738, %lt3A_1744 : i32
      %ne3A_1746 = arith.xori %lt3A_1743, %lt3A_1745 : i1
      %and3A_1747 = arith.andi %ne3A_1746, %ne3A_1741 : i1
      %add3A_1748 = arith.addi %rem3A_1739, %select_n3A_1738 : i32
      %select_n3A_1749 = arith.select %and3A_1747, %add3A_1748, %rem3A_1739 : i32
      %jit3A_1750 = arith.constant 32 : i32
      %div3A_1751 = arith.divsi %select_n3A_1749, %jit3A_1750 : i32
      %sign3A_1752 = arith.constant 0 : i32
      %sign3A_1753 = arith.cmpi sgt, %select_n3A_1749, %sign3A_1752 : i32
      %sign3A_1754 = arith.extui %sign3A_1753 : i1 to i32
      %sign3A_1755 = arith.constant 0 : i32
      %sign3A_1756 = arith.cmpi slt, %select_n3A_1749, %sign3A_1755 : i32
      %sign3A_1757 = arith.extui %sign3A_1756 : i1 to i32
      %sign3A_1758 = arith.subi %sign3A_1754, %sign3A_1757 : i32
      %sign3A_1759 = arith.constant 0 : i32
      %sign3A_1760 = arith.cmpi sgt, %jit3A_1750, %sign3A_1759 : i32
      %sign3A_1761 = arith.extui %sign3A_1760 : i1 to i32
      %sign3A_1762 = arith.constant 0 : i32
      %sign3A_1763 = arith.cmpi slt, %jit3A_1750, %sign3A_1762 : i32
      %sign3A_1764 = arith.extui %sign3A_1763 : i1 to i32
      %sign3A_1765 = arith.subi %sign3A_1761, %sign3A_1764 : i32
      %ne3A_1766 = arith.cmpi ne, %sign3A_1758, %sign3A_1765 : i32
      %rem3A_1767 = arith.remsi %select_n3A_1749, %jit3A_1750 : i32
      %ne3A_1768 = arith.constant 0 : i32
      %ne3A_1769 = arith.cmpi ne, %rem3A_1767, %ne3A_1768 : i32
      %and3A_1770 = arith.andi %ne3A_1766, %ne3A_1769 : i1
      %sub3A_1771 = arith.constant 1 : i32
      %sub3A_1772 = arith.subi %div3A_1751, %sub3A_1771 : i32
      %select_n3A_1773 = arith.select %and3A_1770, %sub3A_1772, %div3A_1751 : i32
      %jit3A_1774 = arith.constant 32 : i32
      %eq3A_1775 = arith.constant 0 : i32
      %eq3A_1776 = arith.cmpi eq, %jit3A_1774, %eq3A_1775 : i32
      %jit3A_1777 = arith.constant 1 : i32
      %select_n3A_1778 = arith.select %eq3A_1776, %jit3A_1777, %jit3A_1774 : i32
      %rem3A_1779 = arith.remsi %select_n3A_1749, %select_n3A_1778 : i32
      %ne3A_1780 = arith.constant 0 : i32
      %ne3A_1781 = arith.cmpi ne, %rem3A_1779, %ne3A_1780 : i32
      %lt3A_1782 = arith.constant 0 : i32
      %lt3A_1783 = arith.cmpi slt, %rem3A_1779, %lt3A_1782 : i32
      %lt3A_1784 = arith.constant 0 : i32
      %lt3A_1785 = arith.cmpi slt, %select_n3A_1778, %lt3A_1784 : i32
      %ne3A_1786 = arith.xori %lt3A_1783, %lt3A_1785 : i1
      %and3A_1787 = arith.andi %ne3A_1786, %ne3A_1781 : i1
      %add3A_1788 = arith.addi %rem3A_1779, %select_n3A_1778 : i32
      %select_n3A_1789 = arith.select %and3A_1787, %add3A_1788, %rem3A_1779 : i32
      %mul3A_1790 = arith.constant 128 : i32
      %mul3A_1791 = arith.muli %select_n3A_1773, %mul3A_1790 : i32
      %mul3A_1792 = arith.constant 128 : i32
      %mul3A_1793 = arith.muli %select_n3A_1789, %mul3A_1792 : i32
      %add3A_1794 = arith.constant 0 : i32
      %add3A_1795 = arith.addi %mul3A_1791, %add3A_1794 : i32
      %get3A_1796 = arith.index_cast %add3A_1795 : i32 to index
      %get3A_1797 = tpu.vector_load %arg7[%get3A_1796] {strides = array<i32>} : memref<2048xf32, #tpu.memory_space<vmem>>, vector<16xf32>,
      %get3A_1798 = vector.shape_cast %get3A_1797 : vector<16xf32> to vector<16xf32>
      %add3A_1799 = arith.constant 0 : i32
      %add3A_1800 = arith.addi %mul3A_1793, %add3A_1799 : i32
      %get3A_1801 = arith.index_cast %add3A_1800 : i32 to index
      %get3A_1802 = tpu.vector_load %arg8[%get3A_1801] {strides = array<i32>} : memref<4096xf32, #tpu.memory_space<vmem>>, vector<16xf32>,
      %get3A_1803 = vector.shape_cast %get3A_1802 : vector<16xf32> to vector<16xf32>
      %add3A_1804 = arith.addf %get3A_1798, %get3A_1803 : vector<16xf32>
      %add3A_1805 = arith.constant 16 : i32
      %add3A_1806 = arith.addi %mul3A_1791, %add3A_1805 : i32
      %get3A_1807 = arith.index_cast %add3A_1806 : i32 to index
      %get3A_1808 = tpu.vector_load %arg7[%get3A_1807] {strides = array<i32>} : memref<2048xf32, #tpu.memory_space<vmem>>, vector<16xf32>,
      %get3A_1809 = vector.shape_cast %get3A_1808 : vector<16xf32> to vector<16xf32>
      %add3A_1810 = arith.constant 16 : i32
      %add3A_1811 = arith.addi %mul3A_1793, %add3A_1810 : i32
      %get3A_1812 = arith.index_cast %add3A_1811 : i32 to index
      %get3A_1813 = tpu.vector_load %arg8[%get3A_1812] {strides = array<i32>} : memref<4096xf32, #tpu.memory_space<vmem>>, vector<16xf32>,
      %get3A_1814 = vector.shape_cast %get3A_1813 : vector<16xf32> to vector<16xf32>
      %add3A_1815 = arith.addf %get3A_1809, %get3A_1814 : vector<16xf32>
      %add3A_1816 = arith.constant 32 : i32
      %add3A_1817 = arith.addi %mul3A_1791, %add3A_1816 : i32
      %get3A_1818 = arith.index_cast %add3A_1817 : i32 to index
      %get3A_1819 = tpu.vector_load %arg7[%get3A_1818] {strides = array<i32>} : memref<2048xf32, #tpu.memory_space<vmem>>, vector<16xf32>,
      %get3A_1820 = vector.shape_cast %get3A_1819 : vector<16xf32> to vector<16xf32>
      %add3A_1821 = arith.constant 32 : i32
      %add3A_1822 = arith.addi %mul3A_1793, %add3A_1821 : i32
      %get3A_1823 = arith.index_cast %add3A_1822 : i32 to index
      %get3A_1824 = tpu.vector_load %arg8[%get3A_1823] {strides = array<i32>} : memref<4096xf32, #tpu.memory_space<vmem>>, vector<16xf32>,
      %get3A_1825 = vector.shape_cast %get3A_1824 : vector<16xf32> to vector<16xf32>
      %add3A_1826 = arith.addf %get3A_1820, %get3A_1825 : vector<16xf32>
      %add3A_1827 = arith.constant 48 : i32
      %add3A_1828 = arith.addi %mul3A_1791, %add3A_1827 : i32
      %get3A_1829 = arith.index_cast %add3A_1828 : i32 to index
      %get3A_1830 = tpu.vector_load %arg7[%get3A_1829] {strides = array<i32>} : memref<2048xf32, #tpu.memory_space<vmem>>, vector<16xf32>,
      %get3A_1831 = vector.shape_cast %get3A_1830 : vector<16xf32> to vector<16xf32>
      %add3A_1832 = arith.constant 48 : i32
      %add3A_1833 = arith.addi %mul3A_1793, %add3A_1832 : i32
      %get3A_1834 = arith.index_cast %add3A_1833 : i32 to index
      %get3A_1835 = tpu.vector_load %arg8[%get3A_1834] {strides = array<i32>} : memref<4096xf32, #tpu.memory_space<vmem>>, vector<16xf32>,
      %get3A_1836 = vector.shape_cast %get3A_1835 : vector<16xf32> to vector<16xf32>
      %add3A_1837 = arith.addf %get3A_1831, %get3A_1836 : vector<16xf32>
      %add3A_1838 = arith.constant 64 : i32
      %add3A_1839 = arith.addi %mul3A_1791, %add3A_1838 : i32
      %get3A_1840 = arith.index_cast %add3A_1839 : i32 to index
      %get3A_1841 = tpu.vector_load %arg7[%get3A_1840] {strides = array<i32>} : memref<2048xf32, #tpu.memory_space<vmem>>, vector<16xf32>,
      %get3A_1842 = vector.shape_cast %get3A_1841 : vector<16xf32> to vector<16xf32>
      %add3A_1843 = arith.constant 64 : i32
      %add3A_1844 = arith.addi %mul3A_1793, %add3A_1843 : i32
      %get3A_1845 = arith.index_cast %add3A_1844 : i32 to index
      %get3A_1846 = tpu.vector_load %arg8[%get3A_1845] {strides = array<i32>} : memref<4096xf32, #tpu.memory_space<vmem>>, vector<16xf32>,
      %get3A_1847 = vector.shape_cast %get3A_1846 : vector<16xf32> to vector<16xf32>
      %add3A_1848 = arith.addf %get3A_1842, %get3A_1847 : vector<16xf32>
      %add3A_1849 = arith.constant 80 : i32
      %add3A_1850 = arith.addi %mul3A_1791, %add3A_1849 : i32
      %get3A_1851 = arith.index_cast %add3A_1850 : i32 to index
      %get3A_1852 = tpu.vector_load %arg7[%get3A_1851] {strides = array<i32>} : memref<2048xf32, #tpu.memory_space<vmem>>, vector<16xf32>,
      %get3A_1853 = vector.shape_cast %get3A_1852 : vector<16xf32> to vector<16xf32>
      %add3A_1854 = arith.constant 80 : i32
      %add3A_1855 = arith.addi %mul3A_1793, %add3A_1854 : i32
      %get3A_1856 = arith.index_cast %add3A_1855 : i32 to index
      %get3A_1857 = tpu.vector_load %arg8[%get3A_1856] {strides = array<i32>} : memref<4096xf32, #tpu.memory_space<vmem>>, vector<16xf32>,
      %get3A_1858 = vector.shape_cast %get3A_1857 : vector<16xf32> to vector<16xf32>
      %add3A_1859 = arith.addf %get3A_1853, %get3A_1858 : vector<16xf32>
      %add3A_1860 = arith.constant 96 : i32
      %add3A_1861 = arith.addi %mul3A_1791, %add3A_1860 : i32
      %get3A_1862 = arith.index_cast %add3A_1861 : i32 to index
      %get3A_1863 = tpu.vector_load %arg7[%get3A_1862] {strides = array<i32>} : memref<2048xf32, #tpu.memory_space<vmem>>, vector<16xf32>,
      %get3A_1864 = vector.shape_cast %get3A_1863 : vector<16xf32> to vector<16xf32>
      %add3A_1865 = arith.constant 96 : i32
      %add3A_1866 = arith.addi %mul3A_1793, %add3A_1865 : i32
      %get3A_1867 = arith.index_cast %add3A_1866 : i32 to index
      %get3A_1868 = tpu.vector_load %arg8[%get3A_1867] {strides = array<i32>} : memref<4096xf32, #tpu.memory_space<vmem>>, vector<16xf32>,
      %get3A_1869 = vector.shape_cast %get3A_1868 : vector<16xf32> to vector<16xf32>
      %add3A_1870 = arith.addf %get3A_1864, %get3A_1869 : vector<16xf32>
      %add3A_1871 = arith.constant 112 : i32
      %add3A_1872 = arith.addi %mul3A_1791, %add3A_1871 : i32
      %get3A_1873 = arith.index_cast %add3A_1872 : i32 to index
      %get3A_1874 = tpu.vector_load %arg7[%get3A_1873] {strides = array<i32>} : memref<2048xf32, #tpu.memory_space<vmem>>, vector<16xf32>,
      %get3A_1875 = vector.shape_cast %get3A_1874 : vector<16xf32> to vector<16xf32>
      %add3A_1876 = arith.constant 112 : i32
      %add3A_1877 = arith.addi %mul3A_1793, %add3A_1876 : i32
      %get3A_1878 = arith.index_cast %add3A_1877 : i32 to index
      %get3A_1879 = tpu.vector_load %arg8[%get3A_1878] {strides = array<i32>} : memref<4096xf32, #tpu.memory_space<vmem>>, vector<16xf32>,
      %get3A_1880 = vector.shape_cast %get3A_1879 : vector<16xf32> to vector<16xf32>
      %add3A_1881 = arith.addf %get3A_1875, %get3A_1880 : vector<16xf32>
      %add3A_1882 = arith.constant 1 : i32
      %add3A_1883 = arith.addi %add3A_1727, %add3A_1882 : i32
      %jit3A_1884 = arith.constant 512 : i32
      %eq3A_1885 = arith.constant 0 : i32
      %eq3A_1886 = arith.cmpi eq, %jit3A_1884, %eq3A_1885 : i32
      %jit3A_1887 = arith.constant 1 : i32
      %select_n3A_1888 = arith.select %eq3A_1886, %jit3A_1887, %jit3A_1884 : i32
      %rem3A_1889 = arith.remsi %add3A_1883, %select_n3A_1888 : i32
      %ne3A_1890 = arith.constant 0 : i32
      %ne3A_1891 = arith.cmpi ne, %rem3A_1889, %ne3A_1890 : i32
      %lt3A_1892 = arith.constant 0 : i32
      %lt3A_1893 = arith.cmpi slt, %rem3A_1889, %lt3A_1892 : i32
      %lt3A_1894 = arith.constant 0 : i32
      %lt3A_1895 = arith.cmpi slt, %select_n3A_1888, %lt3A_1894 : i32
      %ne3A_1896 = arith.xori %lt3A_1893, %lt3A_1895 : i1
      %and3A_1897 = arith.andi %ne3A_1896, %ne3A_1891 : i1
      %add3A_1898 = arith.addi %rem3A_1889, %select_n3A_1888 : i32
      %select_n3A_1899 = arith.select %and3A_1897, %add3A_1898, %rem3A_1889 : i32
      %jit3A_1900 = arith.constant 32 : i32
      %div3A_1901 = arith.divsi %select_n3A_1899, %jit3A_1900 : i32
      %sign3A_1902 = arith.constant 0 : i32
      %sign3A_1903 = arith.cmpi sgt, %select_n3A_1899, %sign3A_1902 : i32
      %sign3A_1904 = arith.extui %sign3A_1903 : i1 to i32
      %sign3A_1905 = arith.constant 0 : i32
      %sign3A_1906 = arith.cmpi slt, %select_n3A_1899, %sign3A_1905 : i32
      %sign3A_1907 = arith.extui %sign3A_1906 : i1 to i32
      %sign3A_1908 = arith.subi %sign3A_1904, %sign3A_1907 : i32
      %sign3A_1909 = arith.constant 0 : i32
      %sign3A_1910 = arith.cmpi sgt, %jit3A_1900, %sign3A_1909 : i32
      %sign3A_1911 = arith.extui %sign3A_1910 : i1 to i32
      %sign3A_1912 = arith.constant 0 : i32
      %sign3A_1913 = arith.cmpi slt, %jit3A_1900, %sign3A_1912 : i32
      %sign3A_1914 = arith.extui %sign3A_1913 : i1 to i32
      %sign3A_1915 = arith.subi %sign3A_1911, %sign3A_1914 : i32
      %ne3A_1916 = arith.cmpi ne, %sign3A_1908, %sign3A_1915 : i32
      %rem3A_1917 = arith.remsi %select_n3A_1899, %jit3A_1900 : i32
      %ne3A_1918 = arith.constant 0 : i32
      %ne3A_1919 = arith.cmpi ne, %rem3A_1917, %ne3A_1918 : i32
      %and3A_1920 = arith.andi %ne3A_1916, %ne3A_1919 : i1
      %sub3A_1921 = arith.constant 1 : i32
      %sub3A_1922 = arith.subi %div3A_1901, %sub3A_1921 : i32
      %select_n3A_1923 = arith.select %and3A_1920, %sub3A_1922, %div3A_1901 : i32
      %jit3A_1924 = arith.constant 32 : i32
      %eq3A_1925 = arith.constant 0 : i32
      %eq3A_1926 = arith.cmpi eq, %jit3A_1924, %eq3A_1925 : i32
      %jit3A_1927 = arith.constant 1 : i32
      %select_n3A_1928 = arith.select %eq3A_1926, %jit3A_1927, %jit3A_1924 : i32
      %rem3A_1929 = arith.remsi %select_n3A_1899, %select_n3A_1928 : i32
      %ne3A_1930 = arith.constant 0 : i32
      %ne3A_1931 = arith.cmpi ne, %rem3A_1929, %ne3A_1930 : i32
      %lt3A_1932 = arith.constant 0 : i32
      %lt3A_1933 = arith.cmpi slt, %rem3A_1929, %lt3A_1932 : i32
      %lt3A_1934 = arith.constant 0 : i32
      %lt3A_1935 = arith.cmpi slt, %select_n3A_1928, %lt3A_1934 : i32
      %ne3A_1936 = arith.xori %lt3A_1933, %lt3A_1935 : i1
      %and3A_1937 = arith.andi %ne3A_1936, %ne3A_1931 : i1
      %add3A_1938 = arith.addi %rem3A_1929, %select_n3A_1928 : i32
      %select_n3A_1939 = arith.select %and3A_1937, %add3A_1938, %rem3A_1929 : i32
      %mul3A_1940 = arith.constant 128 : i32
      %mul3A_1941 = arith.muli %select_n3A_1923, %mul3A_1940 : i32
      %mul3A_1942 = arith.constant 128 : i32
      %mul3A_1943 = arith.muli %select_n3A_1939, %mul3A_1942 : i32
      %add3A_1944 = arith.constant 0 : i32
      %add3A_1945 = arith.addi %mul3A_1941, %add3A_1944 : i32
      %get3A_1946 = arith.index_cast %add3A_1945 : i32 to index
      %get3A_1947 = tpu.vector_load %arg7[%get3A_1946] {strides = array<i32>} : memref<2048xf32, #tpu.memory_space<vmem>>, vector<16xf32>,
      %get3A_1948 = vector.shape_cast %get3A_1947 : vector<16xf32> to vector<16xf32>
      %add3A_1949 = arith.constant 0 : i32
      %add3A_1950 = arith.addi %mul3A_1943, %add3A_1949 : i32
      %get3A_1951 = arith.index_cast %add3A_1950 : i32 to index
      %get3A_1952 = tpu.vector_load %arg8[%get3A_1951] {strides = array<i32>} : memref<4096xf32, #tpu.memory_space<vmem>>, vector<16xf32>,
      %get3A_1953 = vector.shape_cast %get3A_1952 : vector<16xf32> to vector<16xf32>
      %add3A_1954 = arith.addf %get3A_1948, %get3A_1953 : vector<16xf32>
      %add3A_1955 = arith.constant 16 : i32
      %add3A_1956 = arith.addi %mul3A_1941, %add3A_1955 : i32
      %get3A_1957 = arith.index_cast %add3A_1956 : i32 to index
      %get3A_1958 = tpu.vector_load %arg7[%get3A_1957] {strides = array<i32>} : memref<2048xf32, #tpu.memory_space<vmem>>, vector<16xf32>,
      %get3A_1959 = vector.shape_cast %get3A_1958 : vector<16xf32> to vector<16xf32>
      %add3A_1960 = arith.constant 16 : i32
      %add3A_1961 = arith.addi %mul3A_1943, %add3A_1960 : i32
      %get3A_1962 = arith.index_cast %add3A_1961 : i32 to index
      %get3A_1963 = tpu.vector_load %arg8[%get3A_1962] {strides = array<i32>} : memref<4096xf32, #tpu.memory_space<vmem>>, vector<16xf32>,
      %get3A_1964 = vector.shape_cast %get3A_1963 : vector<16xf32> to vector<16xf32>
      %add3A_1965 = arith.addf %get3A_1959, %get3A_1964 : vector<16xf32>
      %add3A_1966 = arith.constant 32 : i32
      %add3A_1967 = arith.addi %mul3A_1941, %add3A_1966 : i32
      %get3A_1968 = arith.index_cast %add3A_1967 : i32 to index
      %get3A_1969 = tpu.vector_load %arg7[%get3A_1968] {strides = array<i32>} : memref<2048xf32, #tpu.memory_space<vmem>>, vector<16xf32>,
      %get3A_1970 = vector.shape_cast %get3A_1969 : vector<16xf32> to vector<16xf32>
      %add3A_1971 = arith.constant 32 : i32
      %add3A_1972 = arith.addi %mul3A_1943, %add3A_1971 : i32
      %get3A_1973 = arith.index_cast %add3A_1972 : i32 to index
      %get3A_1974 = tpu.vector_load %arg8[%get3A_1973] {strides = array<i32>} : memref<4096xf32, #tpu.memory_space<vmem>>, vector<16xf32>,
      %get3A_1975 = vector.shape_cast %get3A_1974 : vector<16xf32> to vector<16xf32>
      %add3A_1976 = arith.addf %get3A_1970, %get3A_1975 : vector<16xf32>
      %add3A_1977 = arith.constant 48 : i32
      %add3A_1978 = arith.addi %mul3A_1941, %add3A_1977 : i32
      %get3A_1979 = arith.index_cast %add3A_1978 : i32 to index
      %get3A_1980 = tpu.vector_load %arg7[%get3A_1979] {strides = array<i32>} : memref<2048xf32, #tpu.memory_space<vmem>>, vector<16xf32>,
      %get3A_1981 = vector.shape_cast %get3A_1980 : vector<16xf32> to vector<16xf32>
      %add3A_1982 = arith.constant 48 : i32
      %add3A_1983 = arith.addi %mul3A_1943, %add3A_1982 : i32
      %get3A_1984 = arith.index_cast %add3A_1983 : i32 to index
      %get3A_1985 = tpu.vector_load %arg8[%get3A_1984] {strides = array<i32>} : memref<4096xf32, #tpu.memory_space<vmem>>, vector<16xf32>,
      %get3A_1986 = vector.shape_cast %get3A_1985 : vector<16xf32> to vector<16xf32>
      %add3A_1987 = arith.addf %get3A_1981, %get3A_1986 : vector<16xf32>
      %add3A_1988 = arith.constant 64 : i32
      %add3A_1989 = arith.addi %mul3A_1941, %add3A_1988 : i32
      %get3A_1990 = arith.index_cast %add3A_1989 : i32 to index
      %get3A_1991 = tpu.vector_load %arg7[%get3A_1990] {strides = array<i32>} : memref<2048xf32, #tpu.memory_space<vmem>>, vector<16xf32>,
      %get3A_1992 = vector.shape_cast %get3A_1991 : vector<16xf32> to vector<16xf32>
      %add3A_1993 = arith.constant 64 : i32
      %add3A_1994 = arith.addi %mul3A_1943, %add3A_1993 : i32
      %get3A_1995 = arith.index_cast %add3A_1994 : i32 to index
      %get3A_1996 = tpu.vector_load %arg8[%get3A_1995] {strides = array<i32>} : memref<4096xf32, #tpu.memory_space<vmem>>, vector<16xf32>,
      %get3A_1997 = vector.shape_cast %get3A_1996 : vector<16xf32> to vector<16xf32>
      %add3A_1998 = arith.addf %get3A_1992, %get3A_1997 : vector<16xf32>
      %add3A_1999 = arith.constant 80 : i32
      %add3A_2000 = arith.addi %mul3A_1941, %add3A_1999 : i32
      %get3A_2001 = arith.index_cast %add3A_2000 : i32 to index
      %get3A_2002 = tpu.vector_load %arg7[%get3A_2001] {strides = array<i32>} : memref<2048xf32, #tpu.memory_space<vmem>>, vector<16xf32>,
      %get3A_2003 = vector.shape_cast %get3A_2002 : vector<16xf32> to vector<16xf32>
      %add3A_2004 = arith.constant 80 : i32
      %add3A_2005 = arith.addi %mul3A_1943, %add3A_2004 : i32
      %get3A_2006 = arith.index_cast %add3A_2005 : i32 to index
      %get3A_2007 = tpu.vector_load %arg8[%get3A_2006] {strides = array<i32>} : memref<4096xf32, #tpu.memory_space<vmem>>, vector<16xf32>,
      %get3A_2008 = vector.shape_cast %get3A_2007 : vector<16xf32> to vector<16xf32>
      %add3A_2009 = arith.addf %get3A_2003, %get3A_2008 : vector<16xf32>
      %add3A_2010 = arith.constant 96 : i32
      %add3A_2011 = arith.addi %mul3A_1941, %add3A_2010 : i32
      %get3A_2012 = arith.index_cast %add3A_2011 : i32 to index
      %get3A_2013 = tpu.vector_load %arg7[%get3A_2012] {strides = array<i32>} : memref<2048xf32, #tpu.memory_space<vmem>>, vector<16xf32>,
      %get3A_2014 = vector.shape_cast %get3A_2013 : vector<16xf32> to vector<16xf32>
      %add3A_2015 = arith.constant 96 : i32
      %add3A_2016 = arith.addi %mul3A_1943, %add3A_2015 : i32
      %get3A_2017 = arith.index_cast %add3A_2016 : i32 to index
      %get3A_2018 = tpu.vector_load %arg8[%get3A_2017] {strides = array<i32>} : memref<4096xf32, #tpu.memory_space<vmem>>, vector<16xf32>,
      %get3A_2019 = vector.shape_cast %get3A_2018 : vector<16xf32> to vector<16xf32>
      %add3A_2020 = arith.addf %get3A_2014, %get3A_2019 : vector<16xf32>
      %add3A_2021 = arith.constant 112 : i32
      %add3A_2022 = arith.addi %mul3A_1941, %add3A_2021 : i32
      %get3A_2023 = arith.index_cast %add3A_2022 : i32 to index
      %get3A_2024 = tpu.vector_load %arg7[%get3A_2023] {strides = array<i32>} : memref<2048xf32, #tpu.memory_space<vmem>>, vector<16xf32>,
      %get3A_2025 = vector.shape_cast %get3A_2024 : vector<16xf32> to vector<16xf32>
      %add3A_2026 = arith.constant 112 : i32
      %add3A_2027 = arith.addi %mul3A_1943, %add3A_2026 : i32
      %get3A_2028 = arith.index_cast %add3A_2027 : i32 to index
      %get3A_2029 = tpu.vector_load %arg8[%get3A_2028] {strides = array<i32>} : memref<4096xf32, #tpu.memory_space<vmem>>, vector<16xf32>,
      %get3A_2030 = vector.shape_cast %get3A_2029 : vector<16xf32> to vector<16xf32>
      %add3A_2031 = arith.addf %get3A_2025, %get3A_2030 : vector<16xf32>
      %scan3A_2032 = arith.constant 0 : i32
      %scan3A_2033 = arith.constant 0 : i32
      %scan3A_2034 = arith.constant 32 : i32
      %scan3A_2035 = arith.addi %scan3A_2033, %scan3A_2034 : i32
      %scan3A_2036 = arith.constant 1 : i32
      scf.for %scan3A_2699 = %scan3A_2033 to %scan3A_2035 step %scan3A_2036  : i32 {
        %mul3A_2700 = arith.constant 128 : i32
        %mul3A_2701 = arith.muli %scan3A_2699, %mul3A_2700 : i32
        %add3A_2702 = arith.constant 0 : i32
        %add3A_2703 = arith.addi %mul3A_2701, %add3A_2702 : i32
        %get3A_2704 = arith.index_cast %add3A_2703 : i32 to index
        %get3A_2705 = tpu.vector_load %arg9[%get3A_2704] {strides = array<i32>} : memref<4096xf32, #tpu.memory_space<vmem>>, vector<16xf32>,
        %get3A_2706 = vector.shape_cast %get3A_2705 : vector<16xf32> to vector<16xf32>
        %add3A_2707 = arith.constant 0 : i32
        %add3A_2708 = arith.addi %add3A_2707, %add3A_2703 : i32
        %add3A_2709 = arith.addf %get3A_2706, %add3A_1804 : vector<16xf32>
        %swap3A = arith.index_cast %add3A_2708 : i32 to index
        %swap3A_2710 = tpu.vector_load %arg15[%swap3A] {strides = array<i32>} : memref<8192xf32, #tpu.memory_space<vmem>>, vector<16xf32>,
        %swap3A_2711 = vector.shape_cast %swap3A_2710 : vector<16xf32> to vector<16xf32>
        %swap3A_2712 = vector.shape_cast %add3A_2709 : vector<16xf32> to vector<16xf32>
        tpu.vector_store %arg15[%swap3A], %swap3A_2712 {add = true, strides = array<i32>} : memref<8192xf32, #tpu.memory_space<vmem>>, vector<16xf32>,
        %add3A_2713 = arith.constant 4096 : i32
        %add3A_2714 = arith.addi %add3A_2713, %add3A_2703 : i32
        %add3A_2715 = arith.addf %get3A_2706, %add3A_1954 : vector<16xf32>
        %swap3A_2716 = arith.index_cast %add3A_2714 : i32 to index
        %swap3A_2717 = tpu.vector_load %arg15[%swap3A_2716] {strides = array<i32>} : memref<8192xf32, #tpu.memory_space<vmem>>, vector<16xf32>,
        %swap3A_2718 = vector.shape_cast %swap3A_2717 : vector<16xf32> to vector<16xf32>
        %swap3A_2719 = vector.shape_cast %add3A_2715 : vector<16xf32> to vector<16xf32>
        tpu.vector_store %arg15[%swap3A_2716], %swap3A_2719 {add = true, strides = array<i32>} : memref<8192xf32, #tpu.memory_space<vmem>>, vector<16xf32>,
        %add3A_2720 = arith.constant 16 : i32
        %add3A_2721 = arith.addi %mul3A_2701, %add3A_2720 : i32
        %get3A_2722 = arith.index_cast %add3A_2721 : i32 to index
        %get3A_2723 = tpu.vector_load %arg9[%get3A_2722] {strides = array<i32>} : memref<4096xf32, #tpu.memory_space<vmem>>, vector<16xf32>,
        %get3A_2724 = vector.shape_cast %get3A_2723 : vector<16xf32> to vector<16xf32>
        %add3A_2725 = arith.constant 0 : i32
        %add3A_2726 = arith.addi %add3A_2725, %add3A_2721 : i32
        %add3A_2727 = arith.addf %get3A_2724, %add3A_1815 : vector<16xf32>
        %swap3A_2728 = arith.index_cast %add3A_2726 : i32 to index
        %swap3A_2729 = tpu.vector_load %arg15[%swap3A_2728] {strides = array<i32>} : memref<8192xf32, #tpu.memory_space<vmem>>, vector<16xf32>,
        %swap3A_2730 = vector.shape_cast %swap3A_2729 : vector<16xf32> to vector<16xf32>
        %swap3A_2731 = vector.shape_cast %add3A_2727 : vector<16xf32> to vector<16xf32>
        tpu.vector_store %arg15[%swap3A_2728], %swap3A_2731 {add = true, strides = array<i32>} : memref<8192xf32, #tpu.memory_space<vmem>>, vector<16xf32>,
        %add3A_2732 = arith.constant 4096 : i32
        %add3A_2733 = arith.addi %add3A_2732, %add3A_2721 : i32
        %add3A_2734 = arith.addf %get3A_2724, %add3A_1965 : vector<16xf32>
        %swap3A_2735 = arith.index_cast %add3A_2733 : i32 to index
        %swap3A_2736 = tpu.vector_load %arg15[%swap3A_2735] {strides = array<i32>} : memref<8192xf32, #tpu.memory_space<vmem>>, vector<16xf32>,
        %swap3A_2737 = vector.shape_cast %swap3A_2736 : vector<16xf32> to vector<16xf32>
        %swap3A_2738 = vector.shape_cast %add3A_2734 : vector<16xf32> to vector<16xf32>
        tpu.vector_store %arg15[%swap3A_2735], %swap3A_2738 {add = true, strides = array<i32>} : memref<8192xf32, #tpu.memory_space<vmem>>, vector<16xf32>,
        %add3A_2739 = arith.constant 32 : i32
        %add3A_2740 = arith.addi %mul3A_2701, %add3A_2739 : i32
        %get3A_2741 = arith.index_cast %add3A_2740 : i32 to index
        %get3A_2742 = tpu.vector_load %arg9[%get3A_2741] {strides = array<i32>} : memref<4096xf32, #tpu.memory_space<vmem>>, vector<16xf32>,
        %get3A_2743 = vector.shape_cast %get3A_2742 : vector<16xf32> to vector<16xf32>
        %add3A_2744 = arith.constant 0 : i32
        %add3A_2745 = arith.addi %add3A_2744, %add3A_2740 : i32
        %add3A_2746 = arith.addf %get3A_2743, %add3A_1826 : vector<16xf32>
        %swap3A_2747 = arith.index_cast %add3A_2745 : i32 to index
        %swap3A_2748 = tpu.vector_load %arg15[%swap3A_2747] {strides = array<i32>} : memref<8192xf32, #tpu.memory_space<vmem>>, vector<16xf32>,
        %swap3A_2749 = vector.shape_cast %swap3A_2748 : vector<16xf32> to vector<16xf32>
        %swap3A_2750 = vector.shape_cast %add3A_2746 : vector<16xf32> to vector<16xf32>
        tpu.vector_store %arg15[%swap3A_2747], %swap3A_2750 {add = true, strides = array<i32>} : memref<8192xf32, #tpu.memory_space<vmem>>, vector<16xf32>,
        %add3A_2751 = arith.constant 4096 : i32
        %add3A_2752 = arith.addi %add3A_2751, %add3A_2740 : i32
        %add3A_2753 = arith.addf %get3A_2743, %add3A_1976 : vector<16xf32>
        %swap3A_2754 = arith.index_cast %add3A_2752 : i32 to index
        %swap3A_2755 = tpu.vector_load %arg15[%swap3A_2754] {strides = array<i32>} : memref<8192xf32, #tpu.memory_space<vmem>>, vector<16xf32>,
        %swap3A_2756 = vector.shape_cast %swap3A_2755 : vector<16xf32> to vector<16xf32>
        %swap3A_2757 = vector.shape_cast %add3A_2753 : vector<16xf32> to vector<16xf32>
        tpu.vector_store %arg15[%swap3A_2754], %swap3A_2757 {add = true, strides = array<i32>} : memref<8192xf32, #tpu.memory_space<vmem>>, vector<16xf32>,
        %add3A_2758 = arith.constant 48 : i32
        %add3A_2759 = arith.addi %mul3A_2701, %add3A_2758 : i32
        %get3A_2760 = arith.index_cast %add3A_2759 : i32 to index
        %get3A_2761 = tpu.vector_load %arg9[%get3A_2760] {strides = array<i32>} : memref<4096xf32, #tpu.memory_space<vmem>>, vector<16xf32>,
        %get3A_2762 = vector.shape_cast %get3A_2761 : vector<16xf32> to vector<16xf32>
        %add3A_2763 = arith.constant 0 : i32
        %add3A_2764 = arith.addi %add3A_2763, %add3A_2759 : i32
        %add3A_2765 = arith.addf %get3A_2762, %add3A_1837 : vector<16xf32>
        %swap3A_2766 = arith.index_cast %add3A_2764 : i32 to index
        %swap3A_2767 = tpu.vector_load %arg15[%swap3A_2766] {strides = array<i32>} : memref<8192xf32, #tpu.memory_space<vmem>>, vector<16xf32>,
        %swap3A_2768 = vector.shape_cast %swap3A_2767 : vector<16xf32> to vector<16xf32>
        %swap3A_2769 = vector.shape_cast %add3A_2765 : vector<16xf32> to vector<16xf32>
        tpu.vector_store %arg15[%swap3A_2766], %swap3A_2769 {add = true, strides = array<i32>} : memref<8192xf32, #tpu.memory_space<vmem>>, vector<16xf32>,
        %add3A_2770 = arith.constant 4096 : i32
        %add3A_2771 = arith.addi %add3A_2770, %add3A_2759 : i32
        %add3A_2772 = arith.addf %get3A_2762, %add3A_1987 : vector<16xf32>
        %swap3A_2773 = arith.index_cast %add3A_2771 : i32 to index
        %swap3A_2774 = tpu.vector_load %arg15[%swap3A_2773] {strides = array<i32>} : memref<8192xf32, #tpu.memory_space<vmem>>, vector<16xf32>,
        %swap3A_2775 = vector.shape_cast %swap3A_2774 : vector<16xf32> to vector<16xf32>
        %swap3A_2776 = vector.shape_cast %add3A_2772 : vector<16xf32> to vector<16xf32>
        tpu.vector_store %arg15[%swap3A_2773], %swap3A_2776 {add = true, strides = array<i32>} : memref<8192xf32, #tpu.memory_space<vmem>>, vector<16xf32>,
        %add3A_2777 = arith.constant 64 : i32
        %add3A_2778 = arith.addi %mul3A_2701, %add3A_2777 : i32
        %get3A_2779 = arith.index_cast %add3A_2778 : i32 to index
        %get3A_2780 = tpu.vector_load %arg9[%get3A_2779] {strides = array<i32>} : memref<4096xf32, #tpu.memory_space<vmem>>, vector<16xf32>,
        %get3A_2781 = vector.shape_cast %get3A_2780 : vector<16xf32> to vector<16xf32>
        %add3A_2782 = arith.constant 0 : i32
        %add3A_2783 = arith.addi %add3A_2782, %add3A_2778 : i32
        %add3A_2784 = arith.addf %get3A_2781, %add3A_1848 : vector<16xf32>
        %swap3A_2785 = arith.index_cast %add3A_2783 : i32 to index
        %swap3A_2786 = tpu.vector_load %arg15[%swap3A_2785] {strides = array<i32>} : memref<8192xf32, #tpu.memory_space<vmem>>, vector<16xf32>,
        %swap3A_2787 = vector.shape_cast %swap3A_2786 : vector<16xf32> to vector<16xf32>
        %swap3A_2788 = vector.shape_cast %add3A_2784 : vector<16xf32> to vector<16xf32>
        tpu.vector_store %arg15[%swap3A_2785], %swap3A_2788 {add = true, strides = array<i32>} : memref<8192xf32, #tpu.memory_space<vmem>>, vector<16xf32>,
        %add3A_2789 = arith.constant 4096 : i32
        %add3A_2790 = arith.addi %add3A_2789, %add3A_2778 : i32
        %add3A_2791 = arith.addf %get3A_2781, %add3A_1998 : vector<16xf32>
        %swap3A_2792 = arith.index_cast %add3A_2790 : i32 to index
        %swap3A_2793 = tpu.vector_load %arg15[%swap3A_2792] {strides = array<i32>} : memref<8192xf32, #tpu.memory_space<vmem>>, vector<16xf32>,
        %swap3A_2794 = vector.shape_cast %swap3A_2793 : vector<16xf32> to vector<16xf32>
        %swap3A_2795 = vector.shape_cast %add3A_2791 : vector<16xf32> to vector<16xf32>
        tpu.vector_store %arg15[%swap3A_2792], %swap3A_2795 {add = true, strides = array<i32>} : memref<8192xf32, #tpu.memory_space<vmem>>, vector<16xf32>,
        %add3A_2796 = arith.constant 80 : i32
        %add3A_2797 = arith.addi %mul3A_2701, %add3A_2796 : i32
        %get3A_2798 = arith.index_cast %add3A_2797 : i32 to index
        %get3A_2799 = tpu.vector_load %arg9[%get3A_2798] {strides = array<i32>} : memref<4096xf32, #tpu.memory_space<vmem>>, vector<16xf32>,
        %get3A_2800 = vector.shape_cast %get3A_2799 : vector<16xf32> to vector<16xf32>
        %add3A_2801 = arith.constant 0 : i32
        %add3A_2802 = arith.addi %add3A_2801, %add3A_2797 : i32
        %add3A_2803 = arith.addf %get3A_2800, %add3A_1859 : vector<16xf32>
        %swap3A_2804 = arith.index_cast %add3A_2802 : i32 to index
        %swap3A_2805 = tpu.vector_load %arg15[%swap3A_2804] {strides = array<i32>} : memref<8192xf32, #tpu.memory_space<vmem>>, vector<16xf32>,
        %swap3A_2806 = vector.shape_cast %swap3A_2805 : vector<16xf32> to vector<16xf32>
        %swap3A_2807 = vector.shape_cast %add3A_2803 : vector<16xf32> to vector<16xf32>
        tpu.vector_store %arg15[%swap3A_2804], %swap3A_2807 {add = true, strides = array<i32>} : memref<8192xf32, #tpu.memory_space<vmem>>, vector<16xf32>,
        %add3A_2808 = arith.constant 4096 : i32
        %add3A_2809 = arith.addi %add3A_2808, %add3A_2797 : i32
        %add3A_2810 = arith.addf %get3A_2800, %add3A_2009 : vector<16xf32>
        %swap3A_2811 = arith.index_cast %add3A_2809 : i32 to index
        %swap3A_2812 = tpu.vector_load %arg15[%swap3A_2811] {strides = array<i32>} : memref<8192xf32, #tpu.memory_space<vmem>>, vector<16xf32>,
        %swap3A_2813 = vector.shape_cast %swap3A_2812 : vector<16xf32> to vector<16xf32>
        %swap3A_2814 = vector.shape_cast %add3A_2810 : vector<16xf32> to vector<16xf32>
        tpu.vector_store %arg15[%swap3A_2811], %swap3A_2814 {add = true, strides = array<i32>} : memref<8192xf32, #tpu.memory_space<vmem>>, vector<16xf32>,
        %add3A_2815 = arith.constant 96 : i32
        %add3A_2816 = arith.addi %mul3A_2701, %add3A_2815 : i32
        %get3A_2817 = arith.index_cast %add3A_2816 : i32 to index
        %get3A_2818 = tpu.vector_load %arg9[%get3A_2817] {strides = array<i32>} : memref<4096xf32, #tpu.memory_space<vmem>>, vector<16xf32>,
        %get3A_2819 = vector.shape_cast %get3A_2818 : vector<16xf32> to vector<16xf32>
        %add3A_2820 = arith.constant 0 : i32
        %add3A_2821 = arith.addi %add3A_2820, %add3A_2816 : i32
        %add3A_2822 = arith.addf %get3A_2819, %add3A_1870 : vector<16xf32>
        %swap3A_2823 = arith.index_cast %add3A_2821 : i32 to index
        %swap3A_2824 = tpu.vector_load %arg15[%swap3A_2823] {strides = array<i32>} : memref<8192xf32, #tpu.memory_space<vmem>>, vector<16xf32>,
        %swap3A_2825 = vector.shape_cast %swap3A_2824 : vector<16xf32> to vector<16xf32>
        %swap3A_2826 = vector.shape_cast %add3A_2822 : vector<16xf32> to vector<16xf32>
        tpu.vector_store %arg15[%swap3A_2823], %swap3A_2826 {add = true, strides = array<i32>} : memref<8192xf32, #tpu.memory_space<vmem>>, vector<16xf32>,
        %add3A_2827 = arith.constant 4096 : i32
        %add3A_2828 = arith.addi %add3A_2827, %add3A_2816 : i32
        %add3A_2829 = arith.addf %get3A_2819, %add3A_2020 : vector<16xf32>
        %swap3A_2830 = arith.index_cast %add3A_2828 : i32 to index
        %swap3A_2831 = tpu.vector_load %arg15[%swap3A_2830] {strides = array<i32>} : memref<8192xf32, #tpu.memory_space<vmem>>, vector<16xf32>,
        %swap3A_2832 = vector.shape_cast %swap3A_2831 : vector<16xf32> to vector<16xf32>
        %swap3A_2833 = vector.shape_cast %add3A_2829 : vector<16xf32> to vector<16xf32>
        tpu.vector_store %arg15[%swap3A_2830], %swap3A_2833 {add = true, strides = array<i32>} : memref<8192xf32, #tpu.memory_space<vmem>>, vector<16xf32>,
        %add3A_2834 = arith.constant 112 : i32
        %add3A_2835 = arith.addi %mul3A_2701, %add3A_2834 : i32
        %get3A_2836 = arith.index_cast %add3A_2835 : i32 to index
        %get3A_2837 = tpu.vector_load %arg9[%get3A_2836] {strides = array<i32>} : memref<4096xf32, #tpu.memory_space<vmem>>, vector<16xf32>,
        %get3A_2838 = vector.shape_cast %get3A_2837 : vector<16xf32> to vector<16xf32>
        %add3A_2839 = arith.constant 0 : i32
        %add3A_2840 = arith.addi %add3A_2839, %add3A_2835 : i32
        %add3A_2841 = arith.addf %get3A_2838, %add3A_1881 : vector<16xf32>
        %swap3A_2842 = arith.index_cast %add3A_2840 : i32 to index
        %swap3A_2843 = tpu.vector_load %arg15[%swap3A_2842] {strides = array<i32>} : memref<8192xf32, #tpu.memory_space<vmem>>, vector<16xf32>,
        %swap3A_2844 = vector.shape_cast %swap3A_2843 : vector<16xf32> to vector<16xf32>
        %swap3A_2845 = vector.shape_cast %add3A_2841 : vector<16xf32> to vector<16xf32>
        tpu.vector_store %arg15[%swap3A_2842], %swap3A_2845 {add = true, strides = array<i32>} : memref<8192xf32, #tpu.memory_space<vmem>>, vector<16xf32>,
        %add3A_2846 = arith.constant 4096 : i32
        %add3A_2847 = arith.addi %add3A_2846, %add3A_2835 : i32
        %add3A_2848 = arith.addf %get3A_2838, %add3A_2031 : vector<16xf32>
        %swap3A_2849 = arith.index_cast %add3A_2847 : i32 to index
        %swap3A_2850 = tpu.vector_load %arg15[%swap3A_2849] {strides = array<i32>} : memref<8192xf32, #tpu.memory_space<vmem>>, vector<16xf32>,
        %swap3A_2851 = vector.shape_cast %swap3A_2850 : vector<16xf32> to vector<16xf32>
        %swap3A_2852 = vector.shape_cast %add3A_2848 : vector<16xf32> to vector<16xf32>
        tpu.vector_store %arg15[%swap3A_2849], %swap3A_2852 {add = true, strides = array<i32>} : memref<8192xf32, #tpu.memory_space<vmem>>, vector<16xf32>,
      }
      %scan3A_2037 = arith.constant 32 : i32
      %dma_start3A_2038 = tpu.memref_slice %arg6[%mul3A_1729] : memref<33554432xf32, #tpu.memory_space<hbm>> -> memref<8192xf32, #tpu.memory_space<hbm>>
      %dma_start3A_2039 = tpu.memref_slice %arg6[%mul3A_1729] : memref<33554432xf32, #tpu.memory_space<hbm>> -> memref<8192xf32, #tpu.memory_space<hbm>>
      tpu.enqueue_dma source(%arg15 : memref<8192xf32, #tpu.memory_space<vmem>>) target(%dma_start3A_2039 : memref<8192xf32, #tpu.memory_space<hbm>>) target_semaphore(%arg31 : memref<!tpu.dma_semaphore, #tpu.memory_space<semaphore_mem>>)
      %add3A_2040 = arith.constant 6 : i32
      %add3A_2041 = arith.addi %add3A_1724, %add3A_2040 : i32
      %lt3A_2042 = arith.constant 15 : i32
      %lt3A_2043 = arith.cmpi slt, %scan3A_90, %lt3A_2042 : i32
      %convert_element_type3A_2044 = arith.extui %lt3A_2043 : i1 to i32
      %cond3A_2045 = arith.constant 0 : i32
      %cond3A_2046 = arith.cmpi ne, %convert_element_type3A_2044, %cond3A_2045 : i32
      scf.if %cond3A_2046 {
        %sub3A_2699 = arith.constant 8 : i32
        %sub3A_2700 = arith.subi %add3A_2041, %sub3A_2699 : i32
        %mul3A_2701 = arith.constant 2 : i32
        %mul3A_2702 = arith.muli %sub3A_2700, %mul3A_2701 : i32
        %add3A_2703 = arith.addi %mul3A_2, %mul3A_2702 : i32
        %mul3A_2704 = arith.constant 4096 : i32
        %mul3A_2705 = arith.muli %add3A_2703, %mul3A_2704 : i32
        %dma_wait3A_2706 = tpu.memref_slice %arg6[%mul3A_2705] : memref<33554432xf32, #tpu.memory_space<hbm>> -> memref<8192xf32, #tpu.memory_space<hbm>>
        %dma_wait3A_2707 = tpu.memref_slice %arg6[%mul3A_2705] : memref<33554432xf32, #tpu.memory_space<hbm>> -> memref<8192xf32, #tpu.memory_space<hbm>>
        tpu.wait_dma2 semaphore(%arg29 : memref<!tpu.dma_semaphore, #tpu.memory_space<semaphore_mem>>) src(%arg13 : memref<8192xf32, #tpu.memory_space<vmem>>) dst(%dma_wait3A_2707 : memref<8192xf32, #tpu.memory_space<hbm>>)
        %mul3A_2708 = arith.constant 2 : i32
        %mul3A_2709 = arith.muli %add3A_2041, %mul3A_2708 : i32
        %add3A_2710 = arith.addi %mul3A_2, %mul3A_2709 : i32
        %mul3A_2711 = arith.constant 4096 : i32
        %mul3A_2712 = arith.muli %add3A_2710, %mul3A_2711 : i32
        %dma_start3A_2713 = tpu.memref_slice %arg2[%mul3A_2712] : memref<33554432xf32, #tpu.memory_space<hbm>> -> memref<8192xf32, #tpu.memory_space<hbm>>
        %dma_start3A_2714 = tpu.memref_slice %arg2[%mul3A_2712] : memref<33554432xf32, #tpu.memory_space<hbm>> -> memref<8192xf32, #tpu.memory_space<hbm>>
        tpu.enqueue_dma source(%dma_start3A_2714 : memref<8192xf32, #tpu.memory_space<hbm>>) target(%arg13 : memref<8192xf32, #tpu.memory_space<vmem>>) target_semaphore(%arg21 : memref<!tpu.dma_semaphore, #tpu.memory_space<semaphore_mem>>)
      } else {
      }
      %mul3A_2047 = arith.constant 8 : i32
      %mul3A_2048 = arith.muli %scan3A_90, %mul3A_2047 : i32
      %add3A_2049 = arith.constant 6 : i32
      %add3A_2050 = arith.addi %mul3A_2048, %add3A_2049 : i32
      %mul3A_2051 = arith.constant 2 : i32
      %mul3A_2052 = arith.muli %add3A_2050, %mul3A_2051 : i32
      %add3A_2053 = arith.addi %mul3A_2, %mul3A_2052 : i32
      %mul3A_2054 = arith.constant 4096 : i32
      %mul3A_2055 = arith.muli %add3A_2053, %mul3A_2054 : i32
      %dma_wait3A_2056 = tpu.memref_slice %arg2[%mul3A_2055] : memref<33554432xf32, #tpu.memory_space<hbm>> -> memref<8192xf32, #tpu.memory_space<hbm>>
      %dma_wait3A_2057 = tpu.memref_slice %arg2[%mul3A_2055] : memref<33554432xf32, #tpu.memory_space<hbm>> -> memref<8192xf32, #tpu.memory_space<hbm>>
      tpu.wait_dma2 semaphore(%arg24 : memref<!tpu.dma_semaphore, #tpu.memory_space<semaphore_mem>>) src(%dma_wait3A_2057 : memref<8192xf32, #tpu.memory_space<hbm>>) dst(%arg16 : memref<8192xf32, #tpu.memory_space<vmem>>)
      %add3A_2058 = arith.constant 0 : i32
      %add3A_2059 = arith.addi %add3A_2053, %add3A_2058 : i32
      %jit3A_2060 = arith.constant 512 : i32
      %eq3A_2061 = arith.constant 0 : i32
      %eq3A_2062 = arith.cmpi eq, %jit3A_2060, %eq3A_2061 : i32
      %jit3A_2063 = arith.constant 1 : i32
      %select_n3A_2064 = arith.select %eq3A_2062, %jit3A_2063, %jit3A_2060 : i32
      %rem3A_2065 = arith.remsi %add3A_2059, %select_n3A_2064 : i32
      %ne3A_2066 = arith.constant 0 : i32
      %ne3A_2067 = arith.cmpi ne, %rem3A_2065, %ne3A_2066 : i32
      %lt3A_2068 = arith.constant 0 : i32
      %lt3A_2069 = arith.cmpi slt, %rem3A_2065, %lt3A_2068 : i32
      %lt3A_2070 = arith.constant 0 : i32
      %lt3A_2071 = arith.cmpi slt, %select_n3A_2064, %lt3A_2070 : i32
      %ne3A_2072 = arith.xori %lt3A_2069, %lt3A_2071 : i1
      %and3A_2073 = arith.andi %ne3A_2072, %ne3A_2067 : i1
      %add3A_2074 = arith.addi %rem3A_2065, %select_n3A_2064 : i32
      %select_n3A_2075 = arith.select %and3A_2073, %add3A_2074, %rem3A_2065 : i32
      %jit3A_2076 = arith.constant 32 : i32
      %div3A_2077 = arith.divsi %select_n3A_2075, %jit3A_2076 : i32
      %sign3A_2078 = arith.constant 0 : i32
      %sign3A_2079 = arith.cmpi sgt, %select_n3A_2075, %sign3A_2078 : i32
      %sign3A_2080 = arith.extui %sign3A_2079 : i1 to i32
      %sign3A_2081 = arith.constant 0 : i32
      %sign3A_2082 = arith.cmpi slt, %select_n3A_2075, %sign3A_2081 : i32
      %sign3A_2083 = arith.extui %sign3A_2082 : i1 to i32
      %sign3A_2084 = arith.subi %sign3A_2080, %sign3A_2083 : i32
      %sign3A_2085 = arith.constant 0 : i32
      %sign3A_2086 = arith.cmpi sgt, %jit3A_2076, %sign3A_2085 : i32
      %sign3A_2087 = arith.extui %sign3A_2086 : i1 to i32
      %sign3A_2088 = arith.constant 0 : i32
      %sign3A_2089 = arith.cmpi slt, %jit3A_2076, %sign3A_2088 : i32
      %sign3A_2090 = arith.extui %sign3A_2089 : i1 to i32
      %sign3A_2091 = arith.subi %sign3A_2087, %sign3A_2090 : i32
      %ne3A_2092 = arith.cmpi ne, %sign3A_2084, %sign3A_2091 : i32
      %rem3A_2093 = arith.remsi %select_n3A_2075, %jit3A_2076 : i32
      %ne3A_2094 = arith.constant 0 : i32
      %ne3A_2095 = arith.cmpi ne, %rem3A_2093, %ne3A_2094 : i32
      %and3A_2096 = arith.andi %ne3A_2092, %ne3A_2095 : i1
      %sub3A_2097 = arith.constant 1 : i32
      %sub3A_2098 = arith.subi %div3A_2077, %sub3A_2097 : i32
      %select_n3A_2099 = arith.select %and3A_2096, %sub3A_2098, %div3A_2077 : i32
      %jit3A_2100 = arith.constant 32 : i32
      %eq3A_2101 = arith.constant 0 : i32
      %eq3A_2102 = arith.cmpi eq, %jit3A_2100, %eq3A_2101 : i32
      %jit3A_2103 = arith.constant 1 : i32
      %select_n3A_2104 = arith.select %eq3A_2102, %jit3A_2103, %jit3A_2100 : i32
      %rem3A_2105 = arith.remsi %select_n3A_2075, %select_n3A_2104 : i32
      %ne3A_2106 = arith.constant 0 : i32
      %ne3A_2107 = arith.cmpi ne, %rem3A_2105, %ne3A_2106 : i32
      %lt3A_2108 = arith.constant 0 : i32
      %lt3A_2109 = arith.cmpi slt, %rem3A_2105, %lt3A_2108 : i32
      %lt3A_2110 = arith.constant 0 : i32
      %lt3A_2111 = arith.cmpi slt, %select_n3A_2104, %lt3A_2110 : i32
      %ne3A_2112 = arith.xori %lt3A_2109, %lt3A_2111 : i1
      %and3A_2113 = arith.andi %ne3A_2112, %ne3A_2107 : i1
      %add3A_2114 = arith.addi %rem3A_2105, %select_n3A_2104 : i32
      %select_n3A_2115 = arith.select %and3A_2113, %add3A_2114, %rem3A_2105 : i32
      %mul3A_2116 = arith.constant 128 : i32
      %mul3A_2117 = arith.muli %select_n3A_2099, %mul3A_2116 : i32
      %mul3A_2118 = arith.constant 128 : i32
      %mul3A_2119 = arith.muli %select_n3A_2115, %mul3A_2118 : i32
      %add3A_2120 = arith.constant 0 : i32
      %add3A_2121 = arith.addi %mul3A_2117, %add3A_2120 : i32
      %get3A_2122 = arith.index_cast %add3A_2121 : i32 to index
      %get3A_2123 = tpu.vector_load %arg7[%get3A_2122] {strides = array<i32>} : memref<2048xf32, #tpu.memory_space<vmem>>, vector<16xf32>,
      %get3A_2124 = vector.shape_cast %get3A_2123 : vector<16xf32> to vector<16xf32>
      %add3A_2125 = arith.constant 0 : i32
      %add3A_2126 = arith.addi %mul3A_2119, %add3A_2125 : i32
      %get3A_2127 = arith.index_cast %add3A_2126 : i32 to index
      %get3A_2128 = tpu.vector_load %arg8[%get3A_2127] {strides = array<i32>} : memref<4096xf32, #tpu.memory_space<vmem>>, vector<16xf32>,
      %get3A_2129 = vector.shape_cast %get3A_2128 : vector<16xf32> to vector<16xf32>
      %add3A_2130 = arith.addf %get3A_2124, %get3A_2129 : vector<16xf32>
      %add3A_2131 = arith.constant 16 : i32
      %add3A_2132 = arith.addi %mul3A_2117, %add3A_2131 : i32
      %get3A_2133 = arith.index_cast %add3A_2132 : i32 to index
      %get3A_2134 = tpu.vector_load %arg7[%get3A_2133] {strides = array<i32>} : memref<2048xf32, #tpu.memory_space<vmem>>, vector<16xf32>,
      %get3A_2135 = vector.shape_cast %get3A_2134 : vector<16xf32> to vector<16xf32>
      %add3A_2136 = arith.constant 16 : i32
      %add3A_2137 = arith.addi %mul3A_2119, %add3A_2136 : i32
      %get3A_2138 = arith.index_cast %add3A_2137 : i32 to index
      %get3A_2139 = tpu.vector_load %arg8[%get3A_2138] {strides = array<i32>} : memref<4096xf32, #tpu.memory_space<vmem>>, vector<16xf32>,
      %get3A_2140 = vector.shape_cast %get3A_2139 : vector<16xf32> to vector<16xf32>
      %add3A_2141 = arith.addf %get3A_2135, %get3A_2140 : vector<16xf32>
      %add3A_2142 = arith.constant 32 : i32
      %add3A_2143 = arith.addi %mul3A_2117, %add3A_2142 : i32
      %get3A_2144 = arith.index_cast %add3A_2143 : i32 to index
      %get3A_2145 = tpu.vector_load %arg7[%get3A_2144] {strides = array<i32>} : memref<2048xf32, #tpu.memory_space<vmem>>, vector<16xf32>,
      %get3A_2146 = vector.shape_cast %get3A_2145 : vector<16xf32> to vector<16xf32>
      %add3A_2147 = arith.constant 32 : i32
      %add3A_2148 = arith.addi %mul3A_2119, %add3A_2147 : i32
      %get3A_2149 = arith.index_cast %add3A_2148 : i32 to index
      %get3A_2150 = tpu.vector_load %arg8[%get3A_2149] {strides = array<i32>} : memref<4096xf32, #tpu.memory_space<vmem>>, vector<16xf32>,
      %get3A_2151 = vector.shape_cast %get3A_2150 : vector<16xf32> to vector<16xf32>
      %add3A_2152 = arith.addf %get3A_2146, %get3A_2151 : vector<16xf32>
      %add3A_2153 = arith.constant 48 : i32
      %add3A_2154 = arith.addi %mul3A_2117, %add3A_2153 : i32
      %get3A_2155 = arith.index_cast %add3A_2154 : i32 to index
      %get3A_2156 = tpu.vector_load %arg7[%get3A_2155] {strides = array<i32>} : memref<2048xf32, #tpu.memory_space<vmem>>, vector<16xf32>,
      %get3A_2157 = vector.shape_cast %get3A_2156 : vector<16xf32> to vector<16xf32>
      %add3A_2158 = arith.constant 48 : i32
      %add3A_2159 = arith.addi %mul3A_2119, %add3A_2158 : i32
      %get3A_2160 = arith.index_cast %add3A_2159 : i32 to index
      %get3A_2161 = tpu.vector_load %arg8[%get3A_2160] {strides = array<i32>} : memref<4096xf32, #tpu.memory_space<vmem>>, vector<16xf32>,
      %get3A_2162 = vector.shape_cast %get3A_2161 : vector<16xf32> to vector<16xf32>
      %add3A_2163 = arith.addf %get3A_2157, %get3A_2162 : vector<16xf32>
      %add3A_2164 = arith.constant 64 : i32
      %add3A_2165 = arith.addi %mul3A_2117, %add3A_2164 : i32
      %get3A_2166 = arith.index_cast %add3A_2165 : i32 to index
      %get3A_2167 = tpu.vector_load %arg7[%get3A_2166] {strides = array<i32>} : memref<2048xf32, #tpu.memory_space<vmem>>, vector<16xf32>,
      %get3A_2168 = vector.shape_cast %get3A_2167 : vector<16xf32> to vector<16xf32>
      %add3A_2169 = arith.constant 64 : i32
      %add3A_2170 = arith.addi %mul3A_2119, %add3A_2169 : i32
      %get3A_2171 = arith.index_cast %add3A_2170 : i32 to index
      %get3A_2172 = tpu.vector_load %arg8[%get3A_2171] {strides = array<i32>} : memref<4096xf32, #tpu.memory_space<vmem>>, vector<16xf32>,
      %get3A_2173 = vector.shape_cast %get3A_2172 : vector<16xf32> to vector<16xf32>
      %add3A_2174 = arith.addf %get3A_2168, %get3A_2173 : vector<16xf32>
      %add3A_2175 = arith.constant 80 : i32
      %add3A_2176 = arith.addi %mul3A_2117, %add3A_2175 : i32
      %get3A_2177 = arith.index_cast %add3A_2176 : i32 to index
      %get3A_2178 = tpu.vector_load %arg7[%get3A_2177] {strides = array<i32>} : memref<2048xf32, #tpu.memory_space<vmem>>, vector<16xf32>,
      %get3A_2179 = vector.shape_cast %get3A_2178 : vector<16xf32> to vector<16xf32>
      %add3A_2180 = arith.constant 80 : i32
      %add3A_2181 = arith.addi %mul3A_2119, %add3A_2180 : i32
      %get3A_2182 = arith.index_cast %add3A_2181 : i32 to index
      %get3A_2183 = tpu.vector_load %arg8[%get3A_2182] {strides = array<i32>} : memref<4096xf32, #tpu.memory_space<vmem>>, vector<16xf32>,
      %get3A_2184 = vector.shape_cast %get3A_2183 : vector<16xf32> to vector<16xf32>
      %add3A_2185 = arith.addf %get3A_2179, %get3A_2184 : vector<16xf32>
      %add3A_2186 = arith.constant 96 : i32
      %add3A_2187 = arith.addi %mul3A_2117, %add3A_2186 : i32
      %get3A_2188 = arith.index_cast %add3A_2187 : i32 to index
      %get3A_2189 = tpu.vector_load %arg7[%get3A_2188] {strides = array<i32>} : memref<2048xf32, #tpu.memory_space<vmem>>, vector<16xf32>,
      %get3A_2190 = vector.shape_cast %get3A_2189 : vector<16xf32> to vector<16xf32>
      %add3A_2191 = arith.constant 96 : i32
      %add3A_2192 = arith.addi %mul3A_2119, %add3A_2191 : i32
      %get3A_2193 = arith.index_cast %add3A_2192 : i32 to index
      %get3A_2194 = tpu.vector_load %arg8[%get3A_2193] {strides = array<i32>} : memref<4096xf32, #tpu.memory_space<vmem>>, vector<16xf32>,
      %get3A_2195 = vector.shape_cast %get3A_2194 : vector<16xf32> to vector<16xf32>
      %add3A_2196 = arith.addf %get3A_2190, %get3A_2195 : vector<16xf32>
      %add3A_2197 = arith.constant 112 : i32
      %add3A_2198 = arith.addi %mul3A_2117, %add3A_2197 : i32
      %get3A_2199 = arith.index_cast %add3A_2198 : i32 to index
      %get3A_2200 = tpu.vector_load %arg7[%get3A_2199] {strides = array<i32>} : memref<2048xf32, #tpu.memory_space<vmem>>, vector<16xf32>,
      %get3A_2201 = vector.shape_cast %get3A_2200 : vector<16xf32> to vector<16xf32>
      %add3A_2202 = arith.constant 112 : i32
      %add3A_2203 = arith.addi %mul3A_2119, %add3A_2202 : i32
      %get3A_2204 = arith.index_cast %add3A_2203 : i32 to index
      %get3A_2205 = tpu.vector_load %arg8[%get3A_2204] {strides = array<i32>} : memref<4096xf32, #tpu.memory_space<vmem>>, vector<16xf32>,
      %get3A_2206 = vector.shape_cast %get3A_2205 : vector<16xf32> to vector<16xf32>
      %add3A_2207 = arith.addf %get3A_2201, %get3A_2206 : vector<16xf32>
      %add3A_2208 = arith.constant 1 : i32
      %add3A_2209 = arith.addi %add3A_2053, %add3A_2208 : i32
      %jit3A_2210 = arith.constant 512 : i32
      %eq3A_2211 = arith.constant 0 : i32
      %eq3A_2212 = arith.cmpi eq, %jit3A_2210, %eq3A_2211 : i32
      %jit3A_2213 = arith.constant 1 : i32
      %select_n3A_2214 = arith.select %eq3A_2212, %jit3A_2213, %jit3A_2210 : i32
      %rem3A_2215 = arith.remsi %add3A_2209, %select_n3A_2214 : i32
      %ne3A_2216 = arith.constant 0 : i32
      %ne3A_2217 = arith.cmpi ne, %rem3A_2215, %ne3A_2216 : i32
      %lt3A_2218 = arith.constant 0 : i32
      %lt3A_2219 = arith.cmpi slt, %rem3A_2215, %lt3A_2218 : i32
      %lt3A_2220 = arith.constant 0 : i32
      %lt3A_2221 = arith.cmpi slt, %select_n3A_2214, %lt3A_2220 : i32
      %ne3A_2222 = arith.xori %lt3A_2219, %lt3A_2221 : i1
      %and3A_2223 = arith.andi %ne3A_2222, %ne3A_2217 : i1
      %add3A_2224 = arith.addi %rem3A_2215, %select_n3A_2214 : i32
      %select_n3A_2225 = arith.select %and3A_2223, %add3A_2224, %rem3A_2215 : i32
      %jit3A_2226 = arith.constant 32 : i32
      %div3A_2227 = arith.divsi %select_n3A_2225, %jit3A_2226 : i32
      %sign3A_2228 = arith.constant 0 : i32
      %sign3A_2229 = arith.cmpi sgt, %select_n3A_2225, %sign3A_2228 : i32
      %sign3A_2230 = arith.extui %sign3A_2229 : i1 to i32
      %sign3A_2231 = arith.constant 0 : i32
      %sign3A_2232 = arith.cmpi slt, %select_n3A_2225, %sign3A_2231 : i32
      %sign3A_2233 = arith.extui %sign3A_2232 : i1 to i32
      %sign3A_2234 = arith.subi %sign3A_2230, %sign3A_2233 : i32
      %sign3A_2235 = arith.constant 0 : i32
      %sign3A_2236 = arith.cmpi sgt, %jit3A_2226, %sign3A_2235 : i32
      %sign3A_2237 = arith.extui %sign3A_2236 : i1 to i32
      %sign3A_2238 = arith.constant 0 : i32
      %sign3A_2239 = arith.cmpi slt, %jit3A_2226, %sign3A_2238 : i32
      %sign3A_2240 = arith.extui %sign3A_2239 : i1 to i32
      %sign3A_2241 = arith.subi %sign3A_2237, %sign3A_2240 : i32
      %ne3A_2242 = arith.cmpi ne, %sign3A_2234, %sign3A_2241 : i32
      %rem3A_2243 = arith.remsi %select_n3A_2225, %jit3A_2226 : i32
      %ne3A_2244 = arith.constant 0 : i32
      %ne3A_2245 = arith.cmpi ne, %rem3A_2243, %ne3A_2244 : i32
      %and3A_2246 = arith.andi %ne3A_2242, %ne3A_2245 : i1
      %sub3A_2247 = arith.constant 1 : i32
      %sub3A_2248 = arith.subi %div3A_2227, %sub3A_2247 : i32
      %select_n3A_2249 = arith.select %and3A_2246, %sub3A_2248, %div3A_2227 : i32
      %jit3A_2250 = arith.constant 32 : i32
      %eq3A_2251 = arith.constant 0 : i32
      %eq3A_2252 = arith.cmpi eq, %jit3A_2250, %eq3A_2251 : i32
      %jit3A_2253 = arith.constant 1 : i32
      %select_n3A_2254 = arith.select %eq3A_2252, %jit3A_2253, %jit3A_2250 : i32
      %rem3A_2255 = arith.remsi %select_n3A_2225, %select_n3A_2254 : i32
      %ne3A_2256 = arith.constant 0 : i32
      %ne3A_2257 = arith.cmpi ne, %rem3A_2255, %ne3A_2256 : i32
      %lt3A_2258 = arith.constant 0 : i32
      %lt3A_2259 = arith.cmpi slt, %rem3A_2255, %lt3A_2258 : i32
      %lt3A_2260 = arith.constant 0 : i32
      %lt3A_2261 = arith.cmpi slt, %select_n3A_2254, %lt3A_2260 : i32
      %ne3A_2262 = arith.xori %lt3A_2259, %lt3A_2261 : i1
      %and3A_2263 = arith.andi %ne3A_2262, %ne3A_2257 : i1
      %add3A_2264 = arith.addi %rem3A_2255, %select_n3A_2254 : i32
      %select_n3A_2265 = arith.select %and3A_2263, %add3A_2264, %rem3A_2255 : i32
      %mul3A_2266 = arith.constant 128 : i32
      %mul3A_2267 = arith.muli %select_n3A_2249, %mul3A_2266 : i32
      %mul3A_2268 = arith.constant 128 : i32
      %mul3A_2269 = arith.muli %select_n3A_2265, %mul3A_2268 : i32
      %add3A_2270 = arith.constant 0 : i32
      %add3A_2271 = arith.addi %mul3A_2267, %add3A_2270 : i32
      %get3A_2272 = arith.index_cast %add3A_2271 : i32 to index
      %get3A_2273 = tpu.vector_load %arg7[%get3A_2272] {strides = array<i32>} : memref<2048xf32, #tpu.memory_space<vmem>>, vector<16xf32>,
      %get3A_2274 = vector.shape_cast %get3A_2273 : vector<16xf32> to vector<16xf32>
      %add3A_2275 = arith.constant 0 : i32
      %add3A_2276 = arith.addi %mul3A_2269, %add3A_2275 : i32
      %get3A_2277 = arith.index_cast %add3A_2276 : i32 to index
      %get3A_2278 = tpu.vector_load %arg8[%get3A_2277] {strides = array<i32>} : memref<4096xf32, #tpu.memory_space<vmem>>, vector<16xf32>,
      %get3A_2279 = vector.shape_cast %get3A_2278 : vector<16xf32> to vector<16xf32>
      %add3A_2280 = arith.addf %get3A_2274, %get3A_2279 : vector<16xf32>
      %add3A_2281 = arith.constant 16 : i32
      %add3A_2282 = arith.addi %mul3A_2267, %add3A_2281 : i32
      %get3A_2283 = arith.index_cast %add3A_2282 : i32 to index
      %get3A_2284 = tpu.vector_load %arg7[%get3A_2283] {strides = array<i32>} : memref<2048xf32, #tpu.memory_space<vmem>>, vector<16xf32>,
      %get3A_2285 = vector.shape_cast %get3A_2284 : vector<16xf32> to vector<16xf32>
      %add3A_2286 = arith.constant 16 : i32
      %add3A_2287 = arith.addi %mul3A_2269, %add3A_2286 : i32
      %get3A_2288 = arith.index_cast %add3A_2287 : i32 to index
      %get3A_2289 = tpu.vector_load %arg8[%get3A_2288] {strides = array<i32>} : memref<4096xf32, #tpu.memory_space<vmem>>, vector<16xf32>,
      %get3A_2290 = vector.shape_cast %get3A_2289 : vector<16xf32> to vector<16xf32>
      %add3A_2291 = arith.addf %get3A_2285, %get3A_2290 : vector<16xf32>
      %add3A_2292 = arith.constant 32 : i32
      %add3A_2293 = arith.addi %mul3A_2267, %add3A_2292 : i32
      %get3A_2294 = arith.index_cast %add3A_2293 : i32 to index
      %get3A_2295 = tpu.vector_load %arg7[%get3A_2294] {strides = array<i32>} : memref<2048xf32, #tpu.memory_space<vmem>>, vector<16xf32>,
      %get3A_2296 = vector.shape_cast %get3A_2295 : vector<16xf32> to vector<16xf32>
      %add3A_2297 = arith.constant 32 : i32
      %add3A_2298 = arith.addi %mul3A_2269, %add3A_2297 : i32
      %get3A_2299 = arith.index_cast %add3A_2298 : i32 to index
      %get3A_2300 = tpu.vector_load %arg8[%get3A_2299] {strides = array<i32>} : memref<4096xf32, #tpu.memory_space<vmem>>, vector<16xf32>,
      %get3A_2301 = vector.shape_cast %get3A_2300 : vector<16xf32> to vector<16xf32>
      %add3A_2302 = arith.addf %get3A_2296, %get3A_2301 : vector<16xf32>
      %add3A_2303 = arith.constant 48 : i32
      %add3A_2304 = arith.addi %mul3A_2267, %add3A_2303 : i32
      %get3A_2305 = arith.index_cast %add3A_2304 : i32 to index
      %get3A_2306 = tpu.vector_load %arg7[%get3A_2305] {strides = array<i32>} : memref<2048xf32, #tpu.memory_space<vmem>>, vector<16xf32>,
      %get3A_2307 = vector.shape_cast %get3A_2306 : vector<16xf32> to vector<16xf32>
      %add3A_2308 = arith.constant 48 : i32
      %add3A_2309 = arith.addi %mul3A_2269, %add3A_2308 : i32
      %get3A_2310 = arith.index_cast %add3A_2309 : i32 to index
      %get3A_2311 = tpu.vector_load %arg8[%get3A_2310] {strides = array<i32>} : memref<4096xf32, #tpu.memory_space<vmem>>, vector<16xf32>,
      %get3A_2312 = vector.shape_cast %get3A_2311 : vector<16xf32> to vector<16xf32>
      %add3A_2313 = arith.addf %get3A_2307, %get3A_2312 : vector<16xf32>
      %add3A_2314 = arith.constant 64 : i32
      %add3A_2315 = arith.addi %mul3A_2267, %add3A_2314 : i32
      %get3A_2316 = arith.index_cast %add3A_2315 : i32 to index
      %get3A_2317 = tpu.vector_load %arg7[%get3A_2316] {strides = array<i32>} : memref<2048xf32, #tpu.memory_space<vmem>>, vector<16xf32>,
      %get3A_2318 = vector.shape_cast %get3A_2317 : vector<16xf32> to vector<16xf32>
      %add3A_2319 = arith.constant 64 : i32
      %add3A_2320 = arith.addi %mul3A_2269, %add3A_2319 : i32
      %get3A_2321 = arith.index_cast %add3A_2320 : i32 to index
      %get3A_2322 = tpu.vector_load %arg8[%get3A_2321] {strides = array<i32>} : memref<4096xf32, #tpu.memory_space<vmem>>, vector<16xf32>,
      %get3A_2323 = vector.shape_cast %get3A_2322 : vector<16xf32> to vector<16xf32>
      %add3A_2324 = arith.addf %get3A_2318, %get3A_2323 : vector<16xf32>
      %add3A_2325 = arith.constant 80 : i32
      %add3A_2326 = arith.addi %mul3A_2267, %add3A_2325 : i32
      %get3A_2327 = arith.index_cast %add3A_2326 : i32 to index
      %get3A_2328 = tpu.vector_load %arg7[%get3A_2327] {strides = array<i32>} : memref<2048xf32, #tpu.memory_space<vmem>>, vector<16xf32>,
      %get3A_2329 = vector.shape_cast %get3A_2328 : vector<16xf32> to vector<16xf32>
      %add3A_2330 = arith.constant 80 : i32
      %add3A_2331 = arith.addi %mul3A_2269, %add3A_2330 : i32
      %get3A_2332 = arith.index_cast %add3A_2331 : i32 to index
      %get3A_2333 = tpu.vector_load %arg8[%get3A_2332] {strides = array<i32>} : memref<4096xf32, #tpu.memory_space<vmem>>, vector<16xf32>,
      %get3A_2334 = vector.shape_cast %get3A_2333 : vector<16xf32> to vector<16xf32>
      %add3A_2335 = arith.addf %get3A_2329, %get3A_2334 : vector<16xf32>
      %add3A_2336 = arith.constant 96 : i32
      %add3A_2337 = arith.addi %mul3A_2267, %add3A_2336 : i32
      %get3A_2338 = arith.index_cast %add3A_2337 : i32 to index
      %get3A_2339 = tpu.vector_load %arg7[%get3A_2338] {strides = array<i32>} : memref<2048xf32, #tpu.memory_space<vmem>>, vector<16xf32>,
      %get3A_2340 = vector.shape_cast %get3A_2339 : vector<16xf32> to vector<16xf32>
      %add3A_2341 = arith.constant 96 : i32
      %add3A_2342 = arith.addi %mul3A_2269, %add3A_2341 : i32
      %get3A_2343 = arith.index_cast %add3A_2342 : i32 to index
      %get3A_2344 = tpu.vector_load %arg8[%get3A_2343] {strides = array<i32>} : memref<4096xf32, #tpu.memory_space<vmem>>, vector<16xf32>,
      %get3A_2345 = vector.shape_cast %get3A_2344 : vector<16xf32> to vector<16xf32>
      %add3A_2346 = arith.addf %get3A_2340, %get3A_2345 : vector<16xf32>
      %add3A_2347 = arith.constant 112 : i32
      %add3A_2348 = arith.addi %mul3A_2267, %add3A_2347 : i32
      %get3A_2349 = arith.index_cast %add3A_2348 : i32 to index
      %get3A_2350 = tpu.vector_load %arg7[%get3A_2349] {strides = array<i32>} : memref<2048xf32, #tpu.memory_space<vmem>>, vector<16xf32>,
      %get3A_2351 = vector.shape_cast %get3A_2350 : vector<16xf32> to vector<16xf32>
      %add3A_2352 = arith.constant 112 : i32
      %add3A_2353 = arith.addi %mul3A_2269, %add3A_2352 : i32
      %get3A_2354 = arith.index_cast %add3A_2353 : i32 to index
      %get3A_2355 = tpu.vector_load %arg8[%get3A_2354] {strides = array<i32>} : memref<4096xf32, #tpu.memory_space<vmem>>, vector<16xf32>,
      %get3A_2356 = vector.shape_cast %get3A_2355 : vector<16xf32> to vector<16xf32>
      %add3A_2357 = arith.addf %get3A_2351, %get3A_2356 : vector<16xf32>
      %scan3A_2358 = arith.constant 0 : i32
      %scan3A_2359 = arith.constant 0 : i32
      %scan3A_2360 = arith.constant 32 : i32
      %scan3A_2361 = arith.addi %scan3A_2359, %scan3A_2360 : i32
      %scan3A_2362 = arith.constant 1 : i32
      scf.for %scan3A_2699 = %scan3A_2359 to %scan3A_2361 step %scan3A_2362  : i32 {
        %mul3A_2700 = arith.constant 128 : i32
        %mul3A_2701 = arith.muli %scan3A_2699, %mul3A_2700 : i32
        %add3A_2702 = arith.constant 0 : i32
        %add3A_2703 = arith.addi %mul3A_2701, %add3A_2702 : i32
        %get3A_2704 = arith.index_cast %add3A_2703 : i32 to index
        %get3A_2705 = tpu.vector_load %arg9[%get3A_2704] {strides = array<i32>} : memref<4096xf32, #tpu.memory_space<vmem>>, vector<16xf32>,
        %get3A_2706 = vector.shape_cast %get3A_2705 : vector<16xf32> to vector<16xf32>
        %add3A_2707 = arith.constant 0 : i32
        %add3A_2708 = arith.addi %add3A_2707, %add3A_2703 : i32
        %add3A_2709 = arith.addf %get3A_2706, %add3A_2130 : vector<16xf32>
        %swap3A = arith.index_cast %add3A_2708 : i32 to index
        %swap3A_2710 = tpu.vector_load %arg16[%swap3A] {strides = array<i32>} : memref<8192xf32, #tpu.memory_space<vmem>>, vector<16xf32>,
        %swap3A_2711 = vector.shape_cast %swap3A_2710 : vector<16xf32> to vector<16xf32>
        %swap3A_2712 = vector.shape_cast %add3A_2709 : vector<16xf32> to vector<16xf32>
        tpu.vector_store %arg16[%swap3A], %swap3A_2712 {add = true, strides = array<i32>} : memref<8192xf32, #tpu.memory_space<vmem>>, vector<16xf32>,
        %add3A_2713 = arith.constant 4096 : i32
        %add3A_2714 = arith.addi %add3A_2713, %add3A_2703 : i32
        %add3A_2715 = arith.addf %get3A_2706, %add3A_2280 : vector<16xf32>
        %swap3A_2716 = arith.index_cast %add3A_2714 : i32 to index
        %swap3A_2717 = tpu.vector_load %arg16[%swap3A_2716] {strides = array<i32>} : memref<8192xf32, #tpu.memory_space<vmem>>, vector<16xf32>,
        %swap3A_2718 = vector.shape_cast %swap3A_2717 : vector<16xf32> to vector<16xf32>
        %swap3A_2719 = vector.shape_cast %add3A_2715 : vector<16xf32> to vector<16xf32>
        tpu.vector_store %arg16[%swap3A_2716], %swap3A_2719 {add = true, strides = array<i32>} : memref<8192xf32, #tpu.memory_space<vmem>>, vector<16xf32>,
        %add3A_2720 = arith.constant 16 : i32
        %add3A_2721 = arith.addi %mul3A_2701, %add3A_2720 : i32
        %get3A_2722 = arith.index_cast %add3A_2721 : i32 to index
        %get3A_2723 = tpu.vector_load %arg9[%get3A_2722] {strides = array<i32>} : memref<4096xf32, #tpu.memory_space<vmem>>, vector<16xf32>,
        %get3A_2724 = vector.shape_cast %get3A_2723 : vector<16xf32> to vector<16xf32>
        %add3A_2725 = arith.constant 0 : i32
        %add3A_2726 = arith.addi %add3A_2725, %add3A_2721 : i32
        %add3A_2727 = arith.addf %get3A_2724, %add3A_2141 : vector<16xf32>
        %swap3A_2728 = arith.index_cast %add3A_2726 : i32 to index
        %swap3A_2729 = tpu.vector_load %arg16[%swap3A_2728] {strides = array<i32>} : memref<8192xf32, #tpu.memory_space<vmem>>, vector<16xf32>,
        %swap3A_2730 = vector.shape_cast %swap3A_2729 : vector<16xf32> to vector<16xf32>
        %swap3A_2731 = vector.shape_cast %add3A_2727 : vector<16xf32> to vector<16xf32>
        tpu.vector_store %arg16[%swap3A_2728], %swap3A_2731 {add = true, strides = array<i32>} : memref<8192xf32, #tpu.memory_space<vmem>>, vector<16xf32>,
        %add3A_2732 = arith.constant 4096 : i32
        %add3A_2733 = arith.addi %add3A_2732, %add3A_2721 : i32
        %add3A_2734 = arith.addf %get3A_2724, %add3A_2291 : vector<16xf32>
        %swap3A_2735 = arith.index_cast %add3A_2733 : i32 to index
        %swap3A_2736 = tpu.vector_load %arg16[%swap3A_2735] {strides = array<i32>} : memref<8192xf32, #tpu.memory_space<vmem>>, vector<16xf32>,
        %swap3A_2737 = vector.shape_cast %swap3A_2736 : vector<16xf32> to vector<16xf32>
        %swap3A_2738 = vector.shape_cast %add3A_2734 : vector<16xf32> to vector<16xf32>
        tpu.vector_store %arg16[%swap3A_2735], %swap3A_2738 {add = true, strides = array<i32>} : memref<8192xf32, #tpu.memory_space<vmem>>, vector<16xf32>,
        %add3A_2739 = arith.constant 32 : i32
        %add3A_2740 = arith.addi %mul3A_2701, %add3A_2739 : i32
        %get3A_2741 = arith.index_cast %add3A_2740 : i32 to index
        %get3A_2742 = tpu.vector_load %arg9[%get3A_2741] {strides = array<i32>} : memref<4096xf32, #tpu.memory_space<vmem>>, vector<16xf32>,
        %get3A_2743 = vector.shape_cast %get3A_2742 : vector<16xf32> to vector<16xf32>
        %add3A_2744 = arith.constant 0 : i32
        %add3A_2745 = arith.addi %add3A_2744, %add3A_2740 : i32
        %add3A_2746 = arith.addf %get3A_2743, %add3A_2152 : vector<16xf32>
        %swap3A_2747 = arith.index_cast %add3A_2745 : i32 to index
        %swap3A_2748 = tpu.vector_load %arg16[%swap3A_2747] {strides = array<i32>} : memref<8192xf32, #tpu.memory_space<vmem>>, vector<16xf32>,
        %swap3A_2749 = vector.shape_cast %swap3A_2748 : vector<16xf32> to vector<16xf32>
        %swap3A_2750 = vector.shape_cast %add3A_2746 : vector<16xf32> to vector<16xf32>
        tpu.vector_store %arg16[%swap3A_2747], %swap3A_2750 {add = true, strides = array<i32>} : memref<8192xf32, #tpu.memory_space<vmem>>, vector<16xf32>,
        %add3A_2751 = arith.constant 4096 : i32
        %add3A_2752 = arith.addi %add3A_2751, %add3A_2740 : i32
        %add3A_2753 = arith.addf %get3A_2743, %add3A_2302 : vector<16xf32>
        %swap3A_2754 = arith.index_cast %add3A_2752 : i32 to index
        %swap3A_2755 = tpu.vector_load %arg16[%swap3A_2754] {strides = array<i32>} : memref<8192xf32, #tpu.memory_space<vmem>>, vector<16xf32>,
        %swap3A_2756 = vector.shape_cast %swap3A_2755 : vector<16xf32> to vector<16xf32>
        %swap3A_2757 = vector.shape_cast %add3A_2753 : vector<16xf32> to vector<16xf32>
        tpu.vector_store %arg16[%swap3A_2754], %swap3A_2757 {add = true, strides = array<i32>} : memref<8192xf32, #tpu.memory_space<vmem>>, vector<16xf32>,
        %add3A_2758 = arith.constant 48 : i32
        %add3A_2759 = arith.addi %mul3A_2701, %add3A_2758 : i32
        %get3A_2760 = arith.index_cast %add3A_2759 : i32 to index
        %get3A_2761 = tpu.vector_load %arg9[%get3A_2760] {strides = array<i32>} : memref<4096xf32, #tpu.memory_space<vmem>>, vector<16xf32>,
        %get3A_2762 = vector.shape_cast %get3A_2761 : vector<16xf32> to vector<16xf32>
        %add3A_2763 = arith.constant 0 : i32
        %add3A_2764 = arith.addi %add3A_2763, %add3A_2759 : i32
        %add3A_2765 = arith.addf %get3A_2762, %add3A_2163 : vector<16xf32>
        %swap3A_2766 = arith.index_cast %add3A_2764 : i32 to index
        %swap3A_2767 = tpu.vector_load %arg16[%swap3A_2766] {strides = array<i32>} : memref<8192xf32, #tpu.memory_space<vmem>>, vector<16xf32>,
        %swap3A_2768 = vector.shape_cast %swap3A_2767 : vector<16xf32> to vector<16xf32>
        %swap3A_2769 = vector.shape_cast %add3A_2765 : vector<16xf32> to vector<16xf32>
        tpu.vector_store %arg16[%swap3A_2766], %swap3A_2769 {add = true, strides = array<i32>} : memref<8192xf32, #tpu.memory_space<vmem>>, vector<16xf32>,
        %add3A_2770 = arith.constant 4096 : i32
        %add3A_2771 = arith.addi %add3A_2770, %add3A_2759 : i32
        %add3A_2772 = arith.addf %get3A_2762, %add3A_2313 : vector<16xf32>
        %swap3A_2773 = arith.index_cast %add3A_2771 : i32 to index
        %swap3A_2774 = tpu.vector_load %arg16[%swap3A_2773] {strides = array<i32>} : memref<8192xf32, #tpu.memory_space<vmem>>, vector<16xf32>,
        %swap3A_2775 = vector.shape_cast %swap3A_2774 : vector<16xf32> to vector<16xf32>
        %swap3A_2776 = vector.shape_cast %add3A_2772 : vector<16xf32> to vector<16xf32>
        tpu.vector_store %arg16[%swap3A_2773], %swap3A_2776 {add = true, strides = array<i32>} : memref<8192xf32, #tpu.memory_space<vmem>>, vector<16xf32>,
        %add3A_2777 = arith.constant 64 : i32
        %add3A_2778 = arith.addi %mul3A_2701, %add3A_2777 : i32
        %get3A_2779 = arith.index_cast %add3A_2778 : i32 to index
        %get3A_2780 = tpu.vector_load %arg9[%get3A_2779] {strides = array<i32>} : memref<4096xf32, #tpu.memory_space<vmem>>, vector<16xf32>,
        %get3A_2781 = vector.shape_cast %get3A_2780 : vector<16xf32> to vector<16xf32>
        %add3A_2782 = arith.constant 0 : i32
        %add3A_2783 = arith.addi %add3A_2782, %add3A_2778 : i32
        %add3A_2784 = arith.addf %get3A_2781, %add3A_2174 : vector<16xf32>
        %swap3A_2785 = arith.index_cast %add3A_2783 : i32 to index
        %swap3A_2786 = tpu.vector_load %arg16[%swap3A_2785] {strides = array<i32>} : memref<8192xf32, #tpu.memory_space<vmem>>, vector<16xf32>,
        %swap3A_2787 = vector.shape_cast %swap3A_2786 : vector<16xf32> to vector<16xf32>
        %swap3A_2788 = vector.shape_cast %add3A_2784 : vector<16xf32> to vector<16xf32>
        tpu.vector_store %arg16[%swap3A_2785], %swap3A_2788 {add = true, strides = array<i32>} : memref<8192xf32, #tpu.memory_space<vmem>>, vector<16xf32>,
        %add3A_2789 = arith.constant 4096 : i32
        %add3A_2790 = arith.addi %add3A_2789, %add3A_2778 : i32
        %add3A_2791 = arith.addf %get3A_2781, %add3A_2324 : vector<16xf32>
        %swap3A_2792 = arith.index_cast %add3A_2790 : i32 to index
        %swap3A_2793 = tpu.vector_load %arg16[%swap3A_2792] {strides = array<i32>} : memref<8192xf32, #tpu.memory_space<vmem>>, vector<16xf32>,
        %swap3A_2794 = vector.shape_cast %swap3A_2793 : vector<16xf32> to vector<16xf32>
        %swap3A_2795 = vector.shape_cast %add3A_2791 : vector<16xf32> to vector<16xf32>
        tpu.vector_store %arg16[%swap3A_2792], %swap3A_2795 {add = true, strides = array<i32>} : memref<8192xf32, #tpu.memory_space<vmem>>, vector<16xf32>,
        %add3A_2796 = arith.constant 80 : i32
        %add3A_2797 = arith.addi %mul3A_2701, %add3A_2796 : i32
        %get3A_2798 = arith.index_cast %add3A_2797 : i32 to index
        %get3A_2799 = tpu.vector_load %arg9[%get3A_2798] {strides = array<i32>} : memref<4096xf32, #tpu.memory_space<vmem>>, vector<16xf32>,
        %get3A_2800 = vector.shape_cast %get3A_2799 : vector<16xf32> to vector<16xf32>
        %add3A_2801 = arith.constant 0 : i32
        %add3A_2802 = arith.addi %add3A_2801, %add3A_2797 : i32
        %add3A_2803 = arith.addf %get3A_2800, %add3A_2185 : vector<16xf32>
        %swap3A_2804 = arith.index_cast %add3A_2802 : i32 to index
        %swap3A_2805 = tpu.vector_load %arg16[%swap3A_2804] {strides = array<i32>} : memref<8192xf32, #tpu.memory_space<vmem>>, vector<16xf32>,
        %swap3A_2806 = vector.shape_cast %swap3A_2805 : vector<16xf32> to vector<16xf32>
        %swap3A_2807 = vector.shape_cast %add3A_2803 : vector<16xf32> to vector<16xf32>
        tpu.vector_store %arg16[%swap3A_2804], %swap3A_2807 {add = true, strides = array<i32>} : memref<8192xf32, #tpu.memory_space<vmem>>, vector<16xf32>,
        %add3A_2808 = arith.constant 4096 : i32
        %add3A_2809 = arith.addi %add3A_2808, %add3A_2797 : i32
        %add3A_2810 = arith.addf %get3A_2800, %add3A_2335 : vector<16xf32>
        %swap3A_2811 = arith.index_cast %add3A_2809 : i32 to index
        %swap3A_2812 = tpu.vector_load %arg16[%swap3A_2811] {strides = array<i32>} : memref<8192xf32, #tpu.memory_space<vmem>>, vector<16xf32>,
        %swap3A_2813 = vector.shape_cast %swap3A_2812 : vector<16xf32> to vector<16xf32>
        %swap3A_2814 = vector.shape_cast %add3A_2810 : vector<16xf32> to vector<16xf32>
        tpu.vector_store %arg16[%swap3A_2811], %swap3A_2814 {add = true, strides = array<i32>} : memref<8192xf32, #tpu.memory_space<vmem>>, vector<16xf32>,
        %add3A_2815 = arith.constant 96 : i32
        %add3A_2816 = arith.addi %mul3A_2701, %add3A_2815 : i32
        %get3A_2817 = arith.index_cast %add3A_2816 : i32 to index
        %get3A_2818 = tpu.vector_load %arg9[%get3A_2817] {strides = array<i32>} : memref<4096xf32, #tpu.memory_space<vmem>>, vector<16xf32>,
        %get3A_2819 = vector.shape_cast %get3A_2818 : vector<16xf32> to vector<16xf32>
        %add3A_2820 = arith.constant 0 : i32
        %add3A_2821 = arith.addi %add3A_2820, %add3A_2816 : i32
        %add3A_2822 = arith.addf %get3A_2819, %add3A_2196 : vector<16xf32>
        %swap3A_2823 = arith.index_cast %add3A_2821 : i32 to index
        %swap3A_2824 = tpu.vector_load %arg16[%swap3A_2823] {strides = array<i32>} : memref<8192xf32, #tpu.memory_space<vmem>>, vector<16xf32>,
        %swap3A_2825 = vector.shape_cast %swap3A_2824 : vector<16xf32> to vector<16xf32>
        %swap3A_2826 = vector.shape_cast %add3A_2822 : vector<16xf32> to vector<16xf32>
        tpu.vector_store %arg16[%swap3A_2823], %swap3A_2826 {add = true, strides = array<i32>} : memref<8192xf32, #tpu.memory_space<vmem>>, vector<16xf32>,
        %add3A_2827 = arith.constant 4096 : i32
        %add3A_2828 = arith.addi %add3A_2827, %add3A_2816 : i32
        %add3A_2829 = arith.addf %get3A_2819, %add3A_2346 : vector<16xf32>
        %swap3A_2830 = arith.index_cast %add3A_2828 : i32 to index
        %swap3A_2831 = tpu.vector_load %arg16[%swap3A_2830] {strides = array<i32>} : memref<8192xf32, #tpu.memory_space<vmem>>, vector<16xf32>,
        %swap3A_2832 = vector.shape_cast %swap3A_2831 : vector<16xf32> to vector<16xf32>
        %swap3A_2833 = vector.shape_cast %add3A_2829 : vector<16xf32> to vector<16xf32>
        tpu.vector_store %arg16[%swap3A_2830], %swap3A_2833 {add = true, strides = array<i32>} : memref<8192xf32, #tpu.memory_space<vmem>>, vector<16xf32>,
        %add3A_2834 = arith.constant 112 : i32
        %add3A_2835 = arith.addi %mul3A_2701, %add3A_2834 : i32
        %get3A_2836 = arith.index_cast %add3A_2835 : i32 to index
        %get3A_2837 = tpu.vector_load %arg9[%get3A_2836] {strides = array<i32>} : memref<4096xf32, #tpu.memory_space<vmem>>, vector<16xf32>,
        %get3A_2838 = vector.shape_cast %get3A_2837 : vector<16xf32> to vector<16xf32>
        %add3A_2839 = arith.constant 0 : i32
        %add3A_2840 = arith.addi %add3A_2839, %add3A_2835 : i32
        %add3A_2841 = arith.addf %get3A_2838, %add3A_2207 : vector<16xf32>
        %swap3A_2842 = arith.index_cast %add3A_2840 : i32 to index
        %swap3A_2843 = tpu.vector_load %arg16[%swap3A_2842] {strides = array<i32>} : memref<8192xf32, #tpu.memory_space<vmem>>, vector<16xf32>,
        %swap3A_2844 = vector.shape_cast %swap3A_2843 : vector<16xf32> to vector<16xf32>
        %swap3A_2845 = vector.shape_cast %add3A_2841 : vector<16xf32> to vector<16xf32>
        tpu.vector_store %arg16[%swap3A_2842], %swap3A_2845 {add = true, strides = array<i32>} : memref<8192xf32, #tpu.memory_space<vmem>>, vector<16xf32>,
        %add3A_2846 = arith.constant 4096 : i32
        %add3A_2847 = arith.addi %add3A_2846, %add3A_2835 : i32
        %add3A_2848 = arith.addf %get3A_2838, %add3A_2357 : vector<16xf32>
        %swap3A_2849 = arith.index_cast %add3A_2847 : i32 to index
        %swap3A_2850 = tpu.vector_load %arg16[%swap3A_2849] {strides = array<i32>} : memref<8192xf32, #tpu.memory_space<vmem>>, vector<16xf32>,
        %swap3A_2851 = vector.shape_cast %swap3A_2850 : vector<16xf32> to vector<16xf32>
        %swap3A_2852 = vector.shape_cast %add3A_2848 : vector<16xf32> to vector<16xf32>
        tpu.vector_store %arg16[%swap3A_2849], %swap3A_2852 {add = true, strides = array<i32>} : memref<8192xf32, #tpu.memory_space<vmem>>, vector<16xf32>,
      }
      %scan3A_2363 = arith.constant 32 : i32
      %dma_start3A_2364 = tpu.memref_slice %arg6[%mul3A_2055] : memref<33554432xf32, #tpu.memory_space<hbm>> -> memref<8192xf32, #tpu.memory_space<hbm>>
      %dma_start3A_2365 = tpu.memref_slice %arg6[%mul3A_2055] : memref<33554432xf32, #tpu.memory_space<hbm>> -> memref<8192xf32, #tpu.memory_space<hbm>>
      tpu.enqueue_dma source(%arg16 : memref<8192xf32, #tpu.memory_space<vmem>>) target(%dma_start3A_2365 : memref<8192xf32, #tpu.memory_space<hbm>>) target_semaphore(%arg32 : memref<!tpu.dma_semaphore, #tpu.memory_space<semaphore_mem>>)
      %add3A_2366 = arith.constant 6 : i32
      %add3A_2367 = arith.addi %add3A_2050, %add3A_2366 : i32
      %lt3A_2368 = arith.constant 15 : i32
      %lt3A_2369 = arith.cmpi slt, %scan3A_90, %lt3A_2368 : i32
      %convert_element_type3A_2370 = arith.extui %lt3A_2369 : i1 to i32
      %cond3A_2371 = arith.constant 0 : i32
      %cond3A_2372 = arith.cmpi ne, %convert_element_type3A_2370, %cond3A_2371 : i32
      scf.if %cond3A_2372 {
        %sub3A_2699 = arith.constant 8 : i32
        %sub3A_2700 = arith.subi %add3A_2367, %sub3A_2699 : i32
        %mul3A_2701 = arith.constant 2 : i32
        %mul3A_2702 = arith.muli %sub3A_2700, %mul3A_2701 : i32
        %add3A_2703 = arith.addi %mul3A_2, %mul3A_2702 : i32
        %mul3A_2704 = arith.constant 4096 : i32
        %mul3A_2705 = arith.muli %add3A_2703, %mul3A_2704 : i32
        %dma_wait3A_2706 = tpu.memref_slice %arg6[%mul3A_2705] : memref<33554432xf32, #tpu.memory_space<hbm>> -> memref<8192xf32, #tpu.memory_space<hbm>>
        %dma_wait3A_2707 = tpu.memref_slice %arg6[%mul3A_2705] : memref<33554432xf32, #tpu.memory_space<hbm>> -> memref<8192xf32, #tpu.memory_space<hbm>>
        tpu.wait_dma2 semaphore(%arg30 : memref<!tpu.dma_semaphore, #tpu.memory_space<semaphore_mem>>) src(%arg14 : memref<8192xf32, #tpu.memory_space<vmem>>) dst(%dma_wait3A_2707 : memref<8192xf32, #tpu.memory_space<hbm>>)
        %mul3A_2708 = arith.constant 2 : i32
        %mul3A_2709 = arith.muli %add3A_2367, %mul3A_2708 : i32
        %add3A_2710 = arith.addi %mul3A_2, %mul3A_2709 : i32
        %mul3A_2711 = arith.constant 4096 : i32
        %mul3A_2712 = arith.muli %add3A_2710, %mul3A_2711 : i32
        %dma_start3A_2713 = tpu.memref_slice %arg2[%mul3A_2712] : memref<33554432xf32, #tpu.memory_space<hbm>> -> memref<8192xf32, #tpu.memory_space<hbm>>
        %dma_start3A_2714 = tpu.memref_slice %arg2[%mul3A_2712] : memref<33554432xf32, #tpu.memory_space<hbm>> -> memref<8192xf32, #tpu.memory_space<hbm>>
        tpu.enqueue_dma source(%dma_start3A_2714 : memref<8192xf32, #tpu.memory_space<hbm>>) target(%arg14 : memref<8192xf32, #tpu.memory_space<vmem>>) target_semaphore(%arg22 : memref<!tpu.dma_semaphore, #tpu.memory_space<semaphore_mem>>)
      } else {
      }
      %mul3A_2373 = arith.constant 8 : i32
      %mul3A_2374 = arith.muli %scan3A_90, %mul3A_2373 : i32
      %add3A_2375 = arith.constant 7 : i32
      %add3A_2376 = arith.addi %mul3A_2374, %add3A_2375 : i32
      %mul3A_2377 = arith.constant 2 : i32
      %mul3A_2378 = arith.muli %add3A_2376, %mul3A_2377 : i32
      %add3A_2379 = arith.addi %mul3A_2, %mul3A_2378 : i32
      %mul3A_2380 = arith.constant 4096 : i32
      %mul3A_2381 = arith.muli %add3A_2379, %mul3A_2380 : i32
      %dma_wait3A_2382 = tpu.memref_slice %arg2[%mul3A_2381] : memref<33554432xf32, #tpu.memory_space<hbm>> -> memref<8192xf32, #tpu.memory_space<hbm>>
      %dma_wait3A_2383 = tpu.memref_slice %arg2[%mul3A_2381] : memref<33554432xf32, #tpu.memory_space<hbm>> -> memref<8192xf32, #tpu.memory_space<hbm>>
      tpu.wait_dma2 semaphore(%arg25 : memref<!tpu.dma_semaphore, #tpu.memory_space<semaphore_mem>>) src(%dma_wait3A_2383 : memref<8192xf32, #tpu.memory_space<hbm>>) dst(%arg17 : memref<8192xf32, #tpu.memory_space<vmem>>)
      %add3A_2384 = arith.constant 0 : i32
      %add3A_2385 = arith.addi %add3A_2379, %add3A_2384 : i32
      %jit3A_2386 = arith.constant 512 : i32
      %eq3A_2387 = arith.constant 0 : i32
      %eq3A_2388 = arith.cmpi eq, %jit3A_2386, %eq3A_2387 : i32
      %jit3A_2389 = arith.constant 1 : i32
      %select_n3A_2390 = arith.select %eq3A_2388, %jit3A_2389, %jit3A_2386 : i32
      %rem3A_2391 = arith.remsi %add3A_2385, %select_n3A_2390 : i32
      %ne3A_2392 = arith.constant 0 : i32
      %ne3A_2393 = arith.cmpi ne, %rem3A_2391, %ne3A_2392 : i32
      %lt3A_2394 = arith.constant 0 : i32
      %lt3A_2395 = arith.cmpi slt, %rem3A_2391, %lt3A_2394 : i32
      %lt3A_2396 = arith.constant 0 : i32
      %lt3A_2397 = arith.cmpi slt, %select_n3A_2390, %lt3A_2396 : i32
      %ne3A_2398 = arith.xori %lt3A_2395, %lt3A_2397 : i1
      %and3A_2399 = arith.andi %ne3A_2398, %ne3A_2393 : i1
      %add3A_2400 = arith.addi %rem3A_2391, %select_n3A_2390 : i32
      %select_n3A_2401 = arith.select %and3A_2399, %add3A_2400, %rem3A_2391 : i32
      %jit3A_2402 = arith.constant 32 : i32
      %div3A_2403 = arith.divsi %select_n3A_2401, %jit3A_2402 : i32
      %sign3A_2404 = arith.constant 0 : i32
      %sign3A_2405 = arith.cmpi sgt, %select_n3A_2401, %sign3A_2404 : i32
      %sign3A_2406 = arith.extui %sign3A_2405 : i1 to i32
      %sign3A_2407 = arith.constant 0 : i32
      %sign3A_2408 = arith.cmpi slt, %select_n3A_2401, %sign3A_2407 : i32
      %sign3A_2409 = arith.extui %sign3A_2408 : i1 to i32
      %sign3A_2410 = arith.subi %sign3A_2406, %sign3A_2409 : i32
      %sign3A_2411 = arith.constant 0 : i32
      %sign3A_2412 = arith.cmpi sgt, %jit3A_2402, %sign3A_2411 : i32
      %sign3A_2413 = arith.extui %sign3A_2412 : i1 to i32
      %sign3A_2414 = arith.constant 0 : i32
      %sign3A_2415 = arith.cmpi slt, %jit3A_2402, %sign3A_2414 : i32
      %sign3A_2416 = arith.extui %sign3A_2415 : i1 to i32
      %sign3A_2417 = arith.subi %sign3A_2413, %sign3A_2416 : i32
      %ne3A_2418 = arith.cmpi ne, %sign3A_2410, %sign3A_2417 : i32
      %rem3A_2419 = arith.remsi %select_n3A_2401, %jit3A_2402 : i32
      %ne3A_2420 = arith.constant 0 : i32
      %ne3A_2421 = arith.cmpi ne, %rem3A_2419, %ne3A_2420 : i32
      %and3A_2422 = arith.andi %ne3A_2418, %ne3A_2421 : i1
      %sub3A_2423 = arith.constant 1 : i32
      %sub3A_2424 = arith.subi %div3A_2403, %sub3A_2423 : i32
      %select_n3A_2425 = arith.select %and3A_2422, %sub3A_2424, %div3A_2403 : i32
      %jit3A_2426 = arith.constant 32 : i32
      %eq3A_2427 = arith.constant 0 : i32
      %eq3A_2428 = arith.cmpi eq, %jit3A_2426, %eq3A_2427 : i32
      %jit3A_2429 = arith.constant 1 : i32
      %select_n3A_2430 = arith.select %eq3A_2428, %jit3A_2429, %jit3A_2426 : i32
      %rem3A_2431 = arith.remsi %select_n3A_2401, %select_n3A_2430 : i32
      %ne3A_2432 = arith.constant 0 : i32
      %ne3A_2433 = arith.cmpi ne, %rem3A_2431, %ne3A_2432 : i32
      %lt3A_2434 = arith.constant 0 : i32
      %lt3A_2435 = arith.cmpi slt, %rem3A_2431, %lt3A_2434 : i32
      %lt3A_2436 = arith.constant 0 : i32
      %lt3A_2437 = arith.cmpi slt, %select_n3A_2430, %lt3A_2436 : i32
      %ne3A_2438 = arith.xori %lt3A_2435, %lt3A_2437 : i1
      %and3A_2439 = arith.andi %ne3A_2438, %ne3A_2433 : i1
      %add3A_2440 = arith.addi %rem3A_2431, %select_n3A_2430 : i32
      %select_n3A_2441 = arith.select %and3A_2439, %add3A_2440, %rem3A_2431 : i32
      %mul3A_2442 = arith.constant 128 : i32
      %mul3A_2443 = arith.muli %select_n3A_2425, %mul3A_2442 : i32
      %mul3A_2444 = arith.constant 128 : i32
      %mul3A_2445 = arith.muli %select_n3A_2441, %mul3A_2444 : i32
      %add3A_2446 = arith.constant 0 : i32
      %add3A_2447 = arith.addi %mul3A_2443, %add3A_2446 : i32
      %get3A_2448 = arith.index_cast %add3A_2447 : i32 to index
      %get3A_2449 = tpu.vector_load %arg7[%get3A_2448] {strides = array<i32>} : memref<2048xf32, #tpu.memory_space<vmem>>, vector<16xf32>,
      %get3A_2450 = vector.shape_cast %get3A_2449 : vector<16xf32> to vector<16xf32>
      %add3A_2451 = arith.constant 0 : i32
      %add3A_2452 = arith.addi %mul3A_2445, %add3A_2451 : i32
      %get3A_2453 = arith.index_cast %add3A_2452 : i32 to index
      %get3A_2454 = tpu.vector_load %arg8[%get3A_2453] {strides = array<i32>} : memref<4096xf32, #tpu.memory_space<vmem>>, vector<16xf32>,
      %get3A_2455 = vector.shape_cast %get3A_2454 : vector<16xf32> to vector<16xf32>
      %add3A_2456 = arith.addf %get3A_2450, %get3A_2455 : vector<16xf32>
      %add3A_2457 = arith.constant 16 : i32
      %add3A_2458 = arith.addi %mul3A_2443, %add3A_2457 : i32
      %get3A_2459 = arith.index_cast %add3A_2458 : i32 to index
      %get3A_2460 = tpu.vector_load %arg7[%get3A_2459] {strides = array<i32>} : memref<2048xf32, #tpu.memory_space<vmem>>, vector<16xf32>,
      %get3A_2461 = vector.shape_cast %get3A_2460 : vector<16xf32> to vector<16xf32>
      %add3A_2462 = arith.constant 16 : i32
      %add3A_2463 = arith.addi %mul3A_2445, %add3A_2462 : i32
      %get3A_2464 = arith.index_cast %add3A_2463 : i32 to index
      %get3A_2465 = tpu.vector_load %arg8[%get3A_2464] {strides = array<i32>} : memref<4096xf32, #tpu.memory_space<vmem>>, vector<16xf32>,
      %get3A_2466 = vector.shape_cast %get3A_2465 : vector<16xf32> to vector<16xf32>
      %add3A_2467 = arith.addf %get3A_2461, %get3A_2466 : vector<16xf32>
      %add3A_2468 = arith.constant 32 : i32
      %add3A_2469 = arith.addi %mul3A_2443, %add3A_2468 : i32
      %get3A_2470 = arith.index_cast %add3A_2469 : i32 to index
      %get3A_2471 = tpu.vector_load %arg7[%get3A_2470] {strides = array<i32>} : memref<2048xf32, #tpu.memory_space<vmem>>, vector<16xf32>,
      %get3A_2472 = vector.shape_cast %get3A_2471 : vector<16xf32> to vector<16xf32>
      %add3A_2473 = arith.constant 32 : i32
      %add3A_2474 = arith.addi %mul3A_2445, %add3A_2473 : i32
      %get3A_2475 = arith.index_cast %add3A_2474 : i32 to index
      %get3A_2476 = tpu.vector_load %arg8[%get3A_2475] {strides = array<i32>} : memref<4096xf32, #tpu.memory_space<vmem>>, vector<16xf32>,
      %get3A_2477 = vector.shape_cast %get3A_2476 : vector<16xf32> to vector<16xf32>
      %add3A_2478 = arith.addf %get3A_2472, %get3A_2477 : vector<16xf32>
      %add3A_2479 = arith.constant 48 : i32
      %add3A_2480 = arith.addi %mul3A_2443, %add3A_2479 : i32
      %get3A_2481 = arith.index_cast %add3A_2480 : i32 to index
      %get3A_2482 = tpu.vector_load %arg7[%get3A_2481] {strides = array<i32>} : memref<2048xf32, #tpu.memory_space<vmem>>, vector<16xf32>,
      %get3A_2483 = vector.shape_cast %get3A_2482 : vector<16xf32> to vector<16xf32>
      %add3A_2484 = arith.constant 48 : i32
      %add3A_2485 = arith.addi %mul3A_2445, %add3A_2484 : i32
      %get3A_2486 = arith.index_cast %add3A_2485 : i32 to index
      %get3A_2487 = tpu.vector_load %arg8[%get3A_2486] {strides = array<i32>} : memref<4096xf32, #tpu.memory_space<vmem>>, vector<16xf32>,
      %get3A_2488 = vector.shape_cast %get3A_2487 : vector<16xf32> to vector<16xf32>
      %add3A_2489 = arith.addf %get3A_2483, %get3A_2488 : vector<16xf32>
      %add3A_2490 = arith.constant 64 : i32
      %add3A_2491 = arith.addi %mul3A_2443, %add3A_2490 : i32
      %get3A_2492 = arith.index_cast %add3A_2491 : i32 to index
      %get3A_2493 = tpu.vector_load %arg7[%get3A_2492] {strides = array<i32>} : memref<2048xf32, #tpu.memory_space<vmem>>, vector<16xf32>,
      %get3A_2494 = vector.shape_cast %get3A_2493 : vector<16xf32> to vector<16xf32>
      %add3A_2495 = arith.constant 64 : i32
      %add3A_2496 = arith.addi %mul3A_2445, %add3A_2495 : i32
      %get3A_2497 = arith.index_cast %add3A_2496 : i32 to index
      %get3A_2498 = tpu.vector_load %arg8[%get3A_2497] {strides = array<i32>} : memref<4096xf32, #tpu.memory_space<vmem>>, vector<16xf32>,
      %get3A_2499 = vector.shape_cast %get3A_2498 : vector<16xf32> to vector<16xf32>
      %add3A_2500 = arith.addf %get3A_2494, %get3A_2499 : vector<16xf32>
      %add3A_2501 = arith.constant 80 : i32
      %add3A_2502 = arith.addi %mul3A_2443, %add3A_2501 : i32
      %get3A_2503 = arith.index_cast %add3A_2502 : i32 to index
      %get3A_2504 = tpu.vector_load %arg7[%get3A_2503] {strides = array<i32>} : memref<2048xf32, #tpu.memory_space<vmem>>, vector<16xf32>,
      %get3A_2505 = vector.shape_cast %get3A_2504 : vector<16xf32> to vector<16xf32>
      %add3A_2506 = arith.constant 80 : i32
      %add3A_2507 = arith.addi %mul3A_2445, %add3A_2506 : i32
      %get3A_2508 = arith.index_cast %add3A_2507 : i32 to index
      %get3A_2509 = tpu.vector_load %arg8[%get3A_2508] {strides = array<i32>} : memref<4096xf32, #tpu.memory_space<vmem>>, vector<16xf32>,
      %get3A_2510 = vector.shape_cast %get3A_2509 : vector<16xf32> to vector<16xf32>
      %add3A_2511 = arith.addf %get3A_2505, %get3A_2510 : vector<16xf32>
      %add3A_2512 = arith.constant 96 : i32
      %add3A_2513 = arith.addi %mul3A_2443, %add3A_2512 : i32
      %get3A_2514 = arith.index_cast %add3A_2513 : i32 to index
      %get3A_2515 = tpu.vector_load %arg7[%get3A_2514] {strides = array<i32>} : memref<2048xf32, #tpu.memory_space<vmem>>, vector<16xf32>,
      %get3A_2516 = vector.shape_cast %get3A_2515 : vector<16xf32> to vector<16xf32>
      %add3A_2517 = arith.constant 96 : i32
      %add3A_2518 = arith.addi %mul3A_2445, %add3A_2517 : i32
      %get3A_2519 = arith.index_cast %add3A_2518 : i32 to index
      %get3A_2520 = tpu.vector_load %arg8[%get3A_2519] {strides = array<i32>} : memref<4096xf32, #tpu.memory_space<vmem>>, vector<16xf32>,
      %get3A_2521 = vector.shape_cast %get3A_2520 : vector<16xf32> to vector<16xf32>
      %add3A_2522 = arith.addf %get3A_2516, %get3A_2521 : vector<16xf32>
      %add3A_2523 = arith.constant 112 : i32
      %add3A_2524 = arith.addi %mul3A_2443, %add3A_2523 : i32
      %get3A_2525 = arith.index_cast %add3A_2524 : i32 to index
      %get3A_2526 = tpu.vector_load %arg7[%get3A_2525] {strides = array<i32>} : memref<2048xf32, #tpu.memory_space<vmem>>, vector<16xf32>,
      %get3A_2527 = vector.shape_cast %get3A_2526 : vector<16xf32> to vector<16xf32>
      %add3A_2528 = arith.constant 112 : i32
      %add3A_2529 = arith.addi %mul3A_2445, %add3A_2528 : i32
      %get3A_2530 = arith.index_cast %add3A_2529 : i32 to index
      %get3A_2531 = tpu.vector_load %arg8[%get3A_2530] {strides = array<i32>} : memref<4096xf32, #tpu.memory_space<vmem>>, vector<16xf32>,
      %get3A_2532 = vector.shape_cast %get3A_2531 : vector<16xf32> to vector<16xf32>
      %add3A_2533 = arith.addf %get3A_2527, %get3A_2532 : vector<16xf32>
      %add3A_2534 = arith.constant 1 : i32
      %add3A_2535 = arith.addi %add3A_2379, %add3A_2534 : i32
      %jit3A_2536 = arith.constant 512 : i32
      %eq3A_2537 = arith.constant 0 : i32
      %eq3A_2538 = arith.cmpi eq, %jit3A_2536, %eq3A_2537 : i32
      %jit3A_2539 = arith.constant 1 : i32
      %select_n3A_2540 = arith.select %eq3A_2538, %jit3A_2539, %jit3A_2536 : i32
      %rem3A_2541 = arith.remsi %add3A_2535, %select_n3A_2540 : i32
      %ne3A_2542 = arith.constant 0 : i32
      %ne3A_2543 = arith.cmpi ne, %rem3A_2541, %ne3A_2542 : i32
      %lt3A_2544 = arith.constant 0 : i32
      %lt3A_2545 = arith.cmpi slt, %rem3A_2541, %lt3A_2544 : i32
      %lt3A_2546 = arith.constant 0 : i32
      %lt3A_2547 = arith.cmpi slt, %select_n3A_2540, %lt3A_2546 : i32
      %ne3A_2548 = arith.xori %lt3A_2545, %lt3A_2547 : i1
      %and3A_2549 = arith.andi %ne3A_2548, %ne3A_2543 : i1
      %add3A_2550 = arith.addi %rem3A_2541, %select_n3A_2540 : i32
      %select_n3A_2551 = arith.select %and3A_2549, %add3A_2550, %rem3A_2541 : i32
      %jit3A_2552 = arith.constant 32 : i32
      %div3A_2553 = arith.divsi %select_n3A_2551, %jit3A_2552 : i32
      %sign3A_2554 = arith.constant 0 : i32
      %sign3A_2555 = arith.cmpi sgt, %select_n3A_2551, %sign3A_2554 : i32
      %sign3A_2556 = arith.extui %sign3A_2555 : i1 to i32
      %sign3A_2557 = arith.constant 0 : i32
      %sign3A_2558 = arith.cmpi slt, %select_n3A_2551, %sign3A_2557 : i32
      %sign3A_2559 = arith.extui %sign3A_2558 : i1 to i32
      %sign3A_2560 = arith.subi %sign3A_2556, %sign3A_2559 : i32
      %sign3A_2561 = arith.constant 0 : i32
      %sign3A_2562 = arith.cmpi sgt, %jit3A_2552, %sign3A_2561 : i32
      %sign3A_2563 = arith.extui %sign3A_2562 : i1 to i32
      %sign3A_2564 = arith.constant 0 : i32
      %sign3A_2565 = arith.cmpi slt, %jit3A_2552, %sign3A_2564 : i32
      %sign3A_2566 = arith.extui %sign3A_2565 : i1 to i32
      %sign3A_2567 = arith.subi %sign3A_2563, %sign3A_2566 : i32
      %ne3A_2568 = arith.cmpi ne, %sign3A_2560, %sign3A_2567 : i32
      %rem3A_2569 = arith.remsi %select_n3A_2551, %jit3A_2552 : i32
      %ne3A_2570 = arith.constant 0 : i32
      %ne3A_2571 = arith.cmpi ne, %rem3A_2569, %ne3A_2570 : i32
      %and3A_2572 = arith.andi %ne3A_2568, %ne3A_2571 : i1
      %sub3A_2573 = arith.constant 1 : i32
      %sub3A_2574 = arith.subi %div3A_2553, %sub3A_2573 : i32
      %select_n3A_2575 = arith.select %and3A_2572, %sub3A_2574, %div3A_2553 : i32
      %jit3A_2576 = arith.constant 32 : i32
      %eq3A_2577 = arith.constant 0 : i32
      %eq3A_2578 = arith.cmpi eq, %jit3A_2576, %eq3A_2577 : i32
      %jit3A_2579 = arith.constant 1 : i32
      %select_n3A_2580 = arith.select %eq3A_2578, %jit3A_2579, %jit3A_2576 : i32
      %rem3A_2581 = arith.remsi %select_n3A_2551, %select_n3A_2580 : i32
      %ne3A_2582 = arith.constant 0 : i32
      %ne3A_2583 = arith.cmpi ne, %rem3A_2581, %ne3A_2582 : i32
      %lt3A_2584 = arith.constant 0 : i32
      %lt3A_2585 = arith.cmpi slt, %rem3A_2581, %lt3A_2584 : i32
      %lt3A_2586 = arith.constant 0 : i32
      %lt3A_2587 = arith.cmpi slt, %select_n3A_2580, %lt3A_2586 : i32
      %ne3A_2588 = arith.xori %lt3A_2585, %lt3A_2587 : i1
      %and3A_2589 = arith.andi %ne3A_2588, %ne3A_2583 : i1
      %add3A_2590 = arith.addi %rem3A_2581, %select_n3A_2580 : i32
      %select_n3A_2591 = arith.select %and3A_2589, %add3A_2590, %rem3A_2581 : i32
      %mul3A_2592 = arith.constant 128 : i32
      %mul3A_2593 = arith.muli %select_n3A_2575, %mul3A_2592 : i32
      %mul3A_2594 = arith.constant 128 : i32
      %mul3A_2595 = arith.muli %select_n3A_2591, %mul3A_2594 : i32
      %add3A_2596 = arith.constant 0 : i32
      %add3A_2597 = arith.addi %mul3A_2593, %add3A_2596 : i32
      %get3A_2598 = arith.index_cast %add3A_2597 : i32 to index
      %get3A_2599 = tpu.vector_load %arg7[%get3A_2598] {strides = array<i32>} : memref<2048xf32, #tpu.memory_space<vmem>>, vector<16xf32>,
      %get3A_2600 = vector.shape_cast %get3A_2599 : vector<16xf32> to vector<16xf32>
      %add3A_2601 = arith.constant 0 : i32
      %add3A_2602 = arith.addi %mul3A_2595, %add3A_2601 : i32
      %get3A_2603 = arith.index_cast %add3A_2602 : i32 to index
      %get3A_2604 = tpu.vector_load %arg8[%get3A_2603] {strides = array<i32>} : memref<4096xf32, #tpu.memory_space<vmem>>, vector<16xf32>,
      %get3A_2605 = vector.shape_cast %get3A_2604 : vector<16xf32> to vector<16xf32>
      %add3A_2606 = arith.addf %get3A_2600, %get3A_2605 : vector<16xf32>
      %add3A_2607 = arith.constant 16 : i32
      %add3A_2608 = arith.addi %mul3A_2593, %add3A_2607 : i32
      %get3A_2609 = arith.index_cast %add3A_2608 : i32 to index
      %get3A_2610 = tpu.vector_load %arg7[%get3A_2609] {strides = array<i32>} : memref<2048xf32, #tpu.memory_space<vmem>>, vector<16xf32>,
      %get3A_2611 = vector.shape_cast %get3A_2610 : vector<16xf32> to vector<16xf32>
      %add3A_2612 = arith.constant 16 : i32
      %add3A_2613 = arith.addi %mul3A_2595, %add3A_2612 : i32
      %get3A_2614 = arith.index_cast %add3A_2613 : i32 to index
      %get3A_2615 = tpu.vector_load %arg8[%get3A_2614] {strides = array<i32>} : memref<4096xf32, #tpu.memory_space<vmem>>, vector<16xf32>,
      %get3A_2616 = vector.shape_cast %get3A_2615 : vector<16xf32> to vector<16xf32>
      %add3A_2617 = arith.addf %get3A_2611, %get3A_2616 : vector<16xf32>
      %add3A_2618 = arith.constant 32 : i32
      %add3A_2619 = arith.addi %mul3A_2593, %add3A_2618 : i32
      %get3A_2620 = arith.index_cast %add3A_2619 : i32 to index
      %get3A_2621 = tpu.vector_load %arg7[%get3A_2620] {strides = array<i32>} : memref<2048xf32, #tpu.memory_space<vmem>>, vector<16xf32>,
      %get3A_2622 = vector.shape_cast %get3A_2621 : vector<16xf32> to vector<16xf32>
      %add3A_2623 = arith.constant 32 : i32
      %add3A_2624 = arith.addi %mul3A_2595, %add3A_2623 : i32
      %get3A_2625 = arith.index_cast %add3A_2624 : i32 to index
      %get3A_2626 = tpu.vector_load %arg8[%get3A_2625] {strides = array<i32>} : memref<4096xf32, #tpu.memory_space<vmem>>, vector<16xf32>,
      %get3A_2627 = vector.shape_cast %get3A_2626 : vector<16xf32> to vector<16xf32>
      %add3A_2628 = arith.addf %get3A_2622, %get3A_2627 : vector<16xf32>
      %add3A_2629 = arith.constant 48 : i32
      %add3A_2630 = arith.addi %mul3A_2593, %add3A_2629 : i32
      %get3A_2631 = arith.index_cast %add3A_2630 : i32 to index
      %get3A_2632 = tpu.vector_load %arg7[%get3A_2631] {strides = array<i32>} : memref<2048xf32, #tpu.memory_space<vmem>>, vector<16xf32>,
      %get3A_2633 = vector.shape_cast %get3A_2632 : vector<16xf32> to vector<16xf32>
      %add3A_2634 = arith.constant 48 : i32
      %add3A_2635 = arith.addi %mul3A_2595, %add3A_2634 : i32
      %get3A_2636 = arith.index_cast %add3A_2635 : i32 to index
      %get3A_2637 = tpu.vector_load %arg8[%get3A_2636] {strides = array<i32>} : memref<4096xf32, #tpu.memory_space<vmem>>, vector<16xf32>,
      %get3A_2638 = vector.shape_cast %get3A_2637 : vector<16xf32> to vector<16xf32>
      %add3A_2639 = arith.addf %get3A_2633, %get3A_2638 : vector<16xf32>
      %add3A_2640 = arith.constant 64 : i32
      %add3A_2641 = arith.addi %mul3A_2593, %add3A_2640 : i32
      %get3A_2642 = arith.index_cast %add3A_2641 : i32 to index
      %get3A_2643 = tpu.vector_load %arg7[%get3A_2642] {strides = array<i32>} : memref<2048xf32, #tpu.memory_space<vmem>>, vector<16xf32>,
      %get3A_2644 = vector.shape_cast %get3A_2643 : vector<16xf32> to vector<16xf32>
      %add3A_2645 = arith.constant 64 : i32
      %add3A_2646 = arith.addi %mul3A_2595, %add3A_2645 : i32
      %get3A_2647 = arith.index_cast %add3A_2646 : i32 to index
      %get3A_2648 = tpu.vector_load %arg8[%get3A_2647] {strides = array<i32>} : memref<4096xf32, #tpu.memory_space<vmem>>, vector<16xf32>,
      %get3A_2649 = vector.shape_cast %get3A_2648 : vector<16xf32> to vector<16xf32>
      %add3A_2650 = arith.addf %get3A_2644, %get3A_2649 : vector<16xf32>
      %add3A_2651 = arith.constant 80 : i32
      %add3A_2652 = arith.addi %mul3A_2593, %add3A_2651 : i32
      %get3A_2653 = arith.index_cast %add3A_2652 : i32 to index
      %get3A_2654 = tpu.vector_load %arg7[%get3A_2653] {strides = array<i32>} : memref<2048xf32, #tpu.memory_space<vmem>>, vector<16xf32>,
      %get3A_2655 = vector.shape_cast %get3A_2654 : vector<16xf32> to vector<16xf32>
      %add3A_2656 = arith.constant 80 : i32
      %add3A_2657 = arith.addi %mul3A_2595, %add3A_2656 : i32
      %get3A_2658 = arith.index_cast %add3A_2657 : i32 to index
      %get3A_2659 = tpu.vector_load %arg8[%get3A_2658] {strides = array<i32>} : memref<4096xf32, #tpu.memory_space<vmem>>, vector<16xf32>,
      %get3A_2660 = vector.shape_cast %get3A_2659 : vector<16xf32> to vector<16xf32>
      %add3A_2661 = arith.addf %get3A_2655, %get3A_2660 : vector<16xf32>
      %add3A_2662 = arith.constant 96 : i32
      %add3A_2663 = arith.addi %mul3A_2593, %add3A_2662 : i32
      %get3A_2664 = arith.index_cast %add3A_2663 : i32 to index
      %get3A_2665 = tpu.vector_load %arg7[%get3A_2664] {strides = array<i32>} : memref<2048xf32, #tpu.memory_space<vmem>>, vector<16xf32>,
      %get3A_2666 = vector.shape_cast %get3A_2665 : vector<16xf32> to vector<16xf32>
      %add3A_2667 = arith.constant 96 : i32
      %add3A_2668 = arith.addi %mul3A_2595, %add3A_2667 : i32
      %get3A_2669 = arith.index_cast %add3A_2668 : i32 to index
      %get3A_2670 = tpu.vector_load %arg8[%get3A_2669] {strides = array<i32>} : memref<4096xf32, #tpu.memory_space<vmem>>, vector<16xf32>,
      %get3A_2671 = vector.shape_cast %get3A_2670 : vector<16xf32> to vector<16xf32>
      %add3A_2672 = arith.addf %get3A_2666, %get3A_2671 : vector<16xf32>
      %add3A_2673 = arith.constant 112 : i32
      %add3A_2674 = arith.addi %mul3A_2593, %add3A_2673 : i32
      %get3A_2675 = arith.index_cast %add3A_2674 : i32 to index
      %get3A_2676 = tpu.vector_load %arg7[%get3A_2675] {strides = array<i32>} : memref<2048xf32, #tpu.memory_space<vmem>>, vector<16xf32>,
      %get3A_2677 = vector.shape_cast %get3A_2676 : vector<16xf32> to vector<16xf32>
      %add3A_2678 = arith.constant 112 : i32
      %add3A_2679 = arith.addi %mul3A_2595, %add3A_2678 : i32
      %get3A_2680 = arith.index_cast %add3A_2679 : i32 to index
      %get3A_2681 = tpu.vector_load %arg8[%get3A_2680] {strides = array<i32>} : memref<4096xf32, #tpu.memory_space<vmem>>, vector<16xf32>,
      %get3A_2682 = vector.shape_cast %get3A_2681 : vector<16xf32> to vector<16xf32>
      %add3A_2683 = arith.addf %get3A_2677, %get3A_2682 : vector<16xf32>
      %scan3A_2684 = arith.constant 0 : i32
      %scan3A_2685 = arith.constant 0 : i32
      %scan3A_2686 = arith.constant 32 : i32
      %scan3A_2687 = arith.addi %scan3A_2685, %scan3A_2686 : i32
      %scan3A_2688 = arith.constant 1 : i32
      scf.for %scan3A_2699 = %scan3A_2685 to %scan3A_2687 step %scan3A_2688  : i32 {
        %mul3A_2700 = arith.constant 128 : i32
        %mul3A_2701 = arith.muli %scan3A_2699, %mul3A_2700 : i32
        %add3A_2702 = arith.constant 0 : i32
        %add3A_2703 = arith.addi %mul3A_2701, %add3A_2702 : i32
        %get3A_2704 = arith.index_cast %add3A_2703 : i32 to index
        %get3A_2705 = tpu.vector_load %arg9[%get3A_2704] {strides = array<i32>} : memref<4096xf32, #tpu.memory_space<vmem>>, vector<16xf32>,
        %get3A_2706 = vector.shape_cast %get3A_2705 : vector<16xf32> to vector<16xf32>
        %add3A_2707 = arith.constant 0 : i32
        %add3A_2708 = arith.addi %add3A_2707, %add3A_2703 : i32
        %add3A_2709 = arith.addf %get3A_2706, %add3A_2456 : vector<16xf32>
        %swap3A = arith.index_cast %add3A_2708 : i32 to index
        %swap3A_2710 = tpu.vector_load %arg17[%swap3A] {strides = array<i32>} : memref<8192xf32, #tpu.memory_space<vmem>>, vector<16xf32>,
        %swap3A_2711 = vector.shape_cast %swap3A_2710 : vector<16xf32> to vector<16xf32>
        %swap3A_2712 = vector.shape_cast %add3A_2709 : vector<16xf32> to vector<16xf32>
        tpu.vector_store %arg17[%swap3A], %swap3A_2712 {add = true, strides = array<i32>} : memref<8192xf32, #tpu.memory_space<vmem>>, vector<16xf32>,
        %add3A_2713 = arith.constant 4096 : i32
        %add3A_2714 = arith.addi %add3A_2713, %add3A_2703 : i32
        %add3A_2715 = arith.addf %get3A_2706, %add3A_2606 : vector<16xf32>
        %swap3A_2716 = arith.index_cast %add3A_2714 : i32 to index
        %swap3A_2717 = tpu.vector_load %arg17[%swap3A_2716] {strides = array<i32>} : memref<8192xf32, #tpu.memory_space<vmem>>, vector<16xf32>,
        %swap3A_2718 = vector.shape_cast %swap3A_2717 : vector<16xf32> to vector<16xf32>
        %swap3A_2719 = vector.shape_cast %add3A_2715 : vector<16xf32> to vector<16xf32>
        tpu.vector_store %arg17[%swap3A_2716], %swap3A_2719 {add = true, strides = array<i32>} : memref<8192xf32, #tpu.memory_space<vmem>>, vector<16xf32>,
        %add3A_2720 = arith.constant 16 : i32
        %add3A_2721 = arith.addi %mul3A_2701, %add3A_2720 : i32
        %get3A_2722 = arith.index_cast %add3A_2721 : i32 to index
        %get3A_2723 = tpu.vector_load %arg9[%get3A_2722] {strides = array<i32>} : memref<4096xf32, #tpu.memory_space<vmem>>, vector<16xf32>,
        %get3A_2724 = vector.shape_cast %get3A_2723 : vector<16xf32> to vector<16xf32>
        %add3A_2725 = arith.constant 0 : i32
        %add3A_2726 = arith.addi %add3A_2725, %add3A_2721 : i32
        %add3A_2727 = arith.addf %get3A_2724, %add3A_2467 : vector<16xf32>
        %swap3A_2728 = arith.index_cast %add3A_2726 : i32 to index
        %swap3A_2729 = tpu.vector_load %arg17[%swap3A_2728] {strides = array<i32>} : memref<8192xf32, #tpu.memory_space<vmem>>, vector<16xf32>,
        %swap3A_2730 = vector.shape_cast %swap3A_2729 : vector<16xf32> to vector<16xf32>
        %swap3A_2731 = vector.shape_cast %add3A_2727 : vector<16xf32> to vector<16xf32>
        tpu.vector_store %arg17[%swap3A_2728], %swap3A_2731 {add = true, strides = array<i32>} : memref<8192xf32, #tpu.memory_space<vmem>>, vector<16xf32>,
        %add3A_2732 = arith.constant 4096 : i32
        %add3A_2733 = arith.addi %add3A_2732, %add3A_2721 : i32
        %add3A_2734 = arith.addf %get3A_2724, %add3A_2617 : vector<16xf32>
        %swap3A_2735 = arith.index_cast %add3A_2733 : i32 to index
        %swap3A_2736 = tpu.vector_load %arg17[%swap3A_2735] {strides = array<i32>} : memref<8192xf32, #tpu.memory_space<vmem>>, vector<16xf32>,
        %swap3A_2737 = vector.shape_cast %swap3A_2736 : vector<16xf32> to vector<16xf32>
        %swap3A_2738 = vector.shape_cast %add3A_2734 : vector<16xf32> to vector<16xf32>
        tpu.vector_store %arg17[%swap3A_2735], %swap3A_2738 {add = true, strides = array<i32>} : memref<8192xf32, #tpu.memory_space<vmem>>, vector<16xf32>,
        %add3A_2739 = arith.constant 32 : i32
        %add3A_2740 = arith.addi %mul3A_2701, %add3A_2739 : i32
        %get3A_2741 = arith.index_cast %add3A_2740 : i32 to index
        %get3A_2742 = tpu.vector_load %arg9[%get3A_2741] {strides = array<i32>} : memref<4096xf32, #tpu.memory_space<vmem>>, vector<16xf32>,
        %get3A_2743 = vector.shape_cast %get3A_2742 : vector<16xf32> to vector<16xf32>
        %add3A_2744 = arith.constant 0 : i32
        %add3A_2745 = arith.addi %add3A_2744, %add3A_2740 : i32
        %add3A_2746 = arith.addf %get3A_2743, %add3A_2478 : vector<16xf32>
        %swap3A_2747 = arith.index_cast %add3A_2745 : i32 to index
        %swap3A_2748 = tpu.vector_load %arg17[%swap3A_2747] {strides = array<i32>} : memref<8192xf32, #tpu.memory_space<vmem>>, vector<16xf32>,
        %swap3A_2749 = vector.shape_cast %swap3A_2748 : vector<16xf32> to vector<16xf32>
        %swap3A_2750 = vector.shape_cast %add3A_2746 : vector<16xf32> to vector<16xf32>
        tpu.vector_store %arg17[%swap3A_2747], %swap3A_2750 {add = true, strides = array<i32>} : memref<8192xf32, #tpu.memory_space<vmem>>, vector<16xf32>,
        %add3A_2751 = arith.constant 4096 : i32
        %add3A_2752 = arith.addi %add3A_2751, %add3A_2740 : i32
        %add3A_2753 = arith.addf %get3A_2743, %add3A_2628 : vector<16xf32>
        %swap3A_2754 = arith.index_cast %add3A_2752 : i32 to index
        %swap3A_2755 = tpu.vector_load %arg17[%swap3A_2754] {strides = array<i32>} : memref<8192xf32, #tpu.memory_space<vmem>>, vector<16xf32>,
        %swap3A_2756 = vector.shape_cast %swap3A_2755 : vector<16xf32> to vector<16xf32>
        %swap3A_2757 = vector.shape_cast %add3A_2753 : vector<16xf32> to vector<16xf32>
        tpu.vector_store %arg17[%swap3A_2754], %swap3A_2757 {add = true, strides = array<i32>} : memref<8192xf32, #tpu.memory_space<vmem>>, vector<16xf32>,
        %add3A_2758 = arith.constant 48 : i32
        %add3A_2759 = arith.addi %mul3A_2701, %add3A_2758 : i32
        %get3A_2760 = arith.index_cast %add3A_2759 : i32 to index
        %get3A_2761 = tpu.vector_load %arg9[%get3A_2760] {strides = array<i32>} : memref<4096xf32, #tpu.memory_space<vmem>>, vector<16xf32>,
        %get3A_2762 = vector.shape_cast %get3A_2761 : vector<16xf32> to vector<16xf32>
        %add3A_2763 = arith.constant 0 : i32
        %add3A_2764 = arith.addi %add3A_2763, %add3A_2759 : i32
        %add3A_2765 = arith.addf %get3A_2762, %add3A_2489 : vector<16xf32>
        %swap3A_2766 = arith.index_cast %add3A_2764 : i32 to index
        %swap3A_2767 = tpu.vector_load %arg17[%swap3A_2766] {strides = array<i32>} : memref<8192xf32, #tpu.memory_space<vmem>>, vector<16xf32>,
        %swap3A_2768 = vector.shape_cast %swap3A_2767 : vector<16xf32> to vector<16xf32>
        %swap3A_2769 = vector.shape_cast %add3A_2765 : vector<16xf32> to vector<16xf32>
        tpu.vector_store %arg17[%swap3A_2766], %swap3A_2769 {add = true, strides = array<i32>} : memref<8192xf32, #tpu.memory_space<vmem>>, vector<16xf32>,
        %add3A_2770 = arith.constant 4096 : i32
        %add3A_2771 = arith.addi %add3A_2770, %add3A_2759 : i32
        %add3A_2772 = arith.addf %get3A_2762, %add3A_2639 : vector<16xf32>
        %swap3A_2773 = arith.index_cast %add3A_2771 : i32 to index
        %swap3A_2774 = tpu.vector_load %arg17[%swap3A_2773] {strides = array<i32>} : memref<8192xf32, #tpu.memory_space<vmem>>, vector<16xf32>,
        %swap3A_2775 = vector.shape_cast %swap3A_2774 : vector<16xf32> to vector<16xf32>
        %swap3A_2776 = vector.shape_cast %add3A_2772 : vector<16xf32> to vector<16xf32>
        tpu.vector_store %arg17[%swap3A_2773], %swap3A_2776 {add = true, strides = array<i32>} : memref<8192xf32, #tpu.memory_space<vmem>>, vector<16xf32>,
        %add3A_2777 = arith.constant 64 : i32
        %add3A_2778 = arith.addi %mul3A_2701, %add3A_2777 : i32
        %get3A_2779 = arith.index_cast %add3A_2778 : i32 to index
        %get3A_2780 = tpu.vector_load %arg9[%get3A_2779] {strides = array<i32>} : memref<4096xf32, #tpu.memory_space<vmem>>, vector<16xf32>,
        %get3A_2781 = vector.shape_cast %get3A_2780 : vector<16xf32> to vector<16xf32>
        %add3A_2782 = arith.constant 0 : i32
        %add3A_2783 = arith.addi %add3A_2782, %add3A_2778 : i32
        %add3A_2784 = arith.addf %get3A_2781, %add3A_2500 : vector<16xf32>
        %swap3A_2785 = arith.index_cast %add3A_2783 : i32 to index
        %swap3A_2786 = tpu.vector_load %arg17[%swap3A_2785] {strides = array<i32>} : memref<8192xf32, #tpu.memory_space<vmem>>, vector<16xf32>,
        %swap3A_2787 = vector.shape_cast %swap3A_2786 : vector<16xf32> to vector<16xf32>
        %swap3A_2788 = vector.shape_cast %add3A_2784 : vector<16xf32> to vector<16xf32>
        tpu.vector_store %arg17[%swap3A_2785], %swap3A_2788 {add = true, strides = array<i32>} : memref<8192xf32, #tpu.memory_space<vmem>>, vector<16xf32>,
        %add3A_2789 = arith.constant 4096 : i32
        %add3A_2790 = arith.addi %add3A_2789, %add3A_2778 : i32
        %add3A_2791 = arith.addf %get3A_2781, %add3A_2650 : vector<16xf32>
        %swap3A_2792 = arith.index_cast %add3A_2790 : i32 to index
        %swap3A_2793 = tpu.vector_load %arg17[%swap3A_2792] {strides = array<i32>} : memref<8192xf32, #tpu.memory_space<vmem>>, vector<16xf32>,
        %swap3A_2794 = vector.shape_cast %swap3A_2793 : vector<16xf32> to vector<16xf32>
        %swap3A_2795 = vector.shape_cast %add3A_2791 : vector<16xf32> to vector<16xf32>
        tpu.vector_store %arg17[%swap3A_2792], %swap3A_2795 {add = true, strides = array<i32>} : memref<8192xf32, #tpu.memory_space<vmem>>, vector<16xf32>,
        %add3A_2796 = arith.constant 80 : i32
        %add3A_2797 = arith.addi %mul3A_2701, %add3A_2796 : i32
        %get3A_2798 = arith.index_cast %add3A_2797 : i32 to index
        %get3A_2799 = tpu.vector_load %arg9[%get3A_2798] {strides = array<i32>} : memref<4096xf32, #tpu.memory_space<vmem>>, vector<16xf32>,
        %get3A_2800 = vector.shape_cast %get3A_2799 : vector<16xf32> to vector<16xf32>
        %add3A_2801 = arith.constant 0 : i32
        %add3A_2802 = arith.addi %add3A_2801, %add3A_2797 : i32
        %add3A_2803 = arith.addf %get3A_2800, %add3A_2511 : vector<16xf32>
        %swap3A_2804 = arith.index_cast %add3A_2802 : i32 to index
        %swap3A_2805 = tpu.vector_load %arg17[%swap3A_2804] {strides = array<i32>} : memref<8192xf32, #tpu.memory_space<vmem>>, vector<16xf32>,
        %swap3A_2806 = vector.shape_cast %swap3A_2805 : vector<16xf32> to vector<16xf32>
        %swap3A_2807 = vector.shape_cast %add3A_2803 : vector<16xf32> to vector<16xf32>
        tpu.vector_store %arg17[%swap3A_2804], %swap3A_2807 {add = true, strides = array<i32>} : memref<8192xf32, #tpu.memory_space<vmem>>, vector<16xf32>,
        %add3A_2808 = arith.constant 4096 : i32
        %add3A_2809 = arith.addi %add3A_2808, %add3A_2797 : i32
        %add3A_2810 = arith.addf %get3A_2800, %add3A_2661 : vector<16xf32>
        %swap3A_2811 = arith.index_cast %add3A_2809 : i32 to index
        %swap3A_2812 = tpu.vector_load %arg17[%swap3A_2811] {strides = array<i32>} : memref<8192xf32, #tpu.memory_space<vmem>>, vector<16xf32>,
        %swap3A_2813 = vector.shape_cast %swap3A_2812 : vector<16xf32> to vector<16xf32>
        %swap3A_2814 = vector.shape_cast %add3A_2810 : vector<16xf32> to vector<16xf32>
        tpu.vector_store %arg17[%swap3A_2811], %swap3A_2814 {add = true, strides = array<i32>} : memref<8192xf32, #tpu.memory_space<vmem>>, vector<16xf32>,
        %add3A_2815 = arith.constant 96 : i32
        %add3A_2816 = arith.addi %mul3A_2701, %add3A_2815 : i32
        %get3A_2817 = arith.index_cast %add3A_2816 : i32 to index
        %get3A_2818 = tpu.vector_load %arg9[%get3A_2817] {strides = array<i32>} : memref<4096xf32, #tpu.memory_space<vmem>>, vector<16xf32>,
        %get3A_2819 = vector.shape_cast %get3A_2818 : vector<16xf32> to vector<16xf32>
        %add3A_2820 = arith.constant 0 : i32
        %add3A_2821 = arith.addi %add3A_2820, %add3A_2816 : i32
        %add3A_2822 = arith.addf %get3A_2819, %add3A_2522 : vector<16xf32>
        %swap3A_2823 = arith.index_cast %add3A_2821 : i32 to index
        %swap3A_2824 = tpu.vector_load %arg17[%swap3A_2823] {strides = array<i32>} : memref<8192xf32, #tpu.memory_space<vmem>>, vector<16xf32>,
        %swap3A_2825 = vector.shape_cast %swap3A_2824 : vector<16xf32> to vector<16xf32>
        %swap3A_2826 = vector.shape_cast %add3A_2822 : vector<16xf32> to vector<16xf32>
        tpu.vector_store %arg17[%swap3A_2823], %swap3A_2826 {add = true, strides = array<i32>} : memref<8192xf32, #tpu.memory_space<vmem>>, vector<16xf32>,
        %add3A_2827 = arith.constant 4096 : i32
        %add3A_2828 = arith.addi %add3A_2827, %add3A_2816 : i32
        %add3A_2829 = arith.addf %get3A_2819, %add3A_2672 : vector<16xf32>
        %swap3A_2830 = arith.index_cast %add3A_2828 : i32 to index
        %swap3A_2831 = tpu.vector_load %arg17[%swap3A_2830] {strides = array<i32>} : memref<8192xf32, #tpu.memory_space<vmem>>, vector<16xf32>,
        %swap3A_2832 = vector.shape_cast %swap3A_2831 : vector<16xf32> to vector<16xf32>
        %swap3A_2833 = vector.shape_cast %add3A_2829 : vector<16xf32> to vector<16xf32>
        tpu.vector_store %arg17[%swap3A_2830], %swap3A_2833 {add = true, strides = array<i32>} : memref<8192xf32, #tpu.memory_space<vmem>>, vector<16xf32>,
        %add3A_2834 = arith.constant 112 : i32
        %add3A_2835 = arith.addi %mul3A_2701, %add3A_2834 : i32
        %get3A_2836 = arith.index_cast %add3A_2835 : i32 to index
        %get3A_2837 = tpu.vector_load %arg9[%get3A_2836] {strides = array<i32>} : memref<4096xf32, #tpu.memory_space<vmem>>, vector<16xf32>,
        %get3A_2838 = vector.shape_cast %get3A_2837 : vector<16xf32> to vector<16xf32>
        %add3A_2839 = arith.constant 0 : i32
        %add3A_2840 = arith.addi %add3A_2839, %add3A_2835 : i32
        %add3A_2841 = arith.addf %get3A_2838, %add3A_2533 : vector<16xf32>
        %swap3A_2842 = arith.index_cast %add3A_2840 : i32 to index
        %swap3A_2843 = tpu.vector_load %arg17[%swap3A_2842] {strides = array<i32>} : memref<8192xf32, #tpu.memory_space<vmem>>, vector<16xf32>,
        %swap3A_2844 = vector.shape_cast %swap3A_2843 : vector<16xf32> to vector<16xf32>
        %swap3A_2845 = vector.shape_cast %add3A_2841 : vector<16xf32> to vector<16xf32>
        tpu.vector_store %arg17[%swap3A_2842], %swap3A_2845 {add = true, strides = array<i32>} : memref<8192xf32, #tpu.memory_space<vmem>>, vector<16xf32>,
        %add3A_2846 = arith.constant 4096 : i32
        %add3A_2847 = arith.addi %add3A_2846, %add3A_2835 : i32
        %add3A_2848 = arith.addf %get3A_2838, %add3A_2683 : vector<16xf32>
        %swap3A_2849 = arith.index_cast %add3A_2847 : i32 to index
        %swap3A_2850 = tpu.vector_load %arg17[%swap3A_2849] {strides = array<i32>} : memref<8192xf32, #tpu.memory_space<vmem>>, vector<16xf32>,
        %swap3A_2851 = vector.shape_cast %swap3A_2850 : vector<16xf32> to vector<16xf32>
        %swap3A_2852 = vector.shape_cast %add3A_2848 : vector<16xf32> to vector<16xf32>
        tpu.vector_store %arg17[%swap3A_2849], %swap3A_2852 {add = true, strides = array<i32>} : memref<8192xf32, #tpu.memory_space<vmem>>, vector<16xf32>,
      }
      %scan3A_2689 = arith.constant 32 : i32
      %dma_start3A_2690 = tpu.memref_slice %arg6[%mul3A_2381] : memref<33554432xf32, #tpu.memory_space<hbm>> -> memref<8192xf32, #tpu.memory_space<hbm>>
      %dma_start3A_2691 = tpu.memref_slice %arg6[%mul3A_2381] : memref<33554432xf32, #tpu.memory_space<hbm>> -> memref<8192xf32, #tpu.memory_space<hbm>>
      tpu.enqueue_dma source(%arg17 : memref<8192xf32, #tpu.memory_space<vmem>>) target(%dma_start3A_2691 : memref<8192xf32, #tpu.memory_space<hbm>>) target_semaphore(%arg33 : memref<!tpu.dma_semaphore, #tpu.memory_space<semaphore_mem>>)
      %add3A_2692 = arith.constant 6 : i32
      %add3A_2693 = arith.addi %add3A_2376, %add3A_2692 : i32
      %lt3A_2694 = arith.constant 15 : i32
      %lt3A_2695 = arith.cmpi slt, %scan3A_90, %lt3A_2694 : i32
      %convert_element_type3A_2696 = arith.extui %lt3A_2695 : i1 to i32
      %cond3A_2697 = arith.constant 0 : i32
      %cond3A_2698 = arith.cmpi ne, %convert_element_type3A_2696, %cond3A_2697 : i32
      scf.if %cond3A_2698 {
        %sub3A_2699 = arith.constant 8 : i32
        %sub3A_2700 = arith.subi %add3A_2693, %sub3A_2699 : i32
        %mul3A_2701 = arith.constant 2 : i32
        %mul3A_2702 = arith.muli %sub3A_2700, %mul3A_2701 : i32
        %add3A_2703 = arith.addi %mul3A_2, %mul3A_2702 : i32
        %mul3A_2704 = arith.constant 4096 : i32
        %mul3A_2705 = arith.muli %add3A_2703, %mul3A_2704 : i32
        %dma_wait3A_2706 = tpu.memref_slice %arg6[%mul3A_2705] : memref<33554432xf32, #tpu.memory_space<hbm>> -> memref<8192xf32, #tpu.memory_space<hbm>>
        %dma_wait3A_2707 = tpu.memref_slice %arg6[%mul3A_2705] : memref<33554432xf32, #tpu.memory_space<hbm>> -> memref<8192xf32, #tpu.memory_space<hbm>>
        tpu.wait_dma2 semaphore(%arg31 : memref<!tpu.dma_semaphore, #tpu.memory_space<semaphore_mem>>) src(%arg15 : memref<8192xf32, #tpu.memory_space<vmem>>) dst(%dma_wait3A_2707 : memref<8192xf32, #tpu.memory_space<hbm>>)
        %mul3A_2708 = arith.constant 2 : i32
        %mul3A_2709 = arith.muli %add3A_2693, %mul3A_2708 : i32
        %add3A_2710 = arith.addi %mul3A_2, %mul3A_2709 : i32
        %mul3A_2711 = arith.constant 4096 : i32
        %mul3A_2712 = arith.muli %add3A_2710, %mul3A_2711 : i32
        %dma_start3A_2713 = tpu.memref_slice %arg2[%mul3A_2712] : memref<33554432xf32, #tpu.memory_space<hbm>> -> memref<8192xf32, #tpu.memory_space<hbm>>
        %dma_start3A_2714 = tpu.memref_slice %arg2[%mul3A_2712] : memref<33554432xf32, #tpu.memory_space<hbm>> -> memref<8192xf32, #tpu.memory_space<hbm>>
        tpu.enqueue_dma source(%dma_start3A_2714 : memref<8192xf32, #tpu.memory_space<hbm>>) target(%arg15 : memref<8192xf32, #tpu.memory_space<vmem>>) target_semaphore(%arg23 : memref<!tpu.dma_semaphore, #tpu.memory_space<semaphore_mem>>)
      } else {
      }
    }
    %scan3A_42 = arith.constant 16 : i32
    %add3A_43 = arith.constant 240 : i32
    %add3A_44 = arith.addi %mul3A_2, %add3A_43 : i32
    %mul3A_45 = arith.constant 4096 : i32
    %mul3A_46 = arith.muli %add3A_44, %mul3A_45 : i32
    %dma_wait3A = tpu.memref_slice %arg6[%mul3A_46] : memref<33554432xf32, #tpu.memory_space<hbm>> -> memref<8192xf32, #tpu.memory_space<hbm>>
    %dma_wait3A_47 = tpu.memref_slice %arg6[%mul3A_46] : memref<33554432xf32, #tpu.memory_space<hbm>> -> memref<8192xf32, #tpu.memory_space<hbm>>
    tpu.wait_dma2 semaphore(%arg26 : memref<!tpu.dma_semaphore, #tpu.memory_space<semaphore_mem>>) src(%arg10 : memref<8192xf32, #tpu.memory_space<vmem>>) dst(%dma_wait3A_47 : memref<8192xf32, #tpu.memory_space<hbm>>)
    %add3A_48 = arith.constant 242 : i32
    %add3A_49 = arith.addi %mul3A_2, %add3A_48 : i32
    %mul3A_50 = arith.constant 4096 : i32
    %mul3A_51 = arith.muli %add3A_49, %mul3A_50 : i32
    %dma_wait3A_52 = tpu.memref_slice %arg6[%mul3A_51] : memref<33554432xf32, #tpu.memory_space<hbm>> -> memref<8192xf32, #tpu.memory_space<hbm>>
    %dma_wait3A_53 = tpu.memref_slice %arg6[%mul3A_51] : memref<33554432xf32, #tpu.memory_space<hbm>> -> memref<8192xf32, #tpu.memory_space<hbm>>
    tpu.wait_dma2 semaphore(%arg27 : memref<!tpu.dma_semaphore, #tpu.memory_space<semaphore_mem>>) src(%arg11 : memref<8192xf32, #tpu.memory_space<vmem>>) dst(%dma_wait3A_53 : memref<8192xf32, #tpu.memory_space<hbm>>)
    %add3A_54 = arith.constant 244 : i32
    %add3A_55 = arith.addi %mul3A_2, %add3A_54 : i32
    %mul3A_56 = arith.constant 4096 : i32
    %mul3A_57 = arith.muli %add3A_55, %mul3A_56 : i32
    %dma_wait3A_58 = tpu.memref_slice %arg6[%mul3A_57] : memref<33554432xf32, #tpu.memory_space<hbm>> -> memref<8192xf32, #tpu.memory_space<hbm>>
    %dma_wait3A_59 = tpu.memref_slice %arg6[%mul3A_57] : memref<33554432xf32, #tpu.memory_space<hbm>> -> memref<8192xf32, #tpu.memory_space<hbm>>
    tpu.wait_dma2 semaphore(%arg28 : memref<!tpu.dma_semaphore, #tpu.memory_space<semaphore_mem>>) src(%arg12 : memref<8192xf32, #tpu.memory_space<vmem>>) dst(%dma_wait3A_59 : memref<8192xf32, #tpu.memory_space<hbm>>)
    %add3A_60 = arith.constant 246 : i32
    %add3A_61 = arith.addi %mul3A_2, %add3A_60 : i32
    %mul3A_62 = arith.constant 4096 : i32
    %mul3A_63 = arith.muli %add3A_61, %mul3A_62 : i32
    %dma_wait3A_64 = tpu.memref_slice %arg6[%mul3A_63] : memref<33554432xf32, #tpu.memory_space<hbm>> -> memref<8192xf32, #tpu.memory_space<hbm>>
    %dma_wait3A_65 = tpu.memref_slice %arg6[%mul3A_63] : memref<33554432xf32, #tpu.memory_space<hbm>> -> memref<8192xf32, #tpu.memory_space<hbm>>
    tpu.wait_dma2 semaphore(%arg29 : memref<!tpu.dma_semaphore, #tpu.memory_space<semaphore_mem>>) src(%arg13 : memref<8192xf32, #tpu.memory_space<vmem>>) dst(%dma_wait3A_65 : memref<8192xf32, #tpu.memory_space<hbm>>)
    %add3A_66 = arith.constant 248 : i32
    %add3A_67 = arith.addi %mul3A_2, %add3A_66 : i32
    %mul3A_68 = arith.constant 4096 : i32
    %mul3A_69 = arith.muli %add3A_67, %mul3A_68 : i32
    %dma_wait3A_70 = tpu.memref_slice %arg6[%mul3A_69] : memref<33554432xf32, #tpu.memory_space<hbm>> -> memref<8192xf32, #tpu.memory_space<hbm>>
    %dma_wait3A_71 = tpu.memref_slice %arg6[%mul3A_69] : memref<33554432xf32, #tpu.memory_space<hbm>> -> memref<8192xf32, #tpu.memory_space<hbm>>
    tpu.wait_dma2 semaphore(%arg30 : memref<!tpu.dma_semaphore, #tpu.memory_space<semaphore_mem>>) src(%arg14 : memref<8192xf32, #tpu.memory_space<vmem>>) dst(%dma_wait3A_71 : memref<8192xf32, #tpu.memory_space<hbm>>)
    %add3A_72 = arith.constant 250 : i32
    %add3A_73 = arith.addi %mul3A_2, %add3A_72 : i32
    %mul3A_74 = arith.constant 4096 : i32
    %mul3A_75 = arith.muli %add3A_73, %mul3A_74 : i32
    %dma_wait3A_76 = tpu.memref_slice %arg6[%mul3A_75] : memref<33554432xf32, #tpu.memory_space<hbm>> -> memref<8192xf32, #tpu.memory_space<hbm>>
    %dma_wait3A_77 = tpu.memref_slice %arg6[%mul3A_75] : memref<33554432xf32, #tpu.memory_space<hbm>> -> memref<8192xf32, #tpu.memory_space<hbm>>
    tpu.wait_dma2 semaphore(%arg31 : memref<!tpu.dma_semaphore, #tpu.memory_space<semaphore_mem>>) src(%arg15 : memref<8192xf32, #tpu.memory_space<vmem>>) dst(%dma_wait3A_77 : memref<8192xf32, #tpu.memory_space<hbm>>)
    %add3A_78 = arith.constant 252 : i32
    %add3A_79 = arith.addi %mul3A_2, %add3A_78 : i32
    %mul3A_80 = arith.constant 4096 : i32
    %mul3A_81 = arith.muli %add3A_79, %mul3A_80 : i32
    %dma_wait3A_82 = tpu.memref_slice %arg6[%mul3A_81] : memref<33554432xf32, #tpu.memory_space<hbm>> -> memref<8192xf32, #tpu.memory_space<hbm>>
    %dma_wait3A_83 = tpu.memref_slice %arg6[%mul3A_81] : memref<33554432xf32, #tpu.memory_space<hbm>> -> memref<8192xf32, #tpu.memory_space<hbm>>
    tpu.wait_dma2 semaphore(%arg32 : memref<!tpu.dma_semaphore, #tpu.memory_space<semaphore_mem>>) src(%arg16 : memref<8192xf32, #tpu.memory_space<vmem>>) dst(%dma_wait3A_83 : memref<8192xf32, #tpu.memory_space<hbm>>)
    %add3A_84 = arith.constant 254 : i32
    %add3A_85 = arith.addi %mul3A_2, %add3A_84 : i32
    %mul3A_86 = arith.constant 4096 : i32
    %mul3A_87 = arith.muli %add3A_85, %mul3A_86 : i32
    %dma_wait3A_88 = tpu.memref_slice %arg6[%mul3A_87] : memref<33554432xf32, #tpu.memory_space<hbm>> -> memref<8192xf32, #tpu.memory_space<hbm>>
    %dma_wait3A_89 = tpu.memref_slice %arg6[%mul3A_87] : memref<33554432xf32, #tpu.memory_space<hbm>> -> memref<8192xf32, #tpu.memory_space<hbm>>
    tpu.wait_dma2 semaphore(%arg33 : memref<!tpu.dma_semaphore, #tpu.memory_space<semaphore_mem>>) src(%arg17 : memref<8192xf32, #tpu.memory_space<vmem>>) dst(%dma_wait3A_89 : memref<8192xf32, #tpu.memory_space<hbm>>)
    return
  }
}

</mosaic_0001>

<sc_bundles>
// kernel: _pos_embed_sc.3.cloned.1.call-start
scs
__scs_entry_jumppad:
0x0: {  	(pc) =	sbr.rel $0x88, $3  }
0x1: {  	(tag) =	ssettag $0x0;
	lr =	simm.s32 $0x1  }
0x2: {  	[smem:$0x3F9D] =	sst lr;
	_ =	strace $0xD0000000  }
0x3: {  	_ = 	snop  }
0x4: {  	_ = 	snop  }
0x5: {  	_ = 	snop  }
0x6: {  	_ = 	snop  }
0x7: {  	_ = 	snop  }
__scs_overlays_trampoline_lowered:
0x8: {  	[smem:$0x3FAC] =	sst s0  }
0x9: {  	[smem:$0x3FAD] =	sst s1  }
0xa: {  	[smem:$0x3FAE] =	sst s2  }
0xb: {  	[smem:$0x3FAF] =	sst s3  }
0xc: {  	[smem:$0x3FB0] =	sst s4  }
0xd: {  	[smem:$0x3FB1] =	sst s5  }
0xe: {  	[smem:$0x3FB2] =	sst s6  }
0xf: {  	[smem:$0x3FB3] =	sst s7  }
0x10: {  	[smem:$0x3FB4] =	sst s8  }
0x11: {  	[smem:$0x3FB5] =	sst s9;
	s0 =	simm.s32 @!p0 $0x0  }
0x12: {  	s1 =	sld [smem:$0x3F9B];
	s0 =	simm.s32 @p0 $0x1  }
0x13: {  	[smem:$0x3FB6] =	sst s0;
	s0 =	simm.s32 @!p1 $0x0  }
0x14: {  	s2 =	sld [smem:$0x3F9A];
	s0 =	simm.s32 @p1 $0x1  }
0x15: {  	[smem:$0x3FB7] =	sst s0;
	s0 =	simm.s32 @!p2 $0x0  }
0x16: {  	s3 =	sld [smem:$0x3FDB];
	s0 =	simm.s32 @p2 $0x1  }
0x17: {  	s4 =	simm.s32 $0x1BF5;
	[smem:$0x3FB9] =	sst s0  }
0x18: {  	s0 =	sld [smem:$0x3F9C];
	_ =	swait.ge [sflag:s4], $0x0  }
0x19: {  	s7 =	sld [smem:$0x3F9D]  }
0x1a: {  	s8 =	sadd.s32 $0xFFFFE003, lr  }
0x1b: {  	s9 =	sadd.s32 $0xFFFFFEF7, lr;
	s5 =	simm.s32 $0xFFFFFFFF;
	p2 =	slt.u32 s8, $0xFFFFF086  }
0x1c: {  	p1 =	slt.u32 s9, $0xF7A;
	s5 =	simm.s32 @!p2 $0x0  }
0x1d: {  	s5 =	simm.s32 @p1 $0x1;
	p0 =	seq.s32 s7, s2  }
0x1e: {  	s7 =	smul.u32 @!p0 $0xF7A, s2;
	p2 =	seq.s32 @!p0 s5, $0x0  }
0x1f: {  	s9 =	smul.u32 $0xF7A, s1;
	s8 =	simm.s32 @!p0 $0x1BF5;
	p2 =	por !p2, p0  }
0x20: {  	[sflag:s8] =	ssyncset.s32 @!p0 $0xFFFFF086;
	s6 =	sadd.s32 @!p0 s3, s7;
	s7 =	simm.s32 @!p0 $0x108  }
0x21: {  	s3 =	sadd.s32 s3, s9;
	s6 =	sadd.s32 @!p0 $0x88, s6;
	s7 =	simm.s32 @p2 $0x1082  }
0x22: {  	[simem:s7], [sflag:s8] =	dma.local @!p0 [hbm:s6], $0xF7A  }
0x23: {  	s9 =	sor.u32 $0xD0000000, s2;
	s6 =	simm.s32 $0x108;
	_ =	swait.ge @!p0 [sflag:s8], $0x0  }
0x24: {  	s3 =	sadd.s32 $0x88, s3;
	s6 =	simm.s32 @!p1 $0x1082;
	[sflag:s4] =	ssyncset.s32 $0xFFFFF086  }
0x25: {  	[simem:s6], [sflag:s4] =	dma.local [hbm:s3], $0xF7A  }
0x26: {  	[smem:$0x3F9D] =	sst s1;
	(tag) =	ssettag s2;
	_ =	strace s9  }
0x27: {  	s1 =	sld [smem:$0x3FAD]  }
0x28: {  	s2 =	sld [smem:$0x3FAE]  }
0x29: {  	s4 =	sld [smem:$0x3FB0]  }
0x2a: {  	p0 =	seq.s32 s5, $0x0;
	s5 =	sld [smem:$0x3FB1]  }
0x2b: {  	s6 =	sld [smem:$0x3FB2]  }
0x2c: {  	s7 =	sld [smem:$0x3FB3]  }
0x2d: {  	s3 =	simm.s32 $0x108;
	s8 =	sld [smem:$0x3FB4]  }
0x2e: {  	s3 =	simm.s32 @!p0 $0x1082;
	s9 =	sld [smem:$0x3FB5]  }
0x2f: {  	lr =	sadd.s32 s0, s3;
	s0 =	sld [smem:$0x3FAC]  }
0x30: {  	s3 =	sld [smem:$0x3FAF]  }
0x31: {  	[smem:$0x3FB8] =	sst s10  }
0x32: {  	s10 =	sld [smem:$0x3FB6];
	_ =	sdelay $0x3  }
0x33: {  	p0 =	seq.s32 s10, $0x1;
	s10 =	sld [smem:$0x3FB8];
	_ =	sdelay $0x3  }
0x34: {  	[smem:$0x3FB8] =	sst s10  }
0x35: {  	s10 =	sld [smem:$0x3FB7];
	_ =	sdelay $0x3  }
0x36: {  	p1 =	seq.s32 s10, $0x1;
	s10 =	sld [smem:$0x3FB8];
	_ =	sdelay $0x3  }
0x37: {  	[smem:$0x3FB8] =	sst s10  }
0x38: {  	s10 =	sld [smem:$0x3FB9]  }
0x39: {  	_ = 	snop;
	(pc) =	sbr.ind lr, $3  }
0x3a: {  	_ = 	snop  }
0x3b: {  	_ = 	snop  }
0x3c: {  	p2 =	seq.s32 s10, $0x1;
	s10 =	sld [smem:$0x3FB8]  }
0x3d: {  	_ =	shalt  }
0x3e: {  	_ =	shalt  }
0x3f: {  	_ =	shalt  }
0x40: {  	_ =	shalt  }
0x41: {  	_ =	shalt  }
0x42: {  	_ =	shalt  }
0x43: {  	_ =	shalt  }
0x44: {  	_ =	shalt  }
0x45: {  	_ =	shalt  }
0x46: {  	_ =	shalt  }
0x47: {  	_ =	shalt  }
0x48: {  	_ =	shalt  }
0x49: {  	_ =	shalt  }
0x4a: {  	_ =	shalt  }
0x4b: {  	_ =	shalt  }
0x4c: {  	_ =	shalt  }
0x4d: {  	_ =	shalt  }
0x4e: {  	_ =	shalt  }
0x4f: {  	_ =	shalt  }
0x50: {  	_ =	shalt  }
0x51: {  	_ =	shalt  }
0x52: {  	_ =	shalt  }
0x53: {  	_ =	shalt  }
0x54: {  	_ =	shalt  }
0x55: {  	_ =	shalt  }
0x56: {  	_ =	shalt  }
0x57: {  	_ =	shalt  }
0x58: {  	_ =	shalt  }
0x59: {  	_ =	shalt  }
0x5a: {  	_ =	shalt  }
0x5b: {  	_ =	shalt  }
0x5c: {  	_ =	shalt  }
0x5d: {  	_ =	shalt  }
0x5e: {  	_ =	shalt  }
0x5f: {  	_ =	shalt  }
0x60: {  	_ =	shalt  }
0x61: {  	_ =	shalt  }
0x62: {  	_ =	shalt  }
0x63: {  	_ =	shalt  }
0x64: {  	_ =	shalt  }
0x65: {  	_ =	shalt  }
0x66: {  	_ =	shalt  }
0x67: {  	_ =	shalt  }
0x68: {  	_ =	shalt  }
0x69: {  	_ =	shalt  }
0x6a: {  	_ =	shalt  }
0x6b: {  	_ =	shalt  }
0x6c: {  	_ =	shalt  }
0x6d: {  	_ =	shalt  }
0x6e: {  	_ =	shalt  }
0x6f: {  	_ =	shalt  }
0x70: {  	_ =	shalt  }
0x71: {  	_ =	shalt  }
0x72: {  	_ =	shalt  }
0x73: {  	_ =	shalt  }
0x74: {  	_ =	shalt  }
0x75: {  	_ =	shalt  }
0x76: {  	_ =	shalt  }
0x77: {  	_ =	shalt  }
0x78: {  	_ =	shalt  }
0x79: {  	_ =	shalt  }
0x7a: {  	_ =	shalt  }
0x7b: {  	_ =	shalt  }
0x7c: {  	_ =	shalt  }
0x7d: {  	_ =	shalt  }
0x7e: {  	_ =	shalt  }
0x7f: {  	_ =	shalt  }
0x80: {  	_ =	shalt  }
0x81: {  	_ =	shalt  }
0x82: {  	_ =	shalt  }
0x83: {  	_ =	shalt  }
0x84: {  	_ =	shalt  }
0x85: {  	_ =	shalt  }
0x86: {  	_ =	shalt  }
0x87: {  	_ =	shalt  }
.Lfunc_end0:
.L_simem_size_0:
called_computation_lowered:
.L_overlay_start_0:
0x88: {  	s2 =	sld [smem:$0x3FD9]  }
0x89: {  	s3 =	sld [smem:$0x3FFE];
	_ =	sdelay $0x1  }
0x8a: {  	s1 =	srdreg.scid  }
0x8b: {  	s0 =	sand.u32 $0x1, s1  }
0x8c: {  	s18 =	sshll.u32 s0, $0xA;
	s2 =	sadd.s32 s3, s2  }
0x8d: {  	s2 =	sadd.s32 s2, s18  }
0x8e: {  	[smem:$0x3FC4] =	sst s2  }
0x8f: {  	_ = 	snop  }
0x90: {  	s2 =	sld [smem:$0x3FC9]  }
0x91: {  	s19 =	sld [smem:$0x3FC8]  }
0x92: {  	s4 =	sld [smem:$0x3FC7]  }
0x93: {  	s5 =	sld [smem:$0x3FC6]  }
0x94: {  	s6 =	sld [smem:$0x3FD0];
	(tm) =	ssettm $0x1  }
0x95: {  	s7 =	sld [smem:$0x3FFB];
	_ =	sdelay $0x3  }
0x96: {  	_ =	strace s7  }
0x97: {  	s7 =	sld [smem:$0x3FFC];
	_ =	sdelay $0x3  }
0x98: {  	_ =	strace s7  }
0x99: {  	s7 =	sld [smem:$0x3FFD];
	_ =	sdelay $0x3  }
0x9a: {  	_ =	strace s7  }
0x9b: {  	_ =	strace $0x8FFFFFFF  }
0x9c: {  	s20 =	sld [smem:$0x3FDB];
	_ =	sdelay $0x1  }
0x9d: {  	s8 =	simm.s32 $_scs_section_size  }
0x9e: {  	s9 =	simm.s32 $_size__tile_overlayer_lowered;
	s10 =	simm.s32 $_tile_overlayer_lowered  }
0x9f: {  	s23 =	simm.s32 $0x1BFF;
	s22 =	sshll.u32 s10, $0x1;
	s7 =	sadd.s32 s8, s20  }
0xa0: {  	s11 =	simm.s32 $0x0;
	s21 =	sshll.u32 s9, $0x1;
	s9 =	sadd.s32 s22, s7  }
0xa1: {  	[timem:s11], [sflag:s23] =	dma.local [hbm:s9], s21  }
0xa2: {  	_ =	swait.ge [sflag:s23], s21  }
0xa3: {  	s8 =	ssub.s32 $0x0, s21;
	[sflag:s23] =	ssyncset.done $0x0  }
0xa4: {  	[sflag:s23] =	ssyncadd.s32 s8;
	_ =	sdelay $0x1  }
0xa5: {  	s24 =	simm.s32 $0x1B8B  }
0xa6: {  	_ =	swait.ge [sflag:s24], $0x1  }
0xa7: {  	[sflag:s24] =	ssyncset.done $0x0  }
0xa8: {  	s25 =	simm.s32 $0x1B8E;
	[sflag:s24] =	ssyncadd.s32 $0xFFFFFFFF  }
0xa9: {  	s26 =	simm.s32 $execute0_lowered;
	[smem:$0x3FD2] =	sst s25  }
0xaa: {  	s8 =	sshll.u32 s26, $0x1;
	_ =	strace $0x80000046;
	[dreg:$0x1] =	wrdreg $0xFFFFFFFF  }
0xab: {  	s28 =	simm.s32 $_size_execute0_lowered;
	s7 =	sadd.s32 s7, s8;
	[dreg:$0x0] =	wrdreg $0x0  }
0xac: {  	s8 =	sshll.u32 s28, $0x1;
	[dreg:$0x2] =	wrdreg s7  }
0xad: {  	[dreg:$0x3] =	wrdreg s8  }
0xae: {  	[dreg:$0x4] =	wrdreg $0xC0  }
0xaf: {  	_ =	task [dreg:s11], $0x5FFFF  }
0xb0: {  	[dreg:$0x1] =	wrdreg $0xFFFFFFFF  }
0xb1: {  	[dreg:$0x0] =	wrdreg $0x60  }
0xb2: {  	[dreg:$0x2] =	wrdreg s2  }
0xb3: {  	[dreg:$0x3] =	wrdreg s19  }
0xb4: {  	[dreg:$0x4] =	wrdreg s4  }
0xb5: {  	[dreg:$0x5] =	wrdreg s5  }
0xb6: {  	[dreg:$0x6] =	wrdreg s6  }
0xb7: {  	[dreg:$0x7] =	wrdreg $0x9  }
0xb8: {  	_ =	task.clear_ibuf [dreg:s11], $0x8FFFF;
	_ =	strace $0x90000046  }
0xb9: {  	s29 =	simm.s32 $0x9;
	_ =	strace $0x80000048  }
0xba: {  	_ =	swait.ge [sflag:s29], $0x1  }
0xbb: {  	[sflag:s29] =	ssyncadd.s32 $0xFFFFFFFF  }
0xbc: {  	_ =	strace $0x90000048  }
0xbd: {  	_ =	sfence  }
0xbe: {  	s30 =	sld [smem:$0x0];
	_ =	sdelay $0x2  }
0xbf: {  	s31 =	sshll.u32 s1, $0xD;
	s1 =	sshrl.u32 s1, $0x2  }
0xc0: {  	s3 =	sand.u32 $0x4000, s31;
	s1 =	sadd.s32 s1, s30  }
0xc1: {  	s0 =	sor.u32 s3, s0;
	s1 =	sshll.u32 s1, $0x11  }
0xc2: {  	s0 =	sor.u32 s1, s0  }
0xc3: {  	s0 =	sadd.s32 $0x8F2B, s0  }
0xc4: {  	[sflag:s0] =	ssyncadd.remote.s32 $0x1  }
0xc5: {  	_ =	sfence.sel $0xFFFF  }
0xc6: {  	[dreg:$0x0] =	wrdreg $0xFFFFFFFF;
	(pc) =	sbr.abs _section_cstart, $3  }
0xc7: {  	[dreg:$0x1] =	wrdreg $0xFFFFFFFF  }
0xc8: {  	_ =	task.clear_ibuf [dreg:s11], $0x2FFFF;
	_ =	strace $0x9FFFFFFF  }
0xc9: {  	(tm) =	ssettm $0x7FFFFFFF  }
tec
execute0_lowered:
.L_overlay_start_1:
0x0: {  	(tag) =	ssettag $0x1  }
0x1: {  	s1 =	rddreg [dreg:$0x0]  }
0x2: {  	s6 =	rddreg [dreg:$0x4]  }
0x3: {  	s0 =	srdreg.scid;
	s2 =	stileid.u32;
	s7 =	simm.s32 $0x0  }
0x4: {  	s28 =	simm.s32 $0xC800;
	s15 =	simm.s32 $0x9;
	s5 =	simm.s32 $0x3  }
0x5: {  	s29 =	simm.s32 $0x4;
	s30 =	simm.s32 $0x5;
	s10 =	simm.s32 $0x6  }
0x6: {  	s11 =	simm.s32 $0x7;
	s0 =	sand.u32 $0x1, s0;
	s2 =	sshll.u32 s2, $0x1  }
0x7: {  	s12 =	simm.s32 $0x8;
	s3 =	ssub.s32 $0x2, s0;
	s0 =	sor.u32 s0, s2  }
0x8: {  	s13 =	simm.s32 $0xE;
	s16 =	simm.s32 $0x0;
	s4 =	sshll.u32 s0, $0x11  }
0x9: {  	[smem:$0x7FF] =	sst s7;
	s8 =	sshll.u32 s0, $0x8;
	s19 =	sadd.s32 s1, s4  }
0xa: {  	_ =	strace $0x80000047;
	s24 =	sor.u32 $0x10, s8;
	[dreg:$0x6] =	wrdreg s19  }
0xb: {  	s18 =	sshrl.u32 s3, $0x1;
	s25 =	sor.u32 $0x12, s8;
	[dreg:$0xc] =	wrdreg s24  }
0xc: {  	s2 =	ssub.s32 s3, s18;
	s26 =	sor.u32 $0x1A, s8;
	[dreg:$0xd] =	wrdreg s25  }
0xd: {  	s17 =	sor.u32 $0x14, s8;
	s20 =	sadd.s32 $0x400, s19;
	[dreg:$0xe] =	wrdreg s26  }
0xe: {  	s18 =	sor.u32 $0x16, s8;
	s21 =	sadd.s32 $0x800, s19;
	[dreg:$0x7] =	wrdreg s20  }
.Ltmp0:
0xf: {  	s22 =	sadd.s32 $0xC00, s19;
	[dreg:$0x8] =	wrdreg s21;
	(pc) =	sbr.rel .LBB2_1-.Ltmp0, $4  }
0x10: {  	s4 =	simm.s32 $0xE800;
	s23 =	sadd.s32 $0x1000, s19;
	[dreg:$0x9] =	wrdreg s22  }
0x11: {  	s3 =	simm.s32 $0x10800;
	s0 =	sadd.s32 $0x1400, s19;
	[dreg:$0xa] =	wrdreg s23  }
0x12: {  	s19 =	sor.u32 $0x18, s8;
	s31 =	smax.u32 s2, $0x1;
	[dreg:$0xb] =	wrdreg s0  }
0x13: {  	s2 =	simm.s32 $0x2;
	[dreg:$0xf] =	wrdreg s31;
	s0 =	simm.s32 $0x1  }
.LBB2_20:
0x14: {  	s15 =	simm.s32 $0x9  }
0x15: {  	_ =	swait.ge [sflag:s15], $0x2000  }
0x16: {  	[sflag:s15] =	ssyncset.done $0x0  }
0x17: {  	s9 =	simm.s32 $0xA;
	[sflag:s15] =	ssyncadd.s32 $0xFFFFE000  }
0x18: {  	_ =	swait.ge [sflag:s9], $0x2000  }
0x19: {  	[sflag:s9] =	ssyncset.done $0x0  }
0x1a: {  	s23 =	simm.s32 $0xB;
	[sflag:s9] =	ssyncadd.s32 $0xFFFFE000  }
0x1b: {  	_ =	swait.ge [sflag:s23], $0x2000  }
0x1c: {  	[sflag:s23] =	ssyncset.done $0x0  }
0x1d: {  	s24 =	simm.s32 $0xC;
	[sflag:s23] =	ssyncadd.s32 $0xFFFFE000  }
0x1e: {  	_ =	swait.ge [sflag:s24], $0x2000  }
0x1f: {  	[sflag:s24] =	ssyncset.done $0x0  }
0x20: {  	s25 =	simm.s32 $0xD;
	[sflag:s24] =	ssyncadd.s32 $0xFFFFE000  }
0x21: {  	_ =	swait.ge [sflag:s25], $0x2000  }
0x22: {  	[sflag:s25] =	ssyncset.done $0x0  }
0x23: {  	[sflag:s25] =	ssyncadd.s32 $0xFFFFE000  }
0x24: {  	_ =	swait.ge [sflag:s13], $0x2000  }
0x25: {  	[sflag:s13] =	ssyncset.done $0x0  }
0x26: {  	s26 =	simm.s32 $0xF;
	[sflag:s13] =	ssyncadd.s32 $0xFFFFE000  }
0x27: {  	_ =	swait.ge [sflag:s26], $0x2000  }
0x28: {  	[sflag:s26] =	ssyncset.done $0x0  }
0x29: {  	s14 =	simm.s32 $0x10;
	[sflag:s26] =	ssyncadd.s32 $0xFFFFE000  }
0x2a: {  	_ =	swait.ge [sflag:s14], $0x2000  }
0x2b: {  	s16 =	rddreg [dreg:$0x10]  }
0x2c: {  	s31 =	rddreg [dreg:$0xf];
	s16 =	sadd.s32 $0x1, s16  }
0x2d: {  	p0 =	sne.s32 s16, s31  }
.Ltmp1:
0x2e: {  	_ = 	snop;
	(pc) =	sbr.rel @!p0 .LBB2_21-.Ltmp1, $3  }
0x2f: {  	_ =	sdelay $0x1  }
0x30: {  	[sflag:s14] =	ssyncset.done $0x0  }
0x31: {  	[sflag:s14] =	ssyncadd.s32 $0xFFFFE000  }
.LBB2_1:
0x32: {  	[dreg:$0x10] =	wrdreg s16  }
0x33: {  	s9 =	rddreg [dreg:$0x6];
	s14 =	simm.s32 $0x2800  }
0x34: {  	[tilespmem:s14], [sflag:$0x1] =	stream.linear.gather [hbm4b:s9+s7], $0x2000, $0x38;
	[tilespmem:$0x12800] =	vst v63  }
0x35: {  	s24 =	rddreg [dreg:$0x7];
	s25 =	simm.s32 $0x4800  }
0x36: {  	[tilespmem:s25], [sflag:$0x2] =	stream.linear.gather [hbm4b:s24+s7], $0x2000, $0x38;
	[tilespmem:$0x12800] =	vst v63  }
0x37: {  	s26 =	rddreg [dreg:$0x8];
	s31 =	simm.s32 $0x6800  }
0x38: {  	[tilespmem:s31], [sflag:$0x3] =	stream.linear.gather [hbm4b:s26+s7], $0x2000, $0x38;
	[tilespmem:$0x12800] =	vst v63  }
0x39: {  	s16 =	simm.s32 $0x8800;
	s14 =	rddreg [dreg:$0x9]  }
0x3a: {  	[tilespmem:s16], [sflag:$0x4] =	stream.linear.gather [hbm4b:s14+s7], $0x2000, $0x38;
	[tilespmem:$0x12800] =	vst v63  }
0x3b: {  	s20 =	rddreg [dreg:$0xa];
	s21 =	simm.s32 $0xA800  }
0x3c: {  	[tilespmem:s21], [sflag:$0x5] =	stream.linear.gather [hbm4b:s20+s7], $0x2000, $0x38;
	[tilespmem:$0x12800] =	vst v63  }
0x3d: {  	s22 =	rddreg [dreg:$0xb]  }
0x3e: {  	[tilespmem:s28], [sflag:$0x6] =	stream.linear.gather [hbm4b:s22+s7], $0x2000, $0x38;
	[tilespmem:$0x12800] =	vst v63  }
0x3f: {  	s23 =	rddreg [dreg:$0x1]  }
0x40: {  	[tilespmem:s7], [sflag:$0x9] =	stream.linear.gather [hbm4b:s23+s7], $0x800, $0x38;
	[tilespmem:$0x12800] =	vst v63  }
0x41: {  	s24 =	rddreg [dreg:$0x2];
	s25 =	simm.s32 $0x800  }
0x42: {  	[tilespmem:s25], [sflag:$0x9] =	stream.linear.gather [hbm4b:s24+s7], $0x1000, $0x38;
	[tilespmem:$0x12800] =	vst v63  }
0x43: {  	s26 =	rddreg [dreg:$0x3];
	s31 =	simm.s32 $0x1800  }
0x44: {  	[tilespmem:s31], [sflag:$0x9] =	stream.linear.gather [hbm4b:s26+s7], $0x1000, $0x38;
	[tilespmem:$0x12800] =	vst v63  }
0x45: {  	_ =	swait.ge [sflag:s15], $0x800  }
0x46: {  	[sflag:s15] =	ssyncset.done $0x0  }
0x47: {  	[sflag:s15] =	ssyncadd.s32 $0xFFFFF800  }
0x48: {  	_ =	swait.ge [sflag:s15], $0x1000  }
0x49: {  	[sflag:s15] =	ssyncset.done $0x0  }
0x4a: {  	[sflag:s15] =	ssyncadd.s32 $0xFFFFF000  }
0x4b: {  	_ =	swait.ge [sflag:s15], $0x1000  }
0x4c: {  	[sflag:s15] =	ssyncset.done $0x0  }
0x4d: {  	s14 =	simm.s32 $0x0;
	[sflag:s15] =	ssyncadd.s32 $0xFFFFF000  }
.LBB2_2:
0x4e: {  	_ =	swait.ge [sflag:s0], $0x2000  }
0x4f: {  	s25 =	sshll.u32 s14, $0xB;
	[sflag:s0] =	ssyncset.done $0x0  }
0x50: {  	s31 =	sand.u32 $0x800, s25;
	[sflag:s0] =	ssyncadd.s32 $0xFFFFE000  }
0x51: {  	v1 =	vld [tilespmem:s31+$0x800]  }
0x52: {  	v3 =	vld [tilespmem:s31+$0x810]  }
0x53: {  	v5 =	vld [tilespmem:s31+$0x820]  }
0x54: {  	v9 =	vld [tilespmem:s31+$0x830]  }
0x55: {  	v12 =	vld [tilespmem:s31+$0x840]  }
0x56: {  	v14 =	vld [tilespmem:s31+$0x850]  }
0x57: {  	s21 =	sshll.u32 s14, $0x4;
	v16 =	vld [tilespmem:s31+$0x860]  }
0x58: {  	s9 =	sor.u32 s8, s21;
	v18 =	vld [tilespmem:s31+$0x870]  }
0x59: {  	s16 =	sand.u32 $0x1, s14;
	s15 =	sand.u32 $0x1F0, s9;
	v20 =	vld [tilespmem:s31+$0x880]  }
0x5a: {  	p1 =	seq.s32 s16, $0x1;
	p0 =	seq.s32 s15, $0x0;
	v22 =	vld [tilespmem:s31+$0x890]  }
0x5b: {  	v24 =	vld [tilespmem:s31+$0x8A0];
	p0 =	por !p1, !p0  }
0x5c: {  	s16 =	simm.s32 $0x1;
	v26 =	vld [tilespmem:s31+$0x8B0];
	p0 =	por !p0, !p0  }
0x5d: {  	s15 =	sshrl.u32 s15, $0x5;
	v28 =	vld [tilespmem:s31+$0x8C0];
	s16 =	simm.s32 @!p0 $0x0  }
0x5e: {  	v30 =	vld [tilespmem:s31+$0x8D0];
	s15 =	ssub.s32 s15, s16  }
0x5f: {  	v32 =	vld [tilespmem:s31+$0x8E0];
	s15 =	sshll.u32 s15, $0x9  }
0x60: {  	v34 =	vld [tilespmem:s31+$0x8F0];
	s15 =	sshra.s32 s15, $0x2  }
0x61: {  	v0 =	vld [tilespmem:s15+$0x0]  }
0x62: {  	v2 =	vld [tilespmem:s15+$0x10]  }
0x63: {  	v4 =	vld [tilespmem:s15+$0x20]  }
0x64: {  	v6 =	vld [tilespmem:s15+$0x30]  }
0x65: {  	v11 =	vld [tilespmem:s15+$0x40]  }
0x66: {  	v13 =	vld [tilespmem:s15+$0x50]  }
0x67: {  	s26 =	sshll.u32 s9, $0x2;
	v15 =	vld [tilespmem:s15+$0x60]  }
0x68: {  	v17 =	vld [tilespmem:s15+$0x70];
	s15 =	sand.u32 $0x780, s26  }
0x69: {  	v19 =	vld [tilespmem:s15+$0x0]  }
0x6a: {  	v21 =	vld [tilespmem:s15+$0x10]  }
0x6b: {  	v23 =	vld [tilespmem:s15+$0x20]  }
0x6c: {  	v25 =	vld [tilespmem:s15+$0x30]  }
0x6d: {  	v27 =	vld [tilespmem:s15+$0x40]  }
0x6e: {  	v29 =	vld [tilespmem:s15+$0x50];
	v10 =	vadd.f32 v1, v0;
	v8 =	vadd.f32 v3, v2  }
0x6f: {  	v31 =	vld [tilespmem:s15+$0x60];
	v7 =	vadd.f32 v5, v4;
	v5 =	vadd.f32 v9, v6  }
0x70: {  	v33 =	vld [tilespmem:s15+$0x70];
	v3 =	vadd.f32 v12, v11;
	v2 =	vadd.f32 v14, v13  }
0x71: {  	v1 =	vadd.f32 v16, v15;
	v0 =	vadd.f32 v18, v17  }
0x72: {  	v14 =	vadd.f32 v20, v19;
	v13 =	vadd.f32 v22, v21  }
0x73: {  	v12 =	vadd.f32 v24, v23;
	v11 =	vadd.f32 v26, v25  }
0x74: {  	v9 =	vadd.f32 v28, v27;
	v6 =	vadd.f32 v30, v29  }
0x75: {  	s20 =	simm.s32 $0x200;
	s15 =	simm.s32 $0x0;
	v4 =	vadd.f32 v32, v31;
	v15 =	vadd.f32 v34, v33  }
.LBB2_3:
0x76: {  	p0 =	sne.s32 s20, $0x3E00;
	v16 =	vld [tilespmem:s15+$0x1870]  }
0x77: {  	v17 =	vld [tilespmem:s15+$0x1800]  }
0x78: {  	v18 =	vld [tilespmem:s15+$0x1810]  }
0x79: {  	v19 =	vld [tilespmem:s15+$0x1820]  }
0x7a: {  	v20 =	vld [tilespmem:s15+$0x1830]  }
0x7b: {  	v21 =	vld [tilespmem:s15+$0x1840];
	v22 =	vadd.f32 v16, v0;
	v16 =	vadd.f32 v16, v15  }
0x7c: {  	v23 =	vadd.f32 v17, v10;
	v17 =	vadd.f32 v17, v14;
	v24 =	vld [tilespmem:s15+$0x1850]  }
0x7d: {  	v25 =	vadd.f32 v18, v8;
	v18 =	vadd.f32 v18, v13;
	[tilespmem:s15+$0x3870] =	vst.add.f32.msk $0xffff, v16  }
0x7e: {  	v16 =	vadd.f32 v19, v7;
	v19 =	vadd.f32 v19, v12;
	v26 =	vld [tilespmem:s15+$0x1860]  }
0x7f: {  	[tilespmem:s15+$0x2800] =	vst.add.f32.msk $0xffff, v23;
	v23 =	vadd.f32 v20, v5;
	v20 =	vadd.f32 v20, v11  }
0x80: {  	[tilespmem:s15+$0x3800] =	vst.add.f32.msk $0xffff, v17;
	v17 =	vadd.f32 v21, v3;
	v21 =	vadd.f32 v21, v9  }
0x81: {  	[tilespmem:s15+$0x2810] =	vst.add.f32.msk $0xffff, v25;
	v25 =	vadd.f32 v24, v2;
	v24 =	vadd.f32 v24, v6  }
0x82: {  	[tilespmem:s15+$0x3810] =	vst.add.f32.msk $0xffff, v18  }
0x83: {  	[tilespmem:s15+$0x2820] =	vst.add.f32.msk $0xffff, v16;
	v16 =	vadd.f32 v26, v1;
	v18 =	vadd.f32 v26, v4  }
0x84: {  	[tilespmem:s15+$0x3820] =	vst.add.f32.msk $0xffff, v19  }
0x85: {  	[tilespmem:s15+$0x2830] =	vst.add.f32.msk $0xffff, v23  }
0x86: {  	[tilespmem:s15+$0x3830] =	vst.add.f32.msk $0xffff, v20  }
0x87: {  	[tilespmem:s15+$0x2840] =	vst.add.f32.msk $0xffff, v17  }
0x88: {  	[tilespmem:s15+$0x3840] =	vst.add.f32.msk $0xffff, v21  }
.Ltmp2:
0x89: {  	[tilespmem:s15+$0x2850] =	vst.add.f32.msk $0xffff, v25;
	(pc) =	sbr.rel @p0 .LBB2_3-.Ltmp2, $4  }
0x8a: {  	[tilespmem:s15+$0x3850] =	vst.add.f32.msk $0xffff, v24  }
0x8b: {  	[tilespmem:s15+$0x2860] =	vst.add.f32.msk $0xffff, v16  }
0x8c: {  	[tilespmem:s15+$0x3860] =	vst.add.f32.msk $0xffff, v18  }
0x8d: {  	[tilespmem:s15+$0x2870] =	vst.add.f32.msk $0xffff, v22;
	s15 =	sshra.s32 s20, $0x2;
	s20 =	sadd.s32 $0x200, s20  }
0x8e: {  	v16 =	vld [tilespmem:s15+$0x1870]  }
0x8f: {  	v17 =	vld [tilespmem:s15+$0x1800]  }
0x90: {  	v18 =	vld [tilespmem:s15+$0x1810]  }
0x91: {  	v19 =	vld [tilespmem:s15+$0x1820]  }
0x92: {  	v20 =	vld [tilespmem:s15+$0x1830]  }
0x93: {  	v21 =	vld [tilespmem:s15+$0x1840];
	v15 =	vadd.f32 v16, v15  }
0x94: {  	v22 =	vld [tilespmem:s15+$0x1850]  }
0x95: {  	v10 =	vadd.f32 v17, v10;
	[tilespmem:s15+$0x3870] =	vst.add.f32.msk $0xffff, v15  }
0x96: {  	v14 =	vadd.f32 v17, v14;
	v15 =	vld [tilespmem:s15+$0x1860]  }
0x97: {  	v8 =	vadd.f32 v18, v8;
	[tilespmem:s15+$0x2800] =	vst.add.f32.msk $0xffff, v10  }
0x98: {  	v7 =	vadd.f32 v19, v7;
	[tilespmem:s15+$0x3800] =	vst.add.f32.msk $0xffff, v14  }
0x99: {  	v5 =	vadd.f32 v20, v5;
	[tilespmem:s15+$0x2810] =	vst.add.f32.msk $0xffff, v8  }
0x9a: {  	v3 =	vadd.f32 v21, v3;
	[tilespmem:s15+$0x2820] =	vst.add.f32.msk $0xffff, v7  }
0x9b: {  	v2 =	vadd.f32 v22, v2;
	[tilespmem:s15+$0x2830] =	vst.add.f32.msk $0xffff, v5  }
0x9c: {  	v0 =	vadd.f32 v16, v0;
	[tilespmem:s15+$0x2840] =	vst.add.f32.msk $0xffff, v3  }
0x9d: {  	v10 =	vadd.f32 v18, v13;
	[tilespmem:s15+$0x2850] =	vst.add.f32.msk $0xffff, v2  }
0x9e: {  	v8 =	vadd.f32 v19, v12;
	[tilespmem:s15+$0x2870] =	vst.add.f32.msk $0xffff, v0  }
0x9f: {  	v7 =	vadd.f32 v20, v11;
	[tilespmem:s15+$0x3810] =	vst.add.f32.msk $0xffff, v10  }
0xa0: {  	v5 =	vadd.f32 v21, v9;
	[tilespmem:s15+$0x3820] =	vst.add.f32.msk $0xffff, v8  }
0xa1: {  	v3 =	vadd.f32 v22, v6;
	[tilespmem:s15+$0x3830] =	vst.add.f32.msk $0xffff, v7  }
0xa2: {  	[tilespmem:s15+$0x3840] =	vst.add.f32.msk $0xffff, v5;
	v1 =	vadd.f32 v15, v1  }
0xa3: {  	s9 =	sshll.u32 s9, $0x9;
	[tilespmem:s15+$0x3850] =	vst.add.f32.msk $0xffff, v3;
	v2 =	vadd.f32 v15, v4  }
0xa4: {  	s16 =	simm.s32 $0x2800;
	p0 =	seq.s32 s14, $0x0;
	s23 =	sor.u32 $0xC, s21;
	[tilespmem:s15+$0x2860] =	vst.add.f32.msk $0xffff, v1  }
0xa5: {  	s9 =	sadd.s32 s6, s9;
	s25 =	sor.u32 s8, s23;
	[tilespmem:s15+$0x3860] =	vst.add.f32.msk $0xffff, v2;
	s15 =	simm.s32 @!p0 $0xF  }
0xa6: {  	[hbm4b:s9+s7] =	stream.linear.scatter [tilespmem:s16], [sflag:$0x9], $0x2000, $0x38;
	[tilespmem:$0x12800] =	vst v63  }
0xa7: {  	s20 =	sshll.u32 s25, $0x9;
	_ =	swait.ge @!p0 [sflag:s15], $0x2000  }
0xa8: {  	s24 =	sor.u32 $0x2, s21;
	s9 =	sand.u32 $0x1FFFF800, s20;
	[sflag:s15] =	ssyncset.done @!p0 $0x0  }
0xa9: {  	s16 =	simm.s32 $0x0;
	s22 =	sadd.s32 s1, s9;
	[sflag:s15] =	ssyncadd.s32 @!p0 $0xFFFFE000  }
0xaa: {  	[tilespmem:s4], [sflag:$0x7] =	stream.linear.gather [hbm4b:s22+s16], $0x2000, $0x38;
	[tilespmem:$0x12800] =	vst v63  }
0xab: {  	s22 =	sor.u32 s8, s24;
	_ =	swait.ge [sflag:s2], $0x2000  }
0xac: {  	s26 =	sshll.u32 s22, $0x2;
	[sflag:s2] =	ssyncset.done $0x0  }
0xad: {  	s15 =	sshll.u32 s24, $0x7;
	s16 =	sand.u32 $0x780, s26;
	[sflag:s2] =	ssyncadd.s32 $0xFFFFE000  }
0xae: {  	s15 =	sand.u32 $0x900, s15;
	v0 =	vld [tilespmem:s16+$0x0]  }
0xaf: {  	v1 =	vld [tilespmem:s15+$0x800]  }
0xb0: {  	v2 =	vld [tilespmem:s16+$0x10]  }
0xb1: {  	v3 =	vld [tilespmem:s15+$0x810]  }
0xb2: {  	v6 =	vld [tilespmem:s16+$0x20]  }
0xb3: {  	v4 =	vld [tilespmem:s15+$0x820]  }
0xb4: {  	v9 =	vld [tilespmem:s16+$0x30]  }
0xb5: {  	v5 =	vld [tilespmem:s15+$0x830]  }
0xb6: {  	v15 =	vld [tilespmem:s16+$0x40]  }
0xb7: {  	v11 =	vld [tilespmem:s15+$0x840]  }
0xb8: {  	v16 =	vld [tilespmem:s16+$0x50]  }
0xb9: {  	v14 =	vld [tilespmem:s15+$0x850]  }
0xba: {  	v17 =	vld [tilespmem:s16+$0x60]  }
0xbb: {  	v58 =	vld [tilespmem:s15+$0x860]  }
0xbc: {  	v59 =	vld [tilespmem:s16+$0x70]  }
0xbd: {  	v60 =	vld [tilespmem:s15+$0x870]  }
0xbe: {  	v12 =	vld [tilespmem:s31+$0x980]  }
0xbf: {  	v61 =	vld [tilespmem:s31+$0x990]  }
0xc0: {  	v62 =	vld [tilespmem:s31+$0x9A0]  }
0xc1: {  	v23 =	vld [tilespmem:s31+$0x9B0]  }
0xc2: {  	v24 =	vld [tilespmem:s31+$0x9C0]  }
0xc3: {  	v25 =	vld [tilespmem:s31+$0x9E0];
	v10 =	vadd.f32 v1, v0;
	v8 =	vadd.f32 v3, v2  }
0xc4: {  	v63 =	vld [tilespmem:s31+$0x9F0];
	v7 =	vadd.f32 v4, v6;
	v13 =	vadd.f32 v12, v0  }
0xc5: {  	v3 =	vld [tilespmem:s31+$0x9D0];
	v5 =	vadd.f32 v5, v9;
	v12 =	vadd.f32 v61, v2  }
0xc6: {  	v4 =	vadd.f32 v11, v15;
	v2 =	vadd.f32 v14, v16  }
0xc7: {  	v1 =	vadd.f32 v58, v17;
	v0 =	vadd.f32 v60, v59  }
0xc8: {  	v14 =	vadd.f32 v62, v6;
	v11 =	vadd.f32 v23, v9  }
0xc9: {  	v9 =	vadd.f32 v24, v15;
	v15 =	vadd.f32 v63, v59  }
0xca: {  	s20 =	simm.s32 $0x0;
	s15 =	simm.s32 $0x200;
	v6 =	vadd.f32 v3, v16;
	v3 =	vadd.f32 v25, v17  }
.LBB2_5:
0xcb: {  	p1 =	sne.s32 s15, $0x3E00;
	v16 =	vld [tilespmem:s20+$0x1870]  }
0xcc: {  	v17 =	vld [tilespmem:s20+$0x1800]  }
0xcd: {  	v18 =	vld [tilespmem:s20+$0x1810]  }
0xce: {  	v19 =	vld [tilespmem:s20+$0x1820]  }
0xcf: {  	v20 =	vld [tilespmem:s20+$0x1830]  }
0xd0: {  	v21 =	vld [tilespmem:s20+$0x1840];
	v22 =	vadd.f32 v16, v0;
	v16 =	vadd.f32 v16, v15  }
0xd1: {  	v23 =	vadd.f32 v17, v10;
	v17 =	vadd.f32 v17, v13;
	v24 =	vld [tilespmem:s20+$0x1850]  }
0xd2: {  	v25 =	vadd.f32 v18, v8;
	v18 =	vadd.f32 v18, v12;
	[tilespmem:s20+$0x5870] =	vst.add.f32.msk $0xffff, v16  }
0xd3: {  	v16 =	vadd.f32 v19, v7;
	v19 =	vadd.f32 v19, v14;
	v26 =	vld [tilespmem:s20+$0x1860]  }
0xd4: {  	[tilespmem:s20+$0x4800] =	vst.add.f32.msk $0xffff, v23;
	v23 =	vadd.f32 v20, v5;
	v20 =	vadd.f32 v20, v11  }
0xd5: {  	[tilespmem:s20+$0x5800] =	vst.add.f32.msk $0xffff, v17;
	v17 =	vadd.f32 v21, v4;
	v21 =	vadd.f32 v21, v9  }
0xd6: {  	[tilespmem:s20+$0x4810] =	vst.add.f32.msk $0xffff, v25;
	v25 =	vadd.f32 v24, v2;
	v24 =	vadd.f32 v24, v6  }
0xd7: {  	[tilespmem:s20+$0x5810] =	vst.add.f32.msk $0xffff, v18  }
0xd8: {  	[tilespmem:s20+$0x4820] =	vst.add.f32.msk $0xffff, v16;
	v16 =	vadd.f32 v26, v1;
	v18 =	vadd.f32 v26, v3  }
0xd9: {  	[tilespmem:s20+$0x5820] =	vst.add.f32.msk $0xffff, v19  }
0xda: {  	[tilespmem:s20+$0x4830] =	vst.add.f32.msk $0xffff, v23  }
0xdb: {  	[tilespmem:s20+$0x5830] =	vst.add.f32.msk $0xffff, v20  }
0xdc: {  	[tilespmem:s20+$0x4840] =	vst.add.f32.msk $0xffff, v17  }
0xdd: {  	[tilespmem:s20+$0x5840] =	vst.add.f32.msk $0xffff, v21  }
.Ltmp3:
0xde: {  	[tilespmem:s20+$0x4850] =	vst.add.f32.msk $0xffff, v25;
	(pc) =	sbr.rel @p1 .LBB2_5-.Ltmp3, $4  }
0xdf: {  	[tilespmem:s20+$0x5850] =	vst.add.f32.msk $0xffff, v24  }
0xe0: {  	[tilespmem:s20+$0x4860] =	vst.add.f32.msk $0xffff, v16  }
0xe1: {  	[tilespmem:s20+$0x5860] =	vst.add.f32.msk $0xffff, v18  }
0xe2: {  	[tilespmem:s20+$0x4870] =	vst.add.f32.msk $0xffff, v22;
	s20 =	sshra.s32 s15, $0x2;
	s15 =	sadd.s32 $0x200, s15  }
0xe3: {  	v16 =	vld [tilespmem:s20+$0x1870]  }
0xe4: {  	v17 =	vld [tilespmem:s20+$0x1800]  }
0xe5: {  	v18 =	vld [tilespmem:s20+$0x1810]  }
0xe6: {  	v19 =	vld [tilespmem:s20+$0x1820]  }
0xe7: {  	v20 =	vld [tilespmem:s20+$0x1830]  }
0xe8: {  	v21 =	vld [tilespmem:s20+$0x1840];
	v15 =	vadd.f32 v16, v15  }
0xe9: {  	v22 =	vld [tilespmem:s20+$0x1850]  }
0xea: {  	v10 =	vadd.f32 v17, v10;
	[tilespmem:s20+$0x5870] =	vst.add.f32.msk $0xffff, v15  }
0xeb: {  	v13 =	vadd.f32 v17, v13;
	v15 =	vld [tilespmem:s20+$0x1860]  }
0xec: {  	v8 =	vadd.f32 v18, v8;
	[tilespmem:s20+$0x4800] =	vst.add.f32.msk $0xffff, v10  }
0xed: {  	v7 =	vadd.f32 v19, v7;
	[tilespmem:s20+$0x5800] =	vst.add.f32.msk $0xffff, v13  }
0xee: {  	v5 =	vadd.f32 v20, v5;
	[tilespmem:s20+$0x4810] =	vst.add.f32.msk $0xffff, v8  }
0xef: {  	v4 =	vadd.f32 v21, v4;
	[tilespmem:s20+$0x4820] =	vst.add.f32.msk $0xffff, v7  }
0xf0: {  	v2 =	vadd.f32 v22, v2;
	[tilespmem:s20+$0x4830] =	vst.add.f32.msk $0xffff, v5  }
0xf1: {  	v0 =	vadd.f32 v16, v0;
	[tilespmem:s20+$0x4840] =	vst.add.f32.msk $0xffff, v4  }
0xf2: {  	v10 =	vadd.f32 v18, v12;
	[tilespmem:s20+$0x4850] =	vst.add.f32.msk $0xffff, v2  }
0xf3: {  	v8 =	vadd.f32 v19, v14;
	[tilespmem:s20+$0x4870] =	vst.add.f32.msk $0xffff, v0  }
0xf4: {  	v7 =	vadd.f32 v20, v11;
	[tilespmem:s20+$0x5810] =	vst.add.f32.msk $0xffff, v10  }
0xf5: {  	v5 =	vadd.f32 v21, v9;
	[tilespmem:s20+$0x5820] =	vst.add.f32.msk $0xffff, v8  }
0xf6: {  	v4 =	vadd.f32 v22, v6;
	[tilespmem:s20+$0x5830] =	vst.add.f32.msk $0xffff, v7  }
0xf7: {  	[tilespmem:s20+$0x5840] =	vst.add.f32.msk $0xffff, v5;
	v1 =	vadd.f32 v15, v1  }
0xf8: {  	s15 =	sshll.u32 s22, $0x9;
	[tilespmem:s20+$0x5850] =	vst.add.f32.msk $0xffff, v4;
	v2 =	vadd.f32 v15, v3  }
0xf9: {  	s15 =	sand.u32 $0x1FFFE400, s15;
	[tilespmem:s20+$0x4860] =	vst.add.f32.msk $0xffff, v1  }
0xfa: {  	s16 =	simm.s32 $0x4800;
	s24 =	sor.u32 $0xE, s21;
	s15 =	sadd.s32 s6, s15;
	[tilespmem:s20+$0x5860] =	vst.add.f32.msk $0xffff, v2  }
0xfb: {  	[hbm4b:s15+s7] =	stream.linear.scatter [tilespmem:s16], [sflag:$0xA], $0x2000, $0x38;
	[tilespmem:$0x12800] =	vst v63  }
0xfc: {  	s26 =	sor.u32 s8, s24;
	s15 =	simm.s32 @!p0 $0x10  }
0xfd: {  	s22 =	sshll.u32 s26, $0x9;
	_ =	swait.ge @!p0 [sflag:s15], $0x2000  }
0xfe: {  	s22 =	sand.u32 $0x1FFFFC00, s22;
	s20 =	simm.s32 $0x0;
	[sflag:s15] =	ssyncset.done @!p0 $0x0  }
0xff: {  	s16 =	sadd.s32 s1, s22;
	[sflag:s15] =	ssyncadd.s32 @!p0 $0xFFFFE000;
	s15 =	sor.u32 $0x4, s21  }
0x100: {  	[tilespmem:s3], [sflag:$0x8] =	stream.linear.gather [hbm4b:s16+s20], $0x2000, $0x38;
	[tilespmem:$0x12800] =	vst v63  }
0x101: {  	s20 =	sor.u32 s8, s15;
	_ =	swait.ge [sflag:s5], $0x2000  }
0x102: {  	s16 =	sshll.u32 s20, $0x2;
	[sflag:s5] =	ssyncset.done $0x0  }
0x103: {  	s15 =	sshll.u32 s15, $0x7;
	s16 =	sand.u32 $0x780, s16;
	[sflag:s5] =	ssyncadd.s32 $0xFFFFE000  }
0x104: {  	s15 =	sand.u32 $0xA00, s15;
	v0 =	vld [tilespmem:s16+$0x0]  }
0x105: {  	v1 =	vld [tilespmem:s15+$0x800]  }
0x106: {  	v2 =	vld [tilespmem:s16+$0x10]  }
0x107: {  	v3 =	vld [tilespmem:s15+$0x810]  }
0x108: {  	v6 =	vld [tilespmem:s16+$0x20]  }
0x109: {  	v4 =	vld [tilespmem:s15+$0x820]  }
0x10a: {  	v9 =	vld [tilespmem:s16+$0x30]  }
0x10b: {  	v5 =	vld [tilespmem:s15+$0x830]  }
0x10c: {  	v15 =	vld [tilespmem:s16+$0x40]  }
0x10d: {  	v11 =	vld [tilespmem:s15+$0x840]  }
0x10e: {  	v16 =	vld [tilespmem:s16+$0x50]  }
0x10f: {  	v14 =	vld [tilespmem:s15+$0x850]  }
0x110: {  	v17 =	vld [tilespmem:s16+$0x60]  }
0x111: {  	v58 =	vld [tilespmem:s15+$0x860]  }
0x112: {  	v59 =	vld [tilespmem:s16+$0x70]  }
0x113: {  	v60 =	vld [tilespmem:s15+$0x870]  }
0x114: {  	v12 =	vld [tilespmem:s31+$0xA80]  }
0x115: {  	v61 =	vld [tilespmem:s31+$0xA90]  }
0x116: {  	v62 =	vld [tilespmem:s31+$0xAA0]  }
0x117: {  	v23 =	vld [tilespmem:s31+$0xAB0]  }
0x118: {  	v24 =	vld [tilespmem:s31+$0xAC0]  }
0x119: {  	v25 =	vld [tilespmem:s31+$0xAE0];
	v10 =	vadd.f32 v1, v0;
	v8 =	vadd.f32 v3, v2  }
0x11a: {  	v63 =	vld [tilespmem:s31+$0xAF0];
	v7 =	vadd.f32 v4, v6;
	v13 =	vadd.f32 v12, v0  }
0x11b: {  	v3 =	vld [tilespmem:s31+$0xAD0];
	v5 =	vadd.f32 v5, v9;
	v12 =	vadd.f32 v61, v2  }
0x11c: {  	v4 =	vadd.f32 v11, v15;
	v2 =	vadd.f32 v14, v16  }
0x11d: {  	v1 =	vadd.f32 v58, v17;
	v0 =	vadd.f32 v60, v59  }
0x11e: {  	v14 =	vadd.f32 v62, v6;
	v11 =	vadd.f32 v23, v9  }
0x11f: {  	v9 =	vadd.f32 v24, v15;
	v15 =	vadd.f32 v63, v59  }
0x120: {  	s15 =	simm.s32 $0x0;
	s16 =	simm.s32 $0x200;
	v6 =	vadd.f32 v3, v16;
	v3 =	vadd.f32 v25, v17  }
.LBB2_7:
0x121: {  	p0 =	sne.s32 s16, $0x3E00;
	v16 =	vld [tilespmem:s15+$0x1870]  }
0x122: {  	v17 =	vld [tilespmem:s15+$0x1800]  }
0x123: {  	v18 =	vld [tilespmem:s15+$0x1810]  }
0x124: {  	v19 =	vld [tilespmem:s15+$0x1820]  }
0x125: {  	v20 =	vld [tilespmem:s15+$0x1830]  }
0x126: {  	v21 =	vld [tilespmem:s15+$0x1840];
	v22 =	vadd.f32 v16, v0;
	v16 =	vadd.f32 v16, v15  }
0x127: {  	v23 =	vadd.f32 v17, v10;
	v17 =	vadd.f32 v17, v13;
	v24 =	vld [tilespmem:s15+$0x1850]  }
0x128: {  	v25 =	vadd.f32 v18, v8;
	v18 =	vadd.f32 v18, v12;
	[tilespmem:s15+$0x7870] =	vst.add.f32.msk $0xffff, v16  }
0x129: {  	v16 =	vadd.f32 v19, v7;
	v19 =	vadd.f32 v19, v14;
	v26 =	vld [tilespmem:s15+$0x1860]  }
0x12a: {  	[tilespmem:s15+$0x6800] =	vst.add.f32.msk $0xffff, v23;
	v23 =	vadd.f32 v20, v5;
	v20 =	vadd.f32 v20, v11  }
0x12b: {  	[tilespmem:s15+$0x7800] =	vst.add.f32.msk $0xffff, v17;
	v17 =	vadd.f32 v21, v4;
	v21 =	vadd.f32 v21, v9  }
0x12c: {  	[tilespmem:s15+$0x6810] =	vst.add.f32.msk $0xffff, v25;
	v25 =	vadd.f32 v24, v2;
	v24 =	vadd.f32 v24, v6  }
0x12d: {  	[tilespmem:s15+$0x7810] =	vst.add.f32.msk $0xffff, v18  }
0x12e: {  	[tilespmem:s15+$0x6820] =	vst.add.f32.msk $0xffff, v16;
	v16 =	vadd.f32 v26, v1;
	v18 =	vadd.f32 v26, v3  }
0x12f: {  	[tilespmem:s15+$0x7820] =	vst.add.f32.msk $0xffff, v19  }
0x130: {  	[tilespmem:s15+$0x6830] =	vst.add.f32.msk $0xffff, v23  }
0x131: {  	[tilespmem:s15+$0x7830] =	vst.add.f32.msk $0xffff, v20  }
0x132: {  	[tilespmem:s15+$0x6840] =	vst.add.f32.msk $0xffff, v17  }
0x133: {  	[tilespmem:s15+$0x7840] =	vst.add.f32.msk $0xffff, v21  }
.Ltmp4:
0x134: {  	[tilespmem:s15+$0x6850] =	vst.add.f32.msk $0xffff, v25;
	(pc) =	sbr.rel @p0 .LBB2_7-.Ltmp4, $4  }
0x135: {  	[tilespmem:s15+$0x7850] =	vst.add.f32.msk $0xffff, v24  }
0x136: {  	[tilespmem:s15+$0x6860] =	vst.add.f32.msk $0xffff, v16  }
0x137: {  	[tilespmem:s15+$0x7860] =	vst.add.f32.msk $0xffff, v18  }
0x138: {  	[tilespmem:s15+$0x6870] =	vst.add.f32.msk $0xffff, v22;
	s15 =	sshra.s32 s16, $0x2;
	s16 =	sadd.s32 $0x200, s16  }
0x139: {  	v16 =	vld [tilespmem:s15+$0x1870]  }
0x13a: {  	v17 =	vld [tilespmem:s15+$0x1800]  }
0x13b: {  	v18 =	vld [tilespmem:s15+$0x1810]  }
0x13c: {  	v19 =	vld [tilespmem:s15+$0x1820]  }
0x13d: {  	v20 =	vld [tilespmem:s15+$0x1830]  }
0x13e: {  	v21 =	vld [tilespmem:s15+$0x1840];
	v15 =	vadd.f32 v16, v15  }
0x13f: {  	v22 =	vld [tilespmem:s15+$0x1850]  }
0x140: {  	v10 =	vadd.f32 v17, v10;
	[tilespmem:s15+$0x7870] =	vst.add.f32.msk $0xffff, v15  }
0x141: {  	v13 =	vadd.f32 v17, v13;
	v15 =	vld [tilespmem:s15+$0x1860]  }
0x142: {  	v8 =	vadd.f32 v18, v8;
	[tilespmem:s15+$0x6800] =	vst.add.f32.msk $0xffff, v10  }
0x143: {  	v7 =	vadd.f32 v19, v7;
	[tilespmem:s15+$0x7800] =	vst.add.f32.msk $0xffff, v13  }
0x144: {  	v5 =	vadd.f32 v20, v5;
	[tilespmem:s15+$0x6810] =	vst.add.f32.msk $0xffff, v8  }
0x145: {  	v4 =	vadd.f32 v21, v4;
	[tilespmem:s15+$0x6820] =	vst.add.f32.msk $0xffff, v7  }
0x146: {  	v2 =	vadd.f32 v22, v2;
	[tilespmem:s15+$0x6830] =	vst.add.f32.msk $0xffff, v5  }
0x147: {  	v0 =	vadd.f32 v16, v0;
	[tilespmem:s15+$0x6840] =	vst.add.f32.msk $0xffff, v4  }
0x148: {  	v10 =	vadd.f32 v18, v12;
	[tilespmem:s15+$0x6850] =	vst.add.f32.msk $0xffff, v2  }
0x149: {  	v8 =	vadd.f32 v19, v14;
	[tilespmem:s15+$0x6870] =	vst.add.f32.msk $0xffff, v0  }
0x14a: {  	v7 =	vadd.f32 v20, v11;
	[tilespmem:s15+$0x7810] =	vst.add.f32.msk $0xffff, v10  }
0x14b: {  	v5 =	vadd.f32 v21, v9;
	[tilespmem:s15+$0x7820] =	vst.add.f32.msk $0xffff, v8  }
0x14c: {  	v4 =	vadd.f32 v22, v6;
	[tilespmem:s15+$0x7830] =	vst.add.f32.msk $0xffff, v7  }
0x14d: {  	[tilespmem:s15+$0x7840] =	vst.add.f32.msk $0xffff, v5;
	v1 =	vadd.f32 v15, v1  }
0x14e: {  	s16 =	sshll.u32 s20, $0x9;
	[tilespmem:s15+$0x7850] =	vst.add.f32.msk $0xffff, v4;
	v2 =	vadd.f32 v15, v3  }
0x14f: {  	p0 =	seq.s32 s14, $0xF;
	s16 =	sand.u32 $0x1FFFE800, s16;
	[tilespmem:s15+$0x6860] =	vst.add.f32.msk $0xffff, v1  }
0x150: {  	s20 =	simm.s32 $0x6800;
	s16 =	sadd.s32 s6, s16;
	[tilespmem:s15+$0x7860] =	vst.add.f32.msk $0xffff, v2;
	s15 =	simm.s32 @!p0 $0x9  }
0x151: {  	[hbm4b:s16+s7] =	stream.linear.scatter [tilespmem:s20], [sflag:$0xB], $0x2000, $0x38;
	[tilespmem:$0x12800] =	vst v63  }
0x152: {  	_ =	swait.ge @!p0 [sflag:s15], $0x2000  }
0x153: {  	s16 =	rddreg [dreg:$0xc]  }
0x154: {  	s16 =	sadd.s32 @!p0 s21, s16  }
0x155: {  	[sflag:s15] =	ssyncset.done @!p0 $0x0;
	s16 =	sshll.u32 @!p0 s16, $0x9  }
0x156: {  	[sflag:s15] =	ssyncadd.s32 @!p0 $0xFFFFE000;
	s15 =	sand.u32 @!p0 $0x1FFFE000, s16  }
0x157: {  	s20 =	simm.s32 @!p0 $0x2800;
	s16 =	simm.s32 @!p0 $0x0;
	s15 =	sadd.s32 @!p0 s1, s15  }
0x158: {  	[tilespmem:s20], [sflag:$0x1] =	stream.linear.gather @!p0 [hbm4b:s15+s16], $0x2000, $0x38;
	[tilespmem:$0x12800] =	vst v63  }
0x159: {  	s15 =	sor.u32 $0x6, s21  }
0x15a: {  	s20 =	sor.u32 s8, s15;
	_ =	swait.ge [sflag:s29], $0x2000  }
0x15b: {  	[sflag:s29] =	ssyncset.done $0x0;
	s16 =	sshll.u32 s20, $0x2  }
0x15c: {  	s15 =	sshll.u32 s15, $0x7;
	[sflag:s29] =	ssyncadd.s32 $0xFFFFE000;
	s16 =	sand.u32 $0x780, s16  }
0x15d: {  	s15 =	sand.u32 $0xB00, s15;
	v0 =	vld [tilespmem:s16+$0x0]  }
0x15e: {  	v1 =	vld [tilespmem:s15+$0x800]  }
0x15f: {  	v2 =	vld [tilespmem:s16+$0x10]  }
0x160: {  	v3 =	vld [tilespmem:s15+$0x810]  }
0x161: {  	v6 =	vld [tilespmem:s16+$0x20]  }
0x162: {  	v4 =	vld [tilespmem:s15+$0x820]  }
0x163: {  	v9 =	vld [tilespmem:s16+$0x30]  }
0x164: {  	v5 =	vld [tilespmem:s15+$0x830]  }
0x165: {  	v15 =	vld [tilespmem:s16+$0x40]  }
0x166: {  	v11 =	vld [tilespmem:s15+$0x840]  }
0x167: {  	v16 =	vld [tilespmem:s16+$0x50]  }
0x168: {  	v14 =	vld [tilespmem:s15+$0x850]  }
0x169: {  	v17 =	vld [tilespmem:s16+$0x60]  }
0x16a: {  	v58 =	vld [tilespmem:s15+$0x860]  }
0x16b: {  	v59 =	vld [tilespmem:s16+$0x70]  }
0x16c: {  	v60 =	vld [tilespmem:s15+$0x870]  }
0x16d: {  	v12 =	vld [tilespmem:s31+$0xB80]  }
0x16e: {  	v61 =	vld [tilespmem:s31+$0xB90]  }
0x16f: {  	v62 =	vld [tilespmem:s31+$0xBA0]  }
0x170: {  	v23 =	vld [tilespmem:s31+$0xBB0]  }
0x171: {  	v24 =	vld [tilespmem:s31+$0xBC0]  }
0x172: {  	v25 =	vld [tilespmem:s31+$0xBE0];
	v10 =	vadd.f32 v1, v0;
	v8 =	vadd.f32 v3, v2  }
0x173: {  	v63 =	vld [tilespmem:s31+$0xBF0];
	v7 =	vadd.f32 v4, v6;
	v13 =	vadd.f32 v12, v0  }
0x174: {  	v3 =	vld [tilespmem:s31+$0xBD0];
	v5 =	vadd.f32 v5, v9;
	v12 =	vadd.f32 v61, v2  }
0x175: {  	v4 =	vadd.f32 v11, v15;
	v2 =	vadd.f32 v14, v16  }
0x176: {  	v1 =	vadd.f32 v58, v17;
	v0 =	vadd.f32 v60, v59  }
0x177: {  	v14 =	vadd.f32 v62, v6;
	v11 =	vadd.f32 v23, v9  }
0x178: {  	v9 =	vadd.f32 v24, v15;
	v15 =	vadd.f32 v63, v59  }
0x179: {  	s15 =	simm.s32 $0x0;
	s16 =	simm.s32 $0x200;
	v6 =	vadd.f32 v3, v16;
	v3 =	vadd.f32 v25, v17  }
.LBB2_9:
0x17a: {  	p1 =	sne.s32 s16, $0x3E00;
	v16 =	vld [tilespmem:s15+$0x1870]  }
0x17b: {  	v17 =	vld [tilespmem:s15+$0x1800]  }
0x17c: {  	v18 =	vld [tilespmem:s15+$0x1810]  }
0x17d: {  	v19 =	vld [tilespmem:s15+$0x1820]  }
0x17e: {  	v20 =	vld [tilespmem:s15+$0x1830]  }
0x17f: {  	v21 =	vld [tilespmem:s15+$0x1840];
	v22 =	vadd.f32 v16, v0;
	v16 =	vadd.f32 v16, v15  }
0x180: {  	v23 =	vadd.f32 v17, v10;
	v17 =	vadd.f32 v17, v13;
	v24 =	vld [tilespmem:s15+$0x1850]  }
0x181: {  	v25 =	vadd.f32 v18, v8;
	v18 =	vadd.f32 v18, v12;
	[tilespmem:s15+$0x9870] =	vst.add.f32.msk $0xffff, v16  }
0x182: {  	v16 =	vadd.f32 v19, v7;
	v19 =	vadd.f32 v19, v14;
	v26 =	vld [tilespmem:s15+$0x1860]  }
0x183: {  	[tilespmem:s15+$0x8800] =	vst.add.f32.msk $0xffff, v23;
	v23 =	vadd.f32 v20, v5;
	v20 =	vadd.f32 v20, v11  }
0x184: {  	[tilespmem:s15+$0x9800] =	vst.add.f32.msk $0xffff, v17;
	v17 =	vadd.f32 v21, v4;
	v21 =	vadd.f32 v21, v9  }
0x185: {  	[tilespmem:s15+$0x8810] =	vst.add.f32.msk $0xffff, v25;
	v25 =	vadd.f32 v24, v2;
	v24 =	vadd.f32 v24, v6  }
0x186: {  	[tilespmem:s15+$0x9810] =	vst.add.f32.msk $0xffff, v18  }
0x187: {  	[tilespmem:s15+$0x8820] =	vst.add.f32.msk $0xffff, v16;
	v16 =	vadd.f32 v26, v1;
	v18 =	vadd.f32 v26, v3  }
0x188: {  	[tilespmem:s15+$0x9820] =	vst.add.f32.msk $0xffff, v19  }
0x189: {  	[tilespmem:s15+$0x8830] =	vst.add.f32.msk $0xffff, v23  }
0x18a: {  	[tilespmem:s15+$0x9830] =	vst.add.f32.msk $0xffff, v20  }
0x18b: {  	[tilespmem:s15+$0x8840] =	vst.add.f32.msk $0xffff, v17  }
0x18c: {  	[tilespmem:s15+$0x9840] =	vst.add.f32.msk $0xffff, v21  }
.Ltmp5:
0x18d: {  	[tilespmem:s15+$0x8850] =	vst.add.f32.msk $0xffff, v25;
	(pc) =	sbr.rel @p1 .LBB2_9-.Ltmp5, $4  }
0x18e: {  	[tilespmem:s15+$0x9850] =	vst.add.f32.msk $0xffff, v24  }
0x18f: {  	[tilespmem:s15+$0x8860] =	vst.add.f32.msk $0xffff, v16  }
0x190: {  	[tilespmem:s15+$0x9860] =	vst.add.f32.msk $0xffff, v18  }
0x191: {  	[tilespmem:s15+$0x8870] =	vst.add.f32.msk $0xffff, v22;
	s15 =	sshra.s32 s16, $0x2;
	s16 =	sadd.s32 $0x200, s16  }
0x192: {  	v16 =	vld [tilespmem:s15+$0x1870]  }
0x193: {  	v17 =	vld [tilespmem:s15+$0x1800]  }
0x194: {  	v18 =	vld [tilespmem:s15+$0x1810]  }
0x195: {  	v19 =	vld [tilespmem:s15+$0x1820]  }
0x196: {  	v20 =	vld [tilespmem:s15+$0x1830]  }
0x197: {  	v21 =	vld [tilespmem:s15+$0x1840];
	v15 =	vadd.f32 v16, v15  }
0x198: {  	v22 =	vld [tilespmem:s15+$0x1850]  }
0x199: {  	v10 =	vadd.f32 v17, v10;
	[tilespmem:s15+$0x9870] =	vst.add.f32.msk $0xffff, v15  }
0x19a: {  	v13 =	vadd.f32 v17, v13;
	v15 =	vld [tilespmem:s15+$0x1860]  }
0x19b: {  	v8 =	vadd.f32 v18, v8;
	[tilespmem:s15+$0x8800] =	vst.add.f32.msk $0xffff, v10  }
0x19c: {  	v7 =	vadd.f32 v19, v7;
	[tilespmem:s15+$0x9800] =	vst.add.f32.msk $0xffff, v13  }
0x19d: {  	v5 =	vadd.f32 v20, v5;
	[tilespmem:s15+$0x8810] =	vst.add.f32.msk $0xffff, v8  }
0x19e: {  	v4 =	vadd.f32 v21, v4;
	[tilespmem:s15+$0x8820] =	vst.add.f32.msk $0xffff, v7  }
0x19f: {  	v2 =	vadd.f32 v22, v2;
	[tilespmem:s15+$0x8830] =	vst.add.f32.msk $0xffff, v5  }
0x1a0: {  	v0 =	vadd.f32 v16, v0;
	[tilespmem:s15+$0x8840] =	vst.add.f32.msk $0xffff, v4  }
0x1a1: {  	v10 =	vadd.f32 v18, v12;
	[tilespmem:s15+$0x8850] =	vst.add.f32.msk $0xffff, v2  }
0x1a2: {  	v8 =	vadd.f32 v19, v14;
	[tilespmem:s15+$0x8870] =	vst.add.f32.msk $0xffff, v0  }
0x1a3: {  	v7 =	vadd.f32 v20, v11;
	[tilespmem:s15+$0x9810] =	vst.add.f32.msk $0xffff, v10  }
0x1a4: {  	v5 =	vadd.f32 v21, v9;
	[tilespmem:s15+$0x9820] =	vst.add.f32.msk $0xffff, v8  }
0x1a5: {  	v4 =	vadd.f32 v22, v6;
	[tilespmem:s15+$0x9830] =	vst.add.f32.msk $0xffff, v7  }
0x1a6: {  	[tilespmem:s15+$0x9840] =	vst.add.f32.msk $0xffff, v5;
	v1 =	vadd.f32 v15, v1  }
0x1a7: {  	s16 =	sshll.u32 s20, $0x9;
	[tilespmem:s15+$0x9850] =	vst.add.f32.msk $0xffff, v4;
	v2 =	vadd.f32 v15, v3  }
0x1a8: {  	s16 =	sand.u32 $0x1FFFEC00, s16;
	[tilespmem:s15+$0x8860] =	vst.add.f32.msk $0xffff, v1  }
0x1a9: {  	s20 =	simm.s32 $0x8800;
	s16 =	sadd.s32 s6, s16;
	[tilespmem:s15+$0x9860] =	vst.add.f32.msk $0xffff, v2;
	s15 =	simm.s32 @!p0 $0xA  }
0x1aa: {  	[hbm4b:s16+s7] =	stream.linear.scatter [tilespmem:s20], [sflag:$0xC], $0x2000, $0x38;
	[tilespmem:$0x12800] =	vst v63  }
0x1ab: {  	_ =	swait.ge @!p0 [sflag:s15], $0x2000  }
0x1ac: {  	s16 =	rddreg [dreg:$0xd]  }
0x1ad: {  	s16 =	sadd.s32 @!p0 s21, s16  }
0x1ae: {  	[sflag:s15] =	ssyncset.done @!p0 $0x0;
	s16 =	sshll.u32 @!p0 s16, $0x9  }
0x1af: {  	[sflag:s15] =	ssyncadd.s32 @!p0 $0xFFFFE000;
	s15 =	sand.u32 @!p0 $0x1FFFE400, s16  }
0x1b0: {  	s20 =	simm.s32 @!p0 $0x4800;
	s16 =	simm.s32 @!p0 $0x0;
	s15 =	sadd.s32 @!p0 s1, s15  }
0x1b1: {  	[tilespmem:s20], [sflag:$0x2] =	stream.linear.gather @!p0 [hbm4b:s15+s16], $0x2000, $0x38;
	[tilespmem:$0x12800] =	vst v63  }
0x1b2: {  	s15 =	sor.u32 $0x8, s21  }
0x1b3: {  	s20 =	sor.u32 s8, s15;
	_ =	swait.ge [sflag:s30], $0x2000  }
0x1b4: {  	[sflag:s30] =	ssyncset.done $0x0;
	s16 =	sshll.u32 s20, $0x2  }
0x1b5: {  	s15 =	sshll.u32 s15, $0x7;
	[sflag:s30] =	ssyncadd.s32 $0xFFFFE000;
	s16 =	sand.u32 $0x780, s16  }
0x1b6: {  	s15 =	sand.u32 $0xC00, s15;
	v0 =	vld [tilespmem:s16+$0x0]  }
0x1b7: {  	v1 =	vld [tilespmem:s15+$0x800]  }
0x1b8: {  	v2 =	vld [tilespmem:s16+$0x10]  }
0x1b9: {  	v3 =	vld [tilespmem:s15+$0x810]  }
0x1ba: {  	v6 =	vld [tilespmem:s16+$0x20]  }
0x1bb: {  	v4 =	vld [tilespmem:s15+$0x820]  }
0x1bc: {  	v9 =	vld [tilespmem:s16+$0x30]  }
0x1bd: {  	v5 =	vld [tilespmem:s15+$0x830]  }
0x1be: {  	v15 =	vld [tilespmem:s16+$0x40]  }
0x1bf: {  	v11 =	vld [tilespmem:s15+$0x840]  }
0x1c0: {  	v16 =	vld [tilespmem:s16+$0x50]  }
0x1c1: {  	v14 =	vld [tilespmem:s15+$0x850]  }
0x1c2: {  	v17 =	vld [tilespmem:s16+$0x60]  }
0x1c3: {  	v58 =	vld [tilespmem:s15+$0x860]  }
0x1c4: {  	v59 =	vld [tilespmem:s16+$0x70]  }
0x1c5: {  	v60 =	vld [tilespmem:s15+$0x870]  }
0x1c6: {  	v12 =	vld [tilespmem:s31+$0xC80]  }
0x1c7: {  	v61 =	vld [tilespmem:s31+$0xC90]  }
0x1c8: {  	v62 =	vld [tilespmem:s31+$0xCA0]  }
0x1c9: {  	v23 =	vld [tilespmem:s31+$0xCB0]  }
0x1ca: {  	v24 =	vld [tilespmem:s31+$0xCC0]  }
0x1cb: {  	v25 =	vld [tilespmem:s31+$0xCE0];
	v10 =	vadd.f32 v1, v0;
	v8 =	vadd.f32 v3, v2  }
0x1cc: {  	v63 =	vld [tilespmem:s31+$0xCF0];
	v7 =	vadd.f32 v4, v6;
	v13 =	vadd.f32 v12, v0  }
0x1cd: {  	v3 =	vld [tilespmem:s31+$0xCD0];
	v5 =	vadd.f32 v5, v9;
	v12 =	vadd.f32 v61, v2  }
0x1ce: {  	v4 =	vadd.f32 v11, v15;
	v2 =	vadd.f32 v14, v16  }
0x1cf: {  	v1 =	vadd.f32 v58, v17;
	v0 =	vadd.f32 v60, v59  }
0x1d0: {  	v14 =	vadd.f32 v62, v6;
	v11 =	vadd.f32 v23, v9  }
0x1d1: {  	v9 =	vadd.f32 v24, v15;
	v15 =	vadd.f32 v63, v59  }
0x1d2: {  	s15 =	simm.s32 $0x0;
	s16 =	simm.s32 $0x200;
	v6 =	vadd.f32 v3, v16;
	v3 =	vadd.f32 v25, v17  }
.LBB2_11:
0x1d3: {  	p1 =	sne.s32 s16, $0x3E00;
	v16 =	vld [tilespmem:s15+$0x1870]  }
0x1d4: {  	v17 =	vld [tilespmem:s15+$0x1800]  }
0x1d5: {  	v18 =	vld [tilespmem:s15+$0x1810]  }
0x1d6: {  	v19 =	vld [tilespmem:s15+$0x1820]  }
0x1d7: {  	v20 =	vld [tilespmem:s15+$0x1830]  }
0x1d8: {  	v21 =	vld [tilespmem:s15+$0x1840];
	v22 =	vadd.f32 v16, v0;
	v16 =	vadd.f32 v16, v15  }
0x1d9: {  	v23 =	vadd.f32 v17, v10;
	v17 =	vadd.f32 v17, v13;
	v24 =	vld [tilespmem:s15+$0x1850]  }
0x1da: {  	v25 =	vadd.f32 v18, v8;
	v18 =	vadd.f32 v18, v12;
	[tilespmem:s15+$0xB870] =	vst.add.f32.msk $0xffff, v16  }
0x1db: {  	v16 =	vadd.f32 v19, v7;
	v19 =	vadd.f32 v19, v14;
	v26 =	vld [tilespmem:s15+$0x1860]  }
0x1dc: {  	[tilespmem:s15+$0xA800] =	vst.add.f32.msk $0xffff, v23;
	v23 =	vadd.f32 v20, v5;
	v20 =	vadd.f32 v20, v11  }
0x1dd: {  	[tilespmem:s15+$0xB800] =	vst.add.f32.msk $0xffff, v17;
	v17 =	vadd.f32 v21, v4;
	v21 =	vadd.f32 v21, v9  }
0x1de: {  	[tilespmem:s15+$0xA810] =	vst.add.f32.msk $0xffff, v25;
	v25 =	vadd.f32 v24, v2;
	v24 =	vadd.f32 v24, v6  }
0x1df: {  	[tilespmem:s15+$0xB810] =	vst.add.f32.msk $0xffff, v18  }
0x1e0: {  	[tilespmem:s15+$0xA820] =	vst.add.f32.msk $0xffff, v16;
	v16 =	vadd.f32 v26, v1;
	v18 =	vadd.f32 v26, v3  }
0x1e1: {  	[tilespmem:s15+$0xB820] =	vst.add.f32.msk $0xffff, v19  }
0x1e2: {  	[tilespmem:s15+$0xA830] =	vst.add.f32.msk $0xffff, v23  }
0x1e3: {  	[tilespmem:s15+$0xB830] =	vst.add.f32.msk $0xffff, v20  }
0x1e4: {  	[tilespmem:s15+$0xA840] =	vst.add.f32.msk $0xffff, v17  }
0x1e5: {  	[tilespmem:s15+$0xB840] =	vst.add.f32.msk $0xffff, v21  }
.Ltmp6:
0x1e6: {  	[tilespmem:s15+$0xA850] =	vst.add.f32.msk $0xffff, v25;
	(pc) =	sbr.rel @p1 .LBB2_11-.Ltmp6, $4  }
0x1e7: {  	[tilespmem:s15+$0xB850] =	vst.add.f32.msk $0xffff, v24  }
0x1e8: {  	[tilespmem:s15+$0xA860] =	vst.add.f32.msk $0xffff, v16  }
0x1e9: {  	[tilespmem:s15+$0xB860] =	vst.add.f32.msk $0xffff, v18  }
0x1ea: {  	[tilespmem:s15+$0xA870] =	vst.add.f32.msk $0xffff, v22;
	s15 =	sshra.s32 s16, $0x2;
	s16 =	sadd.s32 $0x200, s16  }
0x1eb: {  	v16 =	vld [tilespmem:s15+$0x1870]  }
0x1ec: {  	v17 =	vld [tilespmem:s15+$0x1800]  }
0x1ed: {  	v18 =	vld [tilespmem:s15+$0x1810]  }
0x1ee: {  	v19 =	vld [tilespmem:s15+$0x1820]  }
0x1ef: {  	v20 =	vld [tilespmem:s15+$0x1830]  }
0x1f0: {  	v21 =	vld [tilespmem:s15+$0x1840];
	v15 =	vadd.f32 v16, v15  }
0x1f1: {  	v22 =	vld [tilespmem:s15+$0x1850]  }
0x1f2: {  	v10 =	vadd.f32 v17, v10;
	[tilespmem:s15+$0xB870] =	vst.add.f32.msk $0xffff, v15  }
0x1f3: {  	v13 =	vadd.f32 v17, v13;
	v15 =	vld [tilespmem:s15+$0x1860]  }
0x1f4: {  	v8 =	vadd.f32 v18, v8;
	[tilespmem:s15+$0xA800] =	vst.add.f32.msk $0xffff, v10  }
0x1f5: {  	v7 =	vadd.f32 v19, v7;
	[tilespmem:s15+$0xB800] =	vst.add.f32.msk $0xffff, v13  }
0x1f6: {  	v5 =	vadd.f32 v20, v5;
	[tilespmem:s15+$0xA810] =	vst.add.f32.msk $0xffff, v8  }
0x1f7: {  	v4 =	vadd.f32 v21, v4;
	[tilespmem:s15+$0xA820] =	vst.add.f32.msk $0xffff, v7  }
0x1f8: {  	v2 =	vadd.f32 v22, v2;
	[tilespmem:s15+$0xA830] =	vst.add.f32.msk $0xffff, v5  }
0x1f9: {  	v0 =	vadd.f32 v16, v0;
	[tilespmem:s15+$0xA840] =	vst.add.f32.msk $0xffff, v4  }
0x1fa: {  	v10 =	vadd.f32 v18, v12;
	[tilespmem:s15+$0xA850] =	vst.add.f32.msk $0xffff, v2  }
0x1fb: {  	v8 =	vadd.f32 v19, v14;
	[tilespmem:s15+$0xA870] =	vst.add.f32.msk $0xffff, v0  }
0x1fc: {  	v7 =	vadd.f32 v20, v11;
	[tilespmem:s15+$0xB810] =	vst.add.f32.msk $0xffff, v10  }
0x1fd: {  	v5 =	vadd.f32 v21, v9;
	[tilespmem:s15+$0xB820] =	vst.add.f32.msk $0xffff, v8  }
0x1fe: {  	v4 =	vadd.f32 v22, v6;
	[tilespmem:s15+$0xB830] =	vst.add.f32.msk $0xffff, v7  }
0x1ff: {  	[tilespmem:s15+$0xB840] =	vst.add.f32.msk $0xffff, v5;
	v1 =	vadd.f32 v15, v1  }
0x200: {  	s16 =	sshll.u32 s20, $0x9;
	[tilespmem:s15+$0xB850] =	vst.add.f32.msk $0xffff, v4;
	v2 =	vadd.f32 v15, v3  }
0x201: {  	s16 =	sand.u32 $0x1FFFF000, s16;
	[tilespmem:s15+$0xA860] =	vst.add.f32.msk $0xffff, v1  }
0x202: {  	s20 =	simm.s32 $0xA800;
	s16 =	sadd.s32 s6, s16;
	[tilespmem:s15+$0xB860] =	vst.add.f32.msk $0xffff, v2;
	s15 =	simm.s32 @!p0 $0xB  }
0x203: {  	[hbm4b:s16+s7] =	stream.linear.scatter [tilespmem:s20], [sflag:$0xD], $0x2000, $0x38;
	[tilespmem:$0x12800] =	vst v63  }
0x204: {  	s16 =	sadd.s32 @!p0 s21, s17;
	_ =	swait.ge @!p0 [sflag:s15], $0x2000  }
0x205: {  	s16 =	sshll.u32 @!p0 s16, $0x9;
	[sflag:s15] =	ssyncset.done @!p0 $0x0  }
0x206: {  	[sflag:s15] =	ssyncadd.s32 @!p0 $0xFFFFE000;
	s15 =	sand.u32 @!p0 $0x1FFFE800, s16  }
0x207: {  	s20 =	simm.s32 @!p0 $0x6800;
	s16 =	simm.s32 @!p0 $0x0;
	s15 =	sadd.s32 @!p0 s1, s15  }
0x208: {  	[tilespmem:s20], [sflag:$0x3] =	stream.linear.gather @!p0 [hbm4b:s15+s16], $0x2000, $0x38;
	[tilespmem:$0x12800] =	vst v63  }
0x209: {  	s15 =	sor.u32 $0xA, s21  }
0x20a: {  	s20 =	sor.u32 s8, s15;
	_ =	swait.ge [sflag:s10], $0x2000  }
0x20b: {  	[sflag:s10] =	ssyncset.done $0x0;
	s16 =	sshll.u32 s20, $0x2  }
0x20c: {  	s15 =	sshll.u32 s15, $0x7;
	[sflag:s10] =	ssyncadd.s32 $0xFFFFE000;
	s16 =	sand.u32 $0x780, s16  }
0x20d: {  	s15 =	sand.u32 $0xD00, s15;
	v0 =	vld [tilespmem:s16+$0x0]  }
0x20e: {  	v1 =	vld [tilespmem:s15+$0x800]  }
0x20f: {  	v2 =	vld [tilespmem:s16+$0x10]  }
0x210: {  	v3 =	vld [tilespmem:s15+$0x810]  }
0x211: {  	v6 =	vld [tilespmem:s16+$0x20]  }
0x212: {  	v4 =	vld [tilespmem:s15+$0x820]  }
0x213: {  	v9 =	vld [tilespmem:s16+$0x30]  }
0x214: {  	v5 =	vld [tilespmem:s15+$0x830]  }
0x215: {  	v15 =	vld [tilespmem:s16+$0x40]  }
0x216: {  	v11 =	vld [tilespmem:s15+$0x840]  }
0x217: {  	v16 =	vld [tilespmem:s16+$0x50]  }
0x218: {  	v14 =	vld [tilespmem:s15+$0x850]  }
0x219: {  	v17 =	vld [tilespmem:s16+$0x60]  }
0x21a: {  	v58 =	vld [tilespmem:s15+$0x860]  }
0x21b: {  	v59 =	vld [tilespmem:s16+$0x70]  }
0x21c: {  	v60 =	vld [tilespmem:s15+$0x870]  }
0x21d: {  	v12 =	vld [tilespmem:s31+$0xD80]  }
0x21e: {  	v61 =	vld [tilespmem:s31+$0xD90]  }
0x21f: {  	v62 =	vld [tilespmem:s31+$0xDA0]  }
0x220: {  	v23 =	vld [tilespmem:s31+$0xDB0]  }
0x221: {  	v24 =	vld [tilespmem:s31+$0xDC0]  }
0x222: {  	v25 =	vld [tilespmem:s31+$0xDE0];
	v10 =	vadd.f32 v1, v0;
	v8 =	vadd.f32 v3, v2  }
0x223: {  	v63 =	vld [tilespmem:s31+$0xDF0];
	v7 =	vadd.f32 v4, v6;
	v13 =	vadd.f32 v12, v0  }
0x224: {  	v3 =	vld [tilespmem:s31+$0xDD0];
	v5 =	vadd.f32 v5, v9;
	v12 =	vadd.f32 v61, v2  }
0x225: {  	v4 =	vadd.f32 v11, v15;
	v2 =	vadd.f32 v14, v16  }
0x226: {  	v1 =	vadd.f32 v58, v17;
	v0 =	vadd.f32 v60, v59  }
0x227: {  	v14 =	vadd.f32 v62, v6;
	v11 =	vadd.f32 v23, v9  }
0x228: {  	v9 =	vadd.f32 v24, v15;
	v15 =	vadd.f32 v63, v59  }
0x229: {  	s15 =	simm.s32 $0x0;
	s16 =	simm.s32 $0x200;
	v6 =	vadd.f32 v3, v16;
	v3 =	vadd.f32 v25, v17  }
.LBB2_13:
0x22a: {  	p1 =	sne.s32 s16, $0x3E00;
	v16 =	vld [tilespmem:s15+$0x1870]  }
0x22b: {  	v17 =	vld [tilespmem:s15+$0x1800]  }
0x22c: {  	v18 =	vld [tilespmem:s15+$0x1810]  }
0x22d: {  	v19 =	vld [tilespmem:s15+$0x1820]  }
0x22e: {  	v20 =	vld [tilespmem:s15+$0x1830]  }
0x22f: {  	v21 =	vld [tilespmem:s15+$0x1840];
	v22 =	vadd.f32 v16, v0;
	v16 =	vadd.f32 v16, v15  }
0x230: {  	v23 =	vadd.f32 v17, v10;
	v17 =	vadd.f32 v17, v13;
	v24 =	vld [tilespmem:s15+$0x1850]  }
0x231: {  	v25 =	vadd.f32 v18, v8;
	v18 =	vadd.f32 v18, v12;
	[tilespmem:s15+$0xD870] =	vst.add.f32.msk $0xffff, v16  }
0x232: {  	v16 =	vadd.f32 v19, v7;
	v19 =	vadd.f32 v19, v14;
	v26 =	vld [tilespmem:s15+$0x1860]  }
0x233: {  	[tilespmem:s15+$0xC800] =	vst.add.f32.msk $0xffff, v23;
	v23 =	vadd.f32 v20, v5;
	v20 =	vadd.f32 v20, v11  }
0x234: {  	[tilespmem:s15+$0xD800] =	vst.add.f32.msk $0xffff, v17;
	v17 =	vadd.f32 v21, v4;
	v21 =	vadd.f32 v21, v9  }
0x235: {  	[tilespmem:s15+$0xC810] =	vst.add.f32.msk $0xffff, v25;
	v25 =	vadd.f32 v24, v2;
	v24 =	vadd.f32 v24, v6  }
0x236: {  	[tilespmem:s15+$0xD810] =	vst.add.f32.msk $0xffff, v18  }
0x237: {  	[tilespmem:s15+$0xC820] =	vst.add.f32.msk $0xffff, v16;
	v16 =	vadd.f32 v26, v1;
	v18 =	vadd.f32 v26, v3  }
0x238: {  	[tilespmem:s15+$0xD820] =	vst.add.f32.msk $0xffff, v19  }
0x239: {  	[tilespmem:s15+$0xC830] =	vst.add.f32.msk $0xffff, v23  }
0x23a: {  	[tilespmem:s15+$0xD830] =	vst.add.f32.msk $0xffff, v20  }
0x23b: {  	[tilespmem:s15+$0xC840] =	vst.add.f32.msk $0xffff, v17  }
0x23c: {  	[tilespmem:s15+$0xD840] =	vst.add.f32.msk $0xffff, v21  }
.Ltmp7:
0x23d: {  	[tilespmem:s15+$0xC850] =	vst.add.f32.msk $0xffff, v25;
	(pc) =	sbr.rel @p1 .LBB2_13-.Ltmp7, $4  }
0x23e: {  	[tilespmem:s15+$0xD850] =	vst.add.f32.msk $0xffff, v24  }
0x23f: {  	[tilespmem:s15+$0xC860] =	vst.add.f32.msk $0xffff, v16  }
0x240: {  	[tilespmem:s15+$0xD860] =	vst.add.f32.msk $0xffff, v18  }
0x241: {  	[tilespmem:s15+$0xC870] =	vst.add.f32.msk $0xffff, v22;
	s15 =	sshra.s32 s16, $0x2;
	s16 =	sadd.s32 $0x200, s16  }
0x242: {  	v16 =	vld [tilespmem:s15+$0x1870]  }
0x243: {  	v17 =	vld [tilespmem:s15+$0x1800]  }
0x244: {  	v18 =	vld [tilespmem:s15+$0x1810]  }
0x245: {  	v19 =	vld [tilespmem:s15+$0x1820]  }
0x246: {  	v20 =	vld [tilespmem:s15+$0x1830]  }
0x247: {  	v21 =	vld [tilespmem:s15+$0x1840];
	v15 =	vadd.f32 v16, v15  }
0x248: {  	v22 =	vld [tilespmem:s15+$0x1850]  }
0x249: {  	v10 =	vadd.f32 v17, v10;
	[tilespmem:s15+$0xD870] =	vst.add.f32.msk $0xffff, v15  }
0x24a: {  	v13 =	vadd.f32 v17, v13;
	v15 =	vld [tilespmem:s15+$0x1860]  }
0x24b: {  	v8 =	vadd.f32 v18, v8;
	[tilespmem:s15+$0xC800] =	vst.add.f32.msk $0xffff, v10  }
0x24c: {  	v7 =	vadd.f32 v19, v7;
	[tilespmem:s15+$0xD800] =	vst.add.f32.msk $0xffff, v13  }
0x24d: {  	v5 =	vadd.f32 v20, v5;
	[tilespmem:s15+$0xC810] =	vst.add.f32.msk $0xffff, v8  }
0x24e: {  	v4 =	vadd.f32 v21, v4;
	[tilespmem:s15+$0xC820] =	vst.add.f32.msk $0xffff, v7  }
0x24f: {  	v2 =	vadd.f32 v22, v2;
	[tilespmem:s15+$0xC830] =	vst.add.f32.msk $0xffff, v5  }
0x250: {  	v0 =	vadd.f32 v16, v0;
	[tilespmem:s15+$0xC840] =	vst.add.f32.msk $0xffff, v4  }
0x251: {  	v10 =	vadd.f32 v18, v12;
	[tilespmem:s15+$0xC850] =	vst.add.f32.msk $0xffff, v2  }
0x252: {  	v8 =	vadd.f32 v19, v14;
	[tilespmem:s15+$0xC870] =	vst.add.f32.msk $0xffff, v0  }
0x253: {  	v7 =	vadd.f32 v20, v11;
	[tilespmem:s15+$0xD810] =	vst.add.f32.msk $0xffff, v10  }
0x254: {  	v5 =	vadd.f32 v21, v9;
	[tilespmem:s15+$0xD820] =	vst.add.f32.msk $0xffff, v8  }
0x255: {  	v4 =	vadd.f32 v22, v6;
	[tilespmem:s15+$0xD830] =	vst.add.f32.msk $0xffff, v7  }
0x256: {  	[tilespmem:s15+$0xD840] =	vst.add.f32.msk $0xffff, v5;
	v1 =	vadd.f32 v15, v1  }
0x257: {  	s16 =	sshll.u32 s20, $0x9;
	[tilespmem:s15+$0xD850] =	vst.add.f32.msk $0xffff, v4;
	v2 =	vadd.f32 v15, v3  }
0x258: {  	s16 =	sand.u32 $0x1FFFF400, s16;
	[tilespmem:s15+$0xC860] =	vst.add.f32.msk $0xffff, v1  }
0x259: {  	s16 =	sadd.s32 s6, s16;
	[tilespmem:s15+$0xD860] =	vst.add.f32.msk $0xffff, v2;
	s15 =	simm.s32 @!p0 $0xC  }
0x25a: {  	[hbm4b:s16+s7] =	stream.linear.scatter [tilespmem:s28], [sflag:$0xE], $0x2000, $0x38;
	[tilespmem:$0x12800] =	vst v63  }
0x25b: {  	s16 =	sadd.s32 @!p0 s21, s18;
	_ =	swait.ge @!p0 [sflag:s15], $0x2000  }
0x25c: {  	s16 =	sshll.u32 @!p0 s16, $0x9;
	[sflag:s15] =	ssyncset.done @!p0 $0x0  }
0x25d: {  	[sflag:s15] =	ssyncadd.s32 @!p0 $0xFFFFE000;
	s15 =	sand.u32 @!p0 $0x1FFFEC00, s16  }
0x25e: {  	s20 =	simm.s32 @!p0 $0x8800;
	s16 =	simm.s32 @!p0 $0x0;
	s15 =	sadd.s32 @!p0 s1, s15  }
0x25f: {  	[tilespmem:s20], [sflag:$0x4] =	stream.linear.gather @!p0 [hbm4b:s15+s16], $0x2000, $0x38;
	[tilespmem:$0x12800] =	vst v63  }
0x260: {  	_ =	swait.ge [sflag:s11], $0x2000  }
0x261: {  	s20 =	sshll.u32 s25, $0x2;
	[sflag:s11] =	ssyncset.done $0x0  }
0x262: {  	s25 =	sshll.u32 s23, $0x7;
	s15 =	sand.u32 $0x780, s20;
	[sflag:s11] =	ssyncadd.s32 $0xFFFFE000  }
0x263: {  	s16 =	sand.u32 $0xE00, s25;
	v0 =	vld [tilespmem:s15+$0x0]  }
0x264: {  	v1 =	vld [tilespmem:s16+$0x800]  }
0x265: {  	v2 =	vld [tilespmem:s15+$0x10]  }
0x266: {  	v3 =	vld [tilespmem:s16+$0x810]  }
0x267: {  	v6 =	vld [tilespmem:s15+$0x20]  }
0x268: {  	v4 =	vld [tilespmem:s16+$0x820]  }
0x269: {  	v9 =	vld [tilespmem:s15+$0x30]  }
0x26a: {  	v5 =	vld [tilespmem:s16+$0x830]  }
0x26b: {  	v15 =	vld [tilespmem:s15+$0x40]  }
0x26c: {  	v11 =	vld [tilespmem:s16+$0x840]  }
0x26d: {  	v16 =	vld [tilespmem:s15+$0x50]  }
0x26e: {  	v14 =	vld [tilespmem:s16+$0x850]  }
0x26f: {  	v17 =	vld [tilespmem:s15+$0x60]  }
0x270: {  	v58 =	vld [tilespmem:s16+$0x860]  }
0x271: {  	v59 =	vld [tilespmem:s15+$0x70]  }
0x272: {  	v60 =	vld [tilespmem:s16+$0x870]  }
0x273: {  	v12 =	vld [tilespmem:s31+$0xE80]  }
0x274: {  	v61 =	vld [tilespmem:s31+$0xE90]  }
0x275: {  	v62 =	vld [tilespmem:s31+$0xEA0]  }
0x276: {  	v23 =	vld [tilespmem:s31+$0xEB0]  }
0x277: {  	v24 =	vld [tilespmem:s31+$0xEC0]  }
0x278: {  	v25 =	vld [tilespmem:s31+$0xEE0];
	v10 =	vadd.f32 v1, v0;
	v8 =	vadd.f32 v3, v2  }
0x279: {  	v63 =	vld [tilespmem:s31+$0xEF0];
	v7 =	vadd.f32 v4, v6;
	v13 =	vadd.f32 v12, v0  }
0x27a: {  	v3 =	vld [tilespmem:s31+$0xED0];
	v5 =	vadd.f32 v5, v9;
	v12 =	vadd.f32 v61, v2  }
0x27b: {  	v4 =	vadd.f32 v11, v15;
	v2 =	vadd.f32 v14, v16  }
0x27c: {  	v1 =	vadd.f32 v58, v17;
	v0 =	vadd.f32 v60, v59  }
0x27d: {  	v14 =	vadd.f32 v62, v6;
	v11 =	vadd.f32 v23, v9  }
0x27e: {  	v9 =	vadd.f32 v24, v15;
	v15 =	vadd.f32 v63, v59  }
0x27f: {  	s15 =	simm.s32 $0x0;
	s16 =	simm.s32 $0x200;
	v6 =	vadd.f32 v3, v16;
	v3 =	vadd.f32 v25, v17  }
.LBB2_15:
0x280: {  	p1 =	sne.s32 s16, $0x3E00;
	v16 =	vld [tilespmem:s15+$0x1870]  }
0x281: {  	v17 =	vld [tilespmem:s15+$0x1800]  }
0x282: {  	v18 =	vld [tilespmem:s15+$0x1810]  }
0x283: {  	v19 =	vld [tilespmem:s15+$0x1820]  }
0x284: {  	v20 =	vld [tilespmem:s15+$0x1830]  }
0x285: {  	v21 =	vld [tilespmem:s15+$0x1840];
	v22 =	vadd.f32 v16, v0;
	v16 =	vadd.f32 v16, v15  }
0x286: {  	v23 =	vadd.f32 v17, v10;
	v17 =	vadd.f32 v17, v13;
	v24 =	vld [tilespmem:s15+$0x1850]  }
0x287: {  	v25 =	vadd.f32 v18, v8;
	v18 =	vadd.f32 v18, v12;
	[tilespmem:s15+$0xF870] =	vst.add.f32.msk $0xffff, v16  }
0x288: {  	v16 =	vadd.f32 v19, v7;
	v19 =	vadd.f32 v19, v14;
	v26 =	vld [tilespmem:s15+$0x1860]  }
0x289: {  	[tilespmem:s15+$0xE800] =	vst.add.f32.msk $0xffff, v23;
	v23 =	vadd.f32 v20, v5;
	v20 =	vadd.f32 v20, v11  }
0x28a: {  	[tilespmem:s15+$0xF800] =	vst.add.f32.msk $0xffff, v17;
	v17 =	vadd.f32 v21, v4;
	v21 =	vadd.f32 v21, v9  }
0x28b: {  	[tilespmem:s15+$0xE810] =	vst.add.f32.msk $0xffff, v25;
	v25 =	vadd.f32 v24, v2;
	v24 =	vadd.f32 v24, v6  }
0x28c: {  	[tilespmem:s15+$0xF810] =	vst.add.f32.msk $0xffff, v18  }
0x28d: {  	[tilespmem:s15+$0xE820] =	vst.add.f32.msk $0xffff, v16;
	v16 =	vadd.f32 v26, v1;
	v18 =	vadd.f32 v26, v3  }
0x28e: {  	[tilespmem:s15+$0xF820] =	vst.add.f32.msk $0xffff, v19  }
0x28f: {  	[tilespmem:s15+$0xE830] =	vst.add.f32.msk $0xffff, v23  }
0x290: {  	[tilespmem:s15+$0xF830] =	vst.add.f32.msk $0xffff, v20  }
0x291: {  	[tilespmem:s15+$0xE840] =	vst.add.f32.msk $0xffff, v17  }
0x292: {  	[tilespmem:s15+$0xF840] =	vst.add.f32.msk $0xffff, v21  }
.Ltmp8:
0x293: {  	[tilespmem:s15+$0xE850] =	vst.add.f32.msk $0xffff, v25;
	(pc) =	sbr.rel @p1 .LBB2_15-.Ltmp8, $4  }
0x294: {  	[tilespmem:s15+$0xF850] =	vst.add.f32.msk $0xffff, v24  }
0x295: {  	[tilespmem:s15+$0xE860] =	vst.add.f32.msk $0xffff, v16  }
0x296: {  	[tilespmem:s15+$0xF860] =	vst.add.f32.msk $0xffff, v18  }
0x297: {  	[tilespmem:s15+$0xE870] =	vst.add.f32.msk $0xffff, v22;
	s15 =	sshra.s32 s16, $0x2;
	s16 =	sadd.s32 $0x200, s16  }
0x298: {  	v16 =	vld [tilespmem:s15+$0x1870]  }
0x299: {  	v17 =	vld [tilespmem:s15+$0x1800]  }
0x29a: {  	v18 =	vld [tilespmem:s15+$0x1810]  }
0x29b: {  	v19 =	vld [tilespmem:s15+$0x1820]  }
0x29c: {  	v20 =	vld [tilespmem:s15+$0x1830]  }
0x29d: {  	v21 =	vld [tilespmem:s15+$0x1840];
	v15 =	vadd.f32 v16, v15  }
0x29e: {  	v22 =	vld [tilespmem:s15+$0x1850]  }
0x29f: {  	v10 =	vadd.f32 v17, v10;
	[tilespmem:s15+$0xF870] =	vst.add.f32.msk $0xffff, v15  }
0x2a0: {  	v13 =	vadd.f32 v17, v13;
	v15 =	vld [tilespmem:s15+$0x1860]  }
0x2a1: {  	v8 =	vadd.f32 v18, v8;
	[tilespmem:s15+$0xE800] =	vst.add.f32.msk $0xffff, v10  }
0x2a2: {  	v7 =	vadd.f32 v19, v7;
	[tilespmem:s15+$0xF800] =	vst.add.f32.msk $0xffff, v13  }
0x2a3: {  	v5 =	vadd.f32 v20, v5;
	[tilespmem:s15+$0xE810] =	vst.add.f32.msk $0xffff, v8  }
0x2a4: {  	v4 =	vadd.f32 v21, v4;
	[tilespmem:s15+$0xE820] =	vst.add.f32.msk $0xffff, v7  }
0x2a5: {  	v2 =	vadd.f32 v22, v2;
	[tilespmem:s15+$0xE830] =	vst.add.f32.msk $0xffff, v5  }
0x2a6: {  	v0 =	vadd.f32 v16, v0;
	[tilespmem:s15+$0xE840] =	vst.add.f32.msk $0xffff, v4  }
0x2a7: {  	v10 =	vadd.f32 v18, v12;
	[tilespmem:s15+$0xE850] =	vst.add.f32.msk $0xffff, v2  }
0x2a8: {  	v8 =	vadd.f32 v19, v14;
	[tilespmem:s15+$0xE870] =	vst.add.f32.msk $0xffff, v0  }
0x2a9: {  	v7 =	vadd.f32 v20, v11;
	[tilespmem:s15+$0xF810] =	vst.add.f32.msk $0xffff, v10  }
0x2aa: {  	v5 =	vadd.f32 v21, v9;
	[tilespmem:s15+$0xF820] =	vst.add.f32.msk $0xffff, v8  }
0x2ab: {  	v4 =	vadd.f32 v22, v6;
	[tilespmem:s15+$0xF830] =	vst.add.f32.msk $0xffff, v7  }
0x2ac: {  	[tilespmem:s15+$0xF840] =	vst.add.f32.msk $0xffff, v5;
	v1 =	vadd.f32 v15, v1  }
0x2ad: {  	[tilespmem:s15+$0xF850] =	vst.add.f32.msk $0xffff, v4;
	v2 =	vadd.f32 v15, v3  }
0x2ae: {  	[tilespmem:s15+$0xE860] =	vst.add.f32.msk $0xffff, v1  }
0x2af: {  	s9 =	sadd.s32 s6, s9;
	[tilespmem:s15+$0xF860] =	vst.add.f32.msk $0xffff, v2  }
0x2b0: {  	[hbm4b:s9+s7] =	stream.linear.scatter [tilespmem:s4], [sflag:$0xF], $0x2000, $0x38;
	[tilespmem:$0x12800] =	vst v63  }
0x2b1: {  	s9 =	simm.s32 @!p0 $0xD  }
0x2b2: {  	s15 =	sadd.s32 @!p0 s21, s19;
	_ =	swait.ge @!p0 [sflag:s9], $0x2000  }
0x2b3: {  	s15 =	sshll.u32 @!p0 s15, $0x9;
	[sflag:s9] =	ssyncset.done @!p0 $0x0  }
0x2b4: {  	[sflag:s9] =	ssyncadd.s32 @!p0 $0xFFFFE000;
	s9 =	sand.u32 @!p0 $0x1FFFF000, s15  }
0x2b5: {  	s16 =	simm.s32 @!p0 $0xA800;
	s15 =	simm.s32 @!p0 $0x0;
	s9 =	sadd.s32 @!p0 s1, s9  }
0x2b6: {  	[tilespmem:s16], [sflag:$0x5] =	stream.linear.gather @!p0 [hbm4b:s9+s15], $0x2000, $0x38;
	[tilespmem:$0x12800] =	vst v63  }
0x2b7: {  	_ =	swait.ge [sflag:s12], $0x2000  }
0x2b8: {  	s25 =	sshll.u32 s26, $0x2;
	[sflag:s12] =	ssyncset.done $0x0  }
0x2b9: {  	s26 =	sshll.u32 s24, $0x7;
	s9 =	sand.u32 $0x780, s25;
	[sflag:s12] =	ssyncadd.s32 $0xFFFFE000  }
0x2ba: {  	s15 =	sand.u32 $0xF00, s26;
	v0 =	vld [tilespmem:s9+$0x0]  }
0x2bb: {  	v1 =	vld [tilespmem:s15+$0x800]  }
0x2bc: {  	v2 =	vld [tilespmem:s9+$0x10]  }
0x2bd: {  	v3 =	vld [tilespmem:s15+$0x810]  }
0x2be: {  	v6 =	vld [tilespmem:s9+$0x20]  }
0x2bf: {  	v4 =	vld [tilespmem:s15+$0x820]  }
0x2c0: {  	v9 =	vld [tilespmem:s9+$0x30]  }
0x2c1: {  	v5 =	vld [tilespmem:s15+$0x830]  }
0x2c2: {  	v15 =	vld [tilespmem:s9+$0x40]  }
0x2c3: {  	v11 =	vld [tilespmem:s15+$0x840]  }
0x2c4: {  	v16 =	vld [tilespmem:s9+$0x50]  }
0x2c5: {  	v14 =	vld [tilespmem:s15+$0x850]  }
0x2c6: {  	v17 =	vld [tilespmem:s9+$0x60]  }
0x2c7: {  	v58 =	vld [tilespmem:s15+$0x860]  }
0x2c8: {  	v59 =	vld [tilespmem:s9+$0x70]  }
0x2c9: {  	v60 =	vld [tilespmem:s15+$0x870]  }
0x2ca: {  	v12 =	vld [tilespmem:s31+$0xF80]  }
0x2cb: {  	v61 =	vld [tilespmem:s31+$0xF90]  }
0x2cc: {  	v62 =	vld [tilespmem:s31+$0xFA0]  }
0x2cd: {  	v23 =	vld [tilespmem:s31+$0xFB0]  }
0x2ce: {  	v24 =	vld [tilespmem:s31+$0xFC0]  }
0x2cf: {  	v25 =	vld [tilespmem:s31+$0xFE0];
	v10 =	vadd.f32 v1, v0;
	v8 =	vadd.f32 v3, v2  }
0x2d0: {  	v63 =	vld [tilespmem:s31+$0xFF0];
	v7 =	vadd.f32 v4, v6;
	v13 =	vadd.f32 v12, v0  }
0x2d1: {  	v3 =	vld [tilespmem:s31+$0xFD0];
	v5 =	vadd.f32 v5, v9;
	v12 =	vadd.f32 v61, v2  }
0x2d2: {  	v4 =	vadd.f32 v11, v15;
	v2 =	vadd.f32 v14, v16  }
0x2d3: {  	v1 =	vadd.f32 v58, v17;
	v0 =	vadd.f32 v60, v59  }
0x2d4: {  	v14 =	vadd.f32 v62, v6;
	v11 =	vadd.f32 v23, v9  }
0x2d5: {  	v9 =	vadd.f32 v24, v15;
	v15 =	vadd.f32 v63, v59  }
0x2d6: {  	s9 =	simm.s32 $0x0;
	s15 =	simm.s32 $0x200;
	v6 =	vadd.f32 v3, v16;
	v3 =	vadd.f32 v25, v17  }
.LBB2_17:
0x2d7: {  	p1 =	sne.s32 s15, $0x3E00;
	v16 =	vld [tilespmem:s9+$0x1870]  }
0x2d8: {  	v17 =	vld [tilespmem:s9+$0x1800]  }
0x2d9: {  	v18 =	vld [tilespmem:s9+$0x1810]  }
0x2da: {  	v19 =	vld [tilespmem:s9+$0x1820]  }
0x2db: {  	v20 =	vld [tilespmem:s9+$0x1830]  }
0x2dc: {  	v21 =	vld [tilespmem:s9+$0x1840];
	v22 =	vadd.f32 v16, v0;
	v16 =	vadd.f32 v16, v15  }
0x2dd: {  	v23 =	vadd.f32 v17, v10;
	v17 =	vadd.f32 v17, v13;
	v24 =	vld [tilespmem:s9+$0x1850]  }
0x2de: {  	v25 =	vadd.f32 v18, v8;
	v18 =	vadd.f32 v18, v12;
	[tilespmem:s9+$0x11870] =	vst.add.f32.msk $0xffff, v16  }
0x2df: {  	v16 =	vadd.f32 v19, v7;
	v19 =	vadd.f32 v19, v14;
	v26 =	vld [tilespmem:s9+$0x1860]  }
0x2e0: {  	[tilespmem:s9+$0x10800] =	vst.add.f32.msk $0xffff, v23;
	v23 =	vadd.f32 v20, v5;
	v20 =	vadd.f32 v20, v11  }
0x2e1: {  	[tilespmem:s9+$0x11800] =	vst.add.f32.msk $0xffff, v17;
	v17 =	vadd.f32 v21, v4;
	v21 =	vadd.f32 v21, v9  }
0x2e2: {  	[tilespmem:s9+$0x10810] =	vst.add.f32.msk $0xffff, v25;
	v25 =	vadd.f32 v24, v2;
	v24 =	vadd.f32 v24, v6  }
0x2e3: {  	[tilespmem:s9+$0x11810] =	vst.add.f32.msk $0xffff, v18  }
0x2e4: {  	[tilespmem:s9+$0x10820] =	vst.add.f32.msk $0xffff, v16;
	v16 =	vadd.f32 v26, v1;
	v18 =	vadd.f32 v26, v3  }
0x2e5: {  	[tilespmem:s9+$0x11820] =	vst.add.f32.msk $0xffff, v19  }
0x2e6: {  	[tilespmem:s9+$0x10830] =	vst.add.f32.msk $0xffff, v23  }
0x2e7: {  	[tilespmem:s9+$0x11830] =	vst.add.f32.msk $0xffff, v20  }
0x2e8: {  	[tilespmem:s9+$0x10840] =	vst.add.f32.msk $0xffff, v17  }
0x2e9: {  	[tilespmem:s9+$0x11840] =	vst.add.f32.msk $0xffff, v21  }
.Ltmp9:
0x2ea: {  	[tilespmem:s9+$0x10850] =	vst.add.f32.msk $0xffff, v25;
	(pc) =	sbr.rel @p1 .LBB2_17-.Ltmp9, $4  }
0x2eb: {  	[tilespmem:s9+$0x11850] =	vst.add.f32.msk $0xffff, v24  }
0x2ec: {  	[tilespmem:s9+$0x10860] =	vst.add.f32.msk $0xffff, v16  }
0x2ed: {  	[tilespmem:s9+$0x11860] =	vst.add.f32.msk $0xffff, v18  }
0x2ee: {  	[tilespmem:s9+$0x10870] =	vst.add.f32.msk $0xffff, v22;
	s9 =	sshra.s32 s15, $0x2;
	s15 =	sadd.s32 $0x200, s15  }
0x2ef: {  	v16 =	vld [tilespmem:s9+$0x1870]  }
0x2f0: {  	v17 =	vld [tilespmem:s9+$0x1800]  }
0x2f1: {  	v18 =	vld [tilespmem:s9+$0x1810]  }
0x2f2: {  	v19 =	vld [tilespmem:s9+$0x1820]  }
0x2f3: {  	v20 =	vld [tilespmem:s9+$0x1830]  }
0x2f4: {  	v21 =	vld [tilespmem:s9+$0x1840]  }
0x2f5: {  	v22 =	vld [tilespmem:s9+$0x1850];
	v15 =	vadd.f32 v16, v15  }
0x2f6: {  	v57 =	vld [tilespmem:s9+$0x1860];
	v10 =	vadd.f32 v17, v10  }
0x2f7: {  	v13 =	vadd.f32 v17, v13;
	[tilespmem:s9+$0x11870] =	vst.add.f32.msk $0xffff, v15  }
0x2f8: {  	v8 =	vadd.f32 v18, v8;
	[tilespmem:s9+$0x10800] =	vst.add.f32.msk $0xffff, v10  }
0x2f9: {  	v58 =	vadd.f32 v18, v12;
	[tilespmem:s9+$0x11800] =	vst.add.f32.msk $0xffff, v13  }
0x2fa: {  	v7 =	vadd.f32 v19, v7;
	[tilespmem:s9+$0x10810] =	vst.add.f32.msk $0xffff, v8  }
0x2fb: {  	v59 =	vadd.f32 v19, v14;
	[tilespmem:s9+$0x11810] =	vst.add.f32.msk $0xffff, v58  }
0x2fc: {  	v5 =	vadd.f32 v20, v5;
	[tilespmem:s9+$0x10820] =	vst.add.f32.msk $0xffff, v7  }
0x2fd: {  	v60 =	vadd.f32 v20, v11;
	[tilespmem:s9+$0x11820] =	vst.add.f32.msk $0xffff, v59  }
0x2fe: {  	v4 =	vadd.f32 v21, v4;
	[tilespmem:s9+$0x10830] =	vst.add.f32.msk $0xffff, v5  }
0x2ff: {  	v61 =	vadd.f32 v21, v9;
	[tilespmem:s9+$0x11830] =	vst.add.f32.msk $0xffff, v60  }
0x300: {  	v2 =	vadd.f32 v22, v2;
	[tilespmem:s9+$0x10840] =	vst.add.f32.msk $0xffff, v4  }
0x301: {  	v62 =	vadd.f32 v22, v6;
	[tilespmem:s9+$0x11840] =	vst.add.f32.msk $0xffff, v61  }
0x302: {  	v1 =	vadd.f32 v57, v1;
	[tilespmem:s9+$0x10850] =	vst.add.f32.msk $0xffff, v2  }
.Ltmp10:
0x303: {  	v63 =	vadd.f32 v57, v3;
	[tilespmem:s9+$0x11850] =	vst.add.f32.msk $0xffff, v62;
	(pc) =	sbr.rel @p0 .LBB2_20-.Ltmp10, $4  }
0x304: {  	v0 =	vadd.f32 v16, v0;
	[tilespmem:s9+$0x10860] =	vst.add.f32.msk $0xffff, v1  }
0x305: {  	[tilespmem:s9+$0x11860] =	vst.add.f32.msk $0xffff, v63  }
0x306: {  	s31 =	sadd.s32 s6, s22;
	[tilespmem:s9+$0x10870] =	vst.add.f32.msk $0xffff, v0  }
0x307: {  	[hbm4b:s31+s7] =	stream.linear.scatter [tilespmem:s3], [sflag:$0x10], $0x2000, $0x38;
	[tilespmem:$0x12800] =	vst v63  }
0x308: {  	s9 =	rddreg [dreg:$0xe]  }
.Ltmp11:
0x309: {  	s9 =	sadd.s32 s21, s9;
	(pc) =	sbr.rel .LBB2_2-.Ltmp11, $4  }
0x30a: {  	_ =	swait.ge [sflag:s13], $0x2000;
	s9 =	sshll.u32 s9, $0x9  }
0x30b: {  	[sflag:s13] =	ssyncset.done $0x0;
	s9 =	sand.u32 $0x1FFFF400, s9  }
0x30c: {  	s14 =	sadd.s32 $0x1, s14;
	[sflag:s13] =	ssyncadd.s32 $0xFFFFE000;
	s9 =	sadd.s32 s1, s9  }
0x30d: {  	[tilespmem:s28], [sflag:$0x6] =	stream.linear.gather [hbm4b:s9+s7], $0x2000, $0x38;
	[tilespmem:$0x12800] =	vst v63  }
.LBB2_21:
0x30e: {  	_ =	sfence.sel $0x180000  }
0x30f: {  	[bflag:$0x0] =	sbarrier.arrive $0xFFFF  }
0x310: {  	_ =	strace $0x90000047  }
0x311: {  	s0 =	stileid.u32;
	[bflag:$0x2] =	sbarrier.arrive $0xFFFF  }
0x312: {  	p0 =	sne.s32 s0, $0x0;
	s0 =	rddreg [dreg:$0x5]  }
0x313: {  	s0 =	sadd.s32 @!p0 $0x100000, s0  }
0x314: {  	[sflag:s0] =	ssyncadd.tile.s32 @!p0 $0x1;
	_ =	shalt  }
.Lfunc_end2:
_tile_overlayer_lowered:
.L_overlay_start_2:
0x315: {  	(tag) =	ssettag $0x2  }
0x316: {  	s0 =	rddreg [dreg:$0x0];
	s2 =	stileid.u32  }
0x317: {  	s1 =	rddreg [dreg:$0x1];
	p0 =	sne.s32 s2, $0x0  }
0x318: {  	s3 =	rddreg [dreg:$0x2];
	[bflag:$0x3] =	sbarrier.arrive $0xFFFF;
	s2 =	simm.s32 @!p0 $0x1C11  }
0x319: {  	[timem:s3], [sflag:s2] =	dma.local @!p0 [hbm:s0], s1  }
0x31a: {  	s0 =	simm.s32 @!p0 $0x11  }
0x31b: {  	_ =	swait.ge @!p0 [sflag:s0], s1  }
0x31c: {  	s1 =	ssub.s32 @!p0 $0x0, s1;
	[sflag:s0] =	ssyncset.done @!p0 $0x0  }
0x31d: {  	[sflag:s0] =	ssyncadd.s32 @!p0 s1  }
0x31e: {  	[bflag:$0x3] =	sbarrier.arrive $0xFFFF  }
0x31f: {  	_ =	shalt  }

</sc_bundles>
